<compile_context>
chip_gen: v7x
topology: tpu7x:2x2x1
jax: 0.10.2.dev20260603
libtpu: 0.0.44.dev20260713+nightly
codegen_flags: <defaults>
</compile_context>

<pallas_src>
import functools

import jax
import jax.numpy as jnp
from jax import lax
from jax.experimental import pallas as pl
from jax.experimental.pallas import tpu as pltpu
from jax.experimental.pallas import tpu_sc as plsc

N = 10000
D = 128
H = 128
NC = 2
NS = 16
NW = NC * NS
EB = 128
NB = 80
EW_PAD = NB * EB
ROWS_T = 640
NP = NS * ROWS_T
DEG_T = 640
NDEG = NS * DEG_T

_mesh = plsc.VectorSubcoreMesh(
    core_axis_name="c", subcore_axis_name="s", num_cores=NC, num_subcores=NS)


def _deg_body(dst_hbm, ones_hbm, zeros_hbm, out_hbm, dst_v, ones_v, zb, acc1, sem):
    c = lax.axis_index("c")
    s = lax.axis_index("s")
    wid = s * NC + c
    pltpu.sync_copy(zeros_hbm, zb)
    pltpu.sync_copy(zb, acc1.at[pl.ds(s * DEG_T, DEG_T)])
    pltpu.sync_copy(ones_hbm, ones_v)
    pltpu.sync_copy(dst_hbm.at[wid], dst_v)
    plsc.subcore_barrier()

    @pl.loop(0, NB)
    def _(j):
        pltpu.sync_copy(ones_v, acc1.at[dst_v.at[j]], add=True)

    plsc.subcore_barrier()
    pltpu.sync_copy(acc1.at[pl.ds(s * DEG_T, DEG_T)], zb)
    pltpu.sync_copy(zb, out_hbm.at[c, pl.ds(s * DEG_T, DEG_T)])


_deg_kernel = functools.partial(
    pl.kernel,
    out_type=jax.ShapeDtypeStruct((NC, NDEG), jnp.float32),
    mesh=_mesh,
    scratch_types=[
        pltpu.VMEM((NB, EB), jnp.int32),
        pltpu.VMEM((EB,), jnp.float32),
        pltpu.VMEM((DEG_T,), jnp.float32),
        pltpu.MemorySpace.VMEM_SHARED((NDEG,), jnp.float32),
        pltpu.SemaphoreType.DMA,
    ],
)(_deg_body)


_NSLOT = 4
_HB = 64
_CH = 32


def _agg_body(g_hbm, src_hbm, dst_hbm, z2_hbm, out_hbm, src_v, dst_v,
              b0, b1, b2, b3, acc, *sems):
    bufs = (b0, b1, b2, b3)
    gsem = sems[:_NSLOT]
    ssem = sems[_NSLOT:]
    c = lax.axis_index("c")
    s = lax.axis_index("s")
    wid = s * NC + c
    pltpu.sync_copy(z2_hbm, b0)
    for k in range(10):
        pltpu.sync_copy(b0, acc.at[pl.ds(s * ROWS_T + k * _HB, _HB)])
    plsc.subcore_barrier()

    @pl.loop(0, 2 * NB // _CH)
    def _(ch):
        pltpu.sync_copy(src_hbm.at[wid, pl.ds(ch * _CH, _CH)], src_v)
        pltpu.sync_copy(dst_hbm.at[wid, pl.ds(ch * _CH, _CH)], dst_v)

        for b in range(_NSLOT):
            pltpu.async_copy(g_hbm.at[src_v.at[b]], bufs[b], gsem[b])

        @pl.loop(0, _CH // _NSLOT - 1)
        def _(grp):
            for b in range(_NSLOT):
                j = grp * _NSLOT + b
                pltpu.make_async_copy(
                    g_hbm.at[src_v.at[j]], bufs[b], gsem[b]).wait()
                pltpu.async_copy(
                    bufs[b], acc.at[dst_v.at[j]], ssem[b], add=True).wait()
                pltpu.async_copy(
                    g_hbm.at[src_v.at[j + _NSLOT]], bufs[b], gsem[b])

        for b in range(_NSLOT):
            j = _CH - _NSLOT + b
            pltpu.make_async_copy(
                g_hbm.at[src_v.at[j]], bufs[b], gsem[b]).wait()
            pltpu.sync_copy(bufs[b], acc.at[dst_v.at[j]], add=True)

    plsc.subcore_barrier()
    for k in range(10):
        pltpu.sync_copy(acc.at[pl.ds(s * ROWS_T + k * _HB, _HB)], b0)
        pltpu.sync_copy(b0, out_hbm.at[c, pl.ds(s * ROWS_T + k * _HB, _HB)])


_agg_kernel = functools.partial(
    pl.kernel,
    out_type=jax.ShapeDtypeStruct((NC, NP, H), jnp.float32),
    mesh=_mesh,
    scratch_types=(
        [pltpu.VMEM((_CH, _HB), jnp.int32),
         pltpu.VMEM((_CH, _HB), jnp.int32)]
        + [pltpu.VMEM((_HB, H), jnp.float32)] * _NSLOT
        + [pltpu.MemorySpace.VMEM_SHARED((NP, H), jnp.float32)]
        + [pltpu.SemaphoreType.DMA] * (2 * _NSLOT)
    ),
)(_agg_body)


_RB = 1000


def _tc_a_body(d0_ref, d1_ref, x_ref, w_ref, g_ref):
    dinv = lax.rsqrt(d0_ref[...] + d1_ref[...] + 1.0)
    g_ref[...] = dinv * jnp.dot(x_ref[...], w_ref[...],
                                preferred_element_type=jnp.float32)


def _tc_b_body(d0_ref, d1_ref, a0_ref, a1_ref, g_ref, b_ref, w_ref, o_ref):
    dinv = lax.rsqrt(d0_ref[...] + d1_ref[...] + 1.0)
    z = dinv * (a0_ref[...] + a1_ref[...] + g_ref[...]) + b_ref[...]
    z = jnp.maximum(z, 0.0)
    o_ref[...] = dinv * jnp.dot(z, w_ref[...], preferred_element_type=jnp.float32)


def _tc_c_body(d0_ref, d1_ref, a0_ref, a1_ref, g_ref, b_ref, o_ref):
    dinv = lax.rsqrt(d0_ref[...] + d1_ref[...] + 1.0)
    o_ref[...] = dinv * (a0_ref[...] + a1_ref[...] + g_ref[...]) + b_ref[...]


_col_spec = pl.BlockSpec((_RB, 1), lambda i: (i, 0))
_row_spec = pl.BlockSpec((_RB, H), lambda i: (i, 0))
_w_spec = pl.BlockSpec((D, H), lambda i: (0, 0))
_b_spec = pl.BlockSpec((1, H), lambda i: (0, 0))
_out_sds = jax.ShapeDtypeStruct((N, H), jnp.float32)
_grid = (N // _RB,)

_tc_a = pl.pallas_call(
    _tc_a_body, grid=_grid,
    in_specs=[_col_spec, _col_spec, _row_spec, _w_spec],
    out_specs=_row_spec, out_shape=_out_sds)

_tc_b = pl.pallas_call(
    _tc_b_body, grid=_grid,
    in_specs=[_col_spec, _col_spec, _row_spec, _row_spec, _row_spec,
              _b_spec, _w_spec],
    out_specs=_row_spec, out_shape=_out_sds)

_tc_c = pl.pallas_call(
    _tc_c_body, grid=_grid,
    in_specs=[_col_spec, _col_spec, _row_spec, _row_spec, _row_spec, _b_spec],
    out_specs=_row_spec, out_shape=_out_sds)


def kernel(x, edge_index, W1, b1, W2, b2):
    E = edge_index.shape[1]
    ew = E // NW
    pad = EW_PAD - ew
    src = edge_index[0].reshape(NW, ew)
    dst = edge_index[1].reshape(NW, ew)
    srcp = jnp.concatenate(
        [src, jnp.zeros((NW, pad), jnp.int32)], axis=1).reshape(NW, NB, EB)
    dstp = jnp.concatenate(
        [dst, jnp.full((NW, pad), N, jnp.int32)], axis=1).reshape(NW, NB, EB)

    ones1 = jnp.ones((EB,), jnp.float32)
    zeros1 = jnp.zeros((DEG_T,), jnp.float32)
    zeros2 = jnp.zeros((_HB, H), jnp.float32)

    deg_p = _deg_kernel(dstp, ones1, zeros1)
    d0 = deg_p[0].reshape(NDEG, 1)
    d1 = deg_p[1].reshape(NDEG, 1)

    g1 = _tc_a(d0, d1, x, W1)
    srch = srcp.reshape(NW, 2 * NB, _HB)
    dsth = dstp.reshape(NW, 2 * NB, _HB)
    agg1 = _agg_kernel(g1, srch, dsth, zeros2)
    g2 = _tc_b(d0, d1, agg1[0, :N], agg1[1, :N], g1, b1.reshape(1, H), W2)
    agg2 = _agg_kernel(g2, srch, dsth, zeros2)
    return _tc_c(d0, d1, agg2[0, :N], agg2[1, :N], g2, b2.reshape(1, H))

# --- scband reference (transcript-rebuilt; emitter-appended) ---
"""Pipeline reference for scband-gcnrouting2-hop-32229434589308 (READ-ONLY COPY).

The authoritative reference and input builder live on the scoring server;
editing this copy changes nothing except your own understanding.
"""

import jax, jax.numpy as jnp
import numpy as np

N = 10000
E = 320000
D = 128
H = 128


def gcn_conv(x, edge_index, W, b, n_nodes):
    # GCNConv with add_self_loops=True, normalize=True (PyG semantics)
    src = edge_index[0]
    dst = edge_index[1]
    loop = jnp.arange(n_nodes, dtype=src.dtype)
    src2 = jnp.concatenate([src, loop])
    dst2 = jnp.concatenate([dst, loop])
    w = jnp.ones(src2.shape[0], dtype=x.dtype)
    deg = jnp.zeros(n_nodes, dtype=x.dtype).at[dst2].add(w)
    deg_inv_sqrt = jnp.where(deg > 0, deg ** -0.5, 0.0)
    norm = deg_inv_sqrt[src2] * w * deg_inv_sqrt[dst2]
    h = x @ W
    msg = h[src2] * norm[:, None]
    out = jnp.zeros((n_nodes, W.shape[1]), dtype=x.dtype).at[dst2].add(msg)
    return out + b


def setup_inputs(seed: int = 0) -> dict:
    key = jax.random.key(seed)
    k1, k2, k3, k4, k5, k6 = jax.random.split(key, 6)
    x = jax.random.normal(k1, (N, D), dtype=jnp.float32)
    edge_index = jax.random.randint(k2, (2, E), 0, N, dtype=jnp.int32)
    W1 = jax.random.normal(k3, (D, H), dtype=jnp.float32) * (1.0 / np.sqrt(D))
    b1 = jnp.zeros((H,), dtype=jnp.float32)
    W2 = jax.random.normal(k4, (H, H), dtype=jnp.float32) * (1.0 / np.sqrt(H))
    b2 = jnp.zeros((H,), dtype=jnp.float32)
    return {"x": x, "edge_index": edge_index, "W1": W1, "b1": b1, "W2": W2, "b2": b2}


def reference(x, edge_index, W1, b1, W2, b2):
    h = gcn_conv(x, edge_index, W1, b1, N)
    h = jax.nn.relu(h)
    # dropout p=0.0 -> identity in reference
    out = gcn_conv(h, edge_index, W2, b2, N)
    return out

if __name__ == "__main__":
    import jax
    _d = setup_inputs()
    print(jax.jit(kernel)(*tuple(_d.values())))

</pallas_src>

<mosaic_0001>
#map = affine_map<(d0, d1) -> (0, 0, 0)>
#map1 = affine_map<(d0, d1) -> (0)>
#map2 = affine_map<(d0, d1) -> (0, 0)>
module attributes {stable_mosaic.version = 14 : i64} {
  func.func @_deg_body(%arg0: i32, %arg1: i32, %arg2: memref<32x80x128xi32, #tpu.memory_space<hbm>>, %arg3: memref<128xf32, #tpu.memory_space<hbm>>, %arg4: memref<640xf32, #tpu.memory_space<hbm>>, %arg5: memref<2x10240xf32, #tpu.memory_space<hbm>>, %arg6: memref<80x128xi32, #tpu.memory_space<vmem>>, %arg7: memref<128xf32, #tpu.memory_space<vmem>>, %arg8: memref<640xf32, #tpu.memory_space<vmem>>, %arg9: memref<10240xf32, #tpu.memory_space<vmem_shared>>, %arg10: memref<!tpu.dma_semaphore, #tpu.memory_space<semaphore_mem>>) attributes {dimension_semantics = [#tpu.dimension_semantics<core_parallel>, #tpu.dimension_semantics<subcore_parallel>], iteration_bounds = array<i64: 2, 16>, scalar_prefetch = 0 : i64, scratch_operands = 5 : i64, tpu.core_type = #tpu.core_type<sc_vector_subcore>, window_params = [{transform_indices = #map}, {transform_indices = #map1}, {transform_indices = #map1}, {transform_indices = #map2}]} {
    %mul3A = arith.constant 2 : i32
    %mul3A_0 = arith.muli %arg1, %mul3A : i32
    %add3A = arith.addi %mul3A_0, %arg0 : i32
    "tpu.region"() ({
      %run_scoped3A = tpu.sem_alloc : memref<!tpu.dma_semaphore, #tpu.memory_space<semaphore_mem>>
      tpu.enqueue_dma source(%arg4 : memref<640xf32, #tpu.memory_space<hbm>>) target(%arg8 : memref<640xf32, #tpu.memory_space<vmem>>) target_semaphore(%run_scoped3A : memref<!tpu.dma_semaphore, #tpu.memory_space<semaphore_mem>>)
      tpu.wait_dma2 semaphore(%run_scoped3A : memref<!tpu.dma_semaphore, #tpu.memory_space<semaphore_mem>>) src(%arg4 : memref<640xf32, #tpu.memory_space<hbm>>) dst(%arg8 : memref<640xf32, #tpu.memory_space<vmem>>)
      tpu.yield
    }) : () -> ()
    %mul3A_1 = arith.constant 640 : i32
    %mul3A_2 = arith.muli %arg1, %mul3A_1 : i32
    "tpu.region"() ({
      %run_scoped3A = tpu.sem_alloc : memref<!tpu.dma_semaphore, #tpu.memory_space<semaphore_mem>>
      %dma_start3A = tpu.memref_slice %arg9[%mul3A_2] : memref<10240xf32, #tpu.memory_space<vmem_shared>> -> memref<640xf32, #tpu.memory_space<vmem_shared>>
      %dma_start3A_12 = tpu.memref_slice %arg9[%mul3A_2] : memref<10240xf32, #tpu.memory_space<vmem_shared>> -> memref<640xf32, #tpu.memory_space<vmem_shared>>
      tpu.enqueue_dma source(%arg8 : memref<640xf32, #tpu.memory_space<vmem>>) target(%dma_start3A_12 : memref<640xf32, #tpu.memory_space<vmem_shared>>) target_semaphore(%run_scoped3A : memref<!tpu.dma_semaphore, #tpu.memory_space<semaphore_mem>>)
      %dma_wait3A = tpu.memref_slice %arg9[%mul3A_2] : memref<10240xf32, #tpu.memory_space<vmem_shared>> -> memref<640xf32, #tpu.memory_space<vmem_shared>>
      %dma_wait3A_13 = tpu.memref_slice %arg9[%mul3A_2] : memref<10240xf32, #tpu.memory_space<vmem_shared>> -> memref<640xf32, #tpu.memory_space<vmem_shared>>
      tpu.wait_dma2 semaphore(%run_scoped3A : memref<!tpu.dma_semaphore, #tpu.memory_space<semaphore_mem>>) src(%arg8 : memref<640xf32, #tpu.memory_space<vmem>>) dst(%dma_wait3A_13 : memref<640xf32, #tpu.memory_space<vmem_shared>>)
      tpu.yield
    }) : () -> ()
    "tpu.region"() ({
      %run_scoped3A = tpu.sem_alloc : memref<!tpu.dma_semaphore, #tpu.memory_space<semaphore_mem>>
      tpu.enqueue_dma source(%arg3 : memref<128xf32, #tpu.memory_space<hbm>>) target(%arg7 : memref<128xf32, #tpu.memory_space<vmem>>) target_semaphore(%run_scoped3A : memref<!tpu.dma_semaphore, #tpu.memory_space<semaphore_mem>>)
      tpu.wait_dma2 semaphore(%run_scoped3A : memref<!tpu.dma_semaphore, #tpu.memory_space<semaphore_mem>>) src(%arg3 : memref<128xf32, #tpu.memory_space<hbm>>) dst(%arg7 : memref<128xf32, #tpu.memory_space<vmem>>)
      tpu.yield
    }) : () -> ()
    "tpu.region"() ({
      %run_scoped3A = tpu.sem_alloc : memref<!tpu.dma_semaphore, #tpu.memory_space<semaphore_mem>>
      %dma_start3A = arith.constant 0 : i32
      %dma_start3A_12 = arith.constant 0 : i32
      %dma_start3A_13 = tpu.memref_slice %arg2[%add3A, %dma_start3A, %dma_start3A_12] : memref<32x80x128xi32, #tpu.memory_space<hbm>> -> memref<1x80x128xi32, #tpu.memory_space<hbm>>
      %dma_start3A_14 = tpu.memref_squeeze %dma_start3A_13 : memref<1x80x128xi32, #tpu.memory_space<hbm>> -> memref<80x128xi32, #tpu.memory_space<hbm>>
      %dma_start3A_15 = arith.constant 0 : i32
      %dma_start3A_16 = arith.constant 0 : i32
      %dma_start3A_17 = tpu.memref_slice %arg2[%add3A, %dma_start3A_15, %dma_start3A_16] : memref<32x80x128xi32, #tpu.memory_space<hbm>> -> memref<1x80x128xi32, #tpu.memory_space<hbm>>
      %dma_start3A_18 = tpu.memref_squeeze %dma_start3A_17 : memref<1x80x128xi32, #tpu.memory_space<hbm>> -> memref<80x128xi32, #tpu.memory_space<hbm>>
      tpu.enqueue_dma source(%dma_start3A_18 : memref<80x128xi32, #tpu.memory_space<hbm>>) target(%arg6 : memref<80x128xi32, #tpu.memory_space<vmem>>) target_semaphore(%run_scoped3A : memref<!tpu.dma_semaphore, #tpu.memory_space<semaphore_mem>>)
      %dma_wait3A = arith.constant 0 : i32
      %dma_wait3A_19 = arith.constant 0 : i32
      %dma_wait3A_20 = tpu.memref_slice %arg2[%add3A, %dma_wait3A, %dma_wait3A_19] : memref<32x80x128xi32, #tpu.memory_space<hbm>> -> memref<1x80x128xi32, #tpu.memory_space<hbm>>
      %dma_wait3A_21 = tpu.memref_squeeze %dma_wait3A_20 : memref<1x80x128xi32, #tpu.memory_space<hbm>> -> memref<80x128xi32, #tpu.memory_space<hbm>>
      %dma_wait3A_22 = arith.constant 0 : i32
      %dma_wait3A_23 = arith.constant 0 : i32
      %dma_wait3A_24 = tpu.memref_slice %arg2[%add3A, %dma_wait3A_22, %dma_wait3A_23] : memref<32x80x128xi32, #tpu.memory_space<hbm>> -> memref<1x80x128xi32, #tpu.memory_space<hbm>>
      %dma_wait3A_25 = tpu.memref_squeeze %dma_wait3A_24 : memref<1x80x128xi32, #tpu.memory_space<hbm>> -> memref<80x128xi32, #tpu.memory_space<hbm>>
      tpu.wait_dma2 semaphore(%run_scoped3A : memref<!tpu.dma_semaphore, #tpu.memory_space<semaphore_mem>>) src(%dma_wait3A_25 : memref<80x128xi32, #tpu.memory_space<hbm>>) dst(%arg6 : memref<80x128xi32, #tpu.memory_space<vmem>>)
      tpu.yield
    }) : () -> ()
    %barrier3A = arith.constant 0 : index
    tpu.barrier barrier_id(%barrier3A)
    %scan3A = arith.constant 0 : i32
    %scan3A_3 = arith.constant 80 : i32
    %scan3A_4 = arith.addi %scan3A, %scan3A_3 : i32
    %scan3A_5 = arith.constant 1 : i32
    scf.for %scan3A_12 = %scan3A to %scan3A_4 step %scan3A_5  : i32 {
      %mul3A_13 = arith.constant 1 : i32
      %mul3A_14 = arith.muli %scan3A_12, %mul3A_13 : i32
      %add3A_15 = arith.constant 0 : i32
      %add3A_16 = arith.addi %add3A_15, %mul3A_14 : i32
      "tpu.region"() ({
        %run_scoped3A = tpu.sem_alloc : memref<!tpu.dma_semaphore, #tpu.memory_space<semaphore_mem>>
        %dma_start3A = arith.constant 0 : i32
        %dma_start3A_17 = tpu.memref_slice %arg6[%add3A_16, %dma_start3A] : memref<80x128xi32, #tpu.memory_space<vmem>> -> memref<1x128xi32, #tpu.memory_space<vmem>>
        %dma_start3A_18 = tpu.memref_squeeze %dma_start3A_17 : memref<1x128xi32, #tpu.memory_space<vmem>> -> memref<128xi32, #tpu.memory_space<vmem>>
        %dma_start3A_19 = arith.constant 0 : i32
        %dma_start3A_20 = tpu.memref_slice %arg9[%dma_start3A_19] : memref<10240xf32, #tpu.memory_space<vmem_shared>> -> memref<10240xf32, #tpu.memory_space<vmem_shared>>
        tpu.enqueue_indirect_dma source(%arg7 : memref<128xf32, #tpu.memory_space<vmem>>) target(%dma_start3A_20 : memref<10240xf32, #tpu.memory_space<vmem_shared>>) offsets(%dma_start3A_18 : memref<128xi32, #tpu.memory_space<vmem>>) semaphore(%run_scoped3A : memref<!tpu.dma_semaphore, #tpu.memory_space<semaphore_mem>>) {add = true}
        %dma_wait3A = arith.constant 0 : i32
        %dma_wait3A_21 = tpu.memref_slice %arg6[%add3A_16, %dma_wait3A] : memref<80x128xi32, #tpu.memory_space<vmem>> -> memref<1x128xi32, #tpu.memory_space<vmem>>
        %dma_wait3A_22 = tpu.memref_squeeze %dma_wait3A_21 : memref<1x128xi32, #tpu.memory_space<vmem>> -> memref<128xi32, #tpu.memory_space<vmem>>
        %dma_wait3A_23 = arith.constant 0 : i32
        %dma_wait3A_24 = tpu.memref_slice %arg9[%dma_wait3A_23] : memref<10240xf32, #tpu.memory_space<vmem_shared>> -> memref<10240xf32, #tpu.memory_space<vmem_shared>>
        tpu.wait_indirect_dma semaphore(%run_scoped3A : memref<!tpu.dma_semaphore, #tpu.memory_space<semaphore_mem>>) src(%arg7 : memref<128xf32, #tpu.memory_space<vmem>>) dst(%dma_wait3A_24 : memref<10240xf32, #tpu.memory_space<vmem_shared>>)
        tpu.yield
      }) : () -> ()
    }
    %scan3A_6 = arith.constant 80 : i32
    %barrier3A_7 = arith.constant 0 : index
    tpu.barrier barrier_id(%barrier3A_7)
    %mul3A_8 = arith.constant 640 : i32
    %mul3A_9 = arith.muli %arg1, %mul3A_8 : i32
    "tpu.region"() ({
      %run_scoped3A = tpu.sem_alloc : memref<!tpu.dma_semaphore, #tpu.memory_space<semaphore_mem>>
      %dma_start3A = tpu.memref_slice %arg9[%mul3A_9] : memref<10240xf32, #tpu.memory_space<vmem_shared>> -> memref<640xf32, #tpu.memory_space<vmem_shared>>
      %dma_start3A_12 = tpu.memref_slice %arg9[%mul3A_9] : memref<10240xf32, #tpu.memory_space<vmem_shared>> -> memref<640xf32, #tpu.memory_space<vmem_shared>>
      tpu.enqueue_dma source(%dma_start3A_12 : memref<640xf32, #tpu.memory_space<vmem_shared>>) target(%arg8 : memref<640xf32, #tpu.memory_space<vmem>>) target_semaphore(%run_scoped3A : memref<!tpu.dma_semaphore, #tpu.memory_space<semaphore_mem>>)
      %dma_wait3A = tpu.memref_slice %arg9[%mul3A_9] : memref<10240xf32, #tpu.memory_space<vmem_shared>> -> memref<640xf32, #tpu.memory_space<vmem_shared>>
      %dma_wait3A_13 = tpu.memref_slice %arg9[%mul3A_9] : memref<10240xf32, #tpu.memory_space<vmem_shared>> -> memref<640xf32, #tpu.memory_space<vmem_shared>>
      tpu.wait_dma2 semaphore(%run_scoped3A : memref<!tpu.dma_semaphore, #tpu.memory_space<semaphore_mem>>) src(%dma_wait3A_13 : memref<640xf32, #tpu.memory_space<vmem_shared>>) dst(%arg8 : memref<640xf32, #tpu.memory_space<vmem>>)
      tpu.yield
    }) : () -> ()
    %mul3A_10 = arith.constant 640 : i32
    %mul3A_11 = arith.muli %arg1, %mul3A_10 : i32
    "tpu.region"() ({
      %run_scoped3A = tpu.sem_alloc : memref<!tpu.dma_semaphore, #tpu.memory_space<semaphore_mem>>
      %dma_start3A = tpu.memref_slice %arg5[%arg0, %mul3A_11] : memref<2x10240xf32, #tpu.memory_space<hbm>> -> memref<1x640xf32, #tpu.memory_space<hbm>>
      %dma_start3A_12 = tpu.memref_squeeze %dma_start3A : memref<1x640xf32, #tpu.memory_space<hbm>> -> memref<640xf32, #tpu.memory_space<hbm>>
      %dma_start3A_13 = tpu.memref_slice %arg5[%arg0, %mul3A_11] : memref<2x10240xf32, #tpu.memory_space<hbm>> -> memref<1x640xf32, #tpu.memory_space<hbm>>
      %dma_start3A_14 = tpu.memref_squeeze %dma_start3A_13 : memref<1x640xf32, #tpu.memory_space<hbm>> -> memref<640xf32, #tpu.memory_space<hbm>>
      tpu.enqueue_dma source(%arg8 : memref<640xf32, #tpu.memory_space<vmem>>) target(%dma_start3A_14 : memref<640xf32, #tpu.memory_space<hbm>>) target_semaphore(%run_scoped3A : memref<!tpu.dma_semaphore, #tpu.memory_space<semaphore_mem>>)
      %dma_wait3A = tpu.memref_slice %arg5[%arg0, %mul3A_11] : memref<2x10240xf32, #tpu.memory_space<hbm>> -> memref<1x640xf32, #tpu.memory_space<hbm>>
      %dma_wait3A_15 = tpu.memref_squeeze %dma_wait3A : memref<1x640xf32, #tpu.memory_space<hbm>> -> memref<640xf32, #tpu.memory_space<hbm>>
      %dma_wait3A_16 = tpu.memref_slice %arg5[%arg0, %mul3A_11] : memref<2x10240xf32, #tpu.memory_space<hbm>> -> memref<1x640xf32, #tpu.memory_space<hbm>>
      %dma_wait3A_17 = tpu.memref_squeeze %dma_wait3A_16 : memref<1x640xf32, #tpu.memory_space<hbm>> -> memref<640xf32, #tpu.memory_space<hbm>>
      tpu.wait_dma2 semaphore(%run_scoped3A : memref<!tpu.dma_semaphore, #tpu.memory_space<semaphore_mem>>) src(%arg8 : memref<640xf32, #tpu.memory_space<vmem>>) dst(%dma_wait3A_17 : memref<640xf32, #tpu.memory_space<hbm>>)
      tpu.yield
    }) : () -> ()
    return
  }
}

#map = affine_map<(d0, d1) -> (0, 0)>
#map1 = affine_map<(d0, d1) -> (0, 0, 0)>
module attributes {stable_mosaic.version = 14 : i64} {
  func.func @_agg_body(%arg0: i32, %arg1: i32, %arg2: memref<10000x128xf32, #tpu.memory_space<hbm>>, %arg3: memref<32x160x64xi32, #tpu.memory_space<hbm>>, %arg4: memref<32x160x64xi32, #tpu.memory_space<hbm>>, %arg5: memref<64x128xf32, #tpu.memory_space<hbm>>, %arg6: memref<2x10240x128xf32, #tpu.memory_space<hbm>>, %arg7: memref<32x64xi32, #tpu.memory_space<vmem>>, %arg8: memref<32x64xi32, #tpu.memory_space<vmem>>, %arg9: memref<64x128xf32, #tpu.memory_space<vmem>>, %arg10: memref<64x128xf32, #tpu.memory_space<vmem>>, %arg11: memref<64x128xf32, #tpu.memory_space<vmem>>, %arg12: memref<64x128xf32, #tpu.memory_space<vmem>>, %arg13: memref<10240x128xf32, #tpu.memory_space<vmem_shared>>, %arg14: memref<!tpu.dma_semaphore, #tpu.memory_space<semaphore_mem>>, %arg15: memref<!tpu.dma_semaphore, #tpu.memory_space<semaphore_mem>>, %arg16: memref<!tpu.dma_semaphore, #tpu.memory_space<semaphore_mem>>, %arg17: memref<!tpu.dma_semaphore, #tpu.memory_space<semaphore_mem>>, %arg18: memref<!tpu.dma_semaphore, #tpu.memory_space<semaphore_mem>>, %arg19: memref<!tpu.dma_semaphore, #tpu.memory_space<semaphore_mem>>, %arg20: memref<!tpu.dma_semaphore, #tpu.memory_space<semaphore_mem>>, %arg21: memref<!tpu.dma_semaphore, #tpu.memory_space<semaphore_mem>>) attributes {dimension_semantics = [#tpu.dimension_semantics<core_parallel>, #tpu.dimension_semantics<subcore_parallel>], iteration_bounds = array<i64: 2, 16>, scalar_prefetch = 0 : i64, scratch_operands = 15 : i64, tpu.core_type = #tpu.core_type<sc_vector_subcore>, window_params = [{transform_indices = #map}, {transform_indices = #map1}, {transform_indices = #map1}, {transform_indices = #map}, {transform_indices = #map1}]} {
    %mul3A = arith.constant 2 : i32
    %mul3A_0 = arith.muli %arg1, %mul3A : i32
    %add3A = arith.addi %mul3A_0, %arg0 : i32
    "tpu.region"() ({
      %run_scoped3A = tpu.sem_alloc : memref<!tpu.dma_semaphore, #tpu.memory_space<semaphore_mem>>
      tpu.enqueue_dma source(%arg5 : memref<64x128xf32, #tpu.memory_space<hbm>>) target(%arg9 : memref<64x128xf32, #tpu.memory_space<vmem>>) target_semaphore(%run_scoped3A : memref<!tpu.dma_semaphore, #tpu.memory_space<semaphore_mem>>)
      tpu.wait_dma2 semaphore(%run_scoped3A : memref<!tpu.dma_semaphore, #tpu.memory_space<semaphore_mem>>) src(%arg5 : memref<64x128xf32, #tpu.memory_space<hbm>>) dst(%arg9 : memref<64x128xf32, #tpu.memory_space<vmem>>)
      tpu.yield
    }) : () -> ()
    %mul3A_1 = arith.constant 640 : i32
    %mul3A_2 = arith.muli %arg1, %mul3A_1 : i32
    %add3A_3 = arith.constant 0 : i32
    %add3A_4 = arith.addi %mul3A_2, %add3A_3 : i32
    "tpu.region"() ({
      %run_scoped3A = tpu.sem_alloc : memref<!tpu.dma_semaphore, #tpu.memory_space<semaphore_mem>>
      %dma_start3A = arith.constant 0 : i32
      %dma_start3A_126 = tpu.memref_slice %arg13[%add3A_4, %dma_start3A] : memref<10240x128xf32, #tpu.memory_space<vmem_shared>> -> memref<64x128xf32, #tpu.memory_space<vmem_shared>>
      %dma_start3A_127 = arith.constant 0 : i32
      %dma_start3A_128 = tpu.memref_slice %arg13[%add3A_4, %dma_start3A_127] : memref<10240x128xf32, #tpu.memory_space<vmem_shared>> -> memref<64x128xf32, #tpu.memory_space<vmem_shared>>
      tpu.enqueue_dma source(%arg9 : memref<64x128xf32, #tpu.memory_space<vmem>>) target(%dma_start3A_128 : memref<64x128xf32, #tpu.memory_space<vmem_shared>>) target_semaphore(%run_scoped3A : memref<!tpu.dma_semaphore, #tpu.memory_space<semaphore_mem>>)
      %dma_wait3A = arith.constant 0 : i32
      %dma_wait3A_129 = tpu.memref_slice %arg13[%add3A_4, %dma_wait3A] : memref<10240x128xf32, #tpu.memory_space<vmem_shared>> -> memref<64x128xf32, #tpu.memory_space<vmem_shared>>
      %dma_wait3A_130 = arith.constant 0 : i32
      %dma_wait3A_131 = tpu.memref_slice %arg13[%add3A_4, %dma_wait3A_130] : memref<10240x128xf32, #tpu.memory_space<vmem_shared>> -> memref<64x128xf32, #tpu.memory_space<vmem_shared>>
      tpu.wait_dma2 semaphore(%run_scoped3A : memref<!tpu.dma_semaphore, #tpu.memory_space<semaphore_mem>>) src(%arg9 : memref<64x128xf32, #tpu.memory_space<vmem>>) dst(%dma_wait3A_131 : memref<64x128xf32, #tpu.memory_space<vmem_shared>>)
      tpu.yield
    }) : () -> ()
    %mul3A_5 = arith.constant 640 : i32
    %mul3A_6 = arith.muli %arg1, %mul3A_5 : i32
    %add3A_7 = arith.constant 64 : i32
    %add3A_8 = arith.addi %mul3A_6, %add3A_7 : i32
    "tpu.region"() ({
      %run_scoped3A = tpu.sem_alloc : memref<!tpu.dma_semaphore, #tpu.memory_space<semaphore_mem>>
      %dma_start3A = arith.constant 0 : i32
      %dma_start3A_126 = tpu.memref_slice %arg13[%add3A_8, %dma_start3A] : memref<10240x128xf32, #tpu.memory_space<vmem_shared>> -> memref<64x128xf32, #tpu.memory_space<vmem_shared>>
      %dma_start3A_127 = arith.constant 0 : i32
      %dma_start3A_128 = tpu.memref_slice %arg13[%add3A_8, %dma_start3A_127] : memref<10240x128xf32, #tpu.memory_space<vmem_shared>> -> memref<64x128xf32, #tpu.memory_space<vmem_shared>>
      tpu.enqueue_dma source(%arg9 : memref<64x128xf32, #tpu.memory_space<vmem>>) target(%dma_start3A_128 : memref<64x128xf32, #tpu.memory_space<vmem_shared>>) target_semaphore(%run_scoped3A : memref<!tpu.dma_semaphore, #tpu.memory_space<semaphore_mem>>)
      %dma_wait3A = arith.constant 0 : i32
      %dma_wait3A_129 = tpu.memref_slice %arg13[%add3A_8, %dma_wait3A] : memref<10240x128xf32, #tpu.memory_space<vmem_shared>> -> memref<64x128xf32, #tpu.memory_space<vmem_shared>>
      %dma_wait3A_130 = arith.constant 0 : i32
      %dma_wait3A_131 = tpu.memref_slice %arg13[%add3A_8, %dma_wait3A_130] : memref<10240x128xf32, #tpu.memory_space<vmem_shared>> -> memref<64x128xf32, #tpu.memory_space<vmem_shared>>
      tpu.wait_dma2 semaphore(%run_scoped3A : memref<!tpu.dma_semaphore, #tpu.memory_space<semaphore_mem>>) src(%arg9 : memref<64x128xf32, #tpu.memory_space<vmem>>) dst(%dma_wait3A_131 : memref<64x128xf32, #tpu.memory_space<vmem_shared>>)
      tpu.yield
    }) : () -> ()
    %mul3A_9 = arith.constant 640 : i32
    %mul3A_10 = arith.muli %arg1, %mul3A_9 : i32
    %add3A_11 = arith.constant 128 : i32
    %add3A_12 = arith.addi %mul3A_10, %add3A_11 : i32
    "tpu.region"() ({
      %run_scoped3A = tpu.sem_alloc : memref<!tpu.dma_semaphore, #tpu.memory_space<semaphore_mem>>
      %dma_start3A = arith.constant 0 : i32
      %dma_start3A_126 = tpu.memref_slice %arg13[%add3A_12, %dma_start3A] : memref<10240x128xf32, #tpu.memory_space<vmem_shared>> -> memref<64x128xf32, #tpu.memory_space<vmem_shared>>
      %dma_start3A_127 = arith.constant 0 : i32
      %dma_start3A_128 = tpu.memref_slice %arg13[%add3A_12, %dma_start3A_127] : memref<10240x128xf32, #tpu.memory_space<vmem_shared>> -> memref<64x128xf32, #tpu.memory_space<vmem_shared>>
      tpu.enqueue_dma source(%arg9 : memref<64x128xf32, #tpu.memory_space<vmem>>) target(%dma_start3A_128 : memref<64x128xf32, #tpu.memory_space<vmem_shared>>) target_semaphore(%run_scoped3A : memref<!tpu.dma_semaphore, #tpu.memory_space<semaphore_mem>>)
      %dma_wait3A = arith.constant 0 : i32
      %dma_wait3A_129 = tpu.memref_slice %arg13[%add3A_12, %dma_wait3A] : memref<10240x128xf32, #tpu.memory_space<vmem_shared>> -> memref<64x128xf32, #tpu.memory_space<vmem_shared>>
      %dma_wait3A_130 = arith.constant 0 : i32
      %dma_wait3A_131 = tpu.memref_slice %arg13[%add3A_12, %dma_wait3A_130] : memref<10240x128xf32, #tpu.memory_space<vmem_shared>> -> memref<64x128xf32, #tpu.memory_space<vmem_shared>>
      tpu.wait_dma2 semaphore(%run_scoped3A : memref<!tpu.dma_semaphore, #tpu.memory_space<semaphore_mem>>) src(%arg9 : memref<64x128xf32, #tpu.memory_space<vmem>>) dst(%dma_wait3A_131 : memref<64x128xf32, #tpu.memory_space<vmem_shared>>)
      tpu.yield
    }) : () -> ()
    %mul3A_13 = arith.constant 640 : i32
    %mul3A_14 = arith.muli %arg1, %mul3A_13 : i32
    %add3A_15 = arith.constant 192 : i32
    %add3A_16 = arith.addi %mul3A_14, %add3A_15 : i32
    "tpu.region"() ({
      %run_scoped3A = tpu.sem_alloc : memref<!tpu.dma_semaphore, #tpu.memory_space<semaphore_mem>>
      %dma_start3A = arith.constant 0 : i32
      %dma_start3A_126 = tpu.memref_slice %arg13[%add3A_16, %dma_start3A] : memref<10240x128xf32, #tpu.memory_space<vmem_shared>> -> memref<64x128xf32, #tpu.memory_space<vmem_shared>>
      %dma_start3A_127 = arith.constant 0 : i32
      %dma_start3A_128 = tpu.memref_slice %arg13[%add3A_16, %dma_start3A_127] : memref<10240x128xf32, #tpu.memory_space<vmem_shared>> -> memref<64x128xf32, #tpu.memory_space<vmem_shared>>
      tpu.enqueue_dma source(%arg9 : memref<64x128xf32, #tpu.memory_space<vmem>>) target(%dma_start3A_128 : memref<64x128xf32, #tpu.memory_space<vmem_shared>>) target_semaphore(%run_scoped3A : memref<!tpu.dma_semaphore, #tpu.memory_space<semaphore_mem>>)
      %dma_wait3A = arith.constant 0 : i32
      %dma_wait3A_129 = tpu.memref_slice %arg13[%add3A_16, %dma_wait3A] : memref<10240x128xf32, #tpu.memory_space<vmem_shared>> -> memref<64x128xf32, #tpu.memory_space<vmem_shared>>
      %dma_wait3A_130 = arith.constant 0 : i32
      %dma_wait3A_131 = tpu.memref_slice %arg13[%add3A_16, %dma_wait3A_130] : memref<10240x128xf32, #tpu.memory_space<vmem_shared>> -> memref<64x128xf32, #tpu.memory_space<vmem_shared>>
      tpu.wait_dma2 semaphore(%run_scoped3A : memref<!tpu.dma_semaphore, #tpu.memory_space<semaphore_mem>>) src(%arg9 : memref<64x128xf32, #tpu.memory_space<vmem>>) dst(%dma_wait3A_131 : memref<64x128xf32, #tpu.memory_space<vmem_shared>>)
      tpu.yield
    }) : () -> ()
    %mul3A_17 = arith.constant 640 : i32
    %mul3A_18 = arith.muli %arg1, %mul3A_17 : i32
    %add3A_19 = arith.constant 256 : i32
    %add3A_20 = arith.addi %mul3A_18, %add3A_19 : i32
    "tpu.region"() ({
      %run_scoped3A = tpu.sem_alloc : memref<!tpu.dma_semaphore, #tpu.memory_space<semaphore_mem>>
      %dma_start3A = arith.constant 0 : i32
      %dma_start3A_126 = tpu.memref_slice %arg13[%add3A_20, %dma_start3A] : memref<10240x128xf32, #tpu.memory_space<vmem_shared>> -> memref<64x128xf32, #tpu.memory_space<vmem_shared>>
      %dma_start3A_127 = arith.constant 0 : i32
      %dma_start3A_128 = tpu.memref_slice %arg13[%add3A_20, %dma_start3A_127] : memref<10240x128xf32, #tpu.memory_space<vmem_shared>> -> memref<64x128xf32, #tpu.memory_space<vmem_shared>>
      tpu.enqueue_dma source(%arg9 : memref<64x128xf32, #tpu.memory_space<vmem>>) target(%dma_start3A_128 : memref<64x128xf32, #tpu.memory_space<vmem_shared>>) target_semaphore(%run_scoped3A : memref<!tpu.dma_semaphore, #tpu.memory_space<semaphore_mem>>)
      %dma_wait3A = arith.constant 0 : i32
      %dma_wait3A_129 = tpu.memref_slice %arg13[%add3A_20, %dma_wait3A] : memref<10240x128xf32, #tpu.memory_space<vmem_shared>> -> memref<64x128xf32, #tpu.memory_space<vmem_shared>>
      %dma_wait3A_130 = arith.constant 0 : i32
      %dma_wait3A_131 = tpu.memref_slice %arg13[%add3A_20, %dma_wait3A_130] : memref<10240x128xf32, #tpu.memory_space<vmem_shared>> -> memref<64x128xf32, #tpu.memory_space<vmem_shared>>
      tpu.wait_dma2 semaphore(%run_scoped3A : memref<!tpu.dma_semaphore, #tpu.memory_space<semaphore_mem>>) src(%arg9 : memref<64x128xf32, #tpu.memory_space<vmem>>) dst(%dma_wait3A_131 : memref<64x128xf32, #tpu.memory_space<vmem_shared>>)
      tpu.yield
    }) : () -> ()
    %mul3A_21 = arith.constant 640 : i32
    %mul3A_22 = arith.muli %arg1, %mul3A_21 : i32
    %add3A_23 = arith.constant 320 : i32
    %add3A_24 = arith.addi %mul3A_22, %add3A_23 : i32
    "tpu.region"() ({
      %run_scoped3A = tpu.sem_alloc : memref<!tpu.dma_semaphore, #tpu.memory_space<semaphore_mem>>
      %dma_start3A = arith.constant 0 : i32
      %dma_start3A_126 = tpu.memref_slice %arg13[%add3A_24, %dma_start3A] : memref<10240x128xf32, #tpu.memory_space<vmem_shared>> -> memref<64x128xf32, #tpu.memory_space<vmem_shared>>
      %dma_start3A_127 = arith.constant 0 : i32
      %dma_start3A_128 = tpu.memref_slice %arg13[%add3A_24, %dma_start3A_127] : memref<10240x128xf32, #tpu.memory_space<vmem_shared>> -> memref<64x128xf32, #tpu.memory_space<vmem_shared>>
      tpu.enqueue_dma source(%arg9 : memref<64x128xf32, #tpu.memory_space<vmem>>) target(%dma_start3A_128 : memref<64x128xf32, #tpu.memory_space<vmem_shared>>) target_semaphore(%run_scoped3A : memref<!tpu.dma_semaphore, #tpu.memory_space<semaphore_mem>>)
      %dma_wait3A = arith.constant 0 : i32
      %dma_wait3A_129 = tpu.memref_slice %arg13[%add3A_24, %dma_wait3A] : memref<10240x128xf32, #tpu.memory_space<vmem_shared>> -> memref<64x128xf32, #tpu.memory_space<vmem_shared>>
      %dma_wait3A_130 = arith.constant 0 : i32
      %dma_wait3A_131 = tpu.memref_slice %arg13[%add3A_24, %dma_wait3A_130] : memref<10240x128xf32, #tpu.memory_space<vmem_shared>> -> memref<64x128xf32, #tpu.memory_space<vmem_shared>>
      tpu.wait_dma2 semaphore(%run_scoped3A : memref<!tpu.dma_semaphore, #tpu.memory_space<semaphore_mem>>) src(%arg9 : memref<64x128xf32, #tpu.memory_space<vmem>>) dst(%dma_wait3A_131 : memref<64x128xf32, #tpu.memory_space<vmem_shared>>)
      tpu.yield
    }) : () -> ()
    %mul3A_25 = arith.constant 640 : i32
    %mul3A_26 = arith.muli %arg1, %mul3A_25 : i32
    %add3A_27 = arith.constant 384 : i32
    %add3A_28 = arith.addi %mul3A_26, %add3A_27 : i32
    "tpu.region"() ({
      %run_scoped3A = tpu.sem_alloc : memref<!tpu.dma_semaphore, #tpu.memory_space<semaphore_mem>>
      %dma_start3A = arith.constant 0 : i32
      %dma_start3A_126 = tpu.memref_slice %arg13[%add3A_28, %dma_start3A] : memref<10240x128xf32, #tpu.memory_space<vmem_shared>> -> memref<64x128xf32, #tpu.memory_space<vmem_shared>>
      %dma_start3A_127 = arith.constant 0 : i32
      %dma_start3A_128 = tpu.memref_slice %arg13[%add3A_28, %dma_start3A_127] : memref<10240x128xf32, #tpu.memory_space<vmem_shared>> -> memref<64x128xf32, #tpu.memory_space<vmem_shared>>
      tpu.enqueue_dma source(%arg9 : memref<64x128xf32, #tpu.memory_space<vmem>>) target(%dma_start3A_128 : memref<64x128xf32, #tpu.memory_space<vmem_shared>>) target_semaphore(%run_scoped3A : memref<!tpu.dma_semaphore, #tpu.memory_space<semaphore_mem>>)
      %dma_wait3A = arith.constant 0 : i32
      %dma_wait3A_129 = tpu.memref_slice %arg13[%add3A_28, %dma_wait3A] : memref<10240x128xf32, #tpu.memory_space<vmem_shared>> -> memref<64x128xf32, #tpu.memory_space<vmem_shared>>
      %dma_wait3A_130 = arith.constant 0 : i32
      %dma_wait3A_131 = tpu.memref_slice %arg13[%add3A_28, %dma_wait3A_130] : memref<10240x128xf32, #tpu.memory_space<vmem_shared>> -> memref<64x128xf32, #tpu.memory_space<vmem_shared>>
      tpu.wait_dma2 semaphore(%run_scoped3A : memref<!tpu.dma_semaphore, #tpu.memory_space<semaphore_mem>>) src(%arg9 : memref<64x128xf32, #tpu.memory_space<vmem>>) dst(%dma_wait3A_131 : memref<64x128xf32, #tpu.memory_space<vmem_shared>>)
      tpu.yield
    }) : () -> ()
    %mul3A_29 = arith.constant 640 : i32
    %mul3A_30 = arith.muli %arg1, %mul3A_29 : i32
    %add3A_31 = arith.constant 448 : i32
    %add3A_32 = arith.addi %mul3A_30, %add3A_31 : i32
    "tpu.region"() ({
      %run_scoped3A = tpu.sem_alloc : memref<!tpu.dma_semaphore, #tpu.memory_space<semaphore_mem>>
      %dma_start3A = arith.constant 0 : i32
      %dma_start3A_126 = tpu.memref_slice %arg13[%add3A_32, %dma_start3A] : memref<10240x128xf32, #tpu.memory_space<vmem_shared>> -> memref<64x128xf32, #tpu.memory_space<vmem_shared>>
      %dma_start3A_127 = arith.constant 0 : i32
      %dma_start3A_128 = tpu.memref_slice %arg13[%add3A_32, %dma_start3A_127] : memref<10240x128xf32, #tpu.memory_space<vmem_shared>> -> memref<64x128xf32, #tpu.memory_space<vmem_shared>>
      tpu.enqueue_dma source(%arg9 : memref<64x128xf32, #tpu.memory_space<vmem>>) target(%dma_start3A_128 : memref<64x128xf32, #tpu.memory_space<vmem_shared>>) target_semaphore(%run_scoped3A : memref<!tpu.dma_semaphore, #tpu.memory_space<semaphore_mem>>)
      %dma_wait3A = arith.constant 0 : i32
      %dma_wait3A_129 = tpu.memref_slice %arg13[%add3A_32, %dma_wait3A] : memref<10240x128xf32, #tpu.memory_space<vmem_shared>> -> memref<64x128xf32, #tpu.memory_space<vmem_shared>>
      %dma_wait3A_130 = arith.constant 0 : i32
      %dma_wait3A_131 = tpu.memref_slice %arg13[%add3A_32, %dma_wait3A_130] : memref<10240x128xf32, #tpu.memory_space<vmem_shared>> -> memref<64x128xf32, #tpu.memory_space<vmem_shared>>
      tpu.wait_dma2 semaphore(%run_scoped3A : memref<!tpu.dma_semaphore, #tpu.memory_space<semaphore_mem>>) src(%arg9 : memref<64x128xf32, #tpu.memory_space<vmem>>) dst(%dma_wait3A_131 : memref<64x128xf32, #tpu.memory_space<vmem_shared>>)
      tpu.yield
    }) : () -> ()
    %mul3A_33 = arith.constant 640 : i32
    %mul3A_34 = arith.muli %arg1, %mul3A_33 : i32
    %add3A_35 = arith.constant 512 : i32
    %add3A_36 = arith.addi %mul3A_34, %add3A_35 : i32
    "tpu.region"() ({
      %run_scoped3A = tpu.sem_alloc : memref<!tpu.dma_semaphore, #tpu.memory_space<semaphore_mem>>
      %dma_start3A = arith.constant 0 : i32
      %dma_start3A_126 = tpu.memref_slice %arg13[%add3A_36, %dma_start3A] : memref<10240x128xf32, #tpu.memory_space<vmem_shared>> -> memref<64x128xf32, #tpu.memory_space<vmem_shared>>
      %dma_start3A_127 = arith.constant 0 : i32
      %dma_start3A_128 = tpu.memref_slice %arg13[%add3A_36, %dma_start3A_127] : memref<10240x128xf32, #tpu.memory_space<vmem_shared>> -> memref<64x128xf32, #tpu.memory_space<vmem_shared>>
      tpu.enqueue_dma source(%arg9 : memref<64x128xf32, #tpu.memory_space<vmem>>) target(%dma_start3A_128 : memref<64x128xf32, #tpu.memory_space<vmem_shared>>) target_semaphore(%run_scoped3A : memref<!tpu.dma_semaphore, #tpu.memory_space<semaphore_mem>>)
      %dma_wait3A = arith.constant 0 : i32
      %dma_wait3A_129 = tpu.memref_slice %arg13[%add3A_36, %dma_wait3A] : memref<10240x128xf32, #tpu.memory_space<vmem_shared>> -> memref<64x128xf32, #tpu.memory_space<vmem_shared>>
      %dma_wait3A_130 = arith.constant 0 : i32
      %dma_wait3A_131 = tpu.memref_slice %arg13[%add3A_36, %dma_wait3A_130] : memref<10240x128xf32, #tpu.memory_space<vmem_shared>> -> memref<64x128xf32, #tpu.memory_space<vmem_shared>>
      tpu.wait_dma2 semaphore(%run_scoped3A : memref<!tpu.dma_semaphore, #tpu.memory_space<semaphore_mem>>) src(%arg9 : memref<64x128xf32, #tpu.memory_space<vmem>>) dst(%dma_wait3A_131 : memref<64x128xf32, #tpu.memory_space<vmem_shared>>)
      tpu.yield
    }) : () -> ()
    %mul3A_37 = arith.constant 640 : i32
    %mul3A_38 = arith.muli %arg1, %mul3A_37 : i32
    %add3A_39 = arith.constant 576 : i32
    %add3A_40 = arith.addi %mul3A_38, %add3A_39 : i32
    "tpu.region"() ({
      %run_scoped3A = tpu.sem_alloc : memref<!tpu.dma_semaphore, #tpu.memory_space<semaphore_mem>>
      %dma_start3A = arith.constant 0 : i32
      %dma_start3A_126 = tpu.memref_slice %arg13[%add3A_40, %dma_start3A] : memref<10240x128xf32, #tpu.memory_space<vmem_shared>> -> memref<64x128xf32, #tpu.memory_space<vmem_shared>>
      %dma_start3A_127 = arith.constant 0 : i32
      %dma_start3A_128 = tpu.memref_slice %arg13[%add3A_40, %dma_start3A_127] : memref<10240x128xf32, #tpu.memory_space<vmem_shared>> -> memref<64x128xf32, #tpu.memory_space<vmem_shared>>
      tpu.enqueue_dma source(%arg9 : memref<64x128xf32, #tpu.memory_space<vmem>>) target(%dma_start3A_128 : memref<64x128xf32, #tpu.memory_space<vmem_shared>>) target_semaphore(%run_scoped3A : memref<!tpu.dma_semaphore, #tpu.memory_space<semaphore_mem>>)
      %dma_wait3A = arith.constant 0 : i32
      %dma_wait3A_129 = tpu.memref_slice %arg13[%add3A_40, %dma_wait3A] : memref<10240x128xf32, #tpu.memory_space<vmem_shared>> -> memref<64x128xf32, #tpu.memory_space<vmem_shared>>
      %dma_wait3A_130 = arith.constant 0 : i32
      %dma_wait3A_131 = tpu.memref_slice %arg13[%add3A_40, %dma_wait3A_130] : memref<10240x128xf32, #tpu.memory_space<vmem_shared>> -> memref<64x128xf32, #tpu.memory_space<vmem_shared>>
      tpu.wait_dma2 semaphore(%run_scoped3A : memref<!tpu.dma_semaphore, #tpu.memory_space<semaphore_mem>>) src(%arg9 : memref<64x128xf32, #tpu.memory_space<vmem>>) dst(%dma_wait3A_131 : memref<64x128xf32, #tpu.memory_space<vmem_shared>>)
      tpu.yield
    }) : () -> ()
    %barrier3A = arith.constant 0 : index
    tpu.barrier barrier_id(%barrier3A)
    %scan3A = arith.constant 0 : i32
    %scan3A_41 = arith.constant 5 : i32
    %scan3A_42 = arith.addi %scan3A, %scan3A_41 : i32
    %scan3A_43 = arith.constant 1 : i32
    scf.for %scan3A_126 = %scan3A to %scan3A_42 step %scan3A_43  : i32 {
      %mul3A_127 = arith.constant 1 : i32
      %mul3A_128 = arith.muli %scan3A_126, %mul3A_127 : i32
      %add3A_129 = arith.constant 0 : i32
      %add3A_130 = arith.addi %add3A_129, %mul3A_128 : i32
      %mul3A_131 = arith.constant 32 : i32
      %mul3A_132 = arith.muli %add3A_130, %mul3A_131 : i32
      "tpu.region"() ({
        %run_scoped3A_197 = tpu.sem_alloc : memref<!tpu.dma_semaphore, #tpu.memory_space<semaphore_mem>>
        %dma_start3A_198 = arith.constant 0 : i32
        %dma_start3A_199 = tpu.memref_slice %arg3[%add3A, %mul3A_132, %dma_start3A_198] : memref<32x160x64xi32, #tpu.memory_space<hbm>> -> memref<1x32x64xi32, #tpu.memory_space<hbm>>
        %dma_start3A_200 = tpu.memref_squeeze %dma_start3A_199 : memref<1x32x64xi32, #tpu.memory_space<hbm>> -> memref<32x64xi32, #tpu.memory_space<hbm>>
        %dma_start3A_201 = arith.constant 0 : i32
        %dma_start3A_202 = tpu.memref_slice %arg3[%add3A, %mul3A_132, %dma_start3A_201] : memref<32x160x64xi32, #tpu.memory_space<hbm>> -> memref<1x32x64xi32, #tpu.memory_space<hbm>>
        %dma_start3A_203 = tpu.memref_squeeze %dma_start3A_202 : memref<1x32x64xi32, #tpu.memory_space<hbm>> -> memref<32x64xi32, #tpu.memory_space<hbm>>
        tpu.enqueue_dma source(%dma_start3A_203 : memref<32x64xi32, #tpu.memory_space<hbm>>) target(%arg7 : memref<32x64xi32, #tpu.memory_space<vmem>>) target_semaphore(%run_scoped3A_197 : memref<!tpu.dma_semaphore, #tpu.memory_space<semaphore_mem>>)
        %dma_wait3A_204 = arith.constant 0 : i32
        %dma_wait3A_205 = tpu.memref_slice %arg3[%add3A, %mul3A_132, %dma_wait3A_204] : memref<32x160x64xi32, #tpu.memory_space<hbm>> -> memref<1x32x64xi32, #tpu.memory_space<hbm>>
        %dma_wait3A_206 = tpu.memref_squeeze %dma_wait3A_205 : memref<1x32x64xi32, #tpu.memory_space<hbm>> -> memref<32x64xi32, #tpu.memory_space<hbm>>
        %dma_wait3A_207 = arith.constant 0 : i32
        %dma_wait3A_208 = tpu.memref_slice %arg3[%add3A, %mul3A_132, %dma_wait3A_207] : memref<32x160x64xi32, #tpu.memory_space<hbm>> -> memref<1x32x64xi32, #tpu.memory_space<hbm>>
        %dma_wait3A_209 = tpu.memref_squeeze %dma_wait3A_208 : memref<1x32x64xi32, #tpu.memory_space<hbm>> -> memref<32x64xi32, #tpu.memory_space<hbm>>
        tpu.wait_dma2 semaphore(%run_scoped3A_197 : memref<!tpu.dma_semaphore, #tpu.memory_space<semaphore_mem>>) src(%dma_wait3A_209 : memref<32x64xi32, #tpu.memory_space<hbm>>) dst(%arg7 : memref<32x64xi32, #tpu.memory_space<vmem>>)
        tpu.yield
      }) : () -> ()
      %mul3A_133 = arith.constant 32 : i32
      %mul3A_134 = arith.muli %add3A_130, %mul3A_133 : i32
      "tpu.region"() ({
        %run_scoped3A_197 = tpu.sem_alloc : memref<!tpu.dma_semaphore, #tpu.memory_space<semaphore_mem>>
        %dma_start3A_198 = arith.constant 0 : i32
        %dma_start3A_199 = tpu.memref_slice %arg4[%add3A, %mul3A_134, %dma_start3A_198] : memref<32x160x64xi32, #tpu.memory_space<hbm>> -> memref<1x32x64xi32, #tpu.memory_space<hbm>>
        %dma_start3A_200 = tpu.memref_squeeze %dma_start3A_199 : memref<1x32x64xi32, #tpu.memory_space<hbm>> -> memref<32x64xi32, #tpu.memory_space<hbm>>
        %dma_start3A_201 = arith.constant 0 : i32
        %dma_start3A_202 = tpu.memref_slice %arg4[%add3A, %mul3A_134, %dma_start3A_201] : memref<32x160x64xi32, #tpu.memory_space<hbm>> -> memref<1x32x64xi32, #tpu.memory_space<hbm>>
        %dma_start3A_203 = tpu.memref_squeeze %dma_start3A_202 : memref<1x32x64xi32, #tpu.memory_space<hbm>> -> memref<32x64xi32, #tpu.memory_space<hbm>>
        tpu.enqueue_dma source(%dma_start3A_203 : memref<32x64xi32, #tpu.memory_space<hbm>>) target(%arg8 : memref<32x64xi32, #tpu.memory_space<vmem>>) target_semaphore(%run_scoped3A_197 : memref<!tpu.dma_semaphore, #tpu.memory_space<semaphore_mem>>)
        %dma_wait3A_204 = arith.constant 0 : i32
        %dma_wait3A_205 = tpu.memref_slice %arg4[%add3A, %mul3A_134, %dma_wait3A_204] : memref<32x160x64xi32, #tpu.memory_space<hbm>> -> memref<1x32x64xi32, #tpu.memory_space<hbm>>
        %dma_wait3A_206 = tpu.memref_squeeze %dma_wait3A_205 : memref<1x32x64xi32, #tpu.memory_space<hbm>> -> memref<32x64xi32, #tpu.memory_space<hbm>>
        %dma_wait3A_207 = arith.constant 0 : i32
        %dma_wait3A_208 = tpu.memref_slice %arg4[%add3A, %mul3A_134, %dma_wait3A_207] : memref<32x160x64xi32, #tpu.memory_space<hbm>> -> memref<1x32x64xi32, #tpu.memory_space<hbm>>
        %dma_wait3A_209 = tpu.memref_squeeze %dma_wait3A_208 : memref<1x32x64xi32, #tpu.memory_space<hbm>> -> memref<32x64xi32, #tpu.memory_space<hbm>>
        tpu.wait_dma2 semaphore(%run_scoped3A_197 : memref<!tpu.dma_semaphore, #tpu.memory_space<semaphore_mem>>) src(%dma_wait3A_209 : memref<32x64xi32, #tpu.memory_space<hbm>>) dst(%arg8 : memref<32x64xi32, #tpu.memory_space<vmem>>)
        tpu.yield
      }) : () -> ()
      %dma_start3A = arith.constant 0 : i32
      %dma_start3A_135 = arith.constant 0 : i32
      %dma_start3A_136 = tpu.memref_slice %arg7[%dma_start3A, %dma_start3A_135] : memref<32x64xi32, #tpu.memory_space<vmem>> -> memref<1x64xi32, #tpu.memory_space<vmem>>
      %dma_start3A_137 = tpu.memref_squeeze %dma_start3A_136 : memref<1x64xi32, #tpu.memory_space<vmem>> -> memref<64xi32, #tpu.memory_space<vmem>>
      %dma_start3A_138 = arith.constant 0 : i32
      %dma_start3A_139 = arith.constant 0 : i32
      %dma_start3A_140 = tpu.memref_slice %arg2[%dma_start3A_138, %dma_start3A_139] : memref<10000x128xf32, #tpu.memory_space<hbm>> -> memref<10000x128xf32, #tpu.memory_space<hbm>>
      tpu.enqueue_indirect_dma source(%dma_start3A_140 : memref<10000x128xf32, #tpu.memory_space<hbm>>) target(%arg9 : memref<64x128xf32, #tpu.memory_space<vmem>>) offsets(%dma_start3A_137 : memref<64xi32, #tpu.memory_space<vmem>>) semaphore(%arg14 : memref<!tpu.dma_semaphore, #tpu.memory_space<semaphore_mem>>)
      %dma_start3A_141 = arith.constant 1 : i32
      %dma_start3A_142 = arith.constant 0 : i32
      %dma_start3A_143 = tpu.memref_slice %arg7[%dma_start3A_141, %dma_start3A_142] : memref<32x64xi32, #tpu.memory_space<vmem>> -> memref<1x64xi32, #tpu.memory_space<vmem>>
      %dma_start3A_144 = tpu.memref_squeeze %dma_start3A_143 : memref<1x64xi32, #tpu.memory_space<vmem>> -> memref<64xi32, #tpu.memory_space<vmem>>
      %dma_start3A_145 = arith.constant 0 : i32
      %dma_start3A_146 = arith.constant 0 : i32
      %dma_start3A_147 = tpu.memref_slice %arg2[%dma_start3A_145, %dma_start3A_146] : memref<10000x128xf32, #tpu.memory_space<hbm>> -> memref<10000x128xf32, #tpu.memory_space<hbm>>
      tpu.enqueue_indirect_dma source(%dma_start3A_147 : memref<10000x128xf32, #tpu.memory_space<hbm>>) target(%arg10 : memref<64x128xf32, #tpu.memory_space<vmem>>) offsets(%dma_start3A_144 : memref<64xi32, #tpu.memory_space<vmem>>) semaphore(%arg15 : memref<!tpu.dma_semaphore, #tpu.memory_space<semaphore_mem>>)
      %dma_start3A_148 = arith.constant 2 : i32
      %dma_start3A_149 = arith.constant 0 : i32
      %dma_start3A_150 = tpu.memref_slice %arg7[%dma_start3A_148, %dma_start3A_149] : memref<32x64xi32, #tpu.memory_space<vmem>> -> memref<1x64xi32, #tpu.memory_space<vmem>>
      %dma_start3A_151 = tpu.memref_squeeze %dma_start3A_150 : memref<1x64xi32, #tpu.memory_space<vmem>> -> memref<64xi32, #tpu.memory_space<vmem>>
      %dma_start3A_152 = arith.constant 0 : i32
      %dma_start3A_153 = arith.constant 0 : i32
      %dma_start3A_154 = tpu.memref_slice %arg2[%dma_start3A_152, %dma_start3A_153] : memref<10000x128xf32, #tpu.memory_space<hbm>> -> memref<10000x128xf32, #tpu.memory_space<hbm>>
      tpu.enqueue_indirect_dma source(%dma_start3A_154 : memref<10000x128xf32, #tpu.memory_space<hbm>>) target(%arg11 : memref<64x128xf32, #tpu.memory_space<vmem>>) offsets(%dma_start3A_151 : memref<64xi32, #tpu.memory_space<vmem>>) semaphore(%arg16 : memref<!tpu.dma_semaphore, #tpu.memory_space<semaphore_mem>>)
      %dma_start3A_155 = arith.constant 3 : i32
      %dma_start3A_156 = arith.constant 0 : i32
      %dma_start3A_157 = tpu.memref_slice %arg7[%dma_start3A_155, %dma_start3A_156] : memref<32x64xi32, #tpu.memory_space<vmem>> -> memref<1x64xi32, #tpu.memory_space<vmem>>
      %dma_start3A_158 = tpu.memref_squeeze %dma_start3A_157 : memref<1x64xi32, #tpu.memory_space<vmem>> -> memref<64xi32, #tpu.memory_space<vmem>>
      %dma_start3A_159 = arith.constant 0 : i32
      %dma_start3A_160 = arith.constant 0 : i32
      %dma_start3A_161 = tpu.memref_slice %arg2[%dma_start3A_159, %dma_start3A_160] : memref<10000x128xf32, #tpu.memory_space<hbm>> -> memref<10000x128xf32, #tpu.memory_space<hbm>>
      tpu.enqueue_indirect_dma source(%dma_start3A_161 : memref<10000x128xf32, #tpu.memory_space<hbm>>) target(%arg12 : memref<64x128xf32, #tpu.memory_space<vmem>>) offsets(%dma_start3A_158 : memref<64xi32, #tpu.memory_space<vmem>>) semaphore(%arg17 : memref<!tpu.dma_semaphore, #tpu.memory_space<semaphore_mem>>)
      %scan3A_162 = arith.constant 0 : i32
      %scan3A_163 = arith.constant 7 : i32
      %scan3A_164 = arith.addi %scan3A_162, %scan3A_163 : i32
      %scan3A_165 = arith.constant 1 : i32
      scf.for %scan3A_197 = %scan3A_162 to %scan3A_164 step %scan3A_165  : i32 {
        %mul3A_198 = arith.constant 1 : i32
        %mul3A_199 = arith.muli %scan3A_197, %mul3A_198 : i32
        %add3A_200 = arith.constant 0 : i32
        %add3A_201 = arith.addi %add3A_200, %mul3A_199 : i32
        %mul3A_202 = arith.constant 4 : i32
        %mul3A_203 = arith.muli %add3A_201, %mul3A_202 : i32
        %add3A_204 = arith.constant 0 : i32
        %add3A_205 = arith.addi %mul3A_203, %add3A_204 : i32
        %dma_wait3A_206 = arith.constant 0 : i32
        %dma_wait3A_207 = tpu.memref_slice %arg7[%add3A_205, %dma_wait3A_206] : memref<32x64xi32, #tpu.memory_space<vmem>> -> memref<1x64xi32, #tpu.memory_space<vmem>>
        %dma_wait3A_208 = tpu.memref_squeeze %dma_wait3A_207 : memref<1x64xi32, #tpu.memory_space<vmem>> -> memref<64xi32, #tpu.memory_space<vmem>>
        %dma_wait3A_209 = arith.constant 0 : i32
        %dma_wait3A_210 = arith.constant 0 : i32
        %dma_wait3A_211 = tpu.memref_slice %arg2[%dma_wait3A_209, %dma_wait3A_210] : memref<10000x128xf32, #tpu.memory_space<hbm>> -> memref<10000x128xf32, #tpu.memory_space<hbm>>
        tpu.wait_indirect_dma semaphore(%arg14 : memref<!tpu.dma_semaphore, #tpu.memory_space<semaphore_mem>>) src(%dma_wait3A_211 : memref<10000x128xf32, #tpu.memory_space<hbm>>) dst(%arg9 : memref<64x128xf32, #tpu.memory_space<vmem>>)
        %dma_start3A_212 = arith.constant 0 : i32
        %dma_start3A_213 = tpu.memref_slice %arg8[%add3A_205, %dma_start3A_212] : memref<32x64xi32, #tpu.memory_space<vmem>> -> memref<1x64xi32, #tpu.memory_space<vmem>>
        %dma_start3A_214 = tpu.memref_squeeze %dma_start3A_213 : memref<1x64xi32, #tpu.memory_space<vmem>> -> memref<64xi32, #tpu.memory_space<vmem>>
        %dma_start3A_215 = arith.constant 0 : i32
        %dma_start3A_216 = arith.constant 0 : i32
        %dma_start3A_217 = tpu.memref_slice %arg13[%dma_start3A_215, %dma_start3A_216] : memref<10240x128xf32, #tpu.memory_space<vmem_shared>> -> memref<10240x128xf32, #tpu.memory_space<vmem_shared>>
        tpu.enqueue_indirect_dma source(%arg9 : memref<64x128xf32, #tpu.memory_space<vmem>>) target(%dma_start3A_217 : memref<10240x128xf32, #tpu.memory_space<vmem_shared>>) offsets(%dma_start3A_214 : memref<64xi32, #tpu.memory_space<vmem>>) semaphore(%arg18 : memref<!tpu.dma_semaphore, #tpu.memory_space<semaphore_mem>>) {add = true}
        %dma_wait3A_218 = arith.constant 0 : i32
        %dma_wait3A_219 = tpu.memref_slice %arg8[%add3A_205, %dma_wait3A_218] : memref<32x64xi32, #tpu.memory_space<vmem>> -> memref<1x64xi32, #tpu.memory_space<vmem>>
        %dma_wait3A_220 = tpu.memref_squeeze %dma_wait3A_219 : memref<1x64xi32, #tpu.memory_space<vmem>> -> memref<64xi32, #tpu.memory_space<vmem>>
        %dma_wait3A_221 = arith.constant 0 : i32
        %dma_wait3A_222 = arith.constant 0 : i32
        %dma_wait3A_223 = tpu.memref_slice %arg13[%dma_wait3A_221, %dma_wait3A_222] : memref<10240x128xf32, #tpu.memory_space<vmem_shared>> -> memref<10240x128xf32, #tpu.memory_space<vmem_shared>>
        tpu.wait_indirect_dma semaphore(%arg18 : memref<!tpu.dma_semaphore, #tpu.memory_space<semaphore_mem>>) src(%arg9 : memref<64x128xf32, #tpu.memory_space<vmem>>) dst(%dma_wait3A_223 : memref<10240x128xf32, #tpu.memory_space<vmem_shared>>)
        %add3A_224 = arith.constant 4 : i32
        %add3A_225 = arith.addi %add3A_205, %add3A_224 : i32
        %dma_start3A_226 = arith.constant 0 : i32
        %dma_start3A_227 = tpu.memref_slice %arg7[%add3A_225, %dma_start3A_226] : memref<32x64xi32, #tpu.memory_space<vmem>> -> memref<1x64xi32, #tpu.memory_space<vmem>>
        %dma_start3A_228 = tpu.memref_squeeze %dma_start3A_227 : memref<1x64xi32, #tpu.memory_space<vmem>> -> memref<64xi32, #tpu.memory_space<vmem>>
        %dma_start3A_229 = arith.constant 0 : i32
        %dma_start3A_230 = arith.constant 0 : i32
        %dma_start3A_231 = tpu.memref_slice %arg2[%dma_start3A_229, %dma_start3A_230] : memref<10000x128xf32, #tpu.memory_space<hbm>> -> memref<10000x128xf32, #tpu.memory_space<hbm>>
        tpu.enqueue_indirect_dma source(%dma_start3A_231 : memref<10000x128xf32, #tpu.memory_space<hbm>>) target(%arg9 : memref<64x128xf32, #tpu.memory_space<vmem>>) offsets(%dma_start3A_228 : memref<64xi32, #tpu.memory_space<vmem>>) semaphore(%arg14 : memref<!tpu.dma_semaphore, #tpu.memory_space<semaphore_mem>>)
        %mul3A_232 = arith.constant 4 : i32
        %mul3A_233 = arith.muli %add3A_201, %mul3A_232 : i32
        %add3A_234 = arith.constant 1 : i32
        %add3A_235 = arith.addi %mul3A_233, %add3A_234 : i32
        %dma_wait3A_236 = arith.constant 0 : i32
        %dma_wait3A_237 = tpu.memref_slice %arg7[%add3A_235, %dma_wait3A_236] : memref<32x64xi32, #tpu.memory_space<vmem>> -> memref<1x64xi32, #tpu.memory_space<vmem>>
        %dma_wait3A_238 = tpu.memref_squeeze %dma_wait3A_237 : memref<1x64xi32, #tpu.memory_space<vmem>> -> memref<64xi32, #tpu.memory_space<vmem>>
        %dma_wait3A_239 = arith.constant 0 : i32
        %dma_wait3A_240 = arith.constant 0 : i32
        %dma_wait3A_241 = tpu.memref_slice %arg2[%dma_wait3A_239, %dma_wait3A_240] : memref<10000x128xf32, #tpu.memory_space<hbm>> -> memref<10000x128xf32, #tpu.memory_space<hbm>>
        tpu.wait_indirect_dma semaphore(%arg15 : memref<!tpu.dma_semaphore, #tpu.memory_space<semaphore_mem>>) src(%dma_wait3A_241 : memref<10000x128xf32, #tpu.memory_space<hbm>>) dst(%arg10 : memref<64x128xf32, #tpu.memory_space<vmem>>)
        %dma_start3A_242 = arith.constant 0 : i32
        %dma_start3A_243 = tpu.memref_slice %arg8[%add3A_235, %dma_start3A_242] : memref<32x64xi32, #tpu.memory_space<vmem>> -> memref<1x64xi32, #tpu.memory_space<vmem>>
        %dma_start3A_244 = tpu.memref_squeeze %dma_start3A_243 : memref<1x64xi32, #tpu.memory_space<vmem>> -> memref<64xi32, #tpu.memory_space<vmem>>
        %dma_start3A_245 = arith.constant 0 : i32
        %dma_start3A_246 = arith.constant 0 : i32
        %dma_start3A_247 = tpu.memref_slice %arg13[%dma_start3A_245, %dma_start3A_246] : memref<10240x128xf32, #tpu.memory_space<vmem_shared>> -> memref<10240x128xf32, #tpu.memory_space<vmem_shared>>
        tpu.enqueue_indirect_dma source(%arg10 : memref<64x128xf32, #tpu.memory_space<vmem>>) target(%dma_start3A_247 : memref<10240x128xf32, #tpu.memory_space<vmem_shared>>) offsets(%dma_start3A_244 : memref<64xi32, #tpu.memory_space<vmem>>) semaphore(%arg19 : memref<!tpu.dma_semaphore, #tpu.memory_space<semaphore_mem>>) {add = true}
        %dma_wait3A_248 = arith.constant 0 : i32
        %dma_wait3A_249 = tpu.memref_slice %arg8[%add3A_235, %dma_wait3A_248] : memref<32x64xi32, #tpu.memory_space<vmem>> -> memref<1x64xi32, #tpu.memory_space<vmem>>
        %dma_wait3A_250 = tpu.memref_squeeze %dma_wait3A_249 : memref<1x64xi32, #tpu.memory_space<vmem>> -> memref<64xi32, #tpu.memory_space<vmem>>
        %dma_wait3A_251 = arith.constant 0 : i32
        %dma_wait3A_252 = arith.constant 0 : i32
        %dma_wait3A_253 = tpu.memref_slice %arg13[%dma_wait3A_251, %dma_wait3A_252] : memref<10240x128xf32, #tpu.memory_space<vmem_shared>> -> memref<10240x128xf32, #tpu.memory_space<vmem_shared>>
        tpu.wait_indirect_dma semaphore(%arg19 : memref<!tpu.dma_semaphore, #tpu.memory_space<semaphore_mem>>) src(%arg10 : memref<64x128xf32, #tpu.memory_space<vmem>>) dst(%dma_wait3A_253 : memref<10240x128xf32, #tpu.memory_space<vmem_shared>>)
        %add3A_254 = arith.constant 4 : i32
        %add3A_255 = arith.addi %add3A_235, %add3A_254 : i32
        %dma_start3A_256 = arith.constant 0 : i32
        %dma_start3A_257 = tpu.memref_slice %arg7[%add3A_255, %dma_start3A_256] : memref<32x64xi32, #tpu.memory_space<vmem>> -> memref<1x64xi32, #tpu.memory_space<vmem>>
        %dma_start3A_258 = tpu.memref_squeeze %dma_start3A_257 : memref<1x64xi32, #tpu.memory_space<vmem>> -> memref<64xi32, #tpu.memory_space<vmem>>
        %dma_start3A_259 = arith.constant 0 : i32
        %dma_start3A_260 = arith.constant 0 : i32
        %dma_start3A_261 = tpu.memref_slice %arg2[%dma_start3A_259, %dma_start3A_260] : memref<10000x128xf32, #tpu.memory_space<hbm>> -> memref<10000x128xf32, #tpu.memory_space<hbm>>
        tpu.enqueue_indirect_dma source(%dma_start3A_261 : memref<10000x128xf32, #tpu.memory_space<hbm>>) target(%arg10 : memref<64x128xf32, #tpu.memory_space<vmem>>) offsets(%dma_start3A_258 : memref<64xi32, #tpu.memory_space<vmem>>) semaphore(%arg15 : memref<!tpu.dma_semaphore, #tpu.memory_space<semaphore_mem>>)
        %mul3A_262 = arith.constant 4 : i32
        %mul3A_263 = arith.muli %add3A_201, %mul3A_262 : i32
        %add3A_264 = arith.constant 2 : i32
        %add3A_265 = arith.addi %mul3A_263, %add3A_264 : i32
        %dma_wait3A_266 = arith.constant 0 : i32
        %dma_wait3A_267 = tpu.memref_slice %arg7[%add3A_265, %dma_wait3A_266] : memref<32x64xi32, #tpu.memory_space<vmem>> -> memref<1x64xi32, #tpu.memory_space<vmem>>
        %dma_wait3A_268 = tpu.memref_squeeze %dma_wait3A_267 : memref<1x64xi32, #tpu.memory_space<vmem>> -> memref<64xi32, #tpu.memory_space<vmem>>
        %dma_wait3A_269 = arith.constant 0 : i32
        %dma_wait3A_270 = arith.constant 0 : i32
        %dma_wait3A_271 = tpu.memref_slice %arg2[%dma_wait3A_269, %dma_wait3A_270] : memref<10000x128xf32, #tpu.memory_space<hbm>> -> memref<10000x128xf32, #tpu.memory_space<hbm>>
        tpu.wait_indirect_dma semaphore(%arg16 : memref<!tpu.dma_semaphore, #tpu.memory_space<semaphore_mem>>) src(%dma_wait3A_271 : memref<10000x128xf32, #tpu.memory_space<hbm>>) dst(%arg11 : memref<64x128xf32, #tpu.memory_space<vmem>>)
        %dma_start3A_272 = arith.constant 0 : i32
        %dma_start3A_273 = tpu.memref_slice %arg8[%add3A_265, %dma_start3A_272] : memref<32x64xi32, #tpu.memory_space<vmem>> -> memref<1x64xi32, #tpu.memory_space<vmem>>
        %dma_start3A_274 = tpu.memref_squeeze %dma_start3A_273 : memref<1x64xi32, #tpu.memory_space<vmem>> -> memref<64xi32, #tpu.memory_space<vmem>>
        %dma_start3A_275 = arith.constant 0 : i32
        %dma_start3A_276 = arith.constant 0 : i32
        %dma_start3A_277 = tpu.memref_slice %arg13[%dma_start3A_275, %dma_start3A_276] : memref<10240x128xf32, #tpu.memory_space<vmem_shared>> -> memref<10240x128xf32, #tpu.memory_space<vmem_shared>>
        tpu.enqueue_indirect_dma source(%arg11 : memref<64x128xf32, #tpu.memory_space<vmem>>) target(%dma_start3A_277 : memref<10240x128xf32, #tpu.memory_space<vmem_shared>>) offsets(%dma_start3A_274 : memref<64xi32, #tpu.memory_space<vmem>>) semaphore(%arg20 : memref<!tpu.dma_semaphore, #tpu.memory_space<semaphore_mem>>) {add = true}
        %dma_wait3A_278 = arith.constant 0 : i32
        %dma_wait3A_279 = tpu.memref_slice %arg8[%add3A_265, %dma_wait3A_278] : memref<32x64xi32, #tpu.memory_space<vmem>> -> memref<1x64xi32, #tpu.memory_space<vmem>>
        %dma_wait3A_280 = tpu.memref_squeeze %dma_wait3A_279 : memref<1x64xi32, #tpu.memory_space<vmem>> -> memref<64xi32, #tpu.memory_space<vmem>>
        %dma_wait3A_281 = arith.constant 0 : i32
        %dma_wait3A_282 = arith.constant 0 : i32
        %dma_wait3A_283 = tpu.memref_slice %arg13[%dma_wait3A_281, %dma_wait3A_282] : memref<10240x128xf32, #tpu.memory_space<vmem_shared>> -> memref<10240x128xf32, #tpu.memory_space<vmem_shared>>
        tpu.wait_indirect_dma semaphore(%arg20 : memref<!tpu.dma_semaphore, #tpu.memory_space<semaphore_mem>>) src(%arg11 : memref<64x128xf32, #tpu.memory_space<vmem>>) dst(%dma_wait3A_283 : memref<10240x128xf32, #tpu.memory_space<vmem_shared>>)
        %add3A_284 = arith.constant 4 : i32
        %add3A_285 = arith.addi %add3A_265, %add3A_284 : i32
        %dma_start3A_286 = arith.constant 0 : i32
        %dma_start3A_287 = tpu.memref_slice %arg7[%add3A_285, %dma_start3A_286] : memref<32x64xi32, #tpu.memory_space<vmem>> -> memref<1x64xi32, #tpu.memory_space<vmem>>
        %dma_start3A_288 = tpu.memref_squeeze %dma_start3A_287 : memref<1x64xi32, #tpu.memory_space<vmem>> -> memref<64xi32, #tpu.memory_space<vmem>>
        %dma_start3A_289 = arith.constant 0 : i32
        %dma_start3A_290 = arith.constant 0 : i32
        %dma_start3A_291 = tpu.memref_slice %arg2[%dma_start3A_289, %dma_start3A_290] : memref<10000x128xf32, #tpu.memory_space<hbm>> -> memref<10000x128xf32, #tpu.memory_space<hbm>>
        tpu.enqueue_indirect_dma source(%dma_start3A_291 : memref<10000x128xf32, #tpu.memory_space<hbm>>) target(%arg11 : memref<64x128xf32, #tpu.memory_space<vmem>>) offsets(%dma_start3A_288 : memref<64xi32, #tpu.memory_space<vmem>>) semaphore(%arg16 : memref<!tpu.dma_semaphore, #tpu.memory_space<semaphore_mem>>)
        %mul3A_292 = arith.constant 4 : i32
        %mul3A_293 = arith.muli %add3A_201, %mul3A_292 : i32
        %add3A_294 = arith.constant 3 : i32
        %add3A_295 = arith.addi %mul3A_293, %add3A_294 : i32
        %dma_wait3A_296 = arith.constant 0 : i32
        %dma_wait3A_297 = tpu.memref_slice %arg7[%add3A_295, %dma_wait3A_296] : memref<32x64xi32, #tpu.memory_space<vmem>> -> memref<1x64xi32, #tpu.memory_space<vmem>>
        %dma_wait3A_298 = tpu.memref_squeeze %dma_wait3A_297 : memref<1x64xi32, #tpu.memory_space<vmem>> -> memref<64xi32, #tpu.memory_space<vmem>>
        %dma_wait3A_299 = arith.constant 0 : i32
        %dma_wait3A_300 = arith.constant 0 : i32
        %dma_wait3A_301 = tpu.memref_slice %arg2[%dma_wait3A_299, %dma_wait3A_300] : memref<10000x128xf32, #tpu.memory_space<hbm>> -> memref<10000x128xf32, #tpu.memory_space<hbm>>
        tpu.wait_indirect_dma semaphore(%arg17 : memref<!tpu.dma_semaphore, #tpu.memory_space<semaphore_mem>>) src(%dma_wait3A_301 : memref<10000x128xf32, #tpu.memory_space<hbm>>) dst(%arg12 : memref<64x128xf32, #tpu.memory_space<vmem>>)
        %dma_start3A_302 = arith.constant 0 : i32
        %dma_start3A_303 = tpu.memref_slice %arg8[%add3A_295, %dma_start3A_302] : memref<32x64xi32, #tpu.memory_space<vmem>> -> memref<1x64xi32, #tpu.memory_space<vmem>>
        %dma_start3A_304 = tpu.memref_squeeze %dma_start3A_303 : memref<1x64xi32, #tpu.memory_space<vmem>> -> memref<64xi32, #tpu.memory_space<vmem>>
        %dma_start3A_305 = arith.constant 0 : i32
        %dma_start3A_306 = arith.constant 0 : i32
        %dma_start3A_307 = tpu.memref_slice %arg13[%dma_start3A_305, %dma_start3A_306] : memref<10240x128xf32, #tpu.memory_space<vmem_shared>> -> memref<10240x128xf32, #tpu.memory_space<vmem_shared>>
        tpu.enqueue_indirect_dma source(%arg12 : memref<64x128xf32, #tpu.memory_space<vmem>>) target(%dma_start3A_307 : memref<10240x128xf32, #tpu.memory_space<vmem_shared>>) offsets(%dma_start3A_304 : memref<64xi32, #tpu.memory_space<vmem>>) semaphore(%arg21 : memref<!tpu.dma_semaphore, #tpu.memory_space<semaphore_mem>>) {add = true}
        %dma_wait3A_308 = arith.constant 0 : i32
        %dma_wait3A_309 = tpu.memref_slice %arg8[%add3A_295, %dma_wait3A_308] : memref<32x64xi32, #tpu.memory_space<vmem>> -> memref<1x64xi32, #tpu.memory_space<vmem>>
        %dma_wait3A_310 = tpu.memref_squeeze %dma_wait3A_309 : memref<1x64xi32, #tpu.memory_space<vmem>> -> memref<64xi32, #tpu.memory_space<vmem>>
        %dma_wait3A_311 = arith.constant 0 : i32
        %dma_wait3A_312 = arith.constant 0 : i32
        %dma_wait3A_313 = tpu.memref_slice %arg13[%dma_wait3A_311, %dma_wait3A_312] : memref<10240x128xf32, #tpu.memory_space<vmem_shared>> -> memref<10240x128xf32, #tpu.memory_space<vmem_shared>>
        tpu.wait_indirect_dma semaphore(%arg21 : memref<!tpu.dma_semaphore, #tpu.memory_space<semaphore_mem>>) src(%arg12 : memref<64x128xf32, #tpu.memory_space<vmem>>) dst(%dma_wait3A_313 : memref<10240x128xf32, #tpu.memory_space<vmem_shared>>)
        %add3A_314 = arith.constant 4 : i32
        %add3A_315 = arith.addi %add3A_295, %add3A_314 : i32
        %dma_start3A_316 = arith.constant 0 : i32
        %dma_start3A_317 = tpu.memref_slice %arg7[%add3A_315, %dma_start3A_316] : memref<32x64xi32, #tpu.memory_space<vmem>> -> memref<1x64xi32, #tpu.memory_space<vmem>>
        %dma_start3A_318 = tpu.memref_squeeze %dma_start3A_317 : memref<1x64xi32, #tpu.memory_space<vmem>> -> memref<64xi32, #tpu.memory_space<vmem>>
        %dma_start3A_319 = arith.constant 0 : i32
        %dma_start3A_320 = arith.constant 0 : i32
        %dma_start3A_321 = tpu.memref_slice %arg2[%dma_start3A_319, %dma_start3A_320] : memref<10000x128xf32, #tpu.memory_space<hbm>> -> memref<10000x128xf32, #tpu.memory_space<hbm>>
        tpu.enqueue_indirect_dma source(%dma_start3A_321 : memref<10000x128xf32, #tpu.memory_space<hbm>>) target(%arg12 : memref<64x128xf32, #tpu.memory_space<vmem>>) offsets(%dma_start3A_318 : memref<64xi32, #tpu.memory_space<vmem>>) semaphore(%arg17 : memref<!tpu.dma_semaphore, #tpu.memory_space<semaphore_mem>>)
      }
      %scan3A_166 = arith.constant 7 : i32
      %dma_wait3A = arith.constant 28 : i32
      %dma_wait3A_167 = arith.constant 0 : i32
      %dma_wait3A_168 = tpu.memref_slice %arg7[%dma_wait3A, %dma_wait3A_167] : memref<32x64xi32, #tpu.memory_space<vmem>> -> memref<1x64xi32, #tpu.memory_space<vmem>>
      %dma_wait3A_169 = tpu.memref_squeeze %dma_wait3A_168 : memref<1x64xi32, #tpu.memory_space<vmem>> -> memref<64xi32, #tpu.memory_space<vmem>>
      %dma_wait3A_170 = arith.constant 0 : i32
      %dma_wait3A_171 = arith.constant 0 : i32
      %dma_wait3A_172 = tpu.memref_slice %arg2[%dma_wait3A_170, %dma_wait3A_171] : memref<10000x128xf32, #tpu.memory_space<hbm>> -> memref<10000x128xf32, #tpu.memory_space<hbm>>
      tpu.wait_indirect_dma semaphore(%arg14 : memref<!tpu.dma_semaphore, #tpu.memory_space<semaphore_mem>>) src(%dma_wait3A_172 : memref<10000x128xf32, #tpu.memory_space<hbm>>) dst(%arg9 : memref<64x128xf32, #tpu.memory_space<vmem>>)
      %run_scoped3A = arith.constant 28 : i32
      "tpu.region"() ({
        %run_scoped3A_197 = tpu.sem_alloc : memref<!tpu.dma_semaphore, #tpu.memory_space<semaphore_mem>>
        %dma_start3A_198 = arith.constant 0 : i32
        %dma_start3A_199 = tpu.memref_slice %arg8[%run_scoped3A, %dma_start3A_198] : memref<32x64xi32, #tpu.memory_space<vmem>> -> memref<1x64xi32, #tpu.memory_space<vmem>>
        %dma_start3A_200 = tpu.memref_squeeze %dma_start3A_199 : memref<1x64xi32, #tpu.memory_space<vmem>> -> memref<64xi32, #tpu.memory_space<vmem>>
        %dma_start3A_201 = arith.constant 0 : i32
        %dma_start3A_202 = arith.constant 0 : i32
        %dma_start3A_203 = tpu.memref_slice %arg13[%dma_start3A_201, %dma_start3A_202] : memref<10240x128xf32, #tpu.memory_space<vmem_shared>> -> memref<10240x128xf32, #tpu.memory_space<vmem_shared>>
        tpu.enqueue_indirect_dma source(%arg9 : memref<64x128xf32, #tpu.memory_space<vmem>>) target(%dma_start3A_203 : memref<10240x128xf32, #tpu.memory_space<vmem_shared>>) offsets(%dma_start3A_200 : memref<64xi32, #tpu.memory_space<vmem>>) semaphore(%run_scoped3A_197 : memref<!tpu.dma_semaphore, #tpu.memory_space<semaphore_mem>>) {add = true}
        %dma_wait3A_204 = arith.constant 0 : i32
        %dma_wait3A_205 = tpu.memref_slice %arg8[%run_scoped3A, %dma_wait3A_204] : memref<32x64xi32, #tpu.memory_space<vmem>> -> memref<1x64xi32, #tpu.memory_space<vmem>>
        %dma_wait3A_206 = tpu.memref_squeeze %dma_wait3A_205 : memref<1x64xi32, #tpu.memory_space<vmem>> -> memref<64xi32, #tpu.memory_space<vmem>>
        %dma_wait3A_207 = arith.constant 0 : i32
        %dma_wait3A_208 = arith.constant 0 : i32
        %dma_wait3A_209 = tpu.memref_slice %arg13[%dma_wait3A_207, %dma_wait3A_208] : memref<10240x128xf32, #tpu.memory_space<vmem_shared>> -> memref<10240x128xf32, #tpu.memory_space<vmem_shared>>
        tpu.wait_indirect_dma semaphore(%run_scoped3A_197 : memref<!tpu.dma_semaphore, #tpu.memory_space<semaphore_mem>>) src(%arg9 : memref<64x128xf32, #tpu.memory_space<vmem>>) dst(%dma_wait3A_209 : memref<10240x128xf32, #tpu.memory_space<vmem_shared>>)
        tpu.yield
      }) : () -> ()
      %dma_wait3A_173 = arith.constant 29 : i32
      %dma_wait3A_174 = arith.constant 0 : i32
      %dma_wait3A_175 = tpu.memref_slice %arg7[%dma_wait3A_173, %dma_wait3A_174] : memref<32x64xi32, #tpu.memory_space<vmem>> -> memref<1x64xi32, #tpu.memory_space<vmem>>
      %dma_wait3A_176 = tpu.memref_squeeze %dma_wait3A_175 : memref<1x64xi32, #tpu.memory_space<vmem>> -> memref<64xi32, #tpu.memory_space<vmem>>
      %dma_wait3A_177 = arith.constant 0 : i32
      %dma_wait3A_178 = arith.constant 0 : i32
      %dma_wait3A_179 = tpu.memref_slice %arg2[%dma_wait3A_177, %dma_wait3A_178] : memref<10000x128xf32, #tpu.memory_space<hbm>> -> memref<10000x128xf32, #tpu.memory_space<hbm>>
      tpu.wait_indirect_dma semaphore(%arg15 : memref<!tpu.dma_semaphore, #tpu.memory_space<semaphore_mem>>) src(%dma_wait3A_179 : memref<10000x128xf32, #tpu.memory_space<hbm>>) dst(%arg10 : memref<64x128xf32, #tpu.memory_space<vmem>>)
      %run_scoped3A_180 = arith.constant 29 : i32
      "tpu.region"() ({
        %run_scoped3A_197 = tpu.sem_alloc : memref<!tpu.dma_semaphore, #tpu.memory_space<semaphore_mem>>
        %dma_start3A_198 = arith.constant 0 : i32
        %dma_start3A_199 = tpu.memref_slice %arg8[%run_scoped3A_180, %dma_start3A_198] : memref<32x64xi32, #tpu.memory_space<vmem>> -> memref<1x64xi32, #tpu.memory_space<vmem>>
        %dma_start3A_200 = tpu.memref_squeeze %dma_start3A_199 : memref<1x64xi32, #tpu.memory_space<vmem>> -> memref<64xi32, #tpu.memory_space<vmem>>
        %dma_start3A_201 = arith.constant 0 : i32
        %dma_start3A_202 = arith.constant 0 : i32
        %dma_start3A_203 = tpu.memref_slice %arg13[%dma_start3A_201, %dma_start3A_202] : memref<10240x128xf32, #tpu.memory_space<vmem_shared>> -> memref<10240x128xf32, #tpu.memory_space<vmem_shared>>
        tpu.enqueue_indirect_dma source(%arg10 : memref<64x128xf32, #tpu.memory_space<vmem>>) target(%dma_start3A_203 : memref<10240x128xf32, #tpu.memory_space<vmem_shared>>) offsets(%dma_start3A_200 : memref<64xi32, #tpu.memory_space<vmem>>) semaphore(%run_scoped3A_197 : memref<!tpu.dma_semaphore, #tpu.memory_space<semaphore_mem>>) {add = true}
        %dma_wait3A_204 = arith.constant 0 : i32
        %dma_wait3A_205 = tpu.memref_slice %arg8[%run_scoped3A_180, %dma_wait3A_204] : memref<32x64xi32, #tpu.memory_space<vmem>> -> memref<1x64xi32, #tpu.memory_space<vmem>>
        %dma_wait3A_206 = tpu.memref_squeeze %dma_wait3A_205 : memref<1x64xi32, #tpu.memory_space<vmem>> -> memref<64xi32, #tpu.memory_space<vmem>>
        %dma_wait3A_207 = arith.constant 0 : i32
        %dma_wait3A_208 = arith.constant 0 : i32
        %dma_wait3A_209 = tpu.memref_slice %arg13[%dma_wait3A_207, %dma_wait3A_208] : memref<10240x128xf32, #tpu.memory_space<vmem_shared>> -> memref<10240x128xf32, #tpu.memory_space<vmem_shared>>
        tpu.wait_indirect_dma semaphore(%run_scoped3A_197 : memref<!tpu.dma_semaphore, #tpu.memory_space<semaphore_mem>>) src(%arg10 : memref<64x128xf32, #tpu.memory_space<vmem>>) dst(%dma_wait3A_209 : memref<10240x128xf32, #tpu.memory_space<vmem_shared>>)
        tpu.yield
      }) : () -> ()
      %dma_wait3A_181 = arith.constant 30 : i32
      %dma_wait3A_182 = arith.constant 0 : i32
      %dma_wait3A_183 = tpu.memref_slice %arg7[%dma_wait3A_181, %dma_wait3A_182] : memref<32x64xi32, #tpu.memory_space<vmem>> -> memref<1x64xi32, #tpu.memory_space<vmem>>
      %dma_wait3A_184 = tpu.memref_squeeze %dma_wait3A_183 : memref<1x64xi32, #tpu.memory_space<vmem>> -> memref<64xi32, #tpu.memory_space<vmem>>
      %dma_wait3A_185 = arith.constant 0 : i32
      %dma_wait3A_186 = arith.constant 0 : i32
      %dma_wait3A_187 = tpu.memref_slice %arg2[%dma_wait3A_185, %dma_wait3A_186] : memref<10000x128xf32, #tpu.memory_space<hbm>> -> memref<10000x128xf32, #tpu.memory_space<hbm>>
      tpu.wait_indirect_dma semaphore(%arg16 : memref<!tpu.dma_semaphore, #tpu.memory_space<semaphore_mem>>) src(%dma_wait3A_187 : memref<10000x128xf32, #tpu.memory_space<hbm>>) dst(%arg11 : memref<64x128xf32, #tpu.memory_space<vmem>>)
      %run_scoped3A_188 = arith.constant 30 : i32
      "tpu.region"() ({
        %run_scoped3A_197 = tpu.sem_alloc : memref<!tpu.dma_semaphore, #tpu.memory_space<semaphore_mem>>
        %dma_start3A_198 = arith.constant 0 : i32
        %dma_start3A_199 = tpu.memref_slice %arg8[%run_scoped3A_188, %dma_start3A_198] : memref<32x64xi32, #tpu.memory_space<vmem>> -> memref<1x64xi32, #tpu.memory_space<vmem>>
        %dma_start3A_200 = tpu.memref_squeeze %dma_start3A_199 : memref<1x64xi32, #tpu.memory_space<vmem>> -> memref<64xi32, #tpu.memory_space<vmem>>
        %dma_start3A_201 = arith.constant 0 : i32
        %dma_start3A_202 = arith.constant 0 : i32
        %dma_start3A_203 = tpu.memref_slice %arg13[%dma_start3A_201, %dma_start3A_202] : memref<10240x128xf32, #tpu.memory_space<vmem_shared>> -> memref<10240x128xf32, #tpu.memory_space<vmem_shared>>
        tpu.enqueue_indirect_dma source(%arg11 : memref<64x128xf32, #tpu.memory_space<vmem>>) target(%dma_start3A_203 : memref<10240x128xf32, #tpu.memory_space<vmem_shared>>) offsets(%dma_start3A_200 : memref<64xi32, #tpu.memory_space<vmem>>) semaphore(%run_scoped3A_197 : memref<!tpu.dma_semaphore, #tpu.memory_space<semaphore_mem>>) {add = true}
        %dma_wait3A_204 = arith.constant 0 : i32
        %dma_wait3A_205 = tpu.memref_slice %arg8[%run_scoped3A_188, %dma_wait3A_204] : memref<32x64xi32, #tpu.memory_space<vmem>> -> memref<1x64xi32, #tpu.memory_space<vmem>>
        %dma_wait3A_206 = tpu.memref_squeeze %dma_wait3A_205 : memref<1x64xi32, #tpu.memory_space<vmem>> -> memref<64xi32, #tpu.memory_space<vmem>>
        %dma_wait3A_207 = arith.constant 0 : i32
        %dma_wait3A_208 = arith.constant 0 : i32
        %dma_wait3A_209 = tpu.memref_slice %arg13[%dma_wait3A_207, %dma_wait3A_208] : memref<10240x128xf32, #tpu.memory_space<vmem_shared>> -> memref<10240x128xf32, #tpu.memory_space<vmem_shared>>
        tpu.wait_indirect_dma semaphore(%run_scoped3A_197 : memref<!tpu.dma_semaphore, #tpu.memory_space<semaphore_mem>>) src(%arg11 : memref<64x128xf32, #tpu.memory_space<vmem>>) dst(%dma_wait3A_209 : memref<10240x128xf32, #tpu.memory_space<vmem_shared>>)
        tpu.yield
      }) : () -> ()
      %dma_wait3A_189 = arith.constant 31 : i32
      %dma_wait3A_190 = arith.constant 0 : i32
      %dma_wait3A_191 = tpu.memref_slice %arg7[%dma_wait3A_189, %dma_wait3A_190] : memref<32x64xi32, #tpu.memory_space<vmem>> -> memref<1x64xi32, #tpu.memory_space<vmem>>
      %dma_wait3A_192 = tpu.memref_squeeze %dma_wait3A_191 : memref<1x64xi32, #tpu.memory_space<vmem>> -> memref<64xi32, #tpu.memory_space<vmem>>
      %dma_wait3A_193 = arith.constant 0 : i32
      %dma_wait3A_194 = arith.constant 0 : i32
      %dma_wait3A_195 = tpu.memref_slice %arg2[%dma_wait3A_193, %dma_wait3A_194] : memref<10000x128xf32, #tpu.memory_space<hbm>> -> memref<10000x128xf32, #tpu.memory_space<hbm>>
      tpu.wait_indirect_dma semaphore(%arg17 : memref<!tpu.dma_semaphore, #tpu.memory_space<semaphore_mem>>) src(%dma_wait3A_195 : memref<10000x128xf32, #tpu.memory_space<hbm>>) dst(%arg12 : memref<64x128xf32, #tpu.memory_space<vmem>>)
      %run_scoped3A_196 = arith.constant 31 : i32
      "tpu.region"() ({
        %run_scoped3A_197 = tpu.sem_alloc : memref<!tpu.dma_semaphore, #tpu.memory_space<semaphore_mem>>
        %dma_start3A_198 = arith.constant 0 : i32
        %dma_start3A_199 = tpu.memref_slice %arg8[%run_scoped3A_196, %dma_start3A_198] : memref<32x64xi32, #tpu.memory_space<vmem>> -> memref<1x64xi32, #tpu.memory_space<vmem>>
        %dma_start3A_200 = tpu.memref_squeeze %dma_start3A_199 : memref<1x64xi32, #tpu.memory_space<vmem>> -> memref<64xi32, #tpu.memory_space<vmem>>
        %dma_start3A_201 = arith.constant 0 : i32
        %dma_start3A_202 = arith.constant 0 : i32
        %dma_start3A_203 = tpu.memref_slice %arg13[%dma_start3A_201, %dma_start3A_202] : memref<10240x128xf32, #tpu.memory_space<vmem_shared>> -> memref<10240x128xf32, #tpu.memory_space<vmem_shared>>
        tpu.enqueue_indirect_dma source(%arg12 : memref<64x128xf32, #tpu.memory_space<vmem>>) target(%dma_start3A_203 : memref<10240x128xf32, #tpu.memory_space<vmem_shared>>) offsets(%dma_start3A_200 : memref<64xi32, #tpu.memory_space<vmem>>) semaphore(%run_scoped3A_197 : memref<!tpu.dma_semaphore, #tpu.memory_space<semaphore_mem>>) {add = true}
        %dma_wait3A_204 = arith.constant 0 : i32
        %dma_wait3A_205 = tpu.memref_slice %arg8[%run_scoped3A_196, %dma_wait3A_204] : memref<32x64xi32, #tpu.memory_space<vmem>> -> memref<1x64xi32, #tpu.memory_space<vmem>>
        %dma_wait3A_206 = tpu.memref_squeeze %dma_wait3A_205 : memref<1x64xi32, #tpu.memory_space<vmem>> -> memref<64xi32, #tpu.memory_space<vmem>>
        %dma_wait3A_207 = arith.constant 0 : i32
        %dma_wait3A_208 = arith.constant 0 : i32
        %dma_wait3A_209 = tpu.memref_slice %arg13[%dma_wait3A_207, %dma_wait3A_208] : memref<10240x128xf32, #tpu.memory_space<vmem_shared>> -> memref<10240x128xf32, #tpu.memory_space<vmem_shared>>
        tpu.wait_indirect_dma semaphore(%run_scoped3A_197 : memref<!tpu.dma_semaphore, #tpu.memory_space<semaphore_mem>>) src(%arg12 : memref<64x128xf32, #tpu.memory_space<vmem>>) dst(%dma_wait3A_209 : memref<10240x128xf32, #tpu.memory_space<vmem_shared>>)
        tpu.yield
      }) : () -> ()
    }
    %scan3A_44 = arith.constant 5 : i32
    %barrier3A_45 = arith.constant 0 : index
    tpu.barrier barrier_id(%barrier3A_45)
    %mul3A_46 = arith.constant 640 : i32
    %mul3A_47 = arith.muli %arg1, %mul3A_46 : i32
    %add3A_48 = arith.constant 0 : i32
    %add3A_49 = arith.addi %mul3A_47, %add3A_48 : i32
    "tpu.region"() ({
      %run_scoped3A = tpu.sem_alloc : memref<!tpu.dma_semaphore, #tpu.memory_space<semaphore_mem>>
      %dma_start3A = arith.constant 0 : i32
      %dma_start3A_126 = tpu.memref_slice %arg13[%add3A_49, %dma_start3A] : memref<10240x128xf32, #tpu.memory_space<vmem_shared>> -> memref<64x128xf32, #tpu.memory_space<vmem_shared>>
      %dma_start3A_127 = arith.constant 0 : i32
      %dma_start3A_128 = tpu.memref_slice %arg13[%add3A_49, %dma_start3A_127] : memref<10240x128xf32, #tpu.memory_space<vmem_shared>> -> memref<64x128xf32, #tpu.memory_space<vmem_shared>>
      tpu.enqueue_dma source(%dma_start3A_128 : memref<64x128xf32, #tpu.memory_space<vmem_shared>>) target(%arg9 : memref<64x128xf32, #tpu.memory_space<vmem>>) target_semaphore(%run_scoped3A : memref<!tpu.dma_semaphore, #tpu.memory_space<semaphore_mem>>)
      %dma_wait3A = arith.constant 0 : i32
      %dma_wait3A_129 = tpu.memref_slice %arg13[%add3A_49, %dma_wait3A] : memref<10240x128xf32, #tpu.memory_space<vmem_shared>> -> memref<64x128xf32, #tpu.memory_space<vmem_shared>>
      %dma_wait3A_130 = arith.constant 0 : i32
      %dma_wait3A_131 = tpu.memref_slice %arg13[%add3A_49, %dma_wait3A_130] : memref<10240x128xf32, #tpu.memory_space<vmem_shared>> -> memref<64x128xf32, #tpu.memory_space<vmem_shared>>
      tpu.wait_dma2 semaphore(%run_scoped3A : memref<!tpu.dma_semaphore, #tpu.memory_space<semaphore_mem>>) src(%dma_wait3A_131 : memref<64x128xf32, #tpu.memory_space<vmem_shared>>) dst(%arg9 : memref<64x128xf32, #tpu.memory_space<vmem>>)
      tpu.yield
    }) : () -> ()
    %mul3A_50 = arith.constant 640 : i32
    %mul3A_51 = arith.muli %arg1, %mul3A_50 : i32
    %add3A_52 = arith.constant 0 : i32
    %add3A_53 = arith.addi %mul3A_51, %add3A_52 : i32
    "tpu.region"() ({
      %run_scoped3A = tpu.sem_alloc : memref<!tpu.dma_semaphore, #tpu.memory_space<semaphore_mem>>
      %dma_start3A = arith.constant 0 : i32
      %dma_start3A_126 = tpu.memref_slice %arg6[%arg0, %add3A_53, %dma_start3A] : memref<2x10240x128xf32, #tpu.memory_space<hbm>> -> memref<1x64x128xf32, #tpu.memory_space<hbm>>
      %dma_start3A_127 = tpu.memref_squeeze %dma_start3A_126 : memref<1x64x128xf32, #tpu.memory_space<hbm>> -> memref<64x128xf32, #tpu.memory_space<hbm>>
      %dma_start3A_128 = arith.constant 0 : i32
      %dma_start3A_129 = tpu.memref_slice %arg6[%arg0, %add3A_53, %dma_start3A_128] : memref<2x10240x128xf32, #tpu.memory_space<hbm>> -> memref<1x64x128xf32, #tpu.memory_space<hbm>>
      %dma_start3A_130 = tpu.memref_squeeze %dma_start3A_129 : memref<1x64x128xf32, #tpu.memory_space<hbm>> -> memref<64x128xf32, #tpu.memory_space<hbm>>
      tpu.enqueue_dma source(%arg9 : memref<64x128xf32, #tpu.memory_space<vmem>>) target(%dma_start3A_130 : memref<64x128xf32, #tpu.memory_space<hbm>>) target_semaphore(%run_scoped3A : memref<!tpu.dma_semaphore, #tpu.memory_space<semaphore_mem>>)
      %dma_wait3A = arith.constant 0 : i32
      %dma_wait3A_131 = tpu.memref_slice %arg6[%arg0, %add3A_53, %dma_wait3A] : memref<2x10240x128xf32, #tpu.memory_space<hbm>> -> memref<1x64x128xf32, #tpu.memory_space<hbm>>
      %dma_wait3A_132 = tpu.memref_squeeze %dma_wait3A_131 : memref<1x64x128xf32, #tpu.memory_space<hbm>> -> memref<64x128xf32, #tpu.memory_space<hbm>>
      %dma_wait3A_133 = arith.constant 0 : i32
      %dma_wait3A_134 = tpu.memref_slice %arg6[%arg0, %add3A_53, %dma_wait3A_133] : memref<2x10240x128xf32, #tpu.memory_space<hbm>> -> memref<1x64x128xf32, #tpu.memory_space<hbm>>
      %dma_wait3A_135 = tpu.memref_squeeze %dma_wait3A_134 : memref<1x64x128xf32, #tpu.memory_space<hbm>> -> memref<64x128xf32, #tpu.memory_space<hbm>>
      tpu.wait_dma2 semaphore(%run_scoped3A : memref<!tpu.dma_semaphore, #tpu.memory_space<semaphore_mem>>) src(%arg9 : memref<64x128xf32, #tpu.memory_space<vmem>>) dst(%dma_wait3A_135 : memref<64x128xf32, #tpu.memory_space<hbm>>)
      tpu.yield
    }) : () -> ()
    %mul3A_54 = arith.constant 640 : i32
    %mul3A_55 = arith.muli %arg1, %mul3A_54 : i32
    %add3A_56 = arith.constant 64 : i32
    %add3A_57 = arith.addi %mul3A_55, %add3A_56 : i32
    "tpu.region"() ({
      %run_scoped3A = tpu.sem_alloc : memref<!tpu.dma_semaphore, #tpu.memory_space<semaphore_mem>>
      %dma_start3A = arith.constant 0 : i32
      %dma_start3A_126 = tpu.memref_slice %arg13[%add3A_57, %dma_start3A] : memref<10240x128xf32, #tpu.memory_space<vmem_shared>> -> memref<64x128xf32, #tpu.memory_space<vmem_shared>>
      %dma_start3A_127 = arith.constant 0 : i32
      %dma_start3A_128 = tpu.memref_slice %arg13[%add3A_57, %dma_start3A_127] : memref<10240x128xf32, #tpu.memory_space<vmem_shared>> -> memref<64x128xf32, #tpu.memory_space<vmem_shared>>
      tpu.enqueue_dma source(%dma_start3A_128 : memref<64x128xf32, #tpu.memory_space<vmem_shared>>) target(%arg9 : memref<64x128xf32, #tpu.memory_space<vmem>>) target_semaphore(%run_scoped3A : memref<!tpu.dma_semaphore, #tpu.memory_space<semaphore_mem>>)
      %dma_wait3A = arith.constant 0 : i32
      %dma_wait3A_129 = tpu.memref_slice %arg13[%add3A_57, %dma_wait3A] : memref<10240x128xf32, #tpu.memory_space<vmem_shared>> -> memref<64x128xf32, #tpu.memory_space<vmem_shared>>
      %dma_wait3A_130 = arith.constant 0 : i32
      %dma_wait3A_131 = tpu.memref_slice %arg13[%add3A_57, %dma_wait3A_130] : memref<10240x128xf32, #tpu.memory_space<vmem_shared>> -> memref<64x128xf32, #tpu.memory_space<vmem_shared>>
      tpu.wait_dma2 semaphore(%run_scoped3A : memref<!tpu.dma_semaphore, #tpu.memory_space<semaphore_mem>>) src(%dma_wait3A_131 : memref<64x128xf32, #tpu.memory_space<vmem_shared>>) dst(%arg9 : memref<64x128xf32, #tpu.memory_space<vmem>>)
      tpu.yield
    }) : () -> ()
    %mul3A_58 = arith.constant 640 : i32
    %mul3A_59 = arith.muli %arg1, %mul3A_58 : i32
    %add3A_60 = arith.constant 64 : i32
    %add3A_61 = arith.addi %mul3A_59, %add3A_60 : i32
    "tpu.region"() ({
      %run_scoped3A = tpu.sem_alloc : memref<!tpu.dma_semaphore, #tpu.memory_space<semaphore_mem>>
      %dma_start3A = arith.constant 0 : i32
      %dma_start3A_126 = tpu.memref_slice %arg6[%arg0, %add3A_61, %dma_start3A] : memref<2x10240x128xf32, #tpu.memory_space<hbm>> -> memref<1x64x128xf32, #tpu.memory_space<hbm>>
      %dma_start3A_127 = tpu.memref_squeeze %dma_start3A_126 : memref<1x64x128xf32, #tpu.memory_space<hbm>> -> memref<64x128xf32, #tpu.memory_space<hbm>>
      %dma_start3A_128 = arith.constant 0 : i32
      %dma_start3A_129 = tpu.memref_slice %arg6[%arg0, %add3A_61, %dma_start3A_128] : memref<2x10240x128xf32, #tpu.memory_space<hbm>> -> memref<1x64x128xf32, #tpu.memory_space<hbm>>
      %dma_start3A_130 = tpu.memref_squeeze %dma_start3A_129 : memref<1x64x128xf32, #tpu.memory_space<hbm>> -> memref<64x128xf32, #tpu.memory_space<hbm>>
      tpu.enqueue_dma source(%arg9 : memref<64x128xf32, #tpu.memory_space<vmem>>) target(%dma_start3A_130 : memref<64x128xf32, #tpu.memory_space<hbm>>) target_semaphore(%run_scoped3A : memref<!tpu.dma_semaphore, #tpu.memory_space<semaphore_mem>>)
      %dma_wait3A = arith.constant 0 : i32
      %dma_wait3A_131 = tpu.memref_slice %arg6[%arg0, %add3A_61, %dma_wait3A] : memref<2x10240x128xf32, #tpu.memory_space<hbm>> -> memref<1x64x128xf32, #tpu.memory_space<hbm>>
      %dma_wait3A_132 = tpu.memref_squeeze %dma_wait3A_131 : memref<1x64x128xf32, #tpu.memory_space<hbm>> -> memref<64x128xf32, #tpu.memory_space<hbm>>
      %dma_wait3A_133 = arith.constant 0 : i32
      %dma_wait3A_134 = tpu.memref_slice %arg6[%arg0, %add3A_61, %dma_wait3A_133] : memref<2x10240x128xf32, #tpu.memory_space<hbm>> -> memref<1x64x128xf32, #tpu.memory_space<hbm>>
      %dma_wait3A_135 = tpu.memref_squeeze %dma_wait3A_134 : memref<1x64x128xf32, #tpu.memory_space<hbm>> -> memref<64x128xf32, #tpu.memory_space<hbm>>
      tpu.wait_dma2 semaphore(%run_scoped3A : memref<!tpu.dma_semaphore, #tpu.memory_space<semaphore_mem>>) src(%arg9 : memref<64x128xf32, #tpu.memory_space<vmem>>) dst(%dma_wait3A_135 : memref<64x128xf32, #tpu.memory_space<hbm>>)
      tpu.yield
    }) : () -> ()
    %mul3A_62 = arith.constant 640 : i32
    %mul3A_63 = arith.muli %arg1, %mul3A_62 : i32
    %add3A_64 = arith.constant 128 : i32
    %add3A_65 = arith.addi %mul3A_63, %add3A_64 : i32
    "tpu.region"() ({
      %run_scoped3A = tpu.sem_alloc : memref<!tpu.dma_semaphore, #tpu.memory_space<semaphore_mem>>
      %dma_start3A = arith.constant 0 : i32
      %dma_start3A_126 = tpu.memref_slice %arg13[%add3A_65, %dma_start3A] : memref<10240x128xf32, #tpu.memory_space<vmem_shared>> -> memref<64x128xf32, #tpu.memory_space<vmem_shared>>
      %dma_start3A_127 = arith.constant 0 : i32
      %dma_start3A_128 = tpu.memref_slice %arg13[%add3A_65, %dma_start3A_127] : memref<10240x128xf32, #tpu.memory_space<vmem_shared>> -> memref<64x128xf32, #tpu.memory_space<vmem_shared>>
      tpu.enqueue_dma source(%dma_start3A_128 : memref<64x128xf32, #tpu.memory_space<vmem_shared>>) target(%arg9 : memref<64x128xf32, #tpu.memory_space<vmem>>) target_semaphore(%run_scoped3A : memref<!tpu.dma_semaphore, #tpu.memory_space<semaphore_mem>>)
      %dma_wait3A = arith.constant 0 : i32
      %dma_wait3A_129 = tpu.memref_slice %arg13[%add3A_65, %dma_wait3A] : memref<10240x128xf32, #tpu.memory_space<vmem_shared>> -> memref<64x128xf32, #tpu.memory_space<vmem_shared>>
      %dma_wait3A_130 = arith.constant 0 : i32
      %dma_wait3A_131 = tpu.memref_slice %arg13[%add3A_65, %dma_wait3A_130] : memref<10240x128xf32, #tpu.memory_space<vmem_shared>> -> memref<64x128xf32, #tpu.memory_space<vmem_shared>>
      tpu.wait_dma2 semaphore(%run_scoped3A : memref<!tpu.dma_semaphore, #tpu.memory_space<semaphore_mem>>) src(%dma_wait3A_131 : memref<64x128xf32, #tpu.memory_space<vmem_shared>>) dst(%arg9 : memref<64x128xf32, #tpu.memory_space<vmem>>)
      tpu.yield
    }) : () -> ()
    %mul3A_66 = arith.constant 640 : i32
    %mul3A_67 = arith.muli %arg1, %mul3A_66 : i32
    %add3A_68 = arith.constant 128 : i32
    %add3A_69 = arith.addi %mul3A_67, %add3A_68 : i32
    "tpu.region"() ({
      %run_scoped3A = tpu.sem_alloc : memref<!tpu.dma_semaphore, #tpu.memory_space<semaphore_mem>>
      %dma_start3A = arith.constant 0 : i32
      %dma_start3A_126 = tpu.memref_slice %arg6[%arg0, %add3A_69, %dma_start3A] : memref<2x10240x128xf32, #tpu.memory_space<hbm>> -> memref<1x64x128xf32, #tpu.memory_space<hbm>>
      %dma_start3A_127 = tpu.memref_squeeze %dma_start3A_126 : memref<1x64x128xf32, #tpu.memory_space<hbm>> -> memref<64x128xf32, #tpu.memory_space<hbm>>
      %dma_start3A_128 = arith.constant 0 : i32
      %dma_start3A_129 = tpu.memref_slice %arg6[%arg0, %add3A_69, %dma_start3A_128] : memref<2x10240x128xf32, #tpu.memory_space<hbm>> -> memref<1x64x128xf32, #tpu.memory_space<hbm>>
      %dma_start3A_130 = tpu.memref_squeeze %dma_start3A_129 : memref<1x64x128xf32, #tpu.memory_space<hbm>> -> memref<64x128xf32, #tpu.memory_space<hbm>>
      tpu.enqueue_dma source(%arg9 : memref<64x128xf32, #tpu.memory_space<vmem>>) target(%dma_start3A_130 : memref<64x128xf32, #tpu.memory_space<hbm>>) target_semaphore(%run_scoped3A : memref<!tpu.dma_semaphore, #tpu.memory_space<semaphore_mem>>)
      %dma_wait3A = arith.constant 0 : i32
      %dma_wait3A_131 = tpu.memref_slice %arg6[%arg0, %add3A_69, %dma_wait3A] : memref<2x10240x128xf32, #tpu.memory_space<hbm>> -> memref<1x64x128xf32, #tpu.memory_space<hbm>>
      %dma_wait3A_132 = tpu.memref_squeeze %dma_wait3A_131 : memref<1x64x128xf32, #tpu.memory_space<hbm>> -> memref<64x128xf32, #tpu.memory_space<hbm>>
      %dma_wait3A_133 = arith.constant 0 : i32
      %dma_wait3A_134 = tpu.memref_slice %arg6[%arg0, %add3A_69, %dma_wait3A_133] : memref<2x10240x128xf32, #tpu.memory_space<hbm>> -> memref<1x64x128xf32, #tpu.memory_space<hbm>>
      %dma_wait3A_135 = tpu.memref_squeeze %dma_wait3A_134 : memref<1x64x128xf32, #tpu.memory_space<hbm>> -> memref<64x128xf32, #tpu.memory_space<hbm>>
      tpu.wait_dma2 semaphore(%run_scoped3A : memref<!tpu.dma_semaphore, #tpu.memory_space<semaphore_mem>>) src(%arg9 : memref<64x128xf32, #tpu.memory_space<vmem>>) dst(%dma_wait3A_135 : memref<64x128xf32, #tpu.memory_space<hbm>>)
      tpu.yield
    }) : () -> ()
    %mul3A_70 = arith.constant 640 : i32
    %mul3A_71 = arith.muli %arg1, %mul3A_70 : i32
    %add3A_72 = arith.constant 192 : i32
    %add3A_73 = arith.addi %mul3A_71, %add3A_72 : i32
    "tpu.region"() ({
      %run_scoped3A = tpu.sem_alloc : memref<!tpu.dma_semaphore, #tpu.memory_space<semaphore_mem>>
      %dma_start3A = arith.constant 0 : i32
      %dma_start3A_126 = tpu.memref_slice %arg13[%add3A_73, %dma_start3A] : memref<10240x128xf32, #tpu.memory_space<vmem_shared>> -> memref<64x128xf32, #tpu.memory_space<vmem_shared>>
      %dma_start3A_127 = arith.constant 0 : i32
      %dma_start3A_128 = tpu.memref_slice %arg13[%add3A_73, %dma_start3A_127] : memref<10240x128xf32, #tpu.memory_space<vmem_shared>> -> memref<64x128xf32, #tpu.memory_space<vmem_shared>>
      tpu.enqueue_dma source(%dma_start3A_128 : memref<64x128xf32, #tpu.memory_space<vmem_shared>>) target(%arg9 : memref<64x128xf32, #tpu.memory_space<vmem>>) target_semaphore(%run_scoped3A : memref<!tpu.dma_semaphore, #tpu.memory_space<semaphore_mem>>)
      %dma_wait3A = arith.constant 0 : i32
      %dma_wait3A_129 = tpu.memref_slice %arg13[%add3A_73, %dma_wait3A] : memref<10240x128xf32, #tpu.memory_space<vmem_shared>> -> memref<64x128xf32, #tpu.memory_space<vmem_shared>>
      %dma_wait3A_130 = arith.constant 0 : i32
      %dma_wait3A_131 = tpu.memref_slice %arg13[%add3A_73, %dma_wait3A_130] : memref<10240x128xf32, #tpu.memory_space<vmem_shared>> -> memref<64x128xf32, #tpu.memory_space<vmem_shared>>
      tpu.wait_dma2 semaphore(%run_scoped3A : memref<!tpu.dma_semaphore, #tpu.memory_space<semaphore_mem>>) src(%dma_wait3A_131 : memref<64x128xf32, #tpu.memory_space<vmem_shared>>) dst(%arg9 : memref<64x128xf32, #tpu.memory_space<vmem>>)
      tpu.yield
    }) : () -> ()
    %mul3A_74 = arith.constant 640 : i32
    %mul3A_75 = arith.muli %arg1, %mul3A_74 : i32
    %add3A_76 = arith.constant 192 : i32
    %add3A_77 = arith.addi %mul3A_75, %add3A_76 : i32
    "tpu.region"() ({
      %run_scoped3A = tpu.sem_alloc : memref<!tpu.dma_semaphore, #tpu.memory_space<semaphore_mem>>
      %dma_start3A = arith.constant 0 : i32
      %dma_start3A_126 = tpu.memref_slice %arg6[%arg0, %add3A_77, %dma_start3A] : memref<2x10240x128xf32, #tpu.memory_space<hbm>> -> memref<1x64x128xf32, #tpu.memory_space<hbm>>
      %dma_start3A_127 = tpu.memref_squeeze %dma_start3A_126 : memref<1x64x128xf32, #tpu.memory_space<hbm>> -> memref<64x128xf32, #tpu.memory_space<hbm>>
      %dma_start3A_128 = arith.constant 0 : i32
      %dma_start3A_129 = tpu.memref_slice %arg6[%arg0, %add3A_77, %dma_start3A_128] : memref<2x10240x128xf32, #tpu.memory_space<hbm>> -> memref<1x64x128xf32, #tpu.memory_space<hbm>>
      %dma_start3A_130 = tpu.memref_squeeze %dma_start3A_129 : memref<1x64x128xf32, #tpu.memory_space<hbm>> -> memref<64x128xf32, #tpu.memory_space<hbm>>
      tpu.enqueue_dma source(%arg9 : memref<64x128xf32, #tpu.memory_space<vmem>>) target(%dma_start3A_130 : memref<64x128xf32, #tpu.memory_space<hbm>>) target_semaphore(%run_scoped3A : memref<!tpu.dma_semaphore, #tpu.memory_space<semaphore_mem>>)
      %dma_wait3A = arith.constant 0 : i32
      %dma_wait3A_131 = tpu.memref_slice %arg6[%arg0, %add3A_77, %dma_wait3A] : memref<2x10240x128xf32, #tpu.memory_space<hbm>> -> memref<1x64x128xf32, #tpu.memory_space<hbm>>
      %dma_wait3A_132 = tpu.memref_squeeze %dma_wait3A_131 : memref<1x64x128xf32, #tpu.memory_space<hbm>> -> memref<64x128xf32, #tpu.memory_space<hbm>>
      %dma_wait3A_133 = arith.constant 0 : i32
      %dma_wait3A_134 = tpu.memref_slice %arg6[%arg0, %add3A_77, %dma_wait3A_133] : memref<2x10240x128xf32, #tpu.memory_space<hbm>> -> memref<1x64x128xf32, #tpu.memory_space<hbm>>
      %dma_wait3A_135 = tpu.memref_squeeze %dma_wait3A_134 : memref<1x64x128xf32, #tpu.memory_space<hbm>> -> memref<64x128xf32, #tpu.memory_space<hbm>>
      tpu.wait_dma2 semaphore(%run_scoped3A : memref<!tpu.dma_semaphore, #tpu.memory_space<semaphore_mem>>) src(%arg9 : memref<64x128xf32, #tpu.memory_space<vmem>>) dst(%dma_wait3A_135 : memref<64x128xf32, #tpu.memory_space<hbm>>)
      tpu.yield
    }) : () -> ()
    %mul3A_78 = arith.constant 640 : i32
    %mul3A_79 = arith.muli %arg1, %mul3A_78 : i32
    %add3A_80 = arith.constant 256 : i32
    %add3A_81 = arith.addi %mul3A_79, %add3A_80 : i32
    "tpu.region"() ({
      %run_scoped3A = tpu.sem_alloc : memref<!tpu.dma_semaphore, #tpu.memory_space<semaphore_mem>>
      %dma_start3A = arith.constant 0 : i32
      %dma_start3A_126 = tpu.memref_slice %arg13[%add3A_81, %dma_start3A] : memref<10240x128xf32, #tpu.memory_space<vmem_shared>> -> memref<64x128xf32, #tpu.memory_space<vmem_shared>>
      %dma_start3A_127 = arith.constant 0 : i32
      %dma_start3A_128 = tpu.memref_slice %arg13[%add3A_81, %dma_start3A_127] : memref<10240x128xf32, #tpu.memory_space<vmem_shared>> -> memref<64x128xf32, #tpu.memory_space<vmem_shared>>
      tpu.enqueue_dma source(%dma_start3A_128 : memref<64x128xf32, #tpu.memory_space<vmem_shared>>) target(%arg9 : memref<64x128xf32, #tpu.memory_space<vmem>>) target_semaphore(%run_scoped3A : memref<!tpu.dma_semaphore, #tpu.memory_space<semaphore_mem>>)
      %dma_wait3A = arith.constant 0 : i32
      %dma_wait3A_129 = tpu.memref_slice %arg13[%add3A_81, %dma_wait3A] : memref<10240x128xf32, #tpu.memory_space<vmem_shared>> -> memref<64x128xf32, #tpu.memory_space<vmem_shared>>
      %dma_wait3A_130 = arith.constant 0 : i32
      %dma_wait3A_131 = tpu.memref_slice %arg13[%add3A_81, %dma_wait3A_130] : memref<10240x128xf32, #tpu.memory_space<vmem_shared>> -> memref<64x128xf32, #tpu.memory_space<vmem_shared>>
      tpu.wait_dma2 semaphore(%run_scoped3A : memref<!tpu.dma_semaphore, #tpu.memory_space<semaphore_mem>>) src(%dma_wait3A_131 : memref<64x128xf32, #tpu.memory_space<vmem_shared>>) dst(%arg9 : memref<64x128xf32, #tpu.memory_space<vmem>>)
      tpu.yield
    }) : () -> ()
    %mul3A_82 = arith.constant 640 : i32
    %mul3A_83 = arith.muli %arg1, %mul3A_82 : i32
    %add3A_84 = arith.constant 256 : i32
    %add3A_85 = arith.addi %mul3A_83, %add3A_84 : i32
    "tpu.region"() ({
      %run_scoped3A = tpu.sem_alloc : memref<!tpu.dma_semaphore, #tpu.memory_space<semaphore_mem>>
      %dma_start3A = arith.constant 0 : i32
      %dma_start3A_126 = tpu.memref_slice %arg6[%arg0, %add3A_85, %dma_start3A] : memref<2x10240x128xf32, #tpu.memory_space<hbm>> -> memref<1x64x128xf32, #tpu.memory_space<hbm>>
      %dma_start3A_127 = tpu.memref_squeeze %dma_start3A_126 : memref<1x64x128xf32, #tpu.memory_space<hbm>> -> memref<64x128xf32, #tpu.memory_space<hbm>>
      %dma_start3A_128 = arith.constant 0 : i32
      %dma_start3A_129 = tpu.memref_slice %arg6[%arg0, %add3A_85, %dma_start3A_128] : memref<2x10240x128xf32, #tpu.memory_space<hbm>> -> memref<1x64x128xf32, #tpu.memory_space<hbm>>
      %dma_start3A_130 = tpu.memref_squeeze %dma_start3A_129 : memref<1x64x128xf32, #tpu.memory_space<hbm>> -> memref<64x128xf32, #tpu.memory_space<hbm>>
      tpu.enqueue_dma source(%arg9 : memref<64x128xf32, #tpu.memory_space<vmem>>) target(%dma_start3A_130 : memref<64x128xf32, #tpu.memory_space<hbm>>) target_semaphore(%run_scoped3A : memref<!tpu.dma_semaphore, #tpu.memory_space<semaphore_mem>>)
      %dma_wait3A = arith.constant 0 : i32
      %dma_wait3A_131 = tpu.memref_slice %arg6[%arg0, %add3A_85, %dma_wait3A] : memref<2x10240x128xf32, #tpu.memory_space<hbm>> -> memref<1x64x128xf32, #tpu.memory_space<hbm>>
      %dma_wait3A_132 = tpu.memref_squeeze %dma_wait3A_131 : memref<1x64x128xf32, #tpu.memory_space<hbm>> -> memref<64x128xf32, #tpu.memory_space<hbm>>
      %dma_wait3A_133 = arith.constant 0 : i32
      %dma_wait3A_134 = tpu.memref_slice %arg6[%arg0, %add3A_85, %dma_wait3A_133] : memref<2x10240x128xf32, #tpu.memory_space<hbm>> -> memref<1x64x128xf32, #tpu.memory_space<hbm>>
      %dma_wait3A_135 = tpu.memref_squeeze %dma_wait3A_134 : memref<1x64x128xf32, #tpu.memory_space<hbm>> -> memref<64x128xf32, #tpu.memory_space<hbm>>
      tpu.wait_dma2 semaphore(%run_scoped3A : memref<!tpu.dma_semaphore, #tpu.memory_space<semaphore_mem>>) src(%arg9 : memref<64x128xf32, #tpu.memory_space<vmem>>) dst(%dma_wait3A_135 : memref<64x128xf32, #tpu.memory_space<hbm>>)
      tpu.yield
    }) : () -> ()
    %mul3A_86 = arith.constant 640 : i32
    %mul3A_87 = arith.muli %arg1, %mul3A_86 : i32
    %add3A_88 = arith.constant 320 : i32
    %add3A_89 = arith.addi %mul3A_87, %add3A_88 : i32
    "tpu.region"() ({
      %run_scoped3A = tpu.sem_alloc : memref<!tpu.dma_semaphore, #tpu.memory_space<semaphore_mem>>
      %dma_start3A = arith.constant 0 : i32
      %dma_start3A_126 = tpu.memref_slice %arg13[%add3A_89, %dma_start3A] : memref<10240x128xf32, #tpu.memory_space<vmem_shared>> -> memref<64x128xf32, #tpu.memory_space<vmem_shared>>
      %dma_start3A_127 = arith.constant 0 : i32
      %dma_start3A_128 = tpu.memref_slice %arg13[%add3A_89, %dma_start3A_127] : memref<10240x128xf32, #tpu.memory_space<vmem_shared>> -> memref<64x128xf32, #tpu.memory_space<vmem_shared>>
      tpu.enqueue_dma source(%dma_start3A_128 : memref<64x128xf32, #tpu.memory_space<vmem_shared>>) target(%arg9 : memref<64x128xf32, #tpu.memory_space<vmem>>) target_semaphore(%run_scoped3A : memref<!tpu.dma_semaphore, #tpu.memory_space<semaphore_mem>>)
      %dma_wait3A = arith.constant 0 : i32
      %dma_wait3A_129 = tpu.memref_slice %arg13[%add3A_89, %dma_wait3A] : memref<10240x128xf32, #tpu.memory_space<vmem_shared>> -> memref<64x128xf32, #tpu.memory_space<vmem_shared>>
      %dma_wait3A_130 = arith.constant 0 : i32
      %dma_wait3A_131 = tpu.memref_slice %arg13[%add3A_89, %dma_wait3A_130] : memref<10240x128xf32, #tpu.memory_space<vmem_shared>> -> memref<64x128xf32, #tpu.memory_space<vmem_shared>>
      tpu.wait_dma2 semaphore(%run_scoped3A : memref<!tpu.dma_semaphore, #tpu.memory_space<semaphore_mem>>) src(%dma_wait3A_131 : memref<64x128xf32, #tpu.memory_space<vmem_shared>>) dst(%arg9 : memref<64x128xf32, #tpu.memory_space<vmem>>)
      tpu.yield
    }) : () -> ()
    %mul3A_90 = arith.constant 640 : i32
    %mul3A_91 = arith.muli %arg1, %mul3A_90 : i32
    %add3A_92 = arith.constant 320 : i32
    %add3A_93 = arith.addi %mul3A_91, %add3A_92 : i32
    "tpu.region"() ({
      %run_scoped3A = tpu.sem_alloc : memref<!tpu.dma_semaphore, #tpu.memory_space<semaphore_mem>>
      %dma_start3A = arith.constant 0 : i32
      %dma_start3A_126 = tpu.memref_slice %arg6[%arg0, %add3A_93, %dma_start3A] : memref<2x10240x128xf32, #tpu.memory_space<hbm>> -> memref<1x64x128xf32, #tpu.memory_space<hbm>>
      %dma_start3A_127 = tpu.memref_squeeze %dma_start3A_126 : memref<1x64x128xf32, #tpu.memory_space<hbm>> -> memref<64x128xf32, #tpu.memory_space<hbm>>
      %dma_start3A_128 = arith.constant 0 : i32
      %dma_start3A_129 = tpu.memref_slice %arg6[%arg0, %add3A_93, %dma_start3A_128] : memref<2x10240x128xf32, #tpu.memory_space<hbm>> -> memref<1x64x128xf32, #tpu.memory_space<hbm>>
      %dma_start3A_130 = tpu.memref_squeeze %dma_start3A_129 : memref<1x64x128xf32, #tpu.memory_space<hbm>> -> memref<64x128xf32, #tpu.memory_space<hbm>>
      tpu.enqueue_dma source(%arg9 : memref<64x128xf32, #tpu.memory_space<vmem>>) target(%dma_start3A_130 : memref<64x128xf32, #tpu.memory_space<hbm>>) target_semaphore(%run_scoped3A : memref<!tpu.dma_semaphore, #tpu.memory_space<semaphore_mem>>)
      %dma_wait3A = arith.constant 0 : i32
      %dma_wait3A_131 = tpu.memref_slice %arg6[%arg0, %add3A_93, %dma_wait3A] : memref<2x10240x128xf32, #tpu.memory_space<hbm>> -> memref<1x64x128xf32, #tpu.memory_space<hbm>>
      %dma_wait3A_132 = tpu.memref_squeeze %dma_wait3A_131 : memref<1x64x128xf32, #tpu.memory_space<hbm>> -> memref<64x128xf32, #tpu.memory_space<hbm>>
      %dma_wait3A_133 = arith.constant 0 : i32
      %dma_wait3A_134 = tpu.memref_slice %arg6[%arg0, %add3A_93, %dma_wait3A_133] : memref<2x10240x128xf32, #tpu.memory_space<hbm>> -> memref<1x64x128xf32, #tpu.memory_space<hbm>>
      %dma_wait3A_135 = tpu.memref_squeeze %dma_wait3A_134 : memref<1x64x128xf32, #tpu.memory_space<hbm>> -> memref<64x128xf32, #tpu.memory_space<hbm>>
      tpu.wait_dma2 semaphore(%run_scoped3A : memref<!tpu.dma_semaphore, #tpu.memory_space<semaphore_mem>>) src(%arg9 : memref<64x128xf32, #tpu.memory_space<vmem>>) dst(%dma_wait3A_135 : memref<64x128xf32, #tpu.memory_space<hbm>>)
      tpu.yield
    }) : () -> ()
    %mul3A_94 = arith.constant 640 : i32
    %mul3A_95 = arith.muli %arg1, %mul3A_94 : i32
    %add3A_96 = arith.constant 384 : i32
    %add3A_97 = arith.addi %mul3A_95, %add3A_96 : i32
    "tpu.region"() ({
      %run_scoped3A = tpu.sem_alloc : memref<!tpu.dma_semaphore, #tpu.memory_space<semaphore_mem>>
      %dma_start3A = arith.constant 0 : i32
      %dma_start3A_126 = tpu.memref_slice %arg13[%add3A_97, %dma_start3A] : memref<10240x128xf32, #tpu.memory_space<vmem_shared>> -> memref<64x128xf32, #tpu.memory_space<vmem_shared>>
      %dma_start3A_127 = arith.constant 0 : i32
      %dma_start3A_128 = tpu.memref_slice %arg13[%add3A_97, %dma_start3A_127] : memref<10240x128xf32, #tpu.memory_space<vmem_shared>> -> memref<64x128xf32, #tpu.memory_space<vmem_shared>>
      tpu.enqueue_dma source(%dma_start3A_128 : memref<64x128xf32, #tpu.memory_space<vmem_shared>>) target(%arg9 : memref<64x128xf32, #tpu.memory_space<vmem>>) target_semaphore(%run_scoped3A : memref<!tpu.dma_semaphore, #tpu.memory_space<semaphore_mem>>)
      %dma_wait3A = arith.constant 0 : i32
      %dma_wait3A_129 = tpu.memref_slice %arg13[%add3A_97, %dma_wait3A] : memref<10240x128xf32, #tpu.memory_space<vmem_shared>> -> memref<64x128xf32, #tpu.memory_space<vmem_shared>>
      %dma_wait3A_130 = arith.constant 0 : i32
      %dma_wait3A_131 = tpu.memref_slice %arg13[%add3A_97, %dma_wait3A_130] : memref<10240x128xf32, #tpu.memory_space<vmem_shared>> -> memref<64x128xf32, #tpu.memory_space<vmem_shared>>
      tpu.wait_dma2 semaphore(%run_scoped3A : memref<!tpu.dma_semaphore, #tpu.memory_space<semaphore_mem>>) src(%dma_wait3A_131 : memref<64x128xf32, #tpu.memory_space<vmem_shared>>) dst(%arg9 : memref<64x128xf32, #tpu.memory_space<vmem>>)
      tpu.yield
    }) : () -> ()
    %mul3A_98 = arith.constant 640 : i32
    %mul3A_99 = arith.muli %arg1, %mul3A_98 : i32
    %add3A_100 = arith.constant 384 : i32
    %add3A_101 = arith.addi %mul3A_99, %add3A_100 : i32
    "tpu.region"() ({
      %run_scoped3A = tpu.sem_alloc : memref<!tpu.dma_semaphore, #tpu.memory_space<semaphore_mem>>
      %dma_start3A = arith.constant 0 : i32
      %dma_start3A_126 = tpu.memref_slice %arg6[%arg0, %add3A_101, %dma_start3A] : memref<2x10240x128xf32, #tpu.memory_space<hbm>> -> memref<1x64x128xf32, #tpu.memory_space<hbm>>
      %dma_start3A_127 = tpu.memref_squeeze %dma_start3A_126 : memref<1x64x128xf32, #tpu.memory_space<hbm>> -> memref<64x128xf32, #tpu.memory_space<hbm>>
      %dma_start3A_128 = arith.constant 0 : i32
      %dma_start3A_129 = tpu.memref_slice %arg6[%arg0, %add3A_101, %dma_start3A_128] : memref<2x10240x128xf32, #tpu.memory_space<hbm>> -> memref<1x64x128xf32, #tpu.memory_space<hbm>>
      %dma_start3A_130 = tpu.memref_squeeze %dma_start3A_129 : memref<1x64x128xf32, #tpu.memory_space<hbm>> -> memref<64x128xf32, #tpu.memory_space<hbm>>
      tpu.enqueue_dma source(%arg9 : memref<64x128xf32, #tpu.memory_space<vmem>>) target(%dma_start3A_130 : memref<64x128xf32, #tpu.memory_space<hbm>>) target_semaphore(%run_scoped3A : memref<!tpu.dma_semaphore, #tpu.memory_space<semaphore_mem>>)
      %dma_wait3A = arith.constant 0 : i32
      %dma_wait3A_131 = tpu.memref_slice %arg6[%arg0, %add3A_101, %dma_wait3A] : memref<2x10240x128xf32, #tpu.memory_space<hbm>> -> memref<1x64x128xf32, #tpu.memory_space<hbm>>
      %dma_wait3A_132 = tpu.memref_squeeze %dma_wait3A_131 : memref<1x64x128xf32, #tpu.memory_space<hbm>> -> memref<64x128xf32, #tpu.memory_space<hbm>>
      %dma_wait3A_133 = arith.constant 0 : i32
      %dma_wait3A_134 = tpu.memref_slice %arg6[%arg0, %add3A_101, %dma_wait3A_133] : memref<2x10240x128xf32, #tpu.memory_space<hbm>> -> memref<1x64x128xf32, #tpu.memory_space<hbm>>
      %dma_wait3A_135 = tpu.memref_squeeze %dma_wait3A_134 : memref<1x64x128xf32, #tpu.memory_space<hbm>> -> memref<64x128xf32, #tpu.memory_space<hbm>>
      tpu.wait_dma2 semaphore(%run_scoped3A : memref<!tpu.dma_semaphore, #tpu.memory_space<semaphore_mem>>) src(%arg9 : memref<64x128xf32, #tpu.memory_space<vmem>>) dst(%dma_wait3A_135 : memref<64x128xf32, #tpu.memory_space<hbm>>)
      tpu.yield
    }) : () -> ()
    %mul3A_102 = arith.constant 640 : i32
    %mul3A_103 = arith.muli %arg1, %mul3A_102 : i32
    %add3A_104 = arith.constant 448 : i32
    %add3A_105 = arith.addi %mul3A_103, %add3A_104 : i32
    "tpu.region"() ({
      %run_scoped3A = tpu.sem_alloc : memref<!tpu.dma_semaphore, #tpu.memory_space<semaphore_mem>>
      %dma_start3A = arith.constant 0 : i32
      %dma_start3A_126 = tpu.memref_slice %arg13[%add3A_105, %dma_start3A] : memref<10240x128xf32, #tpu.memory_space<vmem_shared>> -> memref<64x128xf32, #tpu.memory_space<vmem_shared>>
      %dma_start3A_127 = arith.constant 0 : i32
      %dma_start3A_128 = tpu.memref_slice %arg13[%add3A_105, %dma_start3A_127] : memref<10240x128xf32, #tpu.memory_space<vmem_shared>> -> memref<64x128xf32, #tpu.memory_space<vmem_shared>>
      tpu.enqueue_dma source(%dma_start3A_128 : memref<64x128xf32, #tpu.memory_space<vmem_shared>>) target(%arg9 : memref<64x128xf32, #tpu.memory_space<vmem>>) target_semaphore(%run_scoped3A : memref<!tpu.dma_semaphore, #tpu.memory_space<semaphore_mem>>)
      %dma_wait3A = arith.constant 0 : i32
      %dma_wait3A_129 = tpu.memref_slice %arg13[%add3A_105, %dma_wait3A] : memref<10240x128xf32, #tpu.memory_space<vmem_shared>> -> memref<64x128xf32, #tpu.memory_space<vmem_shared>>
      %dma_wait3A_130 = arith.constant 0 : i32
      %dma_wait3A_131 = tpu.memref_slice %arg13[%add3A_105, %dma_wait3A_130] : memref<10240x128xf32, #tpu.memory_space<vmem_shared>> -> memref<64x128xf32, #tpu.memory_space<vmem_shared>>
      tpu.wait_dma2 semaphore(%run_scoped3A : memref<!tpu.dma_semaphore, #tpu.memory_space<semaphore_mem>>) src(%dma_wait3A_131 : memref<64x128xf32, #tpu.memory_space<vmem_shared>>) dst(%arg9 : memref<64x128xf32, #tpu.memory_space<vmem>>)
      tpu.yield
    }) : () -> ()
    %mul3A_106 = arith.constant 640 : i32
    %mul3A_107 = arith.muli %arg1, %mul3A_106 : i32
    %add3A_108 = arith.constant 448 : i32
    %add3A_109 = arith.addi %mul3A_107, %add3A_108 : i32
    "tpu.region"() ({
      %run_scoped3A = tpu.sem_alloc : memref<!tpu.dma_semaphore, #tpu.memory_space<semaphore_mem>>
      %dma_start3A = arith.constant 0 : i32
      %dma_start3A_126 = tpu.memref_slice %arg6[%arg0, %add3A_109, %dma_start3A] : memref<2x10240x128xf32, #tpu.memory_space<hbm>> -> memref<1x64x128xf32, #tpu.memory_space<hbm>>
      %dma_start3A_127 = tpu.memref_squeeze %dma_start3A_126 : memref<1x64x128xf32, #tpu.memory_space<hbm>> -> memref<64x128xf32, #tpu.memory_space<hbm>>
      %dma_start3A_128 = arith.constant 0 : i32
      %dma_start3A_129 = tpu.memref_slice %arg6[%arg0, %add3A_109, %dma_start3A_128] : memref<2x10240x128xf32, #tpu.memory_space<hbm>> -> memref<1x64x128xf32, #tpu.memory_space<hbm>>
      %dma_start3A_130 = tpu.memref_squeeze %dma_start3A_129 : memref<1x64x128xf32, #tpu.memory_space<hbm>> -> memref<64x128xf32, #tpu.memory_space<hbm>>
      tpu.enqueue_dma source(%arg9 : memref<64x128xf32, #tpu.memory_space<vmem>>) target(%dma_start3A_130 : memref<64x128xf32, #tpu.memory_space<hbm>>) target_semaphore(%run_scoped3A : memref<!tpu.dma_semaphore, #tpu.memory_space<semaphore_mem>>)
      %dma_wait3A = arith.constant 0 : i32
      %dma_wait3A_131 = tpu.memref_slice %arg6[%arg0, %add3A_109, %dma_wait3A] : memref<2x10240x128xf32, #tpu.memory_space<hbm>> -> memref<1x64x128xf32, #tpu.memory_space<hbm>>
      %dma_wait3A_132 = tpu.memref_squeeze %dma_wait3A_131 : memref<1x64x128xf32, #tpu.memory_space<hbm>> -> memref<64x128xf32, #tpu.memory_space<hbm>>
      %dma_wait3A_133 = arith.constant 0 : i32
      %dma_wait3A_134 = tpu.memref_slice %arg6[%arg0, %add3A_109, %dma_wait3A_133] : memref<2x10240x128xf32, #tpu.memory_space<hbm>> -> memref<1x64x128xf32, #tpu.memory_space<hbm>>
      %dma_wait3A_135 = tpu.memref_squeeze %dma_wait3A_134 : memref<1x64x128xf32, #tpu.memory_space<hbm>> -> memref<64x128xf32, #tpu.memory_space<hbm>>
      tpu.wait_dma2 semaphore(%run_scoped3A : memref<!tpu.dma_semaphore, #tpu.memory_space<semaphore_mem>>) src(%arg9 : memref<64x128xf32, #tpu.memory_space<vmem>>) dst(%dma_wait3A_135 : memref<64x128xf32, #tpu.memory_space<hbm>>)
      tpu.yield
    }) : () -> ()
    %mul3A_110 = arith.constant 640 : i32
    %mul3A_111 = arith.muli %arg1, %mul3A_110 : i32
    %add3A_112 = arith.constant 512 : i32
    %add3A_113 = arith.addi %mul3A_111, %add3A_112 : i32
    "tpu.region"() ({
      %run_scoped3A = tpu.sem_alloc : memref<!tpu.dma_semaphore, #tpu.memory_space<semaphore_mem>>
      %dma_start3A = arith.constant 0 : i32
      %dma_start3A_126 = tpu.memref_slice %arg13[%add3A_113, %dma_start3A] : memref<10240x128xf32, #tpu.memory_space<vmem_shared>> -> memref<64x128xf32, #tpu.memory_space<vmem_shared>>
      %dma_start3A_127 = arith.constant 0 : i32
      %dma_start3A_128 = tpu.memref_slice %arg13[%add3A_113, %dma_start3A_127] : memref<10240x128xf32, #tpu.memory_space<vmem_shared>> -> memref<64x128xf32, #tpu.memory_space<vmem_shared>>
      tpu.enqueue_dma source(%dma_start3A_128 : memref<64x128xf32, #tpu.memory_space<vmem_shared>>) target(%arg9 : memref<64x128xf32, #tpu.memory_space<vmem>>) target_semaphore(%run_scoped3A : memref<!tpu.dma_semaphore, #tpu.memory_space<semaphore_mem>>)
      %dma_wait3A = arith.constant 0 : i32
      %dma_wait3A_129 = tpu.memref_slice %arg13[%add3A_113, %dma_wait3A] : memref<10240x128xf32, #tpu.memory_space<vmem_shared>> -> memref<64x128xf32, #tpu.memory_space<vmem_shared>>
      %dma_wait3A_130 = arith.constant 0 : i32
      %dma_wait3A_131 = tpu.memref_slice %arg13[%add3A_113, %dma_wait3A_130] : memref<10240x128xf32, #tpu.memory_space<vmem_shared>> -> memref<64x128xf32, #tpu.memory_space<vmem_shared>>
      tpu.wait_dma2 semaphore(%run_scoped3A : memref<!tpu.dma_semaphore, #tpu.memory_space<semaphore_mem>>) src(%dma_wait3A_131 : memref<64x128xf32, #tpu.memory_space<vmem_shared>>) dst(%arg9 : memref<64x128xf32, #tpu.memory_space<vmem>>)
      tpu.yield
    }) : () -> ()
    %mul3A_114 = arith.constant 640 : i32
    %mul3A_115 = arith.muli %arg1, %mul3A_114 : i32
    %add3A_116 = arith.constant 512 : i32
    %add3A_117 = arith.addi %mul3A_115, %add3A_116 : i32
    "tpu.region"() ({
      %run_scoped3A = tpu.sem_alloc : memref<!tpu.dma_semaphore, #tpu.memory_space<semaphore_mem>>
      %dma_start3A = arith.constant 0 : i32
      %dma_start3A_126 = tpu.memref_slice %arg6[%arg0, %add3A_117, %dma_start3A] : memref<2x10240x128xf32, #tpu.memory_space<hbm>> -> memref<1x64x128xf32, #tpu.memory_space<hbm>>
      %dma_start3A_127 = tpu.memref_squeeze %dma_start3A_126 : memref<1x64x128xf32, #tpu.memory_space<hbm>> -> memref<64x128xf32, #tpu.memory_space<hbm>>
      %dma_start3A_128 = arith.constant 0 : i32
      %dma_start3A_129 = tpu.memref_slice %arg6[%arg0, %add3A_117, %dma_start3A_128] : memref<2x10240x128xf32, #tpu.memory_space<hbm>> -> memref<1x64x128xf32, #tpu.memory_space<hbm>>
      %dma_start3A_130 = tpu.memref_squeeze %dma_start3A_129 : memref<1x64x128xf32, #tpu.memory_space<hbm>> -> memref<64x128xf32, #tpu.memory_space<hbm>>
      tpu.enqueue_dma source(%arg9 : memref<64x128xf32, #tpu.memory_space<vmem>>) target(%dma_start3A_130 : memref<64x128xf32, #tpu.memory_space<hbm>>) target_semaphore(%run_scoped3A : memref<!tpu.dma_semaphore, #tpu.memory_space<semaphore_mem>>)
      %dma_wait3A = arith.constant 0 : i32
      %dma_wait3A_131 = tpu.memref_slice %arg6[%arg0, %add3A_117, %dma_wait3A] : memref<2x10240x128xf32, #tpu.memory_space<hbm>> -> memref<1x64x128xf32, #tpu.memory_space<hbm>>
      %dma_wait3A_132 = tpu.memref_squeeze %dma_wait3A_131 : memref<1x64x128xf32, #tpu.memory_space<hbm>> -> memref<64x128xf32, #tpu.memory_space<hbm>>
      %dma_wait3A_133 = arith.constant 0 : i32
      %dma_wait3A_134 = tpu.memref_slice %arg6[%arg0, %add3A_117, %dma_wait3A_133] : memref<2x10240x128xf32, #tpu.memory_space<hbm>> -> memref<1x64x128xf32, #tpu.memory_space<hbm>>
      %dma_wait3A_135 = tpu.memref_squeeze %dma_wait3A_134 : memref<1x64x128xf32, #tpu.memory_space<hbm>> -> memref<64x128xf32, #tpu.memory_space<hbm>>
      tpu.wait_dma2 semaphore(%run_scoped3A : memref<!tpu.dma_semaphore, #tpu.memory_space<semaphore_mem>>) src(%arg9 : memref<64x128xf32, #tpu.memory_space<vmem>>) dst(%dma_wait3A_135 : memref<64x128xf32, #tpu.memory_space<hbm>>)
      tpu.yield
    }) : () -> ()
    %mul3A_118 = arith.constant 640 : i32
    %mul3A_119 = arith.muli %arg1, %mul3A_118 : i32
    %add3A_120 = arith.constant 576 : i32
    %add3A_121 = arith.addi %mul3A_119, %add3A_120 : i32
    "tpu.region"() ({
      %run_scoped3A = tpu.sem_alloc : memref<!tpu.dma_semaphore, #tpu.memory_space<semaphore_mem>>
      %dma_start3A = arith.constant 0 : i32
      %dma_start3A_126 = tpu.memref_slice %arg13[%add3A_121, %dma_start3A] : memref<10240x128xf32, #tpu.memory_space<vmem_shared>> -> memref<64x128xf32, #tpu.memory_space<vmem_shared>>
      %dma_start3A_127 = arith.constant 0 : i32
      %dma_start3A_128 = tpu.memref_slice %arg13[%add3A_121, %dma_start3A_127] : memref<10240x128xf32, #tpu.memory_space<vmem_shared>> -> memref<64x128xf32, #tpu.memory_space<vmem_shared>>
      tpu.enqueue_dma source(%dma_start3A_128 : memref<64x128xf32, #tpu.memory_space<vmem_shared>>) target(%arg9 : memref<64x128xf32, #tpu.memory_space<vmem>>) target_semaphore(%run_scoped3A : memref<!tpu.dma_semaphore, #tpu.memory_space<semaphore_mem>>)
      %dma_wait3A = arith.constant 0 : i32
      %dma_wait3A_129 = tpu.memref_slice %arg13[%add3A_121, %dma_wait3A] : memref<10240x128xf32, #tpu.memory_space<vmem_shared>> -> memref<64x128xf32, #tpu.memory_space<vmem_shared>>
      %dma_wait3A_130 = arith.constant 0 : i32
      %dma_wait3A_131 = tpu.memref_slice %arg13[%add3A_121, %dma_wait3A_130] : memref<10240x128xf32, #tpu.memory_space<vmem_shared>> -> memref<64x128xf32, #tpu.memory_space<vmem_shared>>
      tpu.wait_dma2 semaphore(%run_scoped3A : memref<!tpu.dma_semaphore, #tpu.memory_space<semaphore_mem>>) src(%dma_wait3A_131 : memref<64x128xf32, #tpu.memory_space<vmem_shared>>) dst(%arg9 : memref<64x128xf32, #tpu.memory_space<vmem>>)
      tpu.yield
    }) : () -> ()
    %mul3A_122 = arith.constant 640 : i32
    %mul3A_123 = arith.muli %arg1, %mul3A_122 : i32
    %add3A_124 = arith.constant 576 : i32
    %add3A_125 = arith.addi %mul3A_123, %add3A_124 : i32
    "tpu.region"() ({
      %run_scoped3A = tpu.sem_alloc : memref<!tpu.dma_semaphore, #tpu.memory_space<semaphore_mem>>
      %dma_start3A = arith.constant 0 : i32
      %dma_start3A_126 = tpu.memref_slice %arg6[%arg0, %add3A_125, %dma_start3A] : memref<2x10240x128xf32, #tpu.memory_space<hbm>> -> memref<1x64x128xf32, #tpu.memory_space<hbm>>
      %dma_start3A_127 = tpu.memref_squeeze %dma_start3A_126 : memref<1x64x128xf32, #tpu.memory_space<hbm>> -> memref<64x128xf32, #tpu.memory_space<hbm>>
      %dma_start3A_128 = arith.constant 0 : i32
      %dma_start3A_129 = tpu.memref_slice %arg6[%arg0, %add3A_125, %dma_start3A_128] : memref<2x10240x128xf32, #tpu.memory_space<hbm>> -> memref<1x64x128xf32, #tpu.memory_space<hbm>>
      %dma_start3A_130 = tpu.memref_squeeze %dma_start3A_129 : memref<1x64x128xf32, #tpu.memory_space<hbm>> -> memref<64x128xf32, #tpu.memory_space<hbm>>
      tpu.enqueue_dma source(%arg9 : memref<64x128xf32, #tpu.memory_space<vmem>>) target(%dma_start3A_130 : memref<64x128xf32, #tpu.memory_space<hbm>>) target_semaphore(%run_scoped3A : memref<!tpu.dma_semaphore, #tpu.memory_space<semaphore_mem>>)
      %dma_wait3A = arith.constant 0 : i32
      %dma_wait3A_131 = tpu.memref_slice %arg6[%arg0, %add3A_125, %dma_wait3A] : memref<2x10240x128xf32, #tpu.memory_space<hbm>> -> memref<1x64x128xf32, #tpu.memory_space<hbm>>
      %dma_wait3A_132 = tpu.memref_squeeze %dma_wait3A_131 : memref<1x64x128xf32, #tpu.memory_space<hbm>> -> memref<64x128xf32, #tpu.memory_space<hbm>>
      %dma_wait3A_133 = arith.constant 0 : i32
      %dma_wait3A_134 = tpu.memref_slice %arg6[%arg0, %add3A_125, %dma_wait3A_133] : memref<2x10240x128xf32, #tpu.memory_space<hbm>> -> memref<1x64x128xf32, #tpu.memory_space<hbm>>
      %dma_wait3A_135 = tpu.memref_squeeze %dma_wait3A_134 : memref<1x64x128xf32, #tpu.memory_space<hbm>> -> memref<64x128xf32, #tpu.memory_space<hbm>>
      tpu.wait_dma2 semaphore(%run_scoped3A : memref<!tpu.dma_semaphore, #tpu.memory_space<semaphore_mem>>) src(%arg9 : memref<64x128xf32, #tpu.memory_space<vmem>>) dst(%dma_wait3A_135 : memref<64x128xf32, #tpu.memory_space<hbm>>)
      tpu.yield
    }) : () -> ()
    return
  }
}

#map = affine_map<(d0, d1) -> (0, 0)>
#map1 = affine_map<(d0, d1) -> (0, 0, 0)>
module attributes {stable_mosaic.version = 14 : i64} {
  func.func @_agg_body(%arg0: i32, %arg1: i32, %arg2: memref<10000x128xf32, #tpu.memory_space<hbm>>, %arg3: memref<32x160x64xi32, #tpu.memory_space<hbm>>, %arg4: memref<32x160x64xi32, #tpu.memory_space<hbm>>, %arg5: memref<64x128xf32, #tpu.memory_space<hbm>>, %arg6: memref<2x10240x128xf32, #tpu.memory_space<hbm>>, %arg7: memref<32x64xi32, #tpu.memory_space<vmem>>, %arg8: memref<32x64xi32, #tpu.memory_space<vmem>>, %arg9: memref<64x128xf32, #tpu.memory_space<vmem>>, %arg10: memref<64x128xf32, #tpu.memory_space<vmem>>, %arg11: memref<64x128xf32, #tpu.memory_space<vmem>>, %arg12: memref<64x128xf32, #tpu.memory_space<vmem>>, %arg13: memref<10240x128xf32, #tpu.memory_space<vmem_shared>>, %arg14: memref<!tpu.dma_semaphore, #tpu.memory_space<semaphore_mem>>, %arg15: memref<!tpu.dma_semaphore, #tpu.memory_space<semaphore_mem>>, %arg16: memref<!tpu.dma_semaphore, #tpu.memory_space<semaphore_mem>>, %arg17: memref<!tpu.dma_semaphore, #tpu.memory_space<semaphore_mem>>, %arg18: memref<!tpu.dma_semaphore, #tpu.memory_space<semaphore_mem>>, %arg19: memref<!tpu.dma_semaphore, #tpu.memory_space<semaphore_mem>>, %arg20: memref<!tpu.dma_semaphore, #tpu.memory_space<semaphore_mem>>, %arg21: memref<!tpu.dma_semaphore, #tpu.memory_space<semaphore_mem>>) attributes {dimension_semantics = [#tpu.dimension_semantics<core_parallel>, #tpu.dimension_semantics<subcore_parallel>], iteration_bounds = array<i64: 2, 16>, scalar_prefetch = 0 : i64, scratch_operands = 15 : i64, tpu.core_type = #tpu.core_type<sc_vector_subcore>, window_params = [{transform_indices = #map}, {transform_indices = #map1}, {transform_indices = #map1}, {transform_indices = #map}, {transform_indices = #map1}]} {
    %mul3A = arith.constant 2 : i32
    %mul3A_0 = arith.muli %arg1, %mul3A : i32
    %add3A = arith.addi %mul3A_0, %arg0 : i32
    "tpu.region"() ({
      %run_scoped3A = tpu.sem_alloc : memref<!tpu.dma_semaphore, #tpu.memory_space<semaphore_mem>>
      tpu.enqueue_dma source(%arg5 : memref<64x128xf32, #tpu.memory_space<hbm>>) target(%arg9 : memref<64x128xf32, #tpu.memory_space<vmem>>) target_semaphore(%run_scoped3A : memref<!tpu.dma_semaphore, #tpu.memory_space<semaphore_mem>>)
      tpu.wait_dma2 semaphore(%run_scoped3A : memref<!tpu.dma_semaphore, #tpu.memory_space<semaphore_mem>>) src(%arg5 : memref<64x128xf32, #tpu.memory_space<hbm>>) dst(%arg9 : memref<64x128xf32, #tpu.memory_space<vmem>>)
      tpu.yield
    }) : () -> ()
    %mul3A_1 = arith.constant 640 : i32
    %mul3A_2 = arith.muli %arg1, %mul3A_1 : i32
    %add3A_3 = arith.constant 0 : i32
    %add3A_4 = arith.addi %mul3A_2, %add3A_3 : i32
    "tpu.region"() ({
      %run_scoped3A = tpu.sem_alloc : memref<!tpu.dma_semaphore, #tpu.memory_space<semaphore_mem>>
      %dma_start3A = arith.constant 0 : i32
      %dma_start3A_126 = tpu.memref_slice %arg13[%add3A_4, %dma_start3A] : memref<10240x128xf32, #tpu.memory_space<vmem_shared>> -> memref<64x128xf32, #tpu.memory_space<vmem_shared>>
      %dma_start3A_127 = arith.constant 0 : i32
      %dma_start3A_128 = tpu.memref_slice %arg13[%add3A_4, %dma_start3A_127] : memref<10240x128xf32, #tpu.memory_space<vmem_shared>> -> memref<64x128xf32, #tpu.memory_space<vmem_shared>>
      tpu.enqueue_dma source(%arg9 : memref<64x128xf32, #tpu.memory_space<vmem>>) target(%dma_start3A_128 : memref<64x128xf32, #tpu.memory_space<vmem_shared>>) target_semaphore(%run_scoped3A : memref<!tpu.dma_semaphore, #tpu.memory_space<semaphore_mem>>)
      %dma_wait3A = arith.constant 0 : i32
      %dma_wait3A_129 = tpu.memref_slice %arg13[%add3A_4, %dma_wait3A] : memref<10240x128xf32, #tpu.memory_space<vmem_shared>> -> memref<64x128xf32, #tpu.memory_space<vmem_shared>>
      %dma_wait3A_130 = arith.constant 0 : i32
      %dma_wait3A_131 = tpu.memref_slice %arg13[%add3A_4, %dma_wait3A_130] : memref<10240x128xf32, #tpu.memory_space<vmem_shared>> -> memref<64x128xf32, #tpu.memory_space<vmem_shared>>
      tpu.wait_dma2 semaphore(%run_scoped3A : memref<!tpu.dma_semaphore, #tpu.memory_space<semaphore_mem>>) src(%arg9 : memref<64x128xf32, #tpu.memory_space<vmem>>) dst(%dma_wait3A_131 : memref<64x128xf32, #tpu.memory_space<vmem_shared>>)
      tpu.yield
    }) : () -> ()
    %mul3A_5 = arith.constant 640 : i32
    %mul3A_6 = arith.muli %arg1, %mul3A_5 : i32
    %add3A_7 = arith.constant 64 : i32
    %add3A_8 = arith.addi %mul3A_6, %add3A_7 : i32
    "tpu.region"() ({
      %run_scoped3A = tpu.sem_alloc : memref<!tpu.dma_semaphore, #tpu.memory_space<semaphore_mem>>
      %dma_start3A = arith.constant 0 : i32
      %dma_start3A_126 = tpu.memref_slice %arg13[%add3A_8, %dma_start3A] : memref<10240x128xf32, #tpu.memory_space<vmem_shared>> -> memref<64x128xf32, #tpu.memory_space<vmem_shared>>
      %dma_start3A_127 = arith.constant 0 : i32
      %dma_start3A_128 = tpu.memref_slice %arg13[%add3A_8, %dma_start3A_127] : memref<10240x128xf32, #tpu.memory_space<vmem_shared>> -> memref<64x128xf32, #tpu.memory_space<vmem_shared>>
      tpu.enqueue_dma source(%arg9 : memref<64x128xf32, #tpu.memory_space<vmem>>) target(%dma_start3A_128 : memref<64x128xf32, #tpu.memory_space<vmem_shared>>) target_semaphore(%run_scoped3A : memref<!tpu.dma_semaphore, #tpu.memory_space<semaphore_mem>>)
      %dma_wait3A = arith.constant 0 : i32
      %dma_wait3A_129 = tpu.memref_slice %arg13[%add3A_8, %dma_wait3A] : memref<10240x128xf32, #tpu.memory_space<vmem_shared>> -> memref<64x128xf32, #tpu.memory_space<vmem_shared>>
      %dma_wait3A_130 = arith.constant 0 : i32
      %dma_wait3A_131 = tpu.memref_slice %arg13[%add3A_8, %dma_wait3A_130] : memref<10240x128xf32, #tpu.memory_space<vmem_shared>> -> memref<64x128xf32, #tpu.memory_space<vmem_shared>>
      tpu.wait_dma2 semaphore(%run_scoped3A : memref<!tpu.dma_semaphore, #tpu.memory_space<semaphore_mem>>) src(%arg9 : memref<64x128xf32, #tpu.memory_space<vmem>>) dst(%dma_wait3A_131 : memref<64x128xf32, #tpu.memory_space<vmem_shared>>)
      tpu.yield
    }) : () -> ()
    %mul3A_9 = arith.constant 640 : i32
    %mul3A_10 = arith.muli %arg1, %mul3A_9 : i32
    %add3A_11 = arith.constant 128 : i32
    %add3A_12 = arith.addi %mul3A_10, %add3A_11 : i32
    "tpu.region"() ({
      %run_scoped3A = tpu.sem_alloc : memref<!tpu.dma_semaphore, #tpu.memory_space<semaphore_mem>>
      %dma_start3A = arith.constant 0 : i32
      %dma_start3A_126 = tpu.memref_slice %arg13[%add3A_12, %dma_start3A] : memref<10240x128xf32, #tpu.memory_space<vmem_shared>> -> memref<64x128xf32, #tpu.memory_space<vmem_shared>>
      %dma_start3A_127 = arith.constant 0 : i32
      %dma_start3A_128 = tpu.memref_slice %arg13[%add3A_12, %dma_start3A_127] : memref<10240x128xf32, #tpu.memory_space<vmem_shared>> -> memref<64x128xf32, #tpu.memory_space<vmem_shared>>
      tpu.enqueue_dma source(%arg9 : memref<64x128xf32, #tpu.memory_space<vmem>>) target(%dma_start3A_128 : memref<64x128xf32, #tpu.memory_space<vmem_shared>>) target_semaphore(%run_scoped3A : memref<!tpu.dma_semaphore, #tpu.memory_space<semaphore_mem>>)
      %dma_wait3A = arith.constant 0 : i32
      %dma_wait3A_129 = tpu.memref_slice %arg13[%add3A_12, %dma_wait3A] : memref<10240x128xf32, #tpu.memory_space<vmem_shared>> -> memref<64x128xf32, #tpu.memory_space<vmem_shared>>
      %dma_wait3A_130 = arith.constant 0 : i32
      %dma_wait3A_131 = tpu.memref_slice %arg13[%add3A_12, %dma_wait3A_130] : memref<10240x128xf32, #tpu.memory_space<vmem_shared>> -> memref<64x128xf32, #tpu.memory_space<vmem_shared>>
      tpu.wait_dma2 semaphore(%run_scoped3A : memref<!tpu.dma_semaphore, #tpu.memory_space<semaphore_mem>>) src(%arg9 : memref<64x128xf32, #tpu.memory_space<vmem>>) dst(%dma_wait3A_131 : memref<64x128xf32, #tpu.memory_space<vmem_shared>>)
      tpu.yield
    }) : () -> ()
    %mul3A_13 = arith.constant 640 : i32
    %mul3A_14 = arith.muli %arg1, %mul3A_13 : i32
    %add3A_15 = arith.constant 192 : i32
    %add3A_16 = arith.addi %mul3A_14, %add3A_15 : i32
    "tpu.region"() ({
      %run_scoped3A = tpu.sem_alloc : memref<!tpu.dma_semaphore, #tpu.memory_space<semaphore_mem>>
      %dma_start3A = arith.constant 0 : i32
      %dma_start3A_126 = tpu.memref_slice %arg13[%add3A_16, %dma_start3A] : memref<10240x128xf32, #tpu.memory_space<vmem_shared>> -> memref<64x128xf32, #tpu.memory_space<vmem_shared>>
      %dma_start3A_127 = arith.constant 0 : i32
      %dma_start3A_128 = tpu.memref_slice %arg13[%add3A_16, %dma_start3A_127] : memref<10240x128xf32, #tpu.memory_space<vmem_shared>> -> memref<64x128xf32, #tpu.memory_space<vmem_shared>>
      tpu.enqueue_dma source(%arg9 : memref<64x128xf32, #tpu.memory_space<vmem>>) target(%dma_start3A_128 : memref<64x128xf32, #tpu.memory_space<vmem_shared>>) target_semaphore(%run_scoped3A : memref<!tpu.dma_semaphore, #tpu.memory_space<semaphore_mem>>)
      %dma_wait3A = arith.constant 0 : i32
      %dma_wait3A_129 = tpu.memref_slice %arg13[%add3A_16, %dma_wait3A] : memref<10240x128xf32, #tpu.memory_space<vmem_shared>> -> memref<64x128xf32, #tpu.memory_space<vmem_shared>>
      %dma_wait3A_130 = arith.constant 0 : i32
      %dma_wait3A_131 = tpu.memref_slice %arg13[%add3A_16, %dma_wait3A_130] : memref<10240x128xf32, #tpu.memory_space<vmem_shared>> -> memref<64x128xf32, #tpu.memory_space<vmem_shared>>
      tpu.wait_dma2 semaphore(%run_scoped3A : memref<!tpu.dma_semaphore, #tpu.memory_space<semaphore_mem>>) src(%arg9 : memref<64x128xf32, #tpu.memory_space<vmem>>) dst(%dma_wait3A_131 : memref<64x128xf32, #tpu.memory_space<vmem_shared>>)
      tpu.yield
    }) : () -> ()
    %mul3A_17 = arith.constant 640 : i32
    %mul3A_18 = arith.muli %arg1, %mul3A_17 : i32
    %add3A_19 = arith.constant 256 : i32
    %add3A_20 = arith.addi %mul3A_18, %add3A_19 : i32
    "tpu.region"() ({
      %run_scoped3A = tpu.sem_alloc : memref<!tpu.dma_semaphore, #tpu.memory_space<semaphore_mem>>
      %dma_start3A = arith.constant 0 : i32
      %dma_start3A_126 = tpu.memref_slice %arg13[%add3A_20, %dma_start3A] : memref<10240x128xf32, #tpu.memory_space<vmem_shared>> -> memref<64x128xf32, #tpu.memory_space<vmem_shared>>
      %dma_start3A_127 = arith.constant 0 : i32
      %dma_start3A_128 = tpu.memref_slice %arg13[%add3A_20, %dma_start3A_127] : memref<10240x128xf32, #tpu.memory_space<vmem_shared>> -> memref<64x128xf32, #tpu.memory_space<vmem_shared>>
      tpu.enqueue_dma source(%arg9 : memref<64x128xf32, #tpu.memory_space<vmem>>) target(%dma_start3A_128 : memref<64x128xf32, #tpu.memory_space<vmem_shared>>) target_semaphore(%run_scoped3A : memref<!tpu.dma_semaphore, #tpu.memory_space<semaphore_mem>>)
      %dma_wait3A = arith.constant 0 : i32
      %dma_wait3A_129 = tpu.memref_slice %arg13[%add3A_20, %dma_wait3A] : memref<10240x128xf32, #tpu.memory_space<vmem_shared>> -> memref<64x128xf32, #tpu.memory_space<vmem_shared>>
      %dma_wait3A_130 = arith.constant 0 : i32
      %dma_wait3A_131 = tpu.memref_slice %arg13[%add3A_20, %dma_wait3A_130] : memref<10240x128xf32, #tpu.memory_space<vmem_shared>> -> memref<64x128xf32, #tpu.memory_space<vmem_shared>>
      tpu.wait_dma2 semaphore(%run_scoped3A : memref<!tpu.dma_semaphore, #tpu.memory_space<semaphore_mem>>) src(%arg9 : memref<64x128xf32, #tpu.memory_space<vmem>>) dst(%dma_wait3A_131 : memref<64x128xf32, #tpu.memory_space<vmem_shared>>)
      tpu.yield
    }) : () -> ()
    %mul3A_21 = arith.constant 640 : i32
    %mul3A_22 = arith.muli %arg1, %mul3A_21 : i32
    %add3A_23 = arith.constant 320 : i32
    %add3A_24 = arith.addi %mul3A_22, %add3A_23 : i32
    "tpu.region"() ({
      %run_scoped3A = tpu.sem_alloc : memref<!tpu.dma_semaphore, #tpu.memory_space<semaphore_mem>>
      %dma_start3A = arith.constant 0 : i32
      %dma_start3A_126 = tpu.memref_slice %arg13[%add3A_24, %dma_start3A] : memref<10240x128xf32, #tpu.memory_space<vmem_shared>> -> memref<64x128xf32, #tpu.memory_space<vmem_shared>>
      %dma_start3A_127 = arith.constant 0 : i32
      %dma_start3A_128 = tpu.memref_slice %arg13[%add3A_24, %dma_start3A_127] : memref<10240x128xf32, #tpu.memory_space<vmem_shared>> -> memref<64x128xf32, #tpu.memory_space<vmem_shared>>
      tpu.enqueue_dma source(%arg9 : memref<64x128xf32, #tpu.memory_space<vmem>>) target(%dma_start3A_128 : memref<64x128xf32, #tpu.memory_space<vmem_shared>>) target_semaphore(%run_scoped3A : memref<!tpu.dma_semaphore, #tpu.memory_space<semaphore_mem>>)
      %dma_wait3A = arith.constant 0 : i32
      %dma_wait3A_129 = tpu.memref_slice %arg13[%add3A_24, %dma_wait3A] : memref<10240x128xf32, #tpu.memory_space<vmem_shared>> -> memref<64x128xf32, #tpu.memory_space<vmem_shared>>
      %dma_wait3A_130 = arith.constant 0 : i32
      %dma_wait3A_131 = tpu.memref_slice %arg13[%add3A_24, %dma_wait3A_130] : memref<10240x128xf32, #tpu.memory_space<vmem_shared>> -> memref<64x128xf32, #tpu.memory_space<vmem_shared>>
      tpu.wait_dma2 semaphore(%run_scoped3A : memref<!tpu.dma_semaphore, #tpu.memory_space<semaphore_mem>>) src(%arg9 : memref<64x128xf32, #tpu.memory_space<vmem>>) dst(%dma_wait3A_131 : memref<64x128xf32, #tpu.memory_space<vmem_shared>>)
      tpu.yield
    }) : () -> ()
    %mul3A_25 = arith.constant 640 : i32
    %mul3A_26 = arith.muli %arg1, %mul3A_25 : i32
    %add3A_27 = arith.constant 384 : i32
    %add3A_28 = arith.addi %mul3A_26, %add3A_27 : i32
    "tpu.region"() ({
      %run_scoped3A = tpu.sem_alloc : memref<!tpu.dma_semaphore, #tpu.memory_space<semaphore_mem>>
      %dma_start3A = arith.constant 0 : i32
      %dma_start3A_126 = tpu.memref_slice %arg13[%add3A_28, %dma_start3A] : memref<10240x128xf32, #tpu.memory_space<vmem_shared>> -> memref<64x128xf32, #tpu.memory_space<vmem_shared>>
      %dma_start3A_127 = arith.constant 0 : i32
      %dma_start3A_128 = tpu.memref_slice %arg13[%add3A_28, %dma_start3A_127] : memref<10240x128xf32, #tpu.memory_space<vmem_shared>> -> memref<64x128xf32, #tpu.memory_space<vmem_shared>>
      tpu.enqueue_dma source(%arg9 : memref<64x128xf32, #tpu.memory_space<vmem>>) target(%dma_start3A_128 : memref<64x128xf32, #tpu.memory_space<vmem_shared>>) target_semaphore(%run_scoped3A : memref<!tpu.dma_semaphore, #tpu.memory_space<semaphore_mem>>)
      %dma_wait3A = arith.constant 0 : i32
      %dma_wait3A_129 = tpu.memref_slice %arg13[%add3A_28, %dma_wait3A] : memref<10240x128xf32, #tpu.memory_space<vmem_shared>> -> memref<64x128xf32, #tpu.memory_space<vmem_shared>>
      %dma_wait3A_130 = arith.constant 0 : i32
      %dma_wait3A_131 = tpu.memref_slice %arg13[%add3A_28, %dma_wait3A_130] : memref<10240x128xf32, #tpu.memory_space<vmem_shared>> -> memref<64x128xf32, #tpu.memory_space<vmem_shared>>
      tpu.wait_dma2 semaphore(%run_scoped3A : memref<!tpu.dma_semaphore, #tpu.memory_space<semaphore_mem>>) src(%arg9 : memref<64x128xf32, #tpu.memory_space<vmem>>) dst(%dma_wait3A_131 : memref<64x128xf32, #tpu.memory_space<vmem_shared>>)
      tpu.yield
    }) : () -> ()
    %mul3A_29 = arith.constant 640 : i32
    %mul3A_30 = arith.muli %arg1, %mul3A_29 : i32
    %add3A_31 = arith.constant 448 : i32
    %add3A_32 = arith.addi %mul3A_30, %add3A_31 : i32
    "tpu.region"() ({
      %run_scoped3A = tpu.sem_alloc : memref<!tpu.dma_semaphore, #tpu.memory_space<semaphore_mem>>
      %dma_start3A = arith.constant 0 : i32
      %dma_start3A_126 = tpu.memref_slice %arg13[%add3A_32, %dma_start3A] : memref<10240x128xf32, #tpu.memory_space<vmem_shared>> -> memref<64x128xf32, #tpu.memory_space<vmem_shared>>
      %dma_start3A_127 = arith.constant 0 : i32
      %dma_start3A_128 = tpu.memref_slice %arg13[%add3A_32, %dma_start3A_127] : memref<10240x128xf32, #tpu.memory_space<vmem_shared>> -> memref<64x128xf32, #tpu.memory_space<vmem_shared>>
      tpu.enqueue_dma source(%arg9 : memref<64x128xf32, #tpu.memory_space<vmem>>) target(%dma_start3A_128 : memref<64x128xf32, #tpu.memory_space<vmem_shared>>) target_semaphore(%run_scoped3A : memref<!tpu.dma_semaphore, #tpu.memory_space<semaphore_mem>>)
      %dma_wait3A = arith.constant 0 : i32
      %dma_wait3A_129 = tpu.memref_slice %arg13[%add3A_32, %dma_wait3A] : memref<10240x128xf32, #tpu.memory_space<vmem_shared>> -> memref<64x128xf32, #tpu.memory_space<vmem_shared>>
      %dma_wait3A_130 = arith.constant 0 : i32
      %dma_wait3A_131 = tpu.memref_slice %arg13[%add3A_32, %dma_wait3A_130] : memref<10240x128xf32, #tpu.memory_space<vmem_shared>> -> memref<64x128xf32, #tpu.memory_space<vmem_shared>>
      tpu.wait_dma2 semaphore(%run_scoped3A : memref<!tpu.dma_semaphore, #tpu.memory_space<semaphore_mem>>) src(%arg9 : memref<64x128xf32, #tpu.memory_space<vmem>>) dst(%dma_wait3A_131 : memref<64x128xf32, #tpu.memory_space<vmem_shared>>)
      tpu.yield
    }) : () -> ()
    %mul3A_33 = arith.constant 640 : i32
    %mul3A_34 = arith.muli %arg1, %mul3A_33 : i32
    %add3A_35 = arith.constant 512 : i32
    %add3A_36 = arith.addi %mul3A_34, %add3A_35 : i32
    "tpu.region"() ({
      %run_scoped3A = tpu.sem_alloc : memref<!tpu.dma_semaphore, #tpu.memory_space<semaphore_mem>>
      %dma_start3A = arith.constant 0 : i32
      %dma_start3A_126 = tpu.memref_slice %arg13[%add3A_36, %dma_start3A] : memref<10240x128xf32, #tpu.memory_space<vmem_shared>> -> memref<64x128xf32, #tpu.memory_space<vmem_shared>>
      %dma_start3A_127 = arith.constant 0 : i32
      %dma_start3A_128 = tpu.memref_slice %arg13[%add3A_36, %dma_start3A_127] : memref<10240x128xf32, #tpu.memory_space<vmem_shared>> -> memref<64x128xf32, #tpu.memory_space<vmem_shared>>
      tpu.enqueue_dma source(%arg9 : memref<64x128xf32, #tpu.memory_space<vmem>>) target(%dma_start3A_128 : memref<64x128xf32, #tpu.memory_space<vmem_shared>>) target_semaphore(%run_scoped3A : memref<!tpu.dma_semaphore, #tpu.memory_space<semaphore_mem>>)
      %dma_wait3A = arith.constant 0 : i32
      %dma_wait3A_129 = tpu.memref_slice %arg13[%add3A_36, %dma_wait3A] : memref<10240x128xf32, #tpu.memory_space<vmem_shared>> -> memref<64x128xf32, #tpu.memory_space<vmem_shared>>
      %dma_wait3A_130 = arith.constant 0 : i32
      %dma_wait3A_131 = tpu.memref_slice %arg13[%add3A_36, %dma_wait3A_130] : memref<10240x128xf32, #tpu.memory_space<vmem_shared>> -> memref<64x128xf32, #tpu.memory_space<vmem_shared>>
      tpu.wait_dma2 semaphore(%run_scoped3A : memref<!tpu.dma_semaphore, #tpu.memory_space<semaphore_mem>>) src(%arg9 : memref<64x128xf32, #tpu.memory_space<vmem>>) dst(%dma_wait3A_131 : memref<64x128xf32, #tpu.memory_space<vmem_shared>>)
      tpu.yield
    }) : () -> ()
    %mul3A_37 = arith.constant 640 : i32
    %mul3A_38 = arith.muli %arg1, %mul3A_37 : i32
    %add3A_39 = arith.constant 576 : i32
    %add3A_40 = arith.addi %mul3A_38, %add3A_39 : i32
    "tpu.region"() ({
      %run_scoped3A = tpu.sem_alloc : memref<!tpu.dma_semaphore, #tpu.memory_space<semaphore_mem>>
      %dma_start3A = arith.constant 0 : i32
      %dma_start3A_126 = tpu.memref_slice %arg13[%add3A_40, %dma_start3A] : memref<10240x128xf32, #tpu.memory_space<vmem_shared>> -> memref<64x128xf32, #tpu.memory_space<vmem_shared>>
      %dma_start3A_127 = arith.constant 0 : i32
      %dma_start3A_128 = tpu.memref_slice %arg13[%add3A_40, %dma_start3A_127] : memref<10240x128xf32, #tpu.memory_space<vmem_shared>> -> memref<64x128xf32, #tpu.memory_space<vmem_shared>>
      tpu.enqueue_dma source(%arg9 : memref<64x128xf32, #tpu.memory_space<vmem>>) target(%dma_start3A_128 : memref<64x128xf32, #tpu.memory_space<vmem_shared>>) target_semaphore(%run_scoped3A : memref<!tpu.dma_semaphore, #tpu.memory_space<semaphore_mem>>)
      %dma_wait3A = arith.constant 0 : i32
      %dma_wait3A_129 = tpu.memref_slice %arg13[%add3A_40, %dma_wait3A] : memref<10240x128xf32, #tpu.memory_space<vmem_shared>> -> memref<64x128xf32, #tpu.memory_space<vmem_shared>>
      %dma_wait3A_130 = arith.constant 0 : i32
      %dma_wait3A_131 = tpu.memref_slice %arg13[%add3A_40, %dma_wait3A_130] : memref<10240x128xf32, #tpu.memory_space<vmem_shared>> -> memref<64x128xf32, #tpu.memory_space<vmem_shared>>
      tpu.wait_dma2 semaphore(%run_scoped3A : memref<!tpu.dma_semaphore, #tpu.memory_space<semaphore_mem>>) src(%arg9 : memref<64x128xf32, #tpu.memory_space<vmem>>) dst(%dma_wait3A_131 : memref<64x128xf32, #tpu.memory_space<vmem_shared>>)
      tpu.yield
    }) : () -> ()
    %barrier3A = arith.constant 0 : index
    tpu.barrier barrier_id(%barrier3A)
    %scan3A = arith.constant 0 : i32
    %scan3A_41 = arith.constant 5 : i32
    %scan3A_42 = arith.addi %scan3A, %scan3A_41 : i32
    %scan3A_43 = arith.constant 1 : i32
    scf.for %scan3A_126 = %scan3A to %scan3A_42 step %scan3A_43  : i32 {
      %mul3A_127 = arith.constant 1 : i32
      %mul3A_128 = arith.muli %scan3A_126, %mul3A_127 : i32
      %add3A_129 = arith.constant 0 : i32
      %add3A_130 = arith.addi %add3A_129, %mul3A_128 : i32
      %mul3A_131 = arith.constant 32 : i32
      %mul3A_132 = arith.muli %add3A_130, %mul3A_131 : i32
      "tpu.region"() ({
        %run_scoped3A_197 = tpu.sem_alloc : memref<!tpu.dma_semaphore, #tpu.memory_space<semaphore_mem>>
        %dma_start3A_198 = arith.constant 0 : i32
        %dma_start3A_199 = tpu.memref_slice %arg3[%add3A, %mul3A_132, %dma_start3A_198] : memref<32x160x64xi32, #tpu.memory_space<hbm>> -> memref<1x32x64xi32, #tpu.memory_space<hbm>>
        %dma_start3A_200 = tpu.memref_squeeze %dma_start3A_199 : memref<1x32x64xi32, #tpu.memory_space<hbm>> -> memref<32x64xi32, #tpu.memory_space<hbm>>
        %dma_start3A_201 = arith.constant 0 : i32
        %dma_start3A_202 = tpu.memref_slice %arg3[%add3A, %mul3A_132, %dma_start3A_201] : memref<32x160x64xi32, #tpu.memory_space<hbm>> -> memref<1x32x64xi32, #tpu.memory_space<hbm>>
        %dma_start3A_203 = tpu.memref_squeeze %dma_start3A_202 : memref<1x32x64xi32, #tpu.memory_space<hbm>> -> memref<32x64xi32, #tpu.memory_space<hbm>>
        tpu.enqueue_dma source(%dma_start3A_203 : memref<32x64xi32, #tpu.memory_space<hbm>>) target(%arg7 : memref<32x64xi32, #tpu.memory_space<vmem>>) target_semaphore(%run_scoped3A_197 : memref<!tpu.dma_semaphore, #tpu.memory_space<semaphore_mem>>)
        %dma_wait3A_204 = arith.constant 0 : i32
        %dma_wait3A_205 = tpu.memref_slice %arg3[%add3A, %mul3A_132, %dma_wait3A_204] : memref<32x160x64xi32, #tpu.memory_space<hbm>> -> memref<1x32x64xi32, #tpu.memory_space<hbm>>
        %dma_wait3A_206 = tpu.memref_squeeze %dma_wait3A_205 : memref<1x32x64xi32, #tpu.memory_space<hbm>> -> memref<32x64xi32, #tpu.memory_space<hbm>>
        %dma_wait3A_207 = arith.constant 0 : i32
        %dma_wait3A_208 = tpu.memref_slice %arg3[%add3A, %mul3A_132, %dma_wait3A_207] : memref<32x160x64xi32, #tpu.memory_space<hbm>> -> memref<1x32x64xi32, #tpu.memory_space<hbm>>
        %dma_wait3A_209 = tpu.memref_squeeze %dma_wait3A_208 : memref<1x32x64xi32, #tpu.memory_space<hbm>> -> memref<32x64xi32, #tpu.memory_space<hbm>>
        tpu.wait_dma2 semaphore(%run_scoped3A_197 : memref<!tpu.dma_semaphore, #tpu.memory_space<semaphore_mem>>) src(%dma_wait3A_209 : memref<32x64xi32, #tpu.memory_space<hbm>>) dst(%arg7 : memref<32x64xi32, #tpu.memory_space<vmem>>)
        tpu.yield
      }) : () -> ()
      %mul3A_133 = arith.constant 32 : i32
      %mul3A_134 = arith.muli %add3A_130, %mul3A_133 : i32
      "tpu.region"() ({
        %run_scoped3A_197 = tpu.sem_alloc : memref<!tpu.dma_semaphore, #tpu.memory_space<semaphore_mem>>
        %dma_start3A_198 = arith.constant 0 : i32
        %dma_start3A_199 = tpu.memref_slice %arg4[%add3A, %mul3A_134, %dma_start3A_198] : memref<32x160x64xi32, #tpu.memory_space<hbm>> -> memref<1x32x64xi32, #tpu.memory_space<hbm>>
        %dma_start3A_200 = tpu.memref_squeeze %dma_start3A_199 : memref<1x32x64xi32, #tpu.memory_space<hbm>> -> memref<32x64xi32, #tpu.memory_space<hbm>>
        %dma_start3A_201 = arith.constant 0 : i32
        %dma_start3A_202 = tpu.memref_slice %arg4[%add3A, %mul3A_134, %dma_start3A_201] : memref<32x160x64xi32, #tpu.memory_space<hbm>> -> memref<1x32x64xi32, #tpu.memory_space<hbm>>
        %dma_start3A_203 = tpu.memref_squeeze %dma_start3A_202 : memref<1x32x64xi32, #tpu.memory_space<hbm>> -> memref<32x64xi32, #tpu.memory_space<hbm>>
        tpu.enqueue_dma source(%dma_start3A_203 : memref<32x64xi32, #tpu.memory_space<hbm>>) target(%arg8 : memref<32x64xi32, #tpu.memory_space<vmem>>) target_semaphore(%run_scoped3A_197 : memref<!tpu.dma_semaphore, #tpu.memory_space<semaphore_mem>>)
        %dma_wait3A_204 = arith.constant 0 : i32
        %dma_wait3A_205 = tpu.memref_slice %arg4[%add3A, %mul3A_134, %dma_wait3A_204] : memref<32x160x64xi32, #tpu.memory_space<hbm>> -> memref<1x32x64xi32, #tpu.memory_space<hbm>>
        %dma_wait3A_206 = tpu.memref_squeeze %dma_wait3A_205 : memref<1x32x64xi32, #tpu.memory_space<hbm>> -> memref<32x64xi32, #tpu.memory_space<hbm>>
        %dma_wait3A_207 = arith.constant 0 : i32
        %dma_wait3A_208 = tpu.memref_slice %arg4[%add3A, %mul3A_134, %dma_wait3A_207] : memref<32x160x64xi32, #tpu.memory_space<hbm>> -> memref<1x32x64xi32, #tpu.memory_space<hbm>>
        %dma_wait3A_209 = tpu.memref_squeeze %dma_wait3A_208 : memref<1x32x64xi32, #tpu.memory_space<hbm>> -> memref<32x64xi32, #tpu.memory_space<hbm>>
        tpu.wait_dma2 semaphore(%run_scoped3A_197 : memref<!tpu.dma_semaphore, #tpu.memory_space<semaphore_mem>>) src(%dma_wait3A_209 : memref<32x64xi32, #tpu.memory_space<hbm>>) dst(%arg8 : memref<32x64xi32, #tpu.memory_space<vmem>>)
        tpu.yield
      }) : () -> ()
      %dma_start3A = arith.constant 0 : i32
      %dma_start3A_135 = arith.constant 0 : i32
      %dma_start3A_136 = tpu.memref_slice %arg7[%dma_start3A, %dma_start3A_135] : memref<32x64xi32, #tpu.memory_space<vmem>> -> memref<1x64xi32, #tpu.memory_space<vmem>>
      %dma_start3A_137 = tpu.memref_squeeze %dma_start3A_136 : memref<1x64xi32, #tpu.memory_space<vmem>> -> memref<64xi32, #tpu.memory_space<vmem>>
      %dma_start3A_138 = arith.constant 0 : i32
      %dma_start3A_139 = arith.constant 0 : i32
      %dma_start3A_140 = tpu.memref_slice %arg2[%dma_start3A_138, %dma_start3A_139] : memref<10000x128xf32, #tpu.memory_space<hbm>> -> memref<10000x128xf32, #tpu.memory_space<hbm>>
      tpu.enqueue_indirect_dma source(%dma_start3A_140 : memref<10000x128xf32, #tpu.memory_space<hbm>>) target(%arg9 : memref<64x128xf32, #tpu.memory_space<vmem>>) offsets(%dma_start3A_137 : memref<64xi32, #tpu.memory_space<vmem>>) semaphore(%arg14 : memref<!tpu.dma_semaphore, #tpu.memory_space<semaphore_mem>>)
      %dma_start3A_141 = arith.constant 1 : i32
      %dma_start3A_142 = arith.constant 0 : i32
      %dma_start3A_143 = tpu.memref_slice %arg7[%dma_start3A_141, %dma_start3A_142] : memref<32x64xi32, #tpu.memory_space<vmem>> -> memref<1x64xi32, #tpu.memory_space<vmem>>
      %dma_start3A_144 = tpu.memref_squeeze %dma_start3A_143 : memref<1x64xi32, #tpu.memory_space<vmem>> -> memref<64xi32, #tpu.memory_space<vmem>>
      %dma_start3A_145 = arith.constant 0 : i32
      %dma_start3A_146 = arith.constant 0 : i32
      %dma_start3A_147 = tpu.memref_slice %arg2[%dma_start3A_145, %dma_start3A_146] : memref<10000x128xf32, #tpu.memory_space<hbm>> -> memref<10000x128xf32, #tpu.memory_space<hbm>>
      tpu.enqueue_indirect_dma source(%dma_start3A_147 : memref<10000x128xf32, #tpu.memory_space<hbm>>) target(%arg10 : memref<64x128xf32, #tpu.memory_space<vmem>>) offsets(%dma_start3A_144 : memref<64xi32, #tpu.memory_space<vmem>>) semaphore(%arg15 : memref<!tpu.dma_semaphore, #tpu.memory_space<semaphore_mem>>)
      %dma_start3A_148 = arith.constant 2 : i32
      %dma_start3A_149 = arith.constant 0 : i32
      %dma_start3A_150 = tpu.memref_slice %arg7[%dma_start3A_148, %dma_start3A_149] : memref<32x64xi32, #tpu.memory_space<vmem>> -> memref<1x64xi32, #tpu.memory_space<vmem>>
      %dma_start3A_151 = tpu.memref_squeeze %dma_start3A_150 : memref<1x64xi32, #tpu.memory_space<vmem>> -> memref<64xi32, #tpu.memory_space<vmem>>
      %dma_start3A_152 = arith.constant 0 : i32
      %dma_start3A_153 = arith.constant 0 : i32
      %dma_start3A_154 = tpu.memref_slice %arg2[%dma_start3A_152, %dma_start3A_153] : memref<10000x128xf32, #tpu.memory_space<hbm>> -> memref<10000x128xf32, #tpu.memory_space<hbm>>
      tpu.enqueue_indirect_dma source(%dma_start3A_154 : memref<10000x128xf32, #tpu.memory_space<hbm>>) target(%arg11 : memref<64x128xf32, #tpu.memory_space<vmem>>) offsets(%dma_start3A_151 : memref<64xi32, #tpu.memory_space<vmem>>) semaphore(%arg16 : memref<!tpu.dma_semaphore, #tpu.memory_space<semaphore_mem>>)
      %dma_start3A_155 = arith.constant 3 : i32
      %dma_start3A_156 = arith.constant 0 : i32
      %dma_start3A_157 = tpu.memref_slice %arg7[%dma_start3A_155, %dma_start3A_156] : memref<32x64xi32, #tpu.memory_space<vmem>> -> memref<1x64xi32, #tpu.memory_space<vmem>>
      %dma_start3A_158 = tpu.memref_squeeze %dma_start3A_157 : memref<1x64xi32, #tpu.memory_space<vmem>> -> memref<64xi32, #tpu.memory_space<vmem>>
      %dma_start3A_159 = arith.constant 0 : i32
      %dma_start3A_160 = arith.constant 0 : i32
      %dma_start3A_161 = tpu.memref_slice %arg2[%dma_start3A_159, %dma_start3A_160] : memref<10000x128xf32, #tpu.memory_space<hbm>> -> memref<10000x128xf32, #tpu.memory_space<hbm>>
      tpu.enqueue_indirect_dma source(%dma_start3A_161 : memref<10000x128xf32, #tpu.memory_space<hbm>>) target(%arg12 : memref<64x128xf32, #tpu.memory_space<vmem>>) offsets(%dma_start3A_158 : memref<64xi32, #tpu.memory_space<vmem>>) semaphore(%arg17 : memref<!tpu.dma_semaphore, #tpu.memory_space<semaphore_mem>>)
      %scan3A_162 = arith.constant 0 : i32
      %scan3A_163 = arith.constant 7 : i32
      %scan3A_164 = arith.addi %scan3A_162, %scan3A_163 : i32
      %scan3A_165 = arith.constant 1 : i32
      scf.for %scan3A_197 = %scan3A_162 to %scan3A_164 step %scan3A_165  : i32 {
        %mul3A_198 = arith.constant 1 : i32
        %mul3A_199 = arith.muli %scan3A_197, %mul3A_198 : i32
        %add3A_200 = arith.constant 0 : i32
        %add3A_201 = arith.addi %add3A_200, %mul3A_199 : i32
        %mul3A_202 = arith.constant 4 : i32
        %mul3A_203 = arith.muli %add3A_201, %mul3A_202 : i32
        %add3A_204 = arith.constant 0 : i32
        %add3A_205 = arith.addi %mul3A_203, %add3A_204 : i32
        %dma_wait3A_206 = arith.constant 0 : i32
        %dma_wait3A_207 = tpu.memref_slice %arg7[%add3A_205, %dma_wait3A_206] : memref<32x64xi32, #tpu.memory_space<vmem>> -> memref<1x64xi32, #tpu.memory_space<vmem>>
        %dma_wait3A_208 = tpu.memref_squeeze %dma_wait3A_207 : memref<1x64xi32, #tpu.memory_space<vmem>> -> memref<64xi32, #tpu.memory_space<vmem>>
        %dma_wait3A_209 = arith.constant 0 : i32
        %dma_wait3A_210 = arith.constant 0 : i32
        %dma_wait3A_211 = tpu.memref_slice %arg2[%dma_wait3A_209, %dma_wait3A_210] : memref<10000x128xf32, #tpu.memory_space<hbm>> -> memref<10000x128xf32, #tpu.memory_space<hbm>>
        tpu.wait_indirect_dma semaphore(%arg14 : memref<!tpu.dma_semaphore, #tpu.memory_space<semaphore_mem>>) src(%dma_wait3A_211 : memref<10000x128xf32, #tpu.memory_space<hbm>>) dst(%arg9 : memref<64x128xf32, #tpu.memory_space<vmem>>)
        %dma_start3A_212 = arith.constant 0 : i32
        %dma_start3A_213 = tpu.memref_slice %arg8[%add3A_205, %dma_start3A_212] : memref<32x64xi32, #tpu.memory_space<vmem>> -> memref<1x64xi32, #tpu.memory_space<vmem>>
        %dma_start3A_214 = tpu.memref_squeeze %dma_start3A_213 : memref<1x64xi32, #tpu.memory_space<vmem>> -> memref<64xi32, #tpu.memory_space<vmem>>
        %dma_start3A_215 = arith.constant 0 : i32
        %dma_start3A_216 = arith.constant 0 : i32
        %dma_start3A_217 = tpu.memref_slice %arg13[%dma_start3A_215, %dma_start3A_216] : memref<10240x128xf32, #tpu.memory_space<vmem_shared>> -> memref<10240x128xf32, #tpu.memory_space<vmem_shared>>
        tpu.enqueue_indirect_dma source(%arg9 : memref<64x128xf32, #tpu.memory_space<vmem>>) target(%dma_start3A_217 : memref<10240x128xf32, #tpu.memory_space<vmem_shared>>) offsets(%dma_start3A_214 : memref<64xi32, #tpu.memory_space<vmem>>) semaphore(%arg18 : memref<!tpu.dma_semaphore, #tpu.memory_space<semaphore_mem>>) {add = true}
        %dma_wait3A_218 = arith.constant 0 : i32
        %dma_wait3A_219 = tpu.memref_slice %arg8[%add3A_205, %dma_wait3A_218] : memref<32x64xi32, #tpu.memory_space<vmem>> -> memref<1x64xi32, #tpu.memory_space<vmem>>
        %dma_wait3A_220 = tpu.memref_squeeze %dma_wait3A_219 : memref<1x64xi32, #tpu.memory_space<vmem>> -> memref<64xi32, #tpu.memory_space<vmem>>
        %dma_wait3A_221 = arith.constant 0 : i32
        %dma_wait3A_222 = arith.constant 0 : i32
        %dma_wait3A_223 = tpu.memref_slice %arg13[%dma_wait3A_221, %dma_wait3A_222] : memref<10240x128xf32, #tpu.memory_space<vmem_shared>> -> memref<10240x128xf32, #tpu.memory_space<vmem_shared>>
        tpu.wait_indirect_dma semaphore(%arg18 : memref<!tpu.dma_semaphore, #tpu.memory_space<semaphore_mem>>) src(%arg9 : memref<64x128xf32, #tpu.memory_space<vmem>>) dst(%dma_wait3A_223 : memref<10240x128xf32, #tpu.memory_space<vmem_shared>>)
        %add3A_224 = arith.constant 4 : i32
        %add3A_225 = arith.addi %add3A_205, %add3A_224 : i32
        %dma_start3A_226 = arith.constant 0 : i32
        %dma_start3A_227 = tpu.memref_slice %arg7[%add3A_225, %dma_start3A_226] : memref<32x64xi32, #tpu.memory_space<vmem>> -> memref<1x64xi32, #tpu.memory_space<vmem>>
        %dma_start3A_228 = tpu.memref_squeeze %dma_start3A_227 : memref<1x64xi32, #tpu.memory_space<vmem>> -> memref<64xi32, #tpu.memory_space<vmem>>
        %dma_start3A_229 = arith.constant 0 : i32
        %dma_start3A_230 = arith.constant 0 : i32
        %dma_start3A_231 = tpu.memref_slice %arg2[%dma_start3A_229, %dma_start3A_230] : memref<10000x128xf32, #tpu.memory_space<hbm>> -> memref<10000x128xf32, #tpu.memory_space<hbm>>
        tpu.enqueue_indirect_dma source(%dma_start3A_231 : memref<10000x128xf32, #tpu.memory_space<hbm>>) target(%arg9 : memref<64x128xf32, #tpu.memory_space<vmem>>) offsets(%dma_start3A_228 : memref<64xi32, #tpu.memory_space<vmem>>) semaphore(%arg14 : memref<!tpu.dma_semaphore, #tpu.memory_space<semaphore_mem>>)
        %mul3A_232 = arith.constant 4 : i32
        %mul3A_233 = arith.muli %add3A_201, %mul3A_232 : i32
        %add3A_234 = arith.constant 1 : i32
        %add3A_235 = arith.addi %mul3A_233, %add3A_234 : i32
        %dma_wait3A_236 = arith.constant 0 : i32
        %dma_wait3A_237 = tpu.memref_slice %arg7[%add3A_235, %dma_wait3A_236] : memref<32x64xi32, #tpu.memory_space<vmem>> -> memref<1x64xi32, #tpu.memory_space<vmem>>
        %dma_wait3A_238 = tpu.memref_squeeze %dma_wait3A_237 : memref<1x64xi32, #tpu.memory_space<vmem>> -> memref<64xi32, #tpu.memory_space<vmem>>
        %dma_wait3A_239 = arith.constant 0 : i32
        %dma_wait3A_240 = arith.constant 0 : i32
        %dma_wait3A_241 = tpu.memref_slice %arg2[%dma_wait3A_239, %dma_wait3A_240] : memref<10000x128xf32, #tpu.memory_space<hbm>> -> memref<10000x128xf32, #tpu.memory_space<hbm>>
        tpu.wait_indirect_dma semaphore(%arg15 : memref<!tpu.dma_semaphore, #tpu.memory_space<semaphore_mem>>) src(%dma_wait3A_241 : memref<10000x128xf32, #tpu.memory_space<hbm>>) dst(%arg10 : memref<64x128xf32, #tpu.memory_space<vmem>>)
        %dma_start3A_242 = arith.constant 0 : i32
        %dma_start3A_243 = tpu.memref_slice %arg8[%add3A_235, %dma_start3A_242] : memref<32x64xi32, #tpu.memory_space<vmem>> -> memref<1x64xi32, #tpu.memory_space<vmem>>
        %dma_start3A_244 = tpu.memref_squeeze %dma_start3A_243 : memref<1x64xi32, #tpu.memory_space<vmem>> -> memref<64xi32, #tpu.memory_space<vmem>>
        %dma_start3A_245 = arith.constant 0 : i32
        %dma_start3A_246 = arith.constant 0 : i32
        %dma_start3A_247 = tpu.memref_slice %arg13[%dma_start3A_245, %dma_start3A_246] : memref<10240x128xf32, #tpu.memory_space<vmem_shared>> -> memref<10240x128xf32, #tpu.memory_space<vmem_shared>>
        tpu.enqueue_indirect_dma source(%arg10 : memref<64x128xf32, #tpu.memory_space<vmem>>) target(%dma_start3A_247 : memref<10240x128xf32, #tpu.memory_space<vmem_shared>>) offsets(%dma_start3A_244 : memref<64xi32, #tpu.memory_space<vmem>>) semaphore(%arg19 : memref<!tpu.dma_semaphore, #tpu.memory_space<semaphore_mem>>) {add = true}
        %dma_wait3A_248 = arith.constant 0 : i32
        %dma_wait3A_249 = tpu.memref_slice %arg8[%add3A_235, %dma_wait3A_248] : memref<32x64xi32, #tpu.memory_space<vmem>> -> memref<1x64xi32, #tpu.memory_space<vmem>>
        %dma_wait3A_250 = tpu.memref_squeeze %dma_wait3A_249 : memref<1x64xi32, #tpu.memory_space<vmem>> -> memref<64xi32, #tpu.memory_space<vmem>>
        %dma_wait3A_251 = arith.constant 0 : i32
        %dma_wait3A_252 = arith.constant 0 : i32
        %dma_wait3A_253 = tpu.memref_slice %arg13[%dma_wait3A_251, %dma_wait3A_252] : memref<10240x128xf32, #tpu.memory_space<vmem_shared>> -> memref<10240x128xf32, #tpu.memory_space<vmem_shared>>
        tpu.wait_indirect_dma semaphore(%arg19 : memref<!tpu.dma_semaphore, #tpu.memory_space<semaphore_mem>>) src(%arg10 : memref<64x128xf32, #tpu.memory_space<vmem>>) dst(%dma_wait3A_253 : memref<10240x128xf32, #tpu.memory_space<vmem_shared>>)
        %add3A_254 = arith.constant 4 : i32
        %add3A_255 = arith.addi %add3A_235, %add3A_254 : i32
        %dma_start3A_256 = arith.constant 0 : i32
        %dma_start3A_257 = tpu.memref_slice %arg7[%add3A_255, %dma_start3A_256] : memref<32x64xi32, #tpu.memory_space<vmem>> -> memref<1x64xi32, #tpu.memory_space<vmem>>
        %dma_start3A_258 = tpu.memref_squeeze %dma_start3A_257 : memref<1x64xi32, #tpu.memory_space<vmem>> -> memref<64xi32, #tpu.memory_space<vmem>>
        %dma_start3A_259 = arith.constant 0 : i32
        %dma_start3A_260 = arith.constant 0 : i32
        %dma_start3A_261 = tpu.memref_slice %arg2[%dma_start3A_259, %dma_start3A_260] : memref<10000x128xf32, #tpu.memory_space<hbm>> -> memref<10000x128xf32, #tpu.memory_space<hbm>>
        tpu.enqueue_indirect_dma source(%dma_start3A_261 : memref<10000x128xf32, #tpu.memory_space<hbm>>) target(%arg10 : memref<64x128xf32, #tpu.memory_space<vmem>>) offsets(%dma_start3A_258 : memref<64xi32, #tpu.memory_space<vmem>>) semaphore(%arg15 : memref<!tpu.dma_semaphore, #tpu.memory_space<semaphore_mem>>)
        %mul3A_262 = arith.constant 4 : i32
        %mul3A_263 = arith.muli %add3A_201, %mul3A_262 : i32
        %add3A_264 = arith.constant 2 : i32
        %add3A_265 = arith.addi %mul3A_263, %add3A_264 : i32
        %dma_wait3A_266 = arith.constant 0 : i32
        %dma_wait3A_267 = tpu.memref_slice %arg7[%add3A_265, %dma_wait3A_266] : memref<32x64xi32, #tpu.memory_space<vmem>> -> memref<1x64xi32, #tpu.memory_space<vmem>>
        %dma_wait3A_268 = tpu.memref_squeeze %dma_wait3A_267 : memref<1x64xi32, #tpu.memory_space<vmem>> -> memref<64xi32, #tpu.memory_space<vmem>>
        %dma_wait3A_269 = arith.constant 0 : i32
        %dma_wait3A_270 = arith.constant 0 : i32
        %dma_wait3A_271 = tpu.memref_slice %arg2[%dma_wait3A_269, %dma_wait3A_270] : memref<10000x128xf32, #tpu.memory_space<hbm>> -> memref<10000x128xf32, #tpu.memory_space<hbm>>
        tpu.wait_indirect_dma semaphore(%arg16 : memref<!tpu.dma_semaphore, #tpu.memory_space<semaphore_mem>>) src(%dma_wait3A_271 : memref<10000x128xf32, #tpu.memory_space<hbm>>) dst(%arg11 : memref<64x128xf32, #tpu.memory_space<vmem>>)
        %dma_start3A_272 = arith.constant 0 : i32
        %dma_start3A_273 = tpu.memref_slice %arg8[%add3A_265, %dma_start3A_272] : memref<32x64xi32, #tpu.memory_space<vmem>> -> memref<1x64xi32, #tpu.memory_space<vmem>>
        %dma_start3A_274 = tpu.memref_squeeze %dma_start3A_273 : memref<1x64xi32, #tpu.memory_space<vmem>> -> memref<64xi32, #tpu.memory_space<vmem>>
        %dma_start3A_275 = arith.constant 0 : i32
        %dma_start3A_276 = arith.constant 0 : i32
        %dma_start3A_277 = tpu.memref_slice %arg13[%dma_start3A_275, %dma_start3A_276] : memref<10240x128xf32, #tpu.memory_space<vmem_shared>> -> memref<10240x128xf32, #tpu.memory_space<vmem_shared>>
        tpu.enqueue_indirect_dma source(%arg11 : memref<64x128xf32, #tpu.memory_space<vmem>>) target(%dma_start3A_277 : memref<10240x128xf32, #tpu.memory_space<vmem_shared>>) offsets(%dma_start3A_274 : memref<64xi32, #tpu.memory_space<vmem>>) semaphore(%arg20 : memref<!tpu.dma_semaphore, #tpu.memory_space<semaphore_mem>>) {add = true}
        %dma_wait3A_278 = arith.constant 0 : i32
        %dma_wait3A_279 = tpu.memref_slice %arg8[%add3A_265, %dma_wait3A_278] : memref<32x64xi32, #tpu.memory_space<vmem>> -> memref<1x64xi32, #tpu.memory_space<vmem>>
        %dma_wait3A_280 = tpu.memref_squeeze %dma_wait3A_279 : memref<1x64xi32, #tpu.memory_space<vmem>> -> memref<64xi32, #tpu.memory_space<vmem>>
        %dma_wait3A_281 = arith.constant 0 : i32
        %dma_wait3A_282 = arith.constant 0 : i32
        %dma_wait3A_283 = tpu.memref_slice %arg13[%dma_wait3A_281, %dma_wait3A_282] : memref<10240x128xf32, #tpu.memory_space<vmem_shared>> -> memref<10240x128xf32, #tpu.memory_space<vmem_shared>>
        tpu.wait_indirect_dma semaphore(%arg20 : memref<!tpu.dma_semaphore, #tpu.memory_space<semaphore_mem>>) src(%arg11 : memref<64x128xf32, #tpu.memory_space<vmem>>) dst(%dma_wait3A_283 : memref<10240x128xf32, #tpu.memory_space<vmem_shared>>)
        %add3A_284 = arith.constant 4 : i32
        %add3A_285 = arith.addi %add3A_265, %add3A_284 : i32
        %dma_start3A_286 = arith.constant 0 : i32
        %dma_start3A_287 = tpu.memref_slice %arg7[%add3A_285, %dma_start3A_286] : memref<32x64xi32, #tpu.memory_space<vmem>> -> memref<1x64xi32, #tpu.memory_space<vmem>>
        %dma_start3A_288 = tpu.memref_squeeze %dma_start3A_287 : memref<1x64xi32, #tpu.memory_space<vmem>> -> memref<64xi32, #tpu.memory_space<vmem>>
        %dma_start3A_289 = arith.constant 0 : i32
        %dma_start3A_290 = arith.constant 0 : i32
        %dma_start3A_291 = tpu.memref_slice %arg2[%dma_start3A_289, %dma_start3A_290] : memref<10000x128xf32, #tpu.memory_space<hbm>> -> memref<10000x128xf32, #tpu.memory_space<hbm>>
        tpu.enqueue_indirect_dma source(%dma_start3A_291 : memref<10000x128xf32, #tpu.memory_space<hbm>>) target(%arg11 : memref<64x128xf32, #tpu.memory_space<vmem>>) offsets(%dma_start3A_288 : memref<64xi32, #tpu.memory_space<vmem>>) semaphore(%arg16 : memref<!tpu.dma_semaphore, #tpu.memory_space<semaphore_mem>>)
        %mul3A_292 = arith.constant 4 : i32
        %mul3A_293 = arith.muli %add3A_201, %mul3A_292 : i32
        %add3A_294 = arith.constant 3 : i32
        %add3A_295 = arith.addi %mul3A_293, %add3A_294 : i32
        %dma_wait3A_296 = arith.constant 0 : i32
        %dma_wait3A_297 = tpu.memref_slice %arg7[%add3A_295, %dma_wait3A_296] : memref<32x64xi32, #tpu.memory_space<vmem>> -> memref<1x64xi32, #tpu.memory_space<vmem>>
        %dma_wait3A_298 = tpu.memref_squeeze %dma_wait3A_297 : memref<1x64xi32, #tpu.memory_space<vmem>> -> memref<64xi32, #tpu.memory_space<vmem>>
        %dma_wait3A_299 = arith.constant 0 : i32
        %dma_wait3A_300 = arith.constant 0 : i32
        %dma_wait3A_301 = tpu.memref_slice %arg2[%dma_wait3A_299, %dma_wait3A_300] : memref<10000x128xf32, #tpu.memory_space<hbm>> -> memref<10000x128xf32, #tpu.memory_space<hbm>>
        tpu.wait_indirect_dma semaphore(%arg17 : memref<!tpu.dma_semaphore, #tpu.memory_space<semaphore_mem>>) src(%dma_wait3A_301 : memref<10000x128xf32, #tpu.memory_space<hbm>>) dst(%arg12 : memref<64x128xf32, #tpu.memory_space<vmem>>)
        %dma_start3A_302 = arith.constant 0 : i32
        %dma_start3A_303 = tpu.memref_slice %arg8[%add3A_295, %dma_start3A_302] : memref<32x64xi32, #tpu.memory_space<vmem>> -> memref<1x64xi32, #tpu.memory_space<vmem>>
        %dma_start3A_304 = tpu.memref_squeeze %dma_start3A_303 : memref<1x64xi32, #tpu.memory_space<vmem>> -> memref<64xi32, #tpu.memory_space<vmem>>
        %dma_start3A_305 = arith.constant 0 : i32
        %dma_start3A_306 = arith.constant 0 : i32
        %dma_start3A_307 = tpu.memref_slice %arg13[%dma_start3A_305, %dma_start3A_306] : memref<10240x128xf32, #tpu.memory_space<vmem_shared>> -> memref<10240x128xf32, #tpu.memory_space<vmem_shared>>
        tpu.enqueue_indirect_dma source(%arg12 : memref<64x128xf32, #tpu.memory_space<vmem>>) target(%dma_start3A_307 : memref<10240x128xf32, #tpu.memory_space<vmem_shared>>) offsets(%dma_start3A_304 : memref<64xi32, #tpu.memory_space<vmem>>) semaphore(%arg21 : memref<!tpu.dma_semaphore, #tpu.memory_space<semaphore_mem>>) {add = true}
        %dma_wait3A_308 = arith.constant 0 : i32
        %dma_wait3A_309 = tpu.memref_slice %arg8[%add3A_295, %dma_wait3A_308] : memref<32x64xi32, #tpu.memory_space<vmem>> -> memref<1x64xi32, #tpu.memory_space<vmem>>
        %dma_wait3A_310 = tpu.memref_squeeze %dma_wait3A_309 : memref<1x64xi32, #tpu.memory_space<vmem>> -> memref<64xi32, #tpu.memory_space<vmem>>
        %dma_wait3A_311 = arith.constant 0 : i32
        %dma_wait3A_312 = arith.constant 0 : i32
        %dma_wait3A_313 = tpu.memref_slice %arg13[%dma_wait3A_311, %dma_wait3A_312] : memref<10240x128xf32, #tpu.memory_space<vmem_shared>> -> memref<10240x128xf32, #tpu.memory_space<vmem_shared>>
        tpu.wait_indirect_dma semaphore(%arg21 : memref<!tpu.dma_semaphore, #tpu.memory_space<semaphore_mem>>) src(%arg12 : memref<64x128xf32, #tpu.memory_space<vmem>>) dst(%dma_wait3A_313 : memref<10240x128xf32, #tpu.memory_space<vmem_shared>>)
        %add3A_314 = arith.constant 4 : i32
        %add3A_315 = arith.addi %add3A_295, %add3A_314 : i32
        %dma_start3A_316 = arith.constant 0 : i32
        %dma_start3A_317 = tpu.memref_slice %arg7[%add3A_315, %dma_start3A_316] : memref<32x64xi32, #tpu.memory_space<vmem>> -> memref<1x64xi32, #tpu.memory_space<vmem>>
        %dma_start3A_318 = tpu.memref_squeeze %dma_start3A_317 : memref<1x64xi32, #tpu.memory_space<vmem>> -> memref<64xi32, #tpu.memory_space<vmem>>
        %dma_start3A_319 = arith.constant 0 : i32
        %dma_start3A_320 = arith.constant 0 : i32
        %dma_start3A_321 = tpu.memref_slice %arg2[%dma_start3A_319, %dma_start3A_320] : memref<10000x128xf32, #tpu.memory_space<hbm>> -> memref<10000x128xf32, #tpu.memory_space<hbm>>
        tpu.enqueue_indirect_dma source(%dma_start3A_321 : memref<10000x128xf32, #tpu.memory_space<hbm>>) target(%arg12 : memref<64x128xf32, #tpu.memory_space<vmem>>) offsets(%dma_start3A_318 : memref<64xi32, #tpu.memory_space<vmem>>) semaphore(%arg17 : memref<!tpu.dma_semaphore, #tpu.memory_space<semaphore_mem>>)
      }
      %scan3A_166 = arith.constant 7 : i32
      %dma_wait3A = arith.constant 28 : i32
      %dma_wait3A_167 = arith.constant 0 : i32
      %dma_wait3A_168 = tpu.memref_slice %arg7[%dma_wait3A, %dma_wait3A_167] : memref<32x64xi32, #tpu.memory_space<vmem>> -> memref<1x64xi32, #tpu.memory_space<vmem>>
      %dma_wait3A_169 = tpu.memref_squeeze %dma_wait3A_168 : memref<1x64xi32, #tpu.memory_space<vmem>> -> memref<64xi32, #tpu.memory_space<vmem>>
      %dma_wait3A_170 = arith.constant 0 : i32
      %dma_wait3A_171 = arith.constant 0 : i32
      %dma_wait3A_172 = tpu.memref_slice %arg2[%dma_wait3A_170, %dma_wait3A_171] : memref<10000x128xf32, #tpu.memory_space<hbm>> -> memref<10000x128xf32, #tpu.memory_space<hbm>>
      tpu.wait_indirect_dma semaphore(%arg14 : memref<!tpu.dma_semaphore, #tpu.memory_space<semaphore_mem>>) src(%dma_wait3A_172 : memref<10000x128xf32, #tpu.memory_space<hbm>>) dst(%arg9 : memref<64x128xf32, #tpu.memory_space<vmem>>)
      %run_scoped3A = arith.constant 28 : i32
      "tpu.region"() ({
        %run_scoped3A_197 = tpu.sem_alloc : memref<!tpu.dma_semaphore, #tpu.memory_space<semaphore_mem>>
        %dma_start3A_198 = arith.constant 0 : i32
        %dma_start3A_199 = tpu.memref_slice %arg8[%run_scoped3A, %dma_start3A_198] : memref<32x64xi32, #tpu.memory_space<vmem>> -> memref<1x64xi32, #tpu.memory_space<vmem>>
        %dma_start3A_200 = tpu.memref_squeeze %dma_start3A_199 : memref<1x64xi32, #tpu.memory_space<vmem>> -> memref<64xi32, #tpu.memory_space<vmem>>
        %dma_start3A_201 = arith.constant 0 : i32
        %dma_start3A_202 = arith.constant 0 : i32
        %dma_start3A_203 = tpu.memref_slice %arg13[%dma_start3A_201, %dma_start3A_202] : memref<10240x128xf32, #tpu.memory_space<vmem_shared>> -> memref<10240x128xf32, #tpu.memory_space<vmem_shared>>
        tpu.enqueue_indirect_dma source(%arg9 : memref<64x128xf32, #tpu.memory_space<vmem>>) target(%dma_start3A_203 : memref<10240x128xf32, #tpu.memory_space<vmem_shared>>) offsets(%dma_start3A_200 : memref<64xi32, #tpu.memory_space<vmem>>) semaphore(%run_scoped3A_197 : memref<!tpu.dma_semaphore, #tpu.memory_space<semaphore_mem>>) {add = true}
        %dma_wait3A_204 = arith.constant 0 : i32
        %dma_wait3A_205 = tpu.memref_slice %arg8[%run_scoped3A, %dma_wait3A_204] : memref<32x64xi32, #tpu.memory_space<vmem>> -> memref<1x64xi32, #tpu.memory_space<vmem>>
        %dma_wait3A_206 = tpu.memref_squeeze %dma_wait3A_205 : memref<1x64xi32, #tpu.memory_space<vmem>> -> memref<64xi32, #tpu.memory_space<vmem>>
        %dma_wait3A_207 = arith.constant 0 : i32
        %dma_wait3A_208 = arith.constant 0 : i32
        %dma_wait3A_209 = tpu.memref_slice %arg13[%dma_wait3A_207, %dma_wait3A_208] : memref<10240x128xf32, #tpu.memory_space<vmem_shared>> -> memref<10240x128xf32, #tpu.memory_space<vmem_shared>>
        tpu.wait_indirect_dma semaphore(%run_scoped3A_197 : memref<!tpu.dma_semaphore, #tpu.memory_space<semaphore_mem>>) src(%arg9 : memref<64x128xf32, #tpu.memory_space<vmem>>) dst(%dma_wait3A_209 : memref<10240x128xf32, #tpu.memory_space<vmem_shared>>)
        tpu.yield
      }) : () -> ()
      %dma_wait3A_173 = arith.constant 29 : i32
      %dma_wait3A_174 = arith.constant 0 : i32
      %dma_wait3A_175 = tpu.memref_slice %arg7[%dma_wait3A_173, %dma_wait3A_174] : memref<32x64xi32, #tpu.memory_space<vmem>> -> memref<1x64xi32, #tpu.memory_space<vmem>>
      %dma_wait3A_176 = tpu.memref_squeeze %dma_wait3A_175 : memref<1x64xi32, #tpu.memory_space<vmem>> -> memref<64xi32, #tpu.memory_space<vmem>>
      %dma_wait3A_177 = arith.constant 0 : i32
      %dma_wait3A_178 = arith.constant 0 : i32
      %dma_wait3A_179 = tpu.memref_slice %arg2[%dma_wait3A_177, %dma_wait3A_178] : memref<10000x128xf32, #tpu.memory_space<hbm>> -> memref<10000x128xf32, #tpu.memory_space<hbm>>
      tpu.wait_indirect_dma semaphore(%arg15 : memref<!tpu.dma_semaphore, #tpu.memory_space<semaphore_mem>>) src(%dma_wait3A_179 : memref<10000x128xf32, #tpu.memory_space<hbm>>) dst(%arg10 : memref<64x128xf32, #tpu.memory_space<vmem>>)
      %run_scoped3A_180 = arith.constant 29 : i32
      "tpu.region"() ({
        %run_scoped3A_197 = tpu.sem_alloc : memref<!tpu.dma_semaphore, #tpu.memory_space<semaphore_mem>>
        %dma_start3A_198 = arith.constant 0 : i32
        %dma_start3A_199 = tpu.memref_slice %arg8[%run_scoped3A_180, %dma_start3A_198] : memref<32x64xi32, #tpu.memory_space<vmem>> -> memref<1x64xi32, #tpu.memory_space<vmem>>
        %dma_start3A_200 = tpu.memref_squeeze %dma_start3A_199 : memref<1x64xi32, #tpu.memory_space<vmem>> -> memref<64xi32, #tpu.memory_space<vmem>>
        %dma_start3A_201 = arith.constant 0 : i32
        %dma_start3A_202 = arith.constant 0 : i32
        %dma_start3A_203 = tpu.memref_slice %arg13[%dma_start3A_201, %dma_start3A_202] : memref<10240x128xf32, #tpu.memory_space<vmem_shared>> -> memref<10240x128xf32, #tpu.memory_space<vmem_shared>>
        tpu.enqueue_indirect_dma source(%arg10 : memref<64x128xf32, #tpu.memory_space<vmem>>) target(%dma_start3A_203 : memref<10240x128xf32, #tpu.memory_space<vmem_shared>>) offsets(%dma_start3A_200 : memref<64xi32, #tpu.memory_space<vmem>>) semaphore(%run_scoped3A_197 : memref<!tpu.dma_semaphore, #tpu.memory_space<semaphore_mem>>) {add = true}
        %dma_wait3A_204 = arith.constant 0 : i32
        %dma_wait3A_205 = tpu.memref_slice %arg8[%run_scoped3A_180, %dma_wait3A_204] : memref<32x64xi32, #tpu.memory_space<vmem>> -> memref<1x64xi32, #tpu.memory_space<vmem>>
        %dma_wait3A_206 = tpu.memref_squeeze %dma_wait3A_205 : memref<1x64xi32, #tpu.memory_space<vmem>> -> memref<64xi32, #tpu.memory_space<vmem>>
        %dma_wait3A_207 = arith.constant 0 : i32
        %dma_wait3A_208 = arith.constant 0 : i32
        %dma_wait3A_209 = tpu.memref_slice %arg13[%dma_wait3A_207, %dma_wait3A_208] : memref<10240x128xf32, #tpu.memory_space<vmem_shared>> -> memref<10240x128xf32, #tpu.memory_space<vmem_shared>>
        tpu.wait_indirect_dma semaphore(%run_scoped3A_197 : memref<!tpu.dma_semaphore, #tpu.memory_space<semaphore_mem>>) src(%arg10 : memref<64x128xf32, #tpu.memory_space<vmem>>) dst(%dma_wait3A_209 : memref<10240x128xf32, #tpu.memory_space<vmem_shared>>)
        tpu.yield
      }) : () -> ()
      %dma_wait3A_181 = arith.constant 30 : i32
      %dma_wait3A_182 = arith.constant 0 : i32
      %dma_wait3A_183 = tpu.memref_slice %arg7[%dma_wait3A_181, %dma_wait3A_182] : memref<32x64xi32, #tpu.memory_space<vmem>> -> memref<1x64xi32, #tpu.memory_space<vmem>>
      %dma_wait3A_184 = tpu.memref_squeeze %dma_wait3A_183 : memref<1x64xi32, #tpu.memory_space<vmem>> -> memref<64xi32, #tpu.memory_space<vmem>>
      %dma_wait3A_185 = arith.constant 0 : i32
      %dma_wait3A_186 = arith.constant 0 : i32
      %dma_wait3A_187 = tpu.memref_slice %arg2[%dma_wait3A_185, %dma_wait3A_186] : memref<10000x128xf32, #tpu.memory_space<hbm>> -> memref<10000x128xf32, #tpu.memory_space<hbm>>
      tpu.wait_indirect_dma semaphore(%arg16 : memref<!tpu.dma_semaphore, #tpu.memory_space<semaphore_mem>>) src(%dma_wait3A_187 : memref<10000x128xf32, #tpu.memory_space<hbm>>) dst(%arg11 : memref<64x128xf32, #tpu.memory_space<vmem>>)
      %run_scoped3A_188 = arith.constant 30 : i32
      "tpu.region"() ({
        %run_scoped3A_197 = tpu.sem_alloc : memref<!tpu.dma_semaphore, #tpu.memory_space<semaphore_mem>>
        %dma_start3A_198 = arith.constant 0 : i32
        %dma_start3A_199 = tpu.memref_slice %arg8[%run_scoped3A_188, %dma_start3A_198] : memref<32x64xi32, #tpu.memory_space<vmem>> -> memref<1x64xi32, #tpu.memory_space<vmem>>
        %dma_start3A_200 = tpu.memref_squeeze %dma_start3A_199 : memref<1x64xi32, #tpu.memory_space<vmem>> -> memref<64xi32, #tpu.memory_space<vmem>>
        %dma_start3A_201 = arith.constant 0 : i32
        %dma_start3A_202 = arith.constant 0 : i32
        %dma_start3A_203 = tpu.memref_slice %arg13[%dma_start3A_201, %dma_start3A_202] : memref<10240x128xf32, #tpu.memory_space<vmem_shared>> -> memref<10240x128xf32, #tpu.memory_space<vmem_shared>>
        tpu.enqueue_indirect_dma source(%arg11 : memref<64x128xf32, #tpu.memory_space<vmem>>) target(%dma_start3A_203 : memref<10240x128xf32, #tpu.memory_space<vmem_shared>>) offsets(%dma_start3A_200 : memref<64xi32, #tpu.memory_space<vmem>>) semaphore(%run_scoped3A_197 : memref<!tpu.dma_semaphore, #tpu.memory_space<semaphore_mem>>) {add = true}
        %dma_wait3A_204 = arith.constant 0 : i32
        %dma_wait3A_205 = tpu.memref_slice %arg8[%run_scoped3A_188, %dma_wait3A_204] : memref<32x64xi32, #tpu.memory_space<vmem>> -> memref<1x64xi32, #tpu.memory_space<vmem>>
        %dma_wait3A_206 = tpu.memref_squeeze %dma_wait3A_205 : memref<1x64xi32, #tpu.memory_space<vmem>> -> memref<64xi32, #tpu.memory_space<vmem>>
        %dma_wait3A_207 = arith.constant 0 : i32
        %dma_wait3A_208 = arith.constant 0 : i32
        %dma_wait3A_209 = tpu.memref_slice %arg13[%dma_wait3A_207, %dma_wait3A_208] : memref<10240x128xf32, #tpu.memory_space<vmem_shared>> -> memref<10240x128xf32, #tpu.memory_space<vmem_shared>>
        tpu.wait_indirect_dma semaphore(%run_scoped3A_197 : memref<!tpu.dma_semaphore, #tpu.memory_space<semaphore_mem>>) src(%arg11 : memref<64x128xf32, #tpu.memory_space<vmem>>) dst(%dma_wait3A_209 : memref<10240x128xf32, #tpu.memory_space<vmem_shared>>)
        tpu.yield
      }) : () -> ()
      %dma_wait3A_189 = arith.constant 31 : i32
      %dma_wait3A_190 = arith.constant 0 : i32
      %dma_wait3A_191 = tpu.memref_slice %arg7[%dma_wait3A_189, %dma_wait3A_190] : memref<32x64xi32, #tpu.memory_space<vmem>> -> memref<1x64xi32, #tpu.memory_space<vmem>>
      %dma_wait3A_192 = tpu.memref_squeeze %dma_wait3A_191 : memref<1x64xi32, #tpu.memory_space<vmem>> -> memref<64xi32, #tpu.memory_space<vmem>>
      %dma_wait3A_193 = arith.constant 0 : i32
      %dma_wait3A_194 = arith.constant 0 : i32
      %dma_wait3A_195 = tpu.memref_slice %arg2[%dma_wait3A_193, %dma_wait3A_194] : memref<10000x128xf32, #tpu.memory_space<hbm>> -> memref<10000x128xf32, #tpu.memory_space<hbm>>
      tpu.wait_indirect_dma semaphore(%arg17 : memref<!tpu.dma_semaphore, #tpu.memory_space<semaphore_mem>>) src(%dma_wait3A_195 : memref<10000x128xf32, #tpu.memory_space<hbm>>) dst(%arg12 : memref<64x128xf32, #tpu.memory_space<vmem>>)
      %run_scoped3A_196 = arith.constant 31 : i32
      "tpu.region"() ({
        %run_scoped3A_197 = tpu.sem_alloc : memref<!tpu.dma_semaphore, #tpu.memory_space<semaphore_mem>>
        %dma_start3A_198 = arith.constant 0 : i32
        %dma_start3A_199 = tpu.memref_slice %arg8[%run_scoped3A_196, %dma_start3A_198] : memref<32x64xi32, #tpu.memory_space<vmem>> -> memref<1x64xi32, #tpu.memory_space<vmem>>
        %dma_start3A_200 = tpu.memref_squeeze %dma_start3A_199 : memref<1x64xi32, #tpu.memory_space<vmem>> -> memref<64xi32, #tpu.memory_space<vmem>>
        %dma_start3A_201 = arith.constant 0 : i32
        %dma_start3A_202 = arith.constant 0 : i32
        %dma_start3A_203 = tpu.memref_slice %arg13[%dma_start3A_201, %dma_start3A_202] : memref<10240x128xf32, #tpu.memory_space<vmem_shared>> -> memref<10240x128xf32, #tpu.memory_space<vmem_shared>>
        tpu.enqueue_indirect_dma source(%arg12 : memref<64x128xf32, #tpu.memory_space<vmem>>) target(%dma_start3A_203 : memref<10240x128xf32, #tpu.memory_space<vmem_shared>>) offsets(%dma_start3A_200 : memref<64xi32, #tpu.memory_space<vmem>>) semaphore(%run_scoped3A_197 : memref<!tpu.dma_semaphore, #tpu.memory_space<semaphore_mem>>) {add = true}
        %dma_wait3A_204 = arith.constant 0 : i32
        %dma_wait3A_205 = tpu.memref_slice %arg8[%run_scoped3A_196, %dma_wait3A_204] : memref<32x64xi32, #tpu.memory_space<vmem>> -> memref<1x64xi32, #tpu.memory_space<vmem>>
        %dma_wait3A_206 = tpu.memref_squeeze %dma_wait3A_205 : memref<1x64xi32, #tpu.memory_space<vmem>> -> memref<64xi32, #tpu.memory_space<vmem>>
        %dma_wait3A_207 = arith.constant 0 : i32
        %dma_wait3A_208 = arith.constant 0 : i32
        %dma_wait3A_209 = tpu.memref_slice %arg13[%dma_wait3A_207, %dma_wait3A_208] : memref<10240x128xf32, #tpu.memory_space<vmem_shared>> -> memref<10240x128xf32, #tpu.memory_space<vmem_shared>>
        tpu.wait_indirect_dma semaphore(%run_scoped3A_197 : memref<!tpu.dma_semaphore, #tpu.memory_space<semaphore_mem>>) src(%arg12 : memref<64x128xf32, #tpu.memory_space<vmem>>) dst(%dma_wait3A_209 : memref<10240x128xf32, #tpu.memory_space<vmem_shared>>)
        tpu.yield
      }) : () -> ()
    }
    %scan3A_44 = arith.constant 5 : i32
    %barrier3A_45 = arith.constant 0 : index
    tpu.barrier barrier_id(%barrier3A_45)
    %mul3A_46 = arith.constant 640 : i32
    %mul3A_47 = arith.muli %arg1, %mul3A_46 : i32
    %add3A_48 = arith.constant 0 : i32
    %add3A_49 = arith.addi %mul3A_47, %add3A_48 : i32
    "tpu.region"() ({
      %run_scoped3A = tpu.sem_alloc : memref<!tpu.dma_semaphore, #tpu.memory_space<semaphore_mem>>
      %dma_start3A = arith.constant 0 : i32
      %dma_start3A_126 = tpu.memref_slice %arg13[%add3A_49, %dma_start3A] : memref<10240x128xf32, #tpu.memory_space<vmem_shared>> -> memref<64x128xf32, #tpu.memory_space<vmem_shared>>
      %dma_start3A_127 = arith.constant 0 : i32
      %dma_start3A_128 = tpu.memref_slice %arg13[%add3A_49, %dma_start3A_127] : memref<10240x128xf32, #tpu.memory_space<vmem_shared>> -> memref<64x128xf32, #tpu.memory_space<vmem_shared>>
      tpu.enqueue_dma source(%dma_start3A_128 : memref<64x128xf32, #tpu.memory_space<vmem_shared>>) target(%arg9 : memref<64x128xf32, #tpu.memory_space<vmem>>) target_semaphore(%run_scoped3A : memref<!tpu.dma_semaphore, #tpu.memory_space<semaphore_mem>>)
      %dma_wait3A = arith.constant 0 : i32
      %dma_wait3A_129 = tpu.memref_slice %arg13[%add3A_49, %dma_wait3A] : memref<10240x128xf32, #tpu.memory_space<vmem_shared>> -> memref<64x128xf32, #tpu.memory_space<vmem_shared>>
      %dma_wait3A_130 = arith.constant 0 : i32
      %dma_wait3A_131 = tpu.memref_slice %arg13[%add3A_49, %dma_wait3A_130] : memref<10240x128xf32, #tpu.memory_space<vmem_shared>> -> memref<64x128xf32, #tpu.memory_space<vmem_shared>>
      tpu.wait_dma2 semaphore(%run_scoped3A : memref<!tpu.dma_semaphore, #tpu.memory_space<semaphore_mem>>) src(%dma_wait3A_131 : memref<64x128xf32, #tpu.memory_space<vmem_shared>>) dst(%arg9 : memref<64x128xf32, #tpu.memory_space<vmem>>)
      tpu.yield
    }) : () -> ()
    %mul3A_50 = arith.constant 640 : i32
    %mul3A_51 = arith.muli %arg1, %mul3A_50 : i32
    %add3A_52 = arith.constant 0 : i32
    %add3A_53 = arith.addi %mul3A_51, %add3A_52 : i32
    "tpu.region"() ({
      %run_scoped3A = tpu.sem_alloc : memref<!tpu.dma_semaphore, #tpu.memory_space<semaphore_mem>>
      %dma_start3A = arith.constant 0 : i32
      %dma_start3A_126 = tpu.memref_slice %arg6[%arg0, %add3A_53, %dma_start3A] : memref<2x10240x128xf32, #tpu.memory_space<hbm>> -> memref<1x64x128xf32, #tpu.memory_space<hbm>>
      %dma_start3A_127 = tpu.memref_squeeze %dma_start3A_126 : memref<1x64x128xf32, #tpu.memory_space<hbm>> -> memref<64x128xf32, #tpu.memory_space<hbm>>
      %dma_start3A_128 = arith.constant 0 : i32
      %dma_start3A_129 = tpu.memref_slice %arg6[%arg0, %add3A_53, %dma_start3A_128] : memref<2x10240x128xf32, #tpu.memory_space<hbm>> -> memref<1x64x128xf32, #tpu.memory_space<hbm>>
      %dma_start3A_130 = tpu.memref_squeeze %dma_start3A_129 : memref<1x64x128xf32, #tpu.memory_space<hbm>> -> memref<64x128xf32, #tpu.memory_space<hbm>>
      tpu.enqueue_dma source(%arg9 : memref<64x128xf32, #tpu.memory_space<vmem>>) target(%dma_start3A_130 : memref<64x128xf32, #tpu.memory_space<hbm>>) target_semaphore(%run_scoped3A : memref<!tpu.dma_semaphore, #tpu.memory_space<semaphore_mem>>)
      %dma_wait3A = arith.constant 0 : i32
      %dma_wait3A_131 = tpu.memref_slice %arg6[%arg0, %add3A_53, %dma_wait3A] : memref<2x10240x128xf32, #tpu.memory_space<hbm>> -> memref<1x64x128xf32, #tpu.memory_space<hbm>>
      %dma_wait3A_132 = tpu.memref_squeeze %dma_wait3A_131 : memref<1x64x128xf32, #tpu.memory_space<hbm>> -> memref<64x128xf32, #tpu.memory_space<hbm>>
      %dma_wait3A_133 = arith.constant 0 : i32
      %dma_wait3A_134 = tpu.memref_slice %arg6[%arg0, %add3A_53, %dma_wait3A_133] : memref<2x10240x128xf32, #tpu.memory_space<hbm>> -> memref<1x64x128xf32, #tpu.memory_space<hbm>>
      %dma_wait3A_135 = tpu.memref_squeeze %dma_wait3A_134 : memref<1x64x128xf32, #tpu.memory_space<hbm>> -> memref<64x128xf32, #tpu.memory_space<hbm>>
      tpu.wait_dma2 semaphore(%run_scoped3A : memref<!tpu.dma_semaphore, #tpu.memory_space<semaphore_mem>>) src(%arg9 : memref<64x128xf32, #tpu.memory_space<vmem>>) dst(%dma_wait3A_135 : memref<64x128xf32, #tpu.memory_space<hbm>>)
      tpu.yield
    }) : () -> ()
    %mul3A_54 = arith.constant 640 : i32
    %mul3A_55 = arith.muli %arg1, %mul3A_54 : i32
    %add3A_56 = arith.constant 64 : i32
    %add3A_57 = arith.addi %mul3A_55, %add3A_56 : i32
    "tpu.region"() ({
      %run_scoped3A = tpu.sem_alloc : memref<!tpu.dma_semaphore, #tpu.memory_space<semaphore_mem>>
      %dma_start3A = arith.constant 0 : i32
      %dma_start3A_126 = tpu.memref_slice %arg13[%add3A_57, %dma_start3A] : memref<10240x128xf32, #tpu.memory_space<vmem_shared>> -> memref<64x128xf32, #tpu.memory_space<vmem_shared>>
      %dma_start3A_127 = arith.constant 0 : i32
      %dma_start3A_128 = tpu.memref_slice %arg13[%add3A_57, %dma_start3A_127] : memref<10240x128xf32, #tpu.memory_space<vmem_shared>> -> memref<64x128xf32, #tpu.memory_space<vmem_shared>>
      tpu.enqueue_dma source(%dma_start3A_128 : memref<64x128xf32, #tpu.memory_space<vmem_shared>>) target(%arg9 : memref<64x128xf32, #tpu.memory_space<vmem>>) target_semaphore(%run_scoped3A : memref<!tpu.dma_semaphore, #tpu.memory_space<semaphore_mem>>)
      %dma_wait3A = arith.constant 0 : i32
      %dma_wait3A_129 = tpu.memref_slice %arg13[%add3A_57, %dma_wait3A] : memref<10240x128xf32, #tpu.memory_space<vmem_shared>> -> memref<64x128xf32, #tpu.memory_space<vmem_shared>>
      %dma_wait3A_130 = arith.constant 0 : i32
      %dma_wait3A_131 = tpu.memref_slice %arg13[%add3A_57, %dma_wait3A_130] : memref<10240x128xf32, #tpu.memory_space<vmem_shared>> -> memref<64x128xf32, #tpu.memory_space<vmem_shared>>
      tpu.wait_dma2 semaphore(%run_scoped3A : memref<!tpu.dma_semaphore, #tpu.memory_space<semaphore_mem>>) src(%dma_wait3A_131 : memref<64x128xf32, #tpu.memory_space<vmem_shared>>) dst(%arg9 : memref<64x128xf32, #tpu.memory_space<vmem>>)
      tpu.yield
    }) : () -> ()
    %mul3A_58 = arith.constant 640 : i32
    %mul3A_59 = arith.muli %arg1, %mul3A_58 : i32
    %add3A_60 = arith.constant 64 : i32
    %add3A_61 = arith.addi %mul3A_59, %add3A_60 : i32
    "tpu.region"() ({
      %run_scoped3A = tpu.sem_alloc : memref<!tpu.dma_semaphore, #tpu.memory_space<semaphore_mem>>
      %dma_start3A = arith.constant 0 : i32
      %dma_start3A_126 = tpu.memref_slice %arg6[%arg0, %add3A_61, %dma_start3A] : memref<2x10240x128xf32, #tpu.memory_space<hbm>> -> memref<1x64x128xf32, #tpu.memory_space<hbm>>
      %dma_start3A_127 = tpu.memref_squeeze %dma_start3A_126 : memref<1x64x128xf32, #tpu.memory_space<hbm>> -> memref<64x128xf32, #tpu.memory_space<hbm>>
      %dma_start3A_128 = arith.constant 0 : i32
      %dma_start3A_129 = tpu.memref_slice %arg6[%arg0, %add3A_61, %dma_start3A_128] : memref<2x10240x128xf32, #tpu.memory_space<hbm>> -> memref<1x64x128xf32, #tpu.memory_space<hbm>>
      %dma_start3A_130 = tpu.memref_squeeze %dma_start3A_129 : memref<1x64x128xf32, #tpu.memory_space<hbm>> -> memref<64x128xf32, #tpu.memory_space<hbm>>
      tpu.enqueue_dma source(%arg9 : memref<64x128xf32, #tpu.memory_space<vmem>>) target(%dma_start3A_130 : memref<64x128xf32, #tpu.memory_space<hbm>>) target_semaphore(%run_scoped3A : memref<!tpu.dma_semaphore, #tpu.memory_space<semaphore_mem>>)
      %dma_wait3A = arith.constant 0 : i32
      %dma_wait3A_131 = tpu.memref_slice %arg6[%arg0, %add3A_61, %dma_wait3A] : memref<2x10240x128xf32, #tpu.memory_space<hbm>> -> memref<1x64x128xf32, #tpu.memory_space<hbm>>
      %dma_wait3A_132 = tpu.memref_squeeze %dma_wait3A_131 : memref<1x64x128xf32, #tpu.memory_space<hbm>> -> memref<64x128xf32, #tpu.memory_space<hbm>>
      %dma_wait3A_133 = arith.constant 0 : i32
      %dma_wait3A_134 = tpu.memref_slice %arg6[%arg0, %add3A_61, %dma_wait3A_133] : memref<2x10240x128xf32, #tpu.memory_space<hbm>> -> memref<1x64x128xf32, #tpu.memory_space<hbm>>
      %dma_wait3A_135 = tpu.memref_squeeze %dma_wait3A_134 : memref<1x64x128xf32, #tpu.memory_space<hbm>> -> memref<64x128xf32, #tpu.memory_space<hbm>>
      tpu.wait_dma2 semaphore(%run_scoped3A : memref<!tpu.dma_semaphore, #tpu.memory_space<semaphore_mem>>) src(%arg9 : memref<64x128xf32, #tpu.memory_space<vmem>>) dst(%dma_wait3A_135 : memref<64x128xf32, #tpu.memory_space<hbm>>)
      tpu.yield
    }) : () -> ()
    %mul3A_62 = arith.constant 640 : i32
    %mul3A_63 = arith.muli %arg1, %mul3A_62 : i32
    %add3A_64 = arith.constant 128 : i32
    %add3A_65 = arith.addi %mul3A_63, %add3A_64 : i32
    "tpu.region"() ({
      %run_scoped3A = tpu.sem_alloc : memref<!tpu.dma_semaphore, #tpu.memory_space<semaphore_mem>>
      %dma_start3A = arith.constant 0 : i32
      %dma_start3A_126 = tpu.memref_slice %arg13[%add3A_65, %dma_start3A] : memref<10240x128xf32, #tpu.memory_space<vmem_shared>> -> memref<64x128xf32, #tpu.memory_space<vmem_shared>>
      %dma_start3A_127 = arith.constant 0 : i32
      %dma_start3A_128 = tpu.memref_slice %arg13[%add3A_65, %dma_start3A_127] : memref<10240x128xf32, #tpu.memory_space<vmem_shared>> -> memref<64x128xf32, #tpu.memory_space<vmem_shared>>
      tpu.enqueue_dma source(%dma_start3A_128 : memref<64x128xf32, #tpu.memory_space<vmem_shared>>) target(%arg9 : memref<64x128xf32, #tpu.memory_space<vmem>>) target_semaphore(%run_scoped3A : memref<!tpu.dma_semaphore, #tpu.memory_space<semaphore_mem>>)
      %dma_wait3A = arith.constant 0 : i32
      %dma_wait3A_129 = tpu.memref_slice %arg13[%add3A_65, %dma_wait3A] : memref<10240x128xf32, #tpu.memory_space<vmem_shared>> -> memref<64x128xf32, #tpu.memory_space<vmem_shared>>
      %dma_wait3A_130 = arith.constant 0 : i32
      %dma_wait3A_131 = tpu.memref_slice %arg13[%add3A_65, %dma_wait3A_130] : memref<10240x128xf32, #tpu.memory_space<vmem_shared>> -> memref<64x128xf32, #tpu.memory_space<vmem_shared>>
      tpu.wait_dma2 semaphore(%run_scoped3A : memref<!tpu.dma_semaphore, #tpu.memory_space<semaphore_mem>>) src(%dma_wait3A_131 : memref<64x128xf32, #tpu.memory_space<vmem_shared>>) dst(%arg9 : memref<64x128xf32, #tpu.memory_space<vmem>>)
      tpu.yield
    }) : () -> ()
    %mul3A_66 = arith.constant 640 : i32
    %mul3A_67 = arith.muli %arg1, %mul3A_66 : i32
    %add3A_68 = arith.constant 128 : i32
    %add3A_69 = arith.addi %mul3A_67, %add3A_68 : i32
    "tpu.region"() ({
      %run_scoped3A = tpu.sem_alloc : memref<!tpu.dma_semaphore, #tpu.memory_space<semaphore_mem>>
      %dma_start3A = arith.constant 0 : i32
      %dma_start3A_126 = tpu.memref_slice %arg6[%arg0, %add3A_69, %dma_start3A] : memref<2x10240x128xf32, #tpu.memory_space<hbm>> -> memref<1x64x128xf32, #tpu.memory_space<hbm>>
      %dma_start3A_127 = tpu.memref_squeeze %dma_start3A_126 : memref<1x64x128xf32, #tpu.memory_space<hbm>> -> memref<64x128xf32, #tpu.memory_space<hbm>>
      %dma_start3A_128 = arith.constant 0 : i32
      %dma_start3A_129 = tpu.memref_slice %arg6[%arg0, %add3A_69, %dma_start3A_128] : memref<2x10240x128xf32, #tpu.memory_space<hbm>> -> memref<1x64x128xf32, #tpu.memory_space<hbm>>
      %dma_start3A_130 = tpu.memref_squeeze %dma_start3A_129 : memref<1x64x128xf32, #tpu.memory_space<hbm>> -> memref<64x128xf32, #tpu.memory_space<hbm>>
      tpu.enqueue_dma source(%arg9 : memref<64x128xf32, #tpu.memory_space<vmem>>) target(%dma_start3A_130 : memref<64x128xf32, #tpu.memory_space<hbm>>) target_semaphore(%run_scoped3A : memref<!tpu.dma_semaphore, #tpu.memory_space<semaphore_mem>>)
      %dma_wait3A = arith.constant 0 : i32
      %dma_wait3A_131 = tpu.memref_slice %arg6[%arg0, %add3A_69, %dma_wait3A] : memref<2x10240x128xf32, #tpu.memory_space<hbm>> -> memref<1x64x128xf32, #tpu.memory_space<hbm>>
      %dma_wait3A_132 = tpu.memref_squeeze %dma_wait3A_131 : memref<1x64x128xf32, #tpu.memory_space<hbm>> -> memref<64x128xf32, #tpu.memory_space<hbm>>
      %dma_wait3A_133 = arith.constant 0 : i32
      %dma_wait3A_134 = tpu.memref_slice %arg6[%arg0, %add3A_69, %dma_wait3A_133] : memref<2x10240x128xf32, #tpu.memory_space<hbm>> -> memref<1x64x128xf32, #tpu.memory_space<hbm>>
      %dma_wait3A_135 = tpu.memref_squeeze %dma_wait3A_134 : memref<1x64x128xf32, #tpu.memory_space<hbm>> -> memref<64x128xf32, #tpu.memory_space<hbm>>
      tpu.wait_dma2 semaphore(%run_scoped3A : memref<!tpu.dma_semaphore, #tpu.memory_space<semaphore_mem>>) src(%arg9 : memref<64x128xf32, #tpu.memory_space<vmem>>) dst(%dma_wait3A_135 : memref<64x128xf32, #tpu.memory_space<hbm>>)
      tpu.yield
    }) : () -> ()
    %mul3A_70 = arith.constant 640 : i32
    %mul3A_71 = arith.muli %arg1, %mul3A_70 : i32
    %add3A_72 = arith.constant 192 : i32
    %add3A_73 = arith.addi %mul3A_71, %add3A_72 : i32
    "tpu.region"() ({
      %run_scoped3A = tpu.sem_alloc : memref<!tpu.dma_semaphore, #tpu.memory_space<semaphore_mem>>
      %dma_start3A = arith.constant 0 : i32
      %dma_start3A_126 = tpu.memref_slice %arg13[%add3A_73, %dma_start3A] : memref<10240x128xf32, #tpu.memory_space<vmem_shared>> -> memref<64x128xf32, #tpu.memory_space<vmem_shared>>
      %dma_start3A_127 = arith.constant 0 : i32
      %dma_start3A_128 = tpu.memref_slice %arg13[%add3A_73, %dma_start3A_127] : memref<10240x128xf32, #tpu.memory_space<vmem_shared>> -> memref<64x128xf32, #tpu.memory_space<vmem_shared>>
      tpu.enqueue_dma source(%dma_start3A_128 : memref<64x128xf32, #tpu.memory_space<vmem_shared>>) target(%arg9 : memref<64x128xf32, #tpu.memory_space<vmem>>) target_semaphore(%run_scoped3A : memref<!tpu.dma_semaphore, #tpu.memory_space<semaphore_mem>>)
      %dma_wait3A = arith.constant 0 : i32
      %dma_wait3A_129 = tpu.memref_slice %arg13[%add3A_73, %dma_wait3A] : memref<10240x128xf32, #tpu.memory_space<vmem_shared>> -> memref<64x128xf32, #tpu.memory_space<vmem_shared>>
      %dma_wait3A_130 = arith.constant 0 : i32
      %dma_wait3A_131 = tpu.memref_slice %arg13[%add3A_73, %dma_wait3A_130] : memref<10240x128xf32, #tpu.memory_space<vmem_shared>> -> memref<64x128xf32, #tpu.memory_space<vmem_shared>>
      tpu.wait_dma2 semaphore(%run_scoped3A : memref<!tpu.dma_semaphore, #tpu.memory_space<semaphore_mem>>) src(%dma_wait3A_131 : memref<64x128xf32, #tpu.memory_space<vmem_shared>>) dst(%arg9 : memref<64x128xf32, #tpu.memory_space<vmem>>)
      tpu.yield
    }) : () -> ()
    %mul3A_74 = arith.constant 640 : i32
    %mul3A_75 = arith.muli %arg1, %mul3A_74 : i32
    %add3A_76 = arith.constant 192 : i32
    %add3A_77 = arith.addi %mul3A_75, %add3A_76 : i32
    "tpu.region"() ({
      %run_scoped3A = tpu.sem_alloc : memref<!tpu.dma_semaphore, #tpu.memory_space<semaphore_mem>>
      %dma_start3A = arith.constant 0 : i32
      %dma_start3A_126 = tpu.memref_slice %arg6[%arg0, %add3A_77, %dma_start3A] : memref<2x10240x128xf32, #tpu.memory_space<hbm>> -> memref<1x64x128xf32, #tpu.memory_space<hbm>>
      %dma_start3A_127 = tpu.memref_squeeze %dma_start3A_126 : memref<1x64x128xf32, #tpu.memory_space<hbm>> -> memref<64x128xf32, #tpu.memory_space<hbm>>
      %dma_start3A_128 = arith.constant 0 : i32
      %dma_start3A_129 = tpu.memref_slice %arg6[%arg0, %add3A_77, %dma_start3A_128] : memref<2x10240x128xf32, #tpu.memory_space<hbm>> -> memref<1x64x128xf32, #tpu.memory_space<hbm>>
      %dma_start3A_130 = tpu.memref_squeeze %dma_start3A_129 : memref<1x64x128xf32, #tpu.memory_space<hbm>> -> memref<64x128xf32, #tpu.memory_space<hbm>>
      tpu.enqueue_dma source(%arg9 : memref<64x128xf32, #tpu.memory_space<vmem>>) target(%dma_start3A_130 : memref<64x128xf32, #tpu.memory_space<hbm>>) target_semaphore(%run_scoped3A : memref<!tpu.dma_semaphore, #tpu.memory_space<semaphore_mem>>)
      %dma_wait3A = arith.constant 0 : i32
      %dma_wait3A_131 = tpu.memref_slice %arg6[%arg0, %add3A_77, %dma_wait3A] : memref<2x10240x128xf32, #tpu.memory_space<hbm>> -> memref<1x64x128xf32, #tpu.memory_space<hbm>>
      %dma_wait3A_132 = tpu.memref_squeeze %dma_wait3A_131 : memref<1x64x128xf32, #tpu.memory_space<hbm>> -> memref<64x128xf32, #tpu.memory_space<hbm>>
      %dma_wait3A_133 = arith.constant 0 : i32
      %dma_wait3A_134 = tpu.memref_slice %arg6[%arg0, %add3A_77, %dma_wait3A_133] : memref<2x10240x128xf32, #tpu.memory_space<hbm>> -> memref<1x64x128xf32, #tpu.memory_space<hbm>>
      %dma_wait3A_135 = tpu.memref_squeeze %dma_wait3A_134 : memref<1x64x128xf32, #tpu.memory_space<hbm>> -> memref<64x128xf32, #tpu.memory_space<hbm>>
      tpu.wait_dma2 semaphore(%run_scoped3A : memref<!tpu.dma_semaphore, #tpu.memory_space<semaphore_mem>>) src(%arg9 : memref<64x128xf32, #tpu.memory_space<vmem>>) dst(%dma_wait3A_135 : memref<64x128xf32, #tpu.memory_space<hbm>>)
      tpu.yield
    }) : () -> ()
    %mul3A_78 = arith.constant 640 : i32
    %mul3A_79 = arith.muli %arg1, %mul3A_78 : i32
    %add3A_80 = arith.constant 256 : i32
    %add3A_81 = arith.addi %mul3A_79, %add3A_80 : i32
    "tpu.region"() ({
      %run_scoped3A = tpu.sem_alloc : memref<!tpu.dma_semaphore, #tpu.memory_space<semaphore_mem>>
      %dma_start3A = arith.constant 0 : i32
      %dma_start3A_126 = tpu.memref_slice %arg13[%add3A_81, %dma_start3A] : memref<10240x128xf32, #tpu.memory_space<vmem_shared>> -> memref<64x128xf32, #tpu.memory_space<vmem_shared>>
      %dma_start3A_127 = arith.constant 0 : i32
      %dma_start3A_128 = tpu.memref_slice %arg13[%add3A_81, %dma_start3A_127] : memref<10240x128xf32, #tpu.memory_space<vmem_shared>> -> memref<64x128xf32, #tpu.memory_space<vmem_shared>>
      tpu.enqueue_dma source(%dma_start3A_128 : memref<64x128xf32, #tpu.memory_space<vmem_shared>>) target(%arg9 : memref<64x128xf32, #tpu.memory_space<vmem>>) target_semaphore(%run_scoped3A : memref<!tpu.dma_semaphore, #tpu.memory_space<semaphore_mem>>)
      %dma_wait3A = arith.constant 0 : i32
      %dma_wait3A_129 = tpu.memref_slice %arg13[%add3A_81, %dma_wait3A] : memref<10240x128xf32, #tpu.memory_space<vmem_shared>> -> memref<64x128xf32, #tpu.memory_space<vmem_shared>>
      %dma_wait3A_130 = arith.constant 0 : i32
      %dma_wait3A_131 = tpu.memref_slice %arg13[%add3A_81, %dma_wait3A_130] : memref<10240x128xf32, #tpu.memory_space<vmem_shared>> -> memref<64x128xf32, #tpu.memory_space<vmem_shared>>
      tpu.wait_dma2 semaphore(%run_scoped3A : memref<!tpu.dma_semaphore, #tpu.memory_space<semaphore_mem>>) src(%dma_wait3A_131 : memref<64x128xf32, #tpu.memory_space<vmem_shared>>) dst(%arg9 : memref<64x128xf32, #tpu.memory_space<vmem>>)
      tpu.yield
    }) : () -> ()
    %mul3A_82 = arith.constant 640 : i32
    %mul3A_83 = arith.muli %arg1, %mul3A_82 : i32
    %add3A_84 = arith.constant 256 : i32
    %add3A_85 = arith.addi %mul3A_83, %add3A_84 : i32
    "tpu.region"() ({
      %run_scoped3A = tpu.sem_alloc : memref<!tpu.dma_semaphore, #tpu.memory_space<semaphore_mem>>
      %dma_start3A = arith.constant 0 : i32
      %dma_start3A_126 = tpu.memref_slice %arg6[%arg0, %add3A_85, %dma_start3A] : memref<2x10240x128xf32, #tpu.memory_space<hbm>> -> memref<1x64x128xf32, #tpu.memory_space<hbm>>
      %dma_start3A_127 = tpu.memref_squeeze %dma_start3A_126 : memref<1x64x128xf32, #tpu.memory_space<hbm>> -> memref<64x128xf32, #tpu.memory_space<hbm>>
      %dma_start3A_128 = arith.constant 0 : i32
      %dma_start3A_129 = tpu.memref_slice %arg6[%arg0, %add3A_85, %dma_start3A_128] : memref<2x10240x128xf32, #tpu.memory_space<hbm>> -> memref<1x64x128xf32, #tpu.memory_space<hbm>>
      %dma_start3A_130 = tpu.memref_squeeze %dma_start3A_129 : memref<1x64x128xf32, #tpu.memory_space<hbm>> -> memref<64x128xf32, #tpu.memory_space<hbm>>
      tpu.enqueue_dma source(%arg9 : memref<64x128xf32, #tpu.memory_space<vmem>>) target(%dma_start3A_130 : memref<64x128xf32, #tpu.memory_space<hbm>>) target_semaphore(%run_scoped3A : memref<!tpu.dma_semaphore, #tpu.memory_space<semaphore_mem>>)
      %dma_wait3A = arith.constant 0 : i32
      %dma_wait3A_131 = tpu.memref_slice %arg6[%arg0, %add3A_85, %dma_wait3A] : memref<2x10240x128xf32, #tpu.memory_space<hbm>> -> memref<1x64x128xf32, #tpu.memory_space<hbm>>
      %dma_wait3A_132 = tpu.memref_squeeze %dma_wait3A_131 : memref<1x64x128xf32, #tpu.memory_space<hbm>> -> memref<64x128xf32, #tpu.memory_space<hbm>>
      %dma_wait3A_133 = arith.constant 0 : i32
      %dma_wait3A_134 = tpu.memref_slice %arg6[%arg0, %add3A_85, %dma_wait3A_133] : memref<2x10240x128xf32, #tpu.memory_space<hbm>> -> memref<1x64x128xf32, #tpu.memory_space<hbm>>
      %dma_wait3A_135 = tpu.memref_squeeze %dma_wait3A_134 : memref<1x64x128xf32, #tpu.memory_space<hbm>> -> memref<64x128xf32, #tpu.memory_space<hbm>>
      tpu.wait_dma2 semaphore(%run_scoped3A : memref<!tpu.dma_semaphore, #tpu.memory_space<semaphore_mem>>) src(%arg9 : memref<64x128xf32, #tpu.memory_space<vmem>>) dst(%dma_wait3A_135 : memref<64x128xf32, #tpu.memory_space<hbm>>)
      tpu.yield
    }) : () -> ()
    %mul3A_86 = arith.constant 640 : i32
    %mul3A_87 = arith.muli %arg1, %mul3A_86 : i32
    %add3A_88 = arith.constant 320 : i32
    %add3A_89 = arith.addi %mul3A_87, %add3A_88 : i32
    "tpu.region"() ({
      %run_scoped3A = tpu.sem_alloc : memref<!tpu.dma_semaphore, #tpu.memory_space<semaphore_mem>>
      %dma_start3A = arith.constant 0 : i32
      %dma_start3A_126 = tpu.memref_slice %arg13[%add3A_89, %dma_start3A] : memref<10240x128xf32, #tpu.memory_space<vmem_shared>> -> memref<64x128xf32, #tpu.memory_space<vmem_shared>>
      %dma_start3A_127 = arith.constant 0 : i32
      %dma_start3A_128 = tpu.memref_slice %arg13[%add3A_89, %dma_start3A_127] : memref<10240x128xf32, #tpu.memory_space<vmem_shared>> -> memref<64x128xf32, #tpu.memory_space<vmem_shared>>
      tpu.enqueue_dma source(%dma_start3A_128 : memref<64x128xf32, #tpu.memory_space<vmem_shared>>) target(%arg9 : memref<64x128xf32, #tpu.memory_space<vmem>>) target_semaphore(%run_scoped3A : memref<!tpu.dma_semaphore, #tpu.memory_space<semaphore_mem>>)
      %dma_wait3A = arith.constant 0 : i32
      %dma_wait3A_129 = tpu.memref_slice %arg13[%add3A_89, %dma_wait3A] : memref<10240x128xf32, #tpu.memory_space<vmem_shared>> -> memref<64x128xf32, #tpu.memory_space<vmem_shared>>
      %dma_wait3A_130 = arith.constant 0 : i32
      %dma_wait3A_131 = tpu.memref_slice %arg13[%add3A_89, %dma_wait3A_130] : memref<10240x128xf32, #tpu.memory_space<vmem_shared>> -> memref<64x128xf32, #tpu.memory_space<vmem_shared>>
      tpu.wait_dma2 semaphore(%run_scoped3A : memref<!tpu.dma_semaphore, #tpu.memory_space<semaphore_mem>>) src(%dma_wait3A_131 : memref<64x128xf32, #tpu.memory_space<vmem_shared>>) dst(%arg9 : memref<64x128xf32, #tpu.memory_space<vmem>>)
      tpu.yield
    }) : () -> ()
    %mul3A_90 = arith.constant 640 : i32
    %mul3A_91 = arith.muli %arg1, %mul3A_90 : i32
    %add3A_92 = arith.constant 320 : i32
    %add3A_93 = arith.addi %mul3A_91, %add3A_92 : i32
    "tpu.region"() ({
      %run_scoped3A = tpu.sem_alloc : memref<!tpu.dma_semaphore, #tpu.memory_space<semaphore_mem>>
      %dma_start3A = arith.constant 0 : i32
      %dma_start3A_126 = tpu.memref_slice %arg6[%arg0, %add3A_93, %dma_start3A] : memref<2x10240x128xf32, #tpu.memory_space<hbm>> -> memref<1x64x128xf32, #tpu.memory_space<hbm>>
      %dma_start3A_127 = tpu.memref_squeeze %dma_start3A_126 : memref<1x64x128xf32, #tpu.memory_space<hbm>> -> memref<64x128xf32, #tpu.memory_space<hbm>>
      %dma_start3A_128 = arith.constant 0 : i32
      %dma_start3A_129 = tpu.memref_slice %arg6[%arg0, %add3A_93, %dma_start3A_128] : memref<2x10240x128xf32, #tpu.memory_space<hbm>> -> memref<1x64x128xf32, #tpu.memory_space<hbm>>
      %dma_start3A_130 = tpu.memref_squeeze %dma_start3A_129 : memref<1x64x128xf32, #tpu.memory_space<hbm>> -> memref<64x128xf32, #tpu.memory_space<hbm>>
      tpu.enqueue_dma source(%arg9 : memref<64x128xf32, #tpu.memory_space<vmem>>) target(%dma_start3A_130 : memref<64x128xf32, #tpu.memory_space<hbm>>) target_semaphore(%run_scoped3A : memref<!tpu.dma_semaphore, #tpu.memory_space<semaphore_mem>>)
      %dma_wait3A = arith.constant 0 : i32
      %dma_wait3A_131 = tpu.memref_slice %arg6[%arg0, %add3A_93, %dma_wait3A] : memref<2x10240x128xf32, #tpu.memory_space<hbm>> -> memref<1x64x128xf32, #tpu.memory_space<hbm>>
      %dma_wait3A_132 = tpu.memref_squeeze %dma_wait3A_131 : memref<1x64x128xf32, #tpu.memory_space<hbm>> -> memref<64x128xf32, #tpu.memory_space<hbm>>
      %dma_wait3A_133 = arith.constant 0 : i32
      %dma_wait3A_134 = tpu.memref_slice %arg6[%arg0, %add3A_93, %dma_wait3A_133] : memref<2x10240x128xf32, #tpu.memory_space<hbm>> -> memref<1x64x128xf32, #tpu.memory_space<hbm>>
      %dma_wait3A_135 = tpu.memref_squeeze %dma_wait3A_134 : memref<1x64x128xf32, #tpu.memory_space<hbm>> -> memref<64x128xf32, #tpu.memory_space<hbm>>
      tpu.wait_dma2 semaphore(%run_scoped3A : memref<!tpu.dma_semaphore, #tpu.memory_space<semaphore_mem>>) src(%arg9 : memref<64x128xf32, #tpu.memory_space<vmem>>) dst(%dma_wait3A_135 : memref<64x128xf32, #tpu.memory_space<hbm>>)
      tpu.yield
    }) : () -> ()
    %mul3A_94 = arith.constant 640 : i32
    %mul3A_95 = arith.muli %arg1, %mul3A_94 : i32
    %add3A_96 = arith.constant 384 : i32
    %add3A_97 = arith.addi %mul3A_95, %add3A_96 : i32
    "tpu.region"() ({
      %run_scoped3A = tpu.sem_alloc : memref<!tpu.dma_semaphore, #tpu.memory_space<semaphore_mem>>
      %dma_start3A = arith.constant 0 : i32
      %dma_start3A_126 = tpu.memref_slice %arg13[%add3A_97, %dma_start3A] : memref<10240x128xf32, #tpu.memory_space<vmem_shared>> -> memref<64x128xf32, #tpu.memory_space<vmem_shared>>
      %dma_start3A_127 = arith.constant 0 : i32
      %dma_start3A_128 = tpu.memref_slice %arg13[%add3A_97, %dma_start3A_127] : memref<10240x128xf32, #tpu.memory_space<vmem_shared>> -> memref<64x128xf32, #tpu.memory_space<vmem_shared>>
      tpu.enqueue_dma source(%dma_start3A_128 : memref<64x128xf32, #tpu.memory_space<vmem_shared>>) target(%arg9 : memref<64x128xf32, #tpu.memory_space<vmem>>) target_semaphore(%run_scoped3A : memref<!tpu.dma_semaphore, #tpu.memory_space<semaphore_mem>>)
      %dma_wait3A = arith.constant 0 : i32
      %dma_wait3A_129 = tpu.memref_slice %arg13[%add3A_97, %dma_wait3A] : memref<10240x128xf32, #tpu.memory_space<vmem_shared>> -> memref<64x128xf32, #tpu.memory_space<vmem_shared>>
      %dma_wait3A_130 = arith.constant 0 : i32
      %dma_wait3A_131 = tpu.memref_slice %arg13[%add3A_97, %dma_wait3A_130] : memref<10240x128xf32, #tpu.memory_space<vmem_shared>> -> memref<64x128xf32, #tpu.memory_space<vmem_shared>>
      tpu.wait_dma2 semaphore(%run_scoped3A : memref<!tpu.dma_semaphore, #tpu.memory_space<semaphore_mem>>) src(%dma_wait3A_131 : memref<64x128xf32, #tpu.memory_space<vmem_shared>>) dst(%arg9 : memref<64x128xf32, #tpu.memory_space<vmem>>)
      tpu.yield
    }) : () -> ()
    %mul3A_98 = arith.constant 640 : i32
    %mul3A_99 = arith.muli %arg1, %mul3A_98 : i32
    %add3A_100 = arith.constant 384 : i32
    %add3A_101 = arith.addi %mul3A_99, %add3A_100 : i32
    "tpu.region"() ({
      %run_scoped3A = tpu.sem_alloc : memref<!tpu.dma_semaphore, #tpu.memory_space<semaphore_mem>>
      %dma_start3A = arith.constant 0 : i32
      %dma_start3A_126 = tpu.memref_slice %arg6[%arg0, %add3A_101, %dma_start3A] : memref<2x10240x128xf32, #tpu.memory_space<hbm>> -> memref<1x64x128xf32, #tpu.memory_space<hbm>>
      %dma_start3A_127 = tpu.memref_squeeze %dma_start3A_126 : memref<1x64x128xf32, #tpu.memory_space<hbm>> -> memref<64x128xf32, #tpu.memory_space<hbm>>
      %dma_start3A_128 = arith.constant 0 : i32
      %dma_start3A_129 = tpu.memref_slice %arg6[%arg0, %add3A_101, %dma_start3A_128] : memref<2x10240x128xf32, #tpu.memory_space<hbm>> -> memref<1x64x128xf32, #tpu.memory_space<hbm>>
      %dma_start3A_130 = tpu.memref_squeeze %dma_start3A_129 : memref<1x64x128xf32, #tpu.memory_space<hbm>> -> memref<64x128xf32, #tpu.memory_space<hbm>>
      tpu.enqueue_dma source(%arg9 : memref<64x128xf32, #tpu.memory_space<vmem>>) target(%dma_start3A_130 : memref<64x128xf32, #tpu.memory_space<hbm>>) target_semaphore(%run_scoped3A : memref<!tpu.dma_semaphore, #tpu.memory_space<semaphore_mem>>)
      %dma_wait3A = arith.constant 0 : i32
      %dma_wait3A_131 = tpu.memref_slice %arg6[%arg0, %add3A_101, %dma_wait3A] : memref<2x10240x128xf32, #tpu.memory_space<hbm>> -> memref<1x64x128xf32, #tpu.memory_space<hbm>>
      %dma_wait3A_132 = tpu.memref_squeeze %dma_wait3A_131 : memref<1x64x128xf32, #tpu.memory_space<hbm>> -> memref<64x128xf32, #tpu.memory_space<hbm>>
      %dma_wait3A_133 = arith.constant 0 : i32
      %dma_wait3A_134 = tpu.memref_slice %arg6[%arg0, %add3A_101, %dma_wait3A_133] : memref<2x10240x128xf32, #tpu.memory_space<hbm>> -> memref<1x64x128xf32, #tpu.memory_space<hbm>>
      %dma_wait3A_135 = tpu.memref_squeeze %dma_wait3A_134 : memref<1x64x128xf32, #tpu.memory_space<hbm>> -> memref<64x128xf32, #tpu.memory_space<hbm>>
      tpu.wait_dma2 semaphore(%run_scoped3A : memref<!tpu.dma_semaphore, #tpu.memory_space<semaphore_mem>>) src(%arg9 : memref<64x128xf32, #tpu.memory_space<vmem>>) dst(%dma_wait3A_135 : memref<64x128xf32, #tpu.memory_space<hbm>>)
      tpu.yield
    }) : () -> ()
    %mul3A_102 = arith.constant 640 : i32
    %mul3A_103 = arith.muli %arg1, %mul3A_102 : i32
    %add3A_104 = arith.constant 448 : i32
    %add3A_105 = arith.addi %mul3A_103, %add3A_104 : i32
    "tpu.region"() ({
      %run_scoped3A = tpu.sem_alloc : memref<!tpu.dma_semaphore, #tpu.memory_space<semaphore_mem>>
      %dma_start3A = arith.constant 0 : i32
      %dma_start3A_126 = tpu.memref_slice %arg13[%add3A_105, %dma_start3A] : memref<10240x128xf32, #tpu.memory_space<vmem_shared>> -> memref<64x128xf32, #tpu.memory_space<vmem_shared>>
      %dma_start3A_127 = arith.constant 0 : i32
      %dma_start3A_128 = tpu.memref_slice %arg13[%add3A_105, %dma_start3A_127] : memref<10240x128xf32, #tpu.memory_space<vmem_shared>> -> memref<64x128xf32, #tpu.memory_space<vmem_shared>>
      tpu.enqueue_dma source(%dma_start3A_128 : memref<64x128xf32, #tpu.memory_space<vmem_shared>>) target(%arg9 : memref<64x128xf32, #tpu.memory_space<vmem>>) target_semaphore(%run_scoped3A : memref<!tpu.dma_semaphore, #tpu.memory_space<semaphore_mem>>)
      %dma_wait3A = arith.constant 0 : i32
      %dma_wait3A_129 = tpu.memref_slice %arg13[%add3A_105, %dma_wait3A] : memref<10240x128xf32, #tpu.memory_space<vmem_shared>> -> memref<64x128xf32, #tpu.memory_space<vmem_shared>>
      %dma_wait3A_130 = arith.constant 0 : i32
      %dma_wait3A_131 = tpu.memref_slice %arg13[%add3A_105, %dma_wait3A_130] : memref<10240x128xf32, #tpu.memory_space<vmem_shared>> -> memref<64x128xf32, #tpu.memory_space<vmem_shared>>
      tpu.wait_dma2 semaphore(%run_scoped3A : memref<!tpu.dma_semaphore, #tpu.memory_space<semaphore_mem>>) src(%dma_wait3A_131 : memref<64x128xf32, #tpu.memory_space<vmem_shared>>) dst(%arg9 : memref<64x128xf32, #tpu.memory_space<vmem>>)
      tpu.yield
    }) : () -> ()
    %mul3A_106 = arith.constant 640 : i32
    %mul3A_107 = arith.muli %arg1, %mul3A_106 : i32
    %add3A_108 = arith.constant 448 : i32
    %add3A_109 = arith.addi %mul3A_107, %add3A_108 : i32
    "tpu.region"() ({
      %run_scoped3A = tpu.sem_alloc : memref<!tpu.dma_semaphore, #tpu.memory_space<semaphore_mem>>
      %dma_start3A = arith.constant 0 : i32
      %dma_start3A_126 = tpu.memref_slice %arg6[%arg0, %add3A_109, %dma_start3A] : memref<2x10240x128xf32, #tpu.memory_space<hbm>> -> memref<1x64x128xf32, #tpu.memory_space<hbm>>
      %dma_start3A_127 = tpu.memref_squeeze %dma_start3A_126 : memref<1x64x128xf32, #tpu.memory_space<hbm>> -> memref<64x128xf32, #tpu.memory_space<hbm>>
      %dma_start3A_128 = arith.constant 0 : i32
      %dma_start3A_129 = tpu.memref_slice %arg6[%arg0, %add3A_109, %dma_start3A_128] : memref<2x10240x128xf32, #tpu.memory_space<hbm>> -> memref<1x64x128xf32, #tpu.memory_space<hbm>>
      %dma_start3A_130 = tpu.memref_squeeze %dma_start3A_129 : memref<1x64x128xf32, #tpu.memory_space<hbm>> -> memref<64x128xf32, #tpu.memory_space<hbm>>
      tpu.enqueue_dma source(%arg9 : memref<64x128xf32, #tpu.memory_space<vmem>>) target(%dma_start3A_130 : memref<64x128xf32, #tpu.memory_space<hbm>>) target_semaphore(%run_scoped3A : memref<!tpu.dma_semaphore, #tpu.memory_space<semaphore_mem>>)
      %dma_wait3A = arith.constant 0 : i32
      %dma_wait3A_131 = tpu.memref_slice %arg6[%arg0, %add3A_109, %dma_wait3A] : memref<2x10240x128xf32, #tpu.memory_space<hbm>> -> memref<1x64x128xf32, #tpu.memory_space<hbm>>
      %dma_wait3A_132 = tpu.memref_squeeze %dma_wait3A_131 : memref<1x64x128xf32, #tpu.memory_space<hbm>> -> memref<64x128xf32, #tpu.memory_space<hbm>>
      %dma_wait3A_133 = arith.constant 0 : i32
      %dma_wait3A_134 = tpu.memref_slice %arg6[%arg0, %add3A_109, %dma_wait3A_133] : memref<2x10240x128xf32, #tpu.memory_space<hbm>> -> memref<1x64x128xf32, #tpu.memory_space<hbm>>
      %dma_wait3A_135 = tpu.memref_squeeze %dma_wait3A_134 : memref<1x64x128xf32, #tpu.memory_space<hbm>> -> memref<64x128xf32, #tpu.memory_space<hbm>>
      tpu.wait_dma2 semaphore(%run_scoped3A : memref<!tpu.dma_semaphore, #tpu.memory_space<semaphore_mem>>) src(%arg9 : memref<64x128xf32, #tpu.memory_space<vmem>>) dst(%dma_wait3A_135 : memref<64x128xf32, #tpu.memory_space<hbm>>)
      tpu.yield
    }) : () -> ()
    %mul3A_110 = arith.constant 640 : i32
    %mul3A_111 = arith.muli %arg1, %mul3A_110 : i32
    %add3A_112 = arith.constant 512 : i32
    %add3A_113 = arith.addi %mul3A_111, %add3A_112 : i32
    "tpu.region"() ({
      %run_scoped3A = tpu.sem_alloc : memref<!tpu.dma_semaphore, #tpu.memory_space<semaphore_mem>>
      %dma_start3A = arith.constant 0 : i32
      %dma_start3A_126 = tpu.memref_slice %arg13[%add3A_113, %dma_start3A] : memref<10240x128xf32, #tpu.memory_space<vmem_shared>> -> memref<64x128xf32, #tpu.memory_space<vmem_shared>>
      %dma_start3A_127 = arith.constant 0 : i32
      %dma_start3A_128 = tpu.memref_slice %arg13[%add3A_113, %dma_start3A_127] : memref<10240x128xf32, #tpu.memory_space<vmem_shared>> -> memref<64x128xf32, #tpu.memory_space<vmem_shared>>
      tpu.enqueue_dma source(%dma_start3A_128 : memref<64x128xf32, #tpu.memory_space<vmem_shared>>) target(%arg9 : memref<64x128xf32, #tpu.memory_space<vmem>>) target_semaphore(%run_scoped3A : memref<!tpu.dma_semaphore, #tpu.memory_space<semaphore_mem>>)
      %dma_wait3A = arith.constant 0 : i32
      %dma_wait3A_129 = tpu.memref_slice %arg13[%add3A_113, %dma_wait3A] : memref<10240x128xf32, #tpu.memory_space<vmem_shared>> -> memref<64x128xf32, #tpu.memory_space<vmem_shared>>
      %dma_wait3A_130 = arith.constant 0 : i32
      %dma_wait3A_131 = tpu.memref_slice %arg13[%add3A_113, %dma_wait3A_130] : memref<10240x128xf32, #tpu.memory_space<vmem_shared>> -> memref<64x128xf32, #tpu.memory_space<vmem_shared>>
      tpu.wait_dma2 semaphore(%run_scoped3A : memref<!tpu.dma_semaphore, #tpu.memory_space<semaphore_mem>>) src(%dma_wait3A_131 : memref<64x128xf32, #tpu.memory_space<vmem_shared>>) dst(%arg9 : memref<64x128xf32, #tpu.memory_space<vmem>>)
      tpu.yield
    }) : () -> ()
    %mul3A_114 = arith.constant 640 : i32
    %mul3A_115 = arith.muli %arg1, %mul3A_114 : i32
    %add3A_116 = arith.constant 512 : i32
    %add3A_117 = arith.addi %mul3A_115, %add3A_116 : i32
    "tpu.region"() ({
      %run_scoped3A = tpu.sem_alloc : memref<!tpu.dma_semaphore, #tpu.memory_space<semaphore_mem>>
      %dma_start3A = arith.constant 0 : i32
      %dma_start3A_126 = tpu.memref_slice %arg6[%arg0, %add3A_117, %dma_start3A] : memref<2x10240x128xf32, #tpu.memory_space<hbm>> -> memref<1x64x128xf32, #tpu.memory_space<hbm>>
      %dma_start3A_127 = tpu.memref_squeeze %dma_start3A_126 : memref<1x64x128xf32, #tpu.memory_space<hbm>> -> memref<64x128xf32, #tpu.memory_space<hbm>>
      %dma_start3A_128 = arith.constant 0 : i32
      %dma_start3A_129 = tpu.memref_slice %arg6[%arg0, %add3A_117, %dma_start3A_128] : memref<2x10240x128xf32, #tpu.memory_space<hbm>> -> memref<1x64x128xf32, #tpu.memory_space<hbm>>
      %dma_start3A_130 = tpu.memref_squeeze %dma_start3A_129 : memref<1x64x128xf32, #tpu.memory_space<hbm>> -> memref<64x128xf32, #tpu.memory_space<hbm>>
      tpu.enqueue_dma source(%arg9 : memref<64x128xf32, #tpu.memory_space<vmem>>) target(%dma_start3A_130 : memref<64x128xf32, #tpu.memory_space<hbm>>) target_semaphore(%run_scoped3A : memref<!tpu.dma_semaphore, #tpu.memory_space<semaphore_mem>>)
      %dma_wait3A = arith.constant 0 : i32
      %dma_wait3A_131 = tpu.memref_slice %arg6[%arg0, %add3A_117, %dma_wait3A] : memref<2x10240x128xf32, #tpu.memory_space<hbm>> -> memref<1x64x128xf32, #tpu.memory_space<hbm>>
      %dma_wait3A_132 = tpu.memref_squeeze %dma_wait3A_131 : memref<1x64x128xf32, #tpu.memory_space<hbm>> -> memref<64x128xf32, #tpu.memory_space<hbm>>
      %dma_wait3A_133 = arith.constant 0 : i32
      %dma_wait3A_134 = tpu.memref_slice %arg6[%arg0, %add3A_117, %dma_wait3A_133] : memref<2x10240x128xf32, #tpu.memory_space<hbm>> -> memref<1x64x128xf32, #tpu.memory_space<hbm>>
      %dma_wait3A_135 = tpu.memref_squeeze %dma_wait3A_134 : memref<1x64x128xf32, #tpu.memory_space<hbm>> -> memref<64x128xf32, #tpu.memory_space<hbm>>
      tpu.wait_dma2 semaphore(%run_scoped3A : memref<!tpu.dma_semaphore, #tpu.memory_space<semaphore_mem>>) src(%arg9 : memref<64x128xf32, #tpu.memory_space<vmem>>) dst(%dma_wait3A_135 : memref<64x128xf32, #tpu.memory_space<hbm>>)
      tpu.yield
    }) : () -> ()
    %mul3A_118 = arith.constant 640 : i32
    %mul3A_119 = arith.muli %arg1, %mul3A_118 : i32
    %add3A_120 = arith.constant 576 : i32
    %add3A_121 = arith.addi %mul3A_119, %add3A_120 : i32
    "tpu.region"() ({
      %run_scoped3A = tpu.sem_alloc : memref<!tpu.dma_semaphore, #tpu.memory_space<semaphore_mem>>
      %dma_start3A = arith.constant 0 : i32
      %dma_start3A_126 = tpu.memref_slice %arg13[%add3A_121, %dma_start3A] : memref<10240x128xf32, #tpu.memory_space<vmem_shared>> -> memref<64x128xf32, #tpu.memory_space<vmem_shared>>
      %dma_start3A_127 = arith.constant 0 : i32
      %dma_start3A_128 = tpu.memref_slice %arg13[%add3A_121, %dma_start3A_127] : memref<10240x128xf32, #tpu.memory_space<vmem_shared>> -> memref<64x128xf32, #tpu.memory_space<vmem_shared>>
      tpu.enqueue_dma source(%dma_start3A_128 : memref<64x128xf32, #tpu.memory_space<vmem_shared>>) target(%arg9 : memref<64x128xf32, #tpu.memory_space<vmem>>) target_semaphore(%run_scoped3A : memref<!tpu.dma_semaphore, #tpu.memory_space<semaphore_mem>>)
      %dma_wait3A = arith.constant 0 : i32
      %dma_wait3A_129 = tpu.memref_slice %arg13[%add3A_121, %dma_wait3A] : memref<10240x128xf32, #tpu.memory_space<vmem_shared>> -> memref<64x128xf32, #tpu.memory_space<vmem_shared>>
      %dma_wait3A_130 = arith.constant 0 : i32
      %dma_wait3A_131 = tpu.memref_slice %arg13[%add3A_121, %dma_wait3A_130] : memref<10240x128xf32, #tpu.memory_space<vmem_shared>> -> memref<64x128xf32, #tpu.memory_space<vmem_shared>>
      tpu.wait_dma2 semaphore(%run_scoped3A : memref<!tpu.dma_semaphore, #tpu.memory_space<semaphore_mem>>) src(%dma_wait3A_131 : memref<64x128xf32, #tpu.memory_space<vmem_shared>>) dst(%arg9 : memref<64x128xf32, #tpu.memory_space<vmem>>)
      tpu.yield
    }) : () -> ()
    %mul3A_122 = arith.constant 640 : i32
    %mul3A_123 = arith.muli %arg1, %mul3A_122 : i32
    %add3A_124 = arith.constant 576 : i32
    %add3A_125 = arith.addi %mul3A_123, %add3A_124 : i32
    "tpu.region"() ({
      %run_scoped3A = tpu.sem_alloc : memref<!tpu.dma_semaphore, #tpu.memory_space<semaphore_mem>>
      %dma_start3A = arith.constant 0 : i32
      %dma_start3A_126 = tpu.memref_slice %arg6[%arg0, %add3A_125, %dma_start3A] : memref<2x10240x128xf32, #tpu.memory_space<hbm>> -> memref<1x64x128xf32, #tpu.memory_space<hbm>>
      %dma_start3A_127 = tpu.memref_squeeze %dma_start3A_126 : memref<1x64x128xf32, #tpu.memory_space<hbm>> -> memref<64x128xf32, #tpu.memory_space<hbm>>
      %dma_start3A_128 = arith.constant 0 : i32
      %dma_start3A_129 = tpu.memref_slice %arg6[%arg0, %add3A_125, %dma_start3A_128] : memref<2x10240x128xf32, #tpu.memory_space<hbm>> -> memref<1x64x128xf32, #tpu.memory_space<hbm>>
      %dma_start3A_130 = tpu.memref_squeeze %dma_start3A_129 : memref<1x64x128xf32, #tpu.memory_space<hbm>> -> memref<64x128xf32, #tpu.memory_space<hbm>>
      tpu.enqueue_dma source(%arg9 : memref<64x128xf32, #tpu.memory_space<vmem>>) target(%dma_start3A_130 : memref<64x128xf32, #tpu.memory_space<hbm>>) target_semaphore(%run_scoped3A : memref<!tpu.dma_semaphore, #tpu.memory_space<semaphore_mem>>)
      %dma_wait3A = arith.constant 0 : i32
      %dma_wait3A_131 = tpu.memref_slice %arg6[%arg0, %add3A_125, %dma_wait3A] : memref<2x10240x128xf32, #tpu.memory_space<hbm>> -> memref<1x64x128xf32, #tpu.memory_space<hbm>>
      %dma_wait3A_132 = tpu.memref_squeeze %dma_wait3A_131 : memref<1x64x128xf32, #tpu.memory_space<hbm>> -> memref<64x128xf32, #tpu.memory_space<hbm>>
      %dma_wait3A_133 = arith.constant 0 : i32
      %dma_wait3A_134 = tpu.memref_slice %arg6[%arg0, %add3A_125, %dma_wait3A_133] : memref<2x10240x128xf32, #tpu.memory_space<hbm>> -> memref<1x64x128xf32, #tpu.memory_space<hbm>>
      %dma_wait3A_135 = tpu.memref_squeeze %dma_wait3A_134 : memref<1x64x128xf32, #tpu.memory_space<hbm>> -> memref<64x128xf32, #tpu.memory_space<hbm>>
      tpu.wait_dma2 semaphore(%run_scoped3A : memref<!tpu.dma_semaphore, #tpu.memory_space<semaphore_mem>>) src(%arg9 : memref<64x128xf32, #tpu.memory_space<vmem>>) dst(%dma_wait3A_135 : memref<64x128xf32, #tpu.memory_space<hbm>>)
      tpu.yield
    }) : () -> ()
    return
  }
}

module attributes {stable_mosaic.version = 14 : i64} {
  func.func @_tc_a_body(%arg0: i32, %arg1: memref<1000x1xf32, #tpu.memory_space<vmem>>, %arg2: memref<1000x1xf32, #tpu.memory_space<vmem>>, %arg3: memref<1000x128xf32, #tpu.memory_space<vmem>>, %arg4: memref<128x128xf32, #tpu.memory_space<vmem>>, %arg5: memref<1000x128xf32, #tpu.memory_space<vmem>>) attributes {dimension_semantics = [#tpu.dimension_semantics<arbitrary>], iteration_bounds = array<i64: 10>, scalar_prefetch = 0 : i64, scratch_operands = 0 : i64, tpu.core_type = #tpu.core_type<tc>, window_params = [{transform_indices = @transform_0, window_bounds = array<i64: 1000, 1>}, {transform_indices = @transform_1, window_bounds = array<i64: 1000, 1>}, {transform_indices = @transform_2, window_bounds = array<i64: 1000, 128>}, {pipeline_mode = #tpu.pipeline_mode<synchronous>, transform_indices = @transform_3, window_bounds = array<i64: 128, 128>}, {transform_indices = @transform_4, window_bounds = array<i64: 1000, 128>}]} {
    %get3A = arith.constant 0 : index
    %get3A_0 = arith.constant 0 : index
    %get3A_1 = vector.load %arg1[%get3A, %get3A_0] : memref<1000x1xf32, #tpu.memory_space<vmem>>, vector<1000x1xf32>
    %get3A_2 = arith.constant 0 : index
    %get3A_3 = arith.constant 0 : index
    %get3A_4 = vector.load %arg2[%get3A_2, %get3A_3] : memref<1000x1xf32, #tpu.memory_space<vmem>>, vector<1000x1xf32>
    %add3A = arith.addf %get3A_1, %get3A_4 : vector<1000x1xf32>
    %add3A_5 = arith.constant 1.000000e+00 : f32
    %add3A_6 = vector.broadcast %add3A_5 : f32 to vector<1000x1xf32>
    %add3A_7 = arith.addf %add3A, %add3A_6 : vector<1000x1xf32>
    %rsqrt3A = math.rsqrt %add3A_7 : vector<1000x1xf32>
    %get3A_8 = arith.constant 0 : index
    %get3A_9 = arith.constant 0 : index
    %get3A_10 = vector.load %arg3[%get3A_8, %get3A_9] : memref<1000x128xf32, #tpu.memory_space<vmem>>, vector<1000x128xf32>
    %get3A_11 = arith.constant 0 : index
    %get3A_12 = arith.constant 0 : index
    %get3A_13 = vector.load %arg4[%get3A_11, %get3A_12] : memref<128x128xf32, #tpu.memory_space<vmem>>, vector<128x128xf32>
    %dot_general3A = arith.constant dense<0.000000e+00> : vector<1000x128xf32>
    %dot_general3A_14 = tpu.matmul %get3A_10, %get3A_13, %dot_general3A {dimension_numbers = #tpu.dot_dimension_numbers<[1], [0], [0], [1], [0, 0, 1, 1], [], []>, transpose_lhs_hint = false} : vector<1000x128xf32>, vector<128x128xf32>, vector<1000x128xf32> -> vector<1000x128xf32>
    %mul3A = vector.broadcast %rsqrt3A : vector<1000x1xf32> to vector<1000x128xf32>
    %mul3A_15 = arith.mulf %mul3A, %dot_general3A_14 : vector<1000x128xf32>
    %swap3A = arith.constant 0 : index
    %swap3A_16 = arith.constant 0 : index
    %swap3A_17 = vector.load %arg5[%swap3A, %swap3A_16] : memref<1000x128xf32, #tpu.memory_space<vmem>>, vector<1000x128xf32>
    tpu.vector_store %arg5[%swap3A, %swap3A_16], %mul3A_15 {strides = array<i32>} : memref<1000x128xf32, #tpu.memory_space<vmem>>, vector<1000x128xf32>,
    return
  }
  func.func @transform_0(%arg0: i32) -> (i32, i32) {
    %c0_i32 = arith.constant 0 : i32
    %c0_i32_0 = arith.constant 0 : i32
    return %arg0, %c0_i32 : i32, i32
  }
  func.func @transform_1(%arg0: i32) -> (i32, i32) {
    %c0_i32 = arith.constant 0 : i32
    %c0_i32_0 = arith.constant 0 : i32
    return %arg0, %c0_i32 : i32, i32
  }
  func.func @transform_2(%arg0: i32) -> (i32, i32) {
    %c0_i32 = arith.constant 0 : i32
    %c0_i32_0 = arith.constant 0 : i32
    return %arg0, %c0_i32 : i32, i32
  }
  func.func @transform_3(%arg0: i32) -> (i32, i32) {
    %c0_i32 = arith.constant 0 : i32
    %c0_i32_0 = arith.constant 0 : i32
    %c0_i32_1 = arith.constant 0 : i32
    return %c0_i32, %c0_i32_0 : i32, i32
  }
  func.func @transform_4(%arg0: i32) -> (i32, i32) {
    %c0_i32 = arith.constant 0 : i32
    %c0_i32_0 = arith.constant 0 : i32
    return %arg0, %c0_i32 : i32, i32
  }
}

module attributes {stable_mosaic.version = 14 : i64} {
  func.func @_tc_b_body(%arg0: i32, %arg1: memref<1000x1xf32, #tpu.memory_space<vmem>>, %arg2: memref<1000x1xf32, #tpu.memory_space<vmem>>, %arg3: memref<1000x128xf32, #tpu.memory_space<vmem>>, %arg4: memref<1000x128xf32, #tpu.memory_space<vmem>>, %arg5: memref<1000x128xf32, #tpu.memory_space<vmem>>, %arg6: memref<1x128xf32, #tpu.memory_space<vmem>>, %arg7: memref<128x128xf32, #tpu.memory_space<vmem>>, %arg8: memref<1000x128xf32, #tpu.memory_space<vmem>>) attributes {dimension_semantics = [#tpu.dimension_semantics<arbitrary>], iteration_bounds = array<i64: 10>, scalar_prefetch = 0 : i64, scratch_operands = 0 : i64, tpu.core_type = #tpu.core_type<tc>, window_params = [{transform_indices = @transform_0, window_bounds = array<i64: 1000, 1>}, {transform_indices = @transform_1, window_bounds = array<i64: 1000, 1>}, {transform_indices = @transform_2, window_bounds = array<i64: 1000, 128>}, {transform_indices = @transform_3, window_bounds = array<i64: 1000, 128>}, {transform_indices = @transform_4, window_bounds = array<i64: 1000, 128>}, {pipeline_mode = #tpu.pipeline_mode<synchronous>, transform_indices = @transform_5, window_bounds = array<i64: 1, 128>}, {pipeline_mode = #tpu.pipeline_mode<synchronous>, transform_indices = @transform_6, window_bounds = array<i64: 128, 128>}, {transform_indices = @transform_7, window_bounds = array<i64: 1000, 128>}]} {
    %get3A = arith.constant 0 : index
    %get3A_0 = arith.constant 0 : index
    %get3A_1 = vector.load %arg1[%get3A, %get3A_0] : memref<1000x1xf32, #tpu.memory_space<vmem>>, vector<1000x1xf32>
    %get3A_2 = arith.constant 0 : index
    %get3A_3 = arith.constant 0 : index
    %get3A_4 = vector.load %arg2[%get3A_2, %get3A_3] : memref<1000x1xf32, #tpu.memory_space<vmem>>, vector<1000x1xf32>
    %add3A = arith.addf %get3A_1, %get3A_4 : vector<1000x1xf32>
    %add3A_5 = arith.constant 1.000000e+00 : f32
    %add3A_6 = vector.broadcast %add3A_5 : f32 to vector<1000x1xf32>
    %add3A_7 = arith.addf %add3A, %add3A_6 : vector<1000x1xf32>
    %rsqrt3A = math.rsqrt %add3A_7 : vector<1000x1xf32>
    %get3A_8 = arith.constant 0 : index
    %get3A_9 = arith.constant 0 : index
    %get3A_10 = vector.load %arg3[%get3A_8, %get3A_9] : memref<1000x128xf32, #tpu.memory_space<vmem>>, vector<1000x128xf32>
    %get3A_11 = arith.constant 0 : index
    %get3A_12 = arith.constant 0 : index
    %get3A_13 = vector.load %arg4[%get3A_11, %get3A_12] : memref<1000x128xf32, #tpu.memory_space<vmem>>, vector<1000x128xf32>
    %add3A_14 = arith.addf %get3A_10, %get3A_13 : vector<1000x128xf32>
    %get3A_15 = arith.constant 0 : index
    %get3A_16 = arith.constant 0 : index
    %get3A_17 = vector.load %arg5[%get3A_15, %get3A_16] : memref<1000x128xf32, #tpu.memory_space<vmem>>, vector<1000x128xf32>
    %add3A_18 = arith.addf %add3A_14, %get3A_17 : vector<1000x128xf32>
    %mul3A = vector.broadcast %rsqrt3A : vector<1000x1xf32> to vector<1000x128xf32>
    %mul3A_19 = arith.mulf %mul3A, %add3A_18 : vector<1000x128xf32>
    %get3A_20 = arith.constant 0 : index
    %get3A_21 = arith.constant 0 : index
    %get3A_22 = vector.load %arg6[%get3A_20, %get3A_21] : memref<1x128xf32, #tpu.memory_space<vmem>>, vector<1x128xf32>
    %add3A_23 = vector.broadcast %get3A_22 : vector<1x128xf32> to vector<1000x128xf32>
    %add3A_24 = arith.addf %mul3A_19, %add3A_23 : vector<1000x128xf32>
    %max3A = arith.constant 0.000000e+00 : f32
    %max3A_25 = vector.broadcast %max3A : f32 to vector<1000x128xf32>
    %max3A_26 = arith.maximumf %add3A_24, %max3A_25 : vector<1000x128xf32>
    %get3A_27 = arith.constant 0 : index
    %get3A_28 = arith.constant 0 : index
    %get3A_29 = vector.load %arg7[%get3A_27, %get3A_28] : memref<128x128xf32, #tpu.memory_space<vmem>>, vector<128x128xf32>
    %dot_general3A = arith.constant dense<0.000000e+00> : vector<1000x128xf32>
    %dot_general3A_30 = tpu.matmul %max3A_26, %get3A_29, %dot_general3A {dimension_numbers = #tpu.dot_dimension_numbers<[1], [0], [0], [1], [0, 0, 1, 1], [], []>, transpose_lhs_hint = false} : vector<1000x128xf32>, vector<128x128xf32>, vector<1000x128xf32> -> vector<1000x128xf32>
    %mul3A_31 = vector.broadcast %rsqrt3A : vector<1000x1xf32> to vector<1000x128xf32>
    %mul3A_32 = arith.mulf %mul3A_31, %dot_general3A_30 : vector<1000x128xf32>
    %swap3A = arith.constant 0 : index
    %swap3A_33 = arith.constant 0 : index
    %swap3A_34 = vector.load %arg8[%swap3A, %swap3A_33] : memref<1000x128xf32, #tpu.memory_space<vmem>>, vector<1000x128xf32>
    tpu.vector_store %arg8[%swap3A, %swap3A_33], %mul3A_32 {strides = array<i32>} : memref<1000x128xf32, #tpu.memory_space<vmem>>, vector<1000x128xf32>,
    return
  }
  func.func @transform_0(%arg0: i32) -> (i32, i32) {
    %c0_i32 = arith.constant 0 : i32
    %c0_i32_0 = arith.constant 0 : i32
    return %arg0, %c0_i32 : i32, i32
  }
  func.func @transform_1(%arg0: i32) -> (i32, i32) {
    %c0_i32 = arith.constant 0 : i32
    %c0_i32_0 = arith.constant 0 : i32
    return %arg0, %c0_i32 : i32, i32
  }
  func.func @transform_2(%arg0: i32) -> (i32, i32) {
    %c0_i32 = arith.constant 0 : i32
    %c0_i32_0 = arith.constant 0 : i32
    return %arg0, %c0_i32 : i32, i32
  }
  func.func @transform_3(%arg0: i32) -> (i32, i32) {
    %c0_i32 = arith.constant 0 : i32
    %c0_i32_0 = arith.constant 0 : i32
    return %arg0, %c0_i32 : i32, i32
  }
  func.func @transform_4(%arg0: i32) -> (i32, i32) {
    %c0_i32 = arith.constant 0 : i32
    %c0_i32_0 = arith.constant 0 : i32
    return %arg0, %c0_i32 : i32, i32
  }
  func.func @transform_5(%arg0: i32) -> (i32, i32) {
    %c0_i32 = arith.constant 0 : i32
    %c0_i32_0 = arith.constant 0 : i32
    %c0_i32_1 = arith.constant 0 : i32
    return %c0_i32, %c0_i32_0 : i32, i32
  }
  func.func @transform_6(%arg0: i32) -> (i32, i32) {
    %c0_i32 = arith.constant 0 : i32
    %c0_i32_0 = arith.constant 0 : i32
    %c0_i32_1 = arith.constant 0 : i32
    return %c0_i32, %c0_i32_0 : i32, i32
  }
  func.func @transform_7(%arg0: i32) -> (i32, i32) {
    %c0_i32 = arith.constant 0 : i32
    %c0_i32_0 = arith.constant 0 : i32
    return %arg0, %c0_i32 : i32, i32
  }
}

module attributes {stable_mosaic.version = 14 : i64} {
  func.func @_tc_c_body(%arg0: i32, %arg1: memref<1000x1xf32, #tpu.memory_space<vmem>>, %arg2: memref<1000x1xf32, #tpu.memory_space<vmem>>, %arg3: memref<1000x128xf32, #tpu.memory_space<vmem>>, %arg4: memref<1000x128xf32, #tpu.memory_space<vmem>>, %arg5: memref<1000x128xf32, #tpu.memory_space<vmem>>, %arg6: memref<1x128xf32, #tpu.memory_space<vmem>>, %arg7: memref<1000x128xf32, #tpu.memory_space<vmem>>) attributes {dimension_semantics = [#tpu.dimension_semantics<arbitrary>], iteration_bounds = array<i64: 10>, scalar_prefetch = 0 : i64, scratch_operands = 0 : i64, tpu.core_type = #tpu.core_type<tc>, window_params = [{transform_indices = @transform_0, window_bounds = array<i64: 1000, 1>}, {transform_indices = @transform_1, window_bounds = array<i64: 1000, 1>}, {transform_indices = @transform_2, window_bounds = array<i64: 1000, 128>}, {transform_indices = @transform_3, window_bounds = array<i64: 1000, 128>}, {transform_indices = @transform_4, window_bounds = array<i64: 1000, 128>}, {pipeline_mode = #tpu.pipeline_mode<synchronous>, transform_indices = @transform_5, window_bounds = array<i64: 1, 128>}, {transform_indices = @transform_6, window_bounds = array<i64: 1000, 128>}]} {
    %get3A = arith.constant 0 : index
    %get3A_0 = arith.constant 0 : index
    %get3A_1 = vector.load %arg1[%get3A, %get3A_0] : memref<1000x1xf32, #tpu.memory_space<vmem>>, vector<1000x1xf32>
    %get3A_2 = arith.constant 0 : index
    %get3A_3 = arith.constant 0 : index
    %get3A_4 = vector.load %arg2[%get3A_2, %get3A_3] : memref<1000x1xf32, #tpu.memory_space<vmem>>, vector<1000x1xf32>
    %add3A = arith.addf %get3A_1, %get3A_4 : vector<1000x1xf32>
    %add3A_5 = arith.constant 1.000000e+00 : f32
    %add3A_6 = vector.broadcast %add3A_5 : f32 to vector<1000x1xf32>
    %add3A_7 = arith.addf %add3A, %add3A_6 : vector<1000x1xf32>
    %rsqrt3A = math.rsqrt %add3A_7 : vector<1000x1xf32>
    %get3A_8 = arith.constant 0 : index
    %get3A_9 = arith.constant 0 : index
    %get3A_10 = vector.load %arg3[%get3A_8, %get3A_9] : memref<1000x128xf32, #tpu.memory_space<vmem>>, vector<1000x128xf32>
    %get3A_11 = arith.constant 0 : index
    %get3A_12 = arith.constant 0 : index
    %get3A_13 = vector.load %arg4[%get3A_11, %get3A_12] : memref<1000x128xf32, #tpu.memory_space<vmem>>, vector<1000x128xf32>
    %add3A_14 = arith.addf %get3A_10, %get3A_13 : vector<1000x128xf32>
    %get3A_15 = arith.constant 0 : index
    %get3A_16 = arith.constant 0 : index
    %get3A_17 = vector.load %arg5[%get3A_15, %get3A_16] : memref<1000x128xf32, #tpu.memory_space<vmem>>, vector<1000x128xf32>
    %add3A_18 = arith.addf %add3A_14, %get3A_17 : vector<1000x128xf32>
    %mul3A = vector.broadcast %rsqrt3A : vector<1000x1xf32> to vector<1000x128xf32>
    %mul3A_19 = arith.mulf %mul3A, %add3A_18 : vector<1000x128xf32>
    %get3A_20 = arith.constant 0 : index
    %get3A_21 = arith.constant 0 : index
    %get3A_22 = vector.load %arg6[%get3A_20, %get3A_21] : memref<1x128xf32, #tpu.memory_space<vmem>>, vector<1x128xf32>
    %add3A_23 = vector.broadcast %get3A_22 : vector<1x128xf32> to vector<1000x128xf32>
    %add3A_24 = arith.addf %mul3A_19, %add3A_23 : vector<1000x128xf32>
    %swap3A = arith.constant 0 : index
    %swap3A_25 = arith.constant 0 : index
    %swap3A_26 = vector.load %arg7[%swap3A, %swap3A_25] : memref<1000x128xf32, #tpu.memory_space<vmem>>, vector<1000x128xf32>
    tpu.vector_store %arg7[%swap3A, %swap3A_25], %add3A_24 {strides = array<i32>} : memref<1000x128xf32, #tpu.memory_space<vmem>>, vector<1000x128xf32>,
    return
  }
  func.func @transform_0(%arg0: i32) -> (i32, i32) {
    %c0_i32 = arith.constant 0 : i32
    %c0_i32_0 = arith.constant 0 : i32
    return %arg0, %c0_i32 : i32, i32
  }
  func.func @transform_1(%arg0: i32) -> (i32, i32) {
    %c0_i32 = arith.constant 0 : i32
    %c0_i32_0 = arith.constant 0 : i32
    return %arg0, %c0_i32 : i32, i32
  }
  func.func @transform_2(%arg0: i32) -> (i32, i32) {
    %c0_i32 = arith.constant 0 : i32
    %c0_i32_0 = arith.constant 0 : i32
    return %arg0, %c0_i32 : i32, i32
  }
  func.func @transform_3(%arg0: i32) -> (i32, i32) {
    %c0_i32 = arith.constant 0 : i32
    %c0_i32_0 = arith.constant 0 : i32
    return %arg0, %c0_i32 : i32, i32
  }
  func.func @transform_4(%arg0: i32) -> (i32, i32) {
    %c0_i32 = arith.constant 0 : i32
    %c0_i32_0 = arith.constant 0 : i32
    return %arg0, %c0_i32 : i32, i32
  }
  func.func @transform_5(%arg0: i32) -> (i32, i32) {
    %c0_i32 = arith.constant 0 : i32
    %c0_i32_0 = arith.constant 0 : i32
    %c0_i32_1 = arith.constant 0 : i32
    return %c0_i32, %c0_i32_0 : i32, i32
  }
  func.func @transform_6(%arg0: i32) -> (i32, i32) {
    %c0_i32 = arith.constant 0 : i32
    %c0_i32_0 = arith.constant 0 : i32
    return %arg0, %c0_i32 : i32, i32
  }
}

</mosaic_0001>

<sc_bundles>
// kernel: kernel.11.cloned.1.call-start
scs
__scs_entry_jumppad:
0x0: {  	(pc) =	sbr.rel $0x88, $3  }
0x1: {  	(tag) =	ssettag $0x0;
	lr =	simm.s32 $0x1  }
0x2: {  	[smem:$0x3F9B] =	sst lr;
	_ =	strace $0xD0000000  }
0x3: {  	_ = 	snop  }
0x4: {  	_ = 	snop  }
0x5: {  	_ = 	snop  }
0x6: {  	_ = 	snop  }
0x7: {  	_ = 	snop  }
__scs_overlays_trampoline_lowered:
0x8: {  	[smem:$0x3FAA] =	sst s0  }
0x9: {  	[smem:$0x3FAB] =	sst s1  }
0xa: {  	[smem:$0x3FAC] =	sst s2  }
0xb: {  	[smem:$0x3FAD] =	sst s3  }
0xc: {  	[smem:$0x3FAE] =	sst s4  }
0xd: {  	[smem:$0x3FAF] =	sst s5  }
0xe: {  	[smem:$0x3FB0] =	sst s6  }
0xf: {  	[smem:$0x3FB1] =	sst s7  }
0x10: {  	[smem:$0x3FB2] =	sst s8  }
0x11: {  	[smem:$0x3FB3] =	sst s9;
	s0 =	simm.s32 @!p0 $0x0  }
0x12: {  	s1 =	sld [smem:$0x3F99];
	s0 =	simm.s32 @p0 $0x1  }
0x13: {  	[smem:$0x3FB4] =	sst s0;
	s0 =	simm.s32 @!p1 $0x0  }
0x14: {  	s2 =	sld [smem:$0x3F98];
	s0 =	simm.s32 @p1 $0x1  }
0x15: {  	[smem:$0x3FB5] =	sst s0;
	s0 =	simm.s32 @!p2 $0x0  }
0x16: {  	s3 =	sld [smem:$0x3FDB];
	s0 =	simm.s32 @p2 $0x1  }
0x17: {  	s4 =	simm.s32 $0x1BF5;
	[smem:$0x3FB7] =	sst s0  }
0x18: {  	s0 =	sld [smem:$0x3F9A];
	_ =	swait.ge [sflag:s4], $0x0  }
0x19: {  	s7 =	sld [smem:$0x3F9B]  }
0x1a: {  	s8 =	sadd.s32 $0xFFFFE003, lr  }
0x1b: {  	s9 =	sadd.s32 $0xFFFFFEF7, lr;
	s5 =	simm.s32 $0xFFFFFFFF;
	p2 =	slt.u32 s8, $0xFFFFF086  }
0x1c: {  	p1 =	slt.u32 s9, $0xF7A;
	s5 =	simm.s32 @!p2 $0x0  }
0x1d: {  	s5 =	simm.s32 @p1 $0x1;
	p0 =	seq.s32 s7, s2  }
0x1e: {  	s7 =	smul.u32 @!p0 $0xF7A, s2;
	p2 =	seq.s32 @!p0 s5, $0x0  }
0x1f: {  	s9 =	smul.u32 $0xF7A, s1;
	s8 =	simm.s32 @!p0 $0x1BF5;
	p2 =	por !p2, p0  }
0x20: {  	[sflag:s8] =	ssyncset.s32 @!p0 $0xFFFFF086;
	s6 =	sadd.s32 @!p0 s3, s7;
	s7 =	simm.s32 @!p0 $0x108  }
0x21: {  	s3 =	sadd.s32 s3, s9;
	s6 =	sadd.s32 @!p0 $0x88, s6;
	s7 =	simm.s32 @p2 $0x1082  }
0x22: {  	[simem:s7], [sflag:s8] =	dma.local @!p0 [hbm:s6], $0xF7A  }
0x23: {  	s9 =	sor.u32 $0xD0000000, s2;
	s6 =	simm.s32 $0x108;
	_ =	swait.ge @!p0 [sflag:s8], $0x0  }
0x24: {  	s3 =	sadd.s32 $0x88, s3;
	s6 =	simm.s32 @!p1 $0x1082;
	[sflag:s4] =	ssyncset.s32 $0xFFFFF086  }
0x25: {  	[simem:s6], [sflag:s4] =	dma.local [hbm:s3], $0xF7A  }
0x26: {  	[smem:$0x3F9B] =	sst s1;
	(tag) =	ssettag s2;
	_ =	strace s9  }
0x27: {  	s1 =	sld [smem:$0x3FAB]  }
0x28: {  	s2 =	sld [smem:$0x3FAC]  }
0x29: {  	s4 =	sld [smem:$0x3FAE]  }
0x2a: {  	p0 =	seq.s32 s5, $0x0;
	s5 =	sld [smem:$0x3FAF]  }
0x2b: {  	s6 =	sld [smem:$0x3FB0]  }
0x2c: {  	s7 =	sld [smem:$0x3FB1]  }
0x2d: {  	s3 =	simm.s32 $0x108;
	s8 =	sld [smem:$0x3FB2]  }
0x2e: {  	s3 =	simm.s32 @!p0 $0x1082;
	s9 =	sld [smem:$0x3FB3]  }
0x2f: {  	lr =	sadd.s32 s0, s3;
	s0 =	sld [smem:$0x3FAA]  }
0x30: {  	s3 =	sld [smem:$0x3FAD]  }
0x31: {  	[smem:$0x3FB6] =	sst s10  }
0x32: {  	s10 =	sld [smem:$0x3FB4];
	_ =	sdelay $0x3  }
0x33: {  	p0 =	seq.s32 s10, $0x1;
	s10 =	sld [smem:$0x3FB6];
	_ =	sdelay $0x3  }
0x34: {  	[smem:$0x3FB6] =	sst s10  }
0x35: {  	s10 =	sld [smem:$0x3FB5];
	_ =	sdelay $0x3  }
0x36: {  	p1 =	seq.s32 s10, $0x1;
	s10 =	sld [smem:$0x3FB6];
	_ =	sdelay $0x3  }
0x37: {  	[smem:$0x3FB6] =	sst s10  }
0x38: {  	s10 =	sld [smem:$0x3FB7]  }
0x39: {  	_ = 	snop;
	(pc) =	sbr.ind lr, $3  }
0x3a: {  	_ = 	snop  }
0x3b: {  	_ = 	snop  }
0x3c: {  	p2 =	seq.s32 s10, $0x1;
	s10 =	sld [smem:$0x3FB6]  }
0x3d: {  	_ =	shalt  }
0x3e: {  	_ =	shalt  }
0x3f: {  	_ =	shalt  }
0x40: {  	_ =	shalt  }
0x41: {  	_ =	shalt  }
0x42: {  	_ =	shalt  }
0x43: {  	_ =	shalt  }
0x44: {  	_ =	shalt  }
0x45: {  	_ =	shalt  }
0x46: {  	_ =	shalt  }
0x47: {  	_ =	shalt  }
0x48: {  	_ =	shalt  }
0x49: {  	_ =	shalt  }
0x4a: {  	_ =	shalt  }
0x4b: {  	_ =	shalt  }
0x4c: {  	_ =	shalt  }
0x4d: {  	_ =	shalt  }
0x4e: {  	_ =	shalt  }
0x4f: {  	_ =	shalt  }
0x50: {  	_ =	shalt  }
0x51: {  	_ =	shalt  }
0x52: {  	_ =	shalt  }
0x53: {  	_ =	shalt  }
0x54: {  	_ =	shalt  }
0x55: {  	_ =	shalt  }
0x56: {  	_ =	shalt  }
0x57: {  	_ =	shalt  }
0x58: {  	_ =	shalt  }
0x59: {  	_ =	shalt  }
0x5a: {  	_ =	shalt  }
0x5b: {  	_ =	shalt  }
0x5c: {  	_ =	shalt  }
0x5d: {  	_ =	shalt  }
0x5e: {  	_ =	shalt  }
0x5f: {  	_ =	shalt  }
0x60: {  	_ =	shalt  }
0x61: {  	_ =	shalt  }
0x62: {  	_ =	shalt  }
0x63: {  	_ =	shalt  }
0x64: {  	_ =	shalt  }
0x65: {  	_ =	shalt  }
0x66: {  	_ =	shalt  }
0x67: {  	_ =	shalt  }
0x68: {  	_ =	shalt  }
0x69: {  	_ =	shalt  }
0x6a: {  	_ =	shalt  }
0x6b: {  	_ =	shalt  }
0x6c: {  	_ =	shalt  }
0x6d: {  	_ =	shalt  }
0x6e: {  	_ =	shalt  }
0x6f: {  	_ =	shalt  }
0x70: {  	_ =	shalt  }
0x71: {  	_ =	shalt  }
0x72: {  	_ =	shalt  }
0x73: {  	_ =	shalt  }
0x74: {  	_ =	shalt  }
0x75: {  	_ =	shalt  }
0x76: {  	_ =	shalt  }
0x77: {  	_ =	shalt  }
0x78: {  	_ =	shalt  }
0x79: {  	_ =	shalt  }
0x7a: {  	_ =	shalt  }
0x7b: {  	_ =	shalt  }
0x7c: {  	_ =	shalt  }
0x7d: {  	_ =	shalt  }
0x7e: {  	_ =	shalt  }
0x7f: {  	_ =	shalt  }
0x80: {  	_ =	shalt  }
0x81: {  	_ =	shalt  }
0x82: {  	_ =	shalt  }
0x83: {  	_ =	shalt  }
0x84: {  	_ =	shalt  }
0x85: {  	_ =	shalt  }
0x86: {  	_ =	shalt  }
0x87: {  	_ =	shalt  }
.Lfunc_end0:
.L_simem_size_0:
called_computation.1_lowered:
.L_overlay_start_0:
0x88: {  	s2 =	sld [smem:$0x3FD9]  }
0x89: {  	s3 =	sld [smem:$0x3FFE];
	_ =	sdelay $0x1  }
0x8a: {  	s1 =	srdreg.scid  }
0x8b: {  	s0 =	sand.u32 $0x1, s1  }
0x8c: {  	s17 =	sshll.u32 s0, $0xA;
	s2 =	sadd.s32 s3, s2  }
0x8d: {  	s2 =	sadd.s32 s2, s17  }
0x8e: {  	[smem:$0x3FC2] =	sst s2  }
0x8f: {  	_ = 	snop  }
0x90: {  	s2 =	sld [smem:$0x3FD0];
	(tm) =	ssettm $0x1  }
0x91: {  	s18 =	sld [smem:$0x3FFB];
	_ =	sdelay $0x3  }
0x92: {  	_ =	strace s18  }
0x93: {  	s3 =	sld [smem:$0x3FFC];
	_ =	sdelay $0x3  }
0x94: {  	_ =	strace s3  }
0x95: {  	s3 =	sld [smem:$0x3FFD];
	_ =	sdelay $0x3  }
0x96: {  	_ =	strace s3  }
0x97: {  	_ =	strace $0x8FFFFFFF  }
0x98: {  	s19 =	sld [smem:$0x3FDB];
	_ =	sdelay $0x1  }
0x99: {  	s4 =	simm.s32 $_scs_section_size  }
0x9a: {  	s5 =	simm.s32 $_size__tile_overlayer_lowered;
	s6 =	simm.s32 $_tile_overlayer_lowered  }
0x9b: {  	s22 =	simm.s32 $0x1BFF;
	s21 =	sshll.u32 s6, $0x1;
	s3 =	sadd.s32 s4, s19  }
0x9c: {  	s7 =	simm.s32 $0x0;
	s20 =	sshll.u32 s5, $0x1;
	s5 =	sadd.s32 s21, s3  }
0x9d: {  	[timem:s7], [sflag:s22] =	dma.local [hbm:s5], s20  }
0x9e: {  	_ =	swait.ge [sflag:s22], s20  }
0x9f: {  	s4 =	ssub.s32 $0x0, s20;
	[sflag:s22] =	ssyncset.done $0x0  }
0xa0: {  	[sflag:s22] =	ssyncadd.s32 s4;
	_ =	sdelay $0x1  }
0xa1: {  	s23 =	simm.s32 $0x1B8B  }
0xa2: {  	_ =	swait.ge [sflag:s23], $0x1  }
0xa3: {  	[sflag:s23] =	ssyncset.done $0x0  }
0xa4: {  	s25 =	simm.s32 $0x1B8E;
	s24 =	sld [smem:$0x3FFE];
	[sflag:s23] =	ssyncadd.s32 $0xFFFFFFFF  }
0xa5: {  	s26 =	simm.s32 $execute0_lowered;
	[smem:$0x3FD2] =	sst s25  }
0xa6: {  	s5 =	sshll.u32 s26, $0x1;
	_ =	strace $0x80000049;
	[dreg:$0x1] =	wrdreg $0xFFFFFFFF  }
0xa7: {  	s28 =	simm.s32 $_size_execute0_lowered;
	s3 =	sadd.s32 s3, s5;
	[dreg:$0x0] =	wrdreg $0x0  }
0xa8: {  	s5 =	sshll.u32 s28, $0x1;
	[dreg:$0x2] =	wrdreg s3  }
0xa9: {  	[dreg:$0x3] =	wrdreg s5  }
0xaa: {  	[dreg:$0x4] =	wrdreg $0xC0  }
0xab: {  	_ =	task [dreg:s7], $0x5FFFF  }
0xac: {  	[dreg:$0x1] =	wrdreg $0xFFFFFFFF  }
0xad: {  	[dreg:$0x0] =	wrdreg $0x60  }
0xae: {  	[dreg:$0x2] =	wrdreg s2  }
0xaf: {  	[dreg:$0x3] =	wrdreg s24  }
0xb0: {  	[dreg:$0x4] =	wrdreg $0xA0000  }
0xb1: {  	[dreg:$0x5] =	wrdreg $0x9  }
0xb2: {  	_ =	task.clear_ibuf [dreg:s7], $0x6FFFF;
	_ =	strace $0x90000049  }
0xb3: {  	s29 =	simm.s32 $0x9;
	_ =	strace $0x8000004B  }
0xb4: {  	_ =	swait.ge [sflag:s29], $0x1  }
0xb5: {  	[sflag:s29] =	ssyncadd.s32 $0xFFFFFFFF  }
0xb6: {  	_ =	strace $0x9000004B  }
0xb7: {  	_ =	sfence  }
0xb8: {  	s30 =	sld [smem:$0x0];
	_ =	sdelay $0x2  }
0xb9: {  	s31 =	sshll.u32 s1, $0xD;
	s1 =	sshrl.u32 s1, $0x2  }
0xba: {  	s3 =	sand.u32 $0x4000, s31;
	s1 =	sadd.s32 s1, s30  }
0xbb: {  	s0 =	sor.u32 s3, s0;
	s1 =	sshll.u32 s1, $0x11  }
0xbc: {  	s0 =	sor.u32 s1, s0  }
0xbd: {  	s0 =	sadd.s32 $0x8F2B, s0  }
0xbe: {  	[sflag:s0] =	ssyncadd.remote.s32 $0x1  }
0xbf: {  	_ =	sfence.sel $0xFFFF  }
0xc0: {  	[dreg:$0x0] =	wrdreg $0xFFFFFFFF;
	(pc) =	sbr.abs _section_cstart, $3  }
0xc1: {  	[dreg:$0x1] =	wrdreg $0xFFFFFFFF  }
0xc2: {  	_ =	task.clear_ibuf [dreg:s7], $0x2FFFF;
	_ =	strace $0x9FFFFFFF  }
0xc3: {  	(tm) =	ssettm $0x7FFFFFFF  }
tec
execute0_lowered:
.L_overlay_start_1:
0x0: {  	(tag) =	ssettag $0x1  }
0x1: {  	s0 =	rddreg [dreg:$0x0]  }
0x2: {  	s1 =	srdreg.scid;
	s2 =	rddreg [dreg:$0x1];
	s25 =	simm.s32 $0x0  }
0x3: {  	s18 =	stileid.u32;
	s31 =	simm.s32 $0x2000;
	s30 =	simm.s32 $0x3  }
0x4: {  	s1 =	sand.u32 $0x1, s1;
	[smem:$0x7FF] =	sst s25;
	s5 =	smul.u32 $0x14000, s18  }
0x5: {  	s6 =	sadd.s32 $0x7C400, s2;
	s20 =	sshll.u32 s18, $0x1;
	s3 =	ssub.s32 $0x2, s1  }
0x6: {  	s19 =	sor.u32 s1, s20;
	s1 =	smul.u32 $0x140000, s1;
	s4 =	sshrl.u32 s3, $0x1  }
0x7: {  	s7 =	sor.u32 $0x2000, s5;
	s8 =	sadd.s32 $0x4000, s5;
	s9 =	sadd.s32 $0x6000, s5  }
0x8: {  	s10 =	sadd.s32 $0x8000, s5;
	s11 =	sadd.s32 $0xA000, s5;
	s13 =	sadd.s32 $0xC000, s5  }
0x9: {  	s14 =	sadd.s32 $0xE000, s5;
	s17 =	sadd.s32 $0x10000, s5;
	s29 =	smul.u32 $0x5000, s19  }
0xa: {  	s19 =	simm.s32 $0x4;
	s3 =	ssub.s32 s3, s4;
	s12 =	sadd.s32 s5, s1  }
0xb: {  	s15 =	sadd.s32 s1, s7;
	s5 =	sadd.s32 $0x12000, s5;
	s22 =	sadd.s32 s1, s8  }
0xc: {  	s23 =	sadd.s32 s1, s9;
	s16 =	sadd.s32 s1, s10;
	s20 =	sadd.s32 s1, s14  }
0xd: {  	s12 =	sshrl.u32 s12, $0x3;
	s15 =	sshrl.u32 s15, $0x3;
	s24 =	sshrl.u32 s23, $0x3  }
0xe: {  	s26 =	sshrl.u32 s16, $0x3;
	s16 =	sadd.s32 s1, s13;
	s12 =	sadd.s32 s6, s12  }
0xf: {  	s21 =	sadd.s32 s6, s15;
	s4 =	sadd.s32 s6, s26;
	[dreg:$0x4] =	wrdreg s12  }
0x10: {  	s15 =	sadd.s32 s1, s11;
	[dreg:$0x5] =	wrdreg s21;
	s12 =	sshrl.u32 s22, $0x3  }
0x11: {  	[dreg:$0x8] =	wrdreg s4;
	s22 =	sshrl.u32 s20, $0x3;
	s12 =	sadd.s32 s6, s12  }
0x12: {  	s21 =	sshrl.u32 s16, $0x3;
	s23 =	sadd.s32 s6, s22;
	[dreg:$0x6] =	wrdreg s12  }
0x13: {  	s4 =	smul.u32 $0x50000, s18;
	s12 =	sadd.s32 s6, s24;
	[dreg:$0xb] =	wrdreg s23  }
0x14: {  	s24 =	sadd.s32 s1, s17;
	[dreg:$0x7] =	wrdreg s12;
	s12 =	sshrl.u32 s15, $0x3  }
0x15: {  	s1 =	sadd.s32 s1, s5;
	s26 =	sshrl.u32 s24, $0x3;
	s12 =	sadd.s32 s6, s12  }
0x16: {  	s1 =	sshrl.u32 s1, $0x3;
	s15 =	sadd.s32 s6, s26;
	[dreg:$0x9] =	wrdreg s12  }
0x17: {  	s16 =	sadd.s32 $0x18400, s2;
	s1 =	sadd.s32 s6, s1;
	[dreg:$0xc] =	wrdreg s15  }
0x18: {  	s18 =	sshrl.u32 s4, $0x2;
	s12 =	sadd.s32 s6, s21;
	[dreg:$0xd] =	wrdreg s1  }
0x19: {  	s24 =	smax.u32 s3, $0x1;
	s3 =	simm.s32 $0x40;
	[dreg:$0xa] =	wrdreg s12  }
0x1a: {  	s15 =	sadd.s32 $0x4400, s2;
	s2 =	sadd.s32 $0x3600, s2;
	s12 =	rddreg [dreg:$0x2]  }
0x1b: {  	_ =	strace $0x8000004A;
	[dreg:$0xe] =	wrdreg s2;
	s26 =	sadd.s32 s18, s12  }
0x1c: {  	s20 =	sadd.s32 s7, s12;
	s21 =	sadd.s32 s8, s12;
	[dreg:$0x19] =	wrdreg s24  }
0x1d: {  	s22 =	sadd.s32 s9, s12;
	s23 =	sadd.s32 s10, s12;
	[dreg:$0x10] =	wrdreg s20  }
0x1e: {  	s28 =	sadd.s32 s11, s12;
	s1 =	sadd.s32 s13, s12;
	[dreg:$0x11] =	wrdreg s21  }
0x1f: {  	s4 =	sadd.s32 s14, s12;
	s6 =	sadd.s32 s17, s12;
	[dreg:$0x12] =	wrdreg s22  }
0x20: {  	s8 =	sadd.s32 s5, s12;
	s2 =	simm.s32 $0x0;
	[dreg:$0x13] =	wrdreg s23  }
0x21: {  	s10 =	simm.s32 $0x9;
	s5 =	simm.s32 $0x4000;
	[dreg:$0x1a] =	wrdreg s2  }
0x22: {  	s7 =	simm.s32 $0x6000;
	s9 =	simm.s32 $0x8000;
	[dreg:$0xf] =	wrdreg s26  }
0x23: {  	s11 =	simm.s32 $0x1;
	s13 =	simm.s32 $0x5;
	[dreg:$0x14] =	wrdreg s28  }
0x24: {  	s14 =	simm.s32 $0x2;
	s17 =	simm.s32 $0x6;
	[dreg:$0x15] =	wrdreg s1  }
0x25: {  	s18 =	simm.s32 $0x7;
	s24 =	simm.s32 $0x1F80;
	[dreg:$0x16] =	wrdreg s4  }
0x26: {  	s20 =	simm.s32 $0x8;
	s21 =	simm.s32 $0x1E00;
	[dreg:$0x17] =	wrdreg s6  }
0x27: {  	s22 =	simm.s32 $0x1E80;
	s23 =	simm.s32 $0x1F00;
	[dreg:$0x18] =	wrdreg s8  }
.LBB2_1:
0x28: {  	s2 =	rddreg [dreg:$0xe]  }
0x29: {  	[tilespmem:s31], [sflag:$0x9] =	stream.linear.gather [hbm4b:s2+s25], $0x2000, $0x38;
	[tilespmem:$0x1E000] =	vst v63  }
0x2a: {  	_ =	swait.ge [sflag:s10], $0x2000  }
0x2b: {  	[sflag:s10] =	ssyncset.done $0x0  }
0x2c: {  	[sflag:s10] =	ssyncadd.s32 $0xFFFFE000  }
0x2d: {  	[spmem:s26] =	stream.linear.scatter [tilespmem:s31], [sflag:$0x9], $0x2000, $0x38;
	[tilespmem:$0x1E000] =	vst v63  }
0x2e: {  	_ =	swait.ge [sflag:s10], $0x2000  }
0x2f: {  	[sflag:s10] =	ssyncset.done $0x0  }
0x30: {  	s25 =	rddreg [dreg:$0x10];
	[sflag:s10] =	ssyncadd.s32 $0xFFFFE000  }
0x31: {  	[spmem:s25] =	stream.linear.scatter [tilespmem:s31], [sflag:$0x9], $0x2000, $0x38;
	[tilespmem:$0x1E000] =	vst v63  }
0x32: {  	_ =	swait.ge [sflag:s10], $0x2000  }
0x33: {  	[sflag:s10] =	ssyncset.done $0x0  }
0x34: {  	s26 =	rddreg [dreg:$0x11];
	[sflag:s10] =	ssyncadd.s32 $0xFFFFE000  }
0x35: {  	[spmem:s26] =	stream.linear.scatter [tilespmem:s31], [sflag:$0x9], $0x2000, $0x38;
	[tilespmem:$0x1E000] =	vst v63  }
0x36: {  	_ =	swait.ge [sflag:s10], $0x2000  }
0x37: {  	[sflag:s10] =	ssyncset.done $0x0  }
0x38: {  	s25 =	rddreg [dreg:$0x12];
	[sflag:s10] =	ssyncadd.s32 $0xFFFFE000  }
0x39: {  	[spmem:s25] =	stream.linear.scatter [tilespmem:s31], [sflag:$0x9], $0x2000, $0x38;
	[tilespmem:$0x1E000] =	vst v63  }
0x3a: {  	_ =	swait.ge [sflag:s10], $0x2000  }
0x3b: {  	[sflag:s10] =	ssyncset.done $0x0  }
0x3c: {  	s26 =	rddreg [dreg:$0x13];
	[sflag:s10] =	ssyncadd.s32 $0xFFFFE000  }
0x3d: {  	[spmem:s26] =	stream.linear.scatter [tilespmem:s31], [sflag:$0x9], $0x2000, $0x38;
	[tilespmem:$0x1E000] =	vst v63  }
0x3e: {  	_ =	swait.ge [sflag:s10], $0x2000  }
0x3f: {  	[sflag:s10] =	ssyncset.done $0x0  }
0x40: {  	[sflag:s10] =	ssyncadd.s32 $0xFFFFE000  }
0x41: {  	[spmem:s28] =	stream.linear.scatter [tilespmem:s31], [sflag:$0x9], $0x2000, $0x38;
	[tilespmem:$0x1E000] =	vst v63  }
0x42: {  	_ =	swait.ge [sflag:s10], $0x2000  }
0x43: {  	[sflag:s10] =	ssyncset.done $0x0  }
0x44: {  	[sflag:s10] =	ssyncadd.s32 $0xFFFFE000  }
0x45: {  	[spmem:s1] =	stream.linear.scatter [tilespmem:s31], [sflag:$0x9], $0x2000, $0x38;
	[tilespmem:$0x1E000] =	vst v63  }
0x46: {  	_ =	swait.ge [sflag:s10], $0x2000  }
0x47: {  	[sflag:s10] =	ssyncset.done $0x0  }
0x48: {  	[sflag:s10] =	ssyncadd.s32 $0xFFFFE000  }
0x49: {  	[spmem:s4] =	stream.linear.scatter [tilespmem:s31], [sflag:$0x9], $0x2000, $0x38;
	[tilespmem:$0x1E000] =	vst v63  }
0x4a: {  	_ =	swait.ge [sflag:s10], $0x2000  }
0x4b: {  	[sflag:s10] =	ssyncset.done $0x0  }
0x4c: {  	[sflag:s10] =	ssyncadd.s32 $0xFFFFE000  }
0x4d: {  	[spmem:s6] =	stream.linear.scatter [tilespmem:s31], [sflag:$0x9], $0x2000, $0x38;
	[tilespmem:$0x1E000] =	vst v63  }
0x4e: {  	_ =	swait.ge [sflag:s10], $0x2000  }
0x4f: {  	[sflag:s10] =	ssyncset.done $0x0  }
0x50: {  	[sflag:s10] =	ssyncadd.s32 $0xFFFFE000  }
0x51: {  	[spmem:s8] =	stream.linear.scatter [tilespmem:s31], [sflag:$0x9], $0x2000, $0x38;
	[tilespmem:$0x1E000] =	vst v63  }
0x52: {  	_ =	swait.ge [sflag:s10], $0x2000  }
0x53: {  	s26 =	simm.s32 $0x0;
	[sflag:s10] =	ssyncset.done $0x0  }
0x54: {  	s1 =	simm.s32 $0x1000;
	s4 =	simm.s32 $0x80;
	[sflag:s10] =	ssyncadd.s32 $0xFFFFE000  }
0x55: {  	s6 =	simm.s32 $0x100;
	s8 =	simm.s32 $0x180;
	[bflag:$0x0] =	sbarrier.arrive $0xFFFF  }
.LBB2_2:
0x56: {  	s2 =	sshll.u32 s26, $0xC  }
0x57: {  	s2 =	sadd.s32 s29, s2  }
0x58: {  	s2 =	sshrl.u32 s2, $0x3  }
0x59: {  	s25 =	simm.s32 $0x0;
	s28 =	sadd.s32 s15, s2  }
0x5a: {  	[tilespmem:s25], [sflag:$0x9] =	stream.linear.gather [hbm4b:s28+s25], $0x1000, $0x38;
	[tilespmem:$0x1E000] =	vst v63  }
0x5b: {  	_ =	swait.ge [sflag:s10], $0x1000  }
0x5c: {  	[sflag:s10] =	ssyncset.done $0x0  }
0x5d: {  	s2 =	sadd.s32 s16, s2;
	[sflag:s10] =	ssyncadd.s32 $0xFFFFF000  }
0x5e: {  	[tilespmem:s1], [sflag:$0x9] =	stream.linear.gather [hbm4b:s2+s25], $0x1000, $0x38;
	[tilespmem:$0x1E000] =	vst v63  }
0x5f: {  	_ =	swait.ge [sflag:s10], $0x1000  }
0x60: {  	[sflag:s10] =	ssyncset.done $0x0  }
0x61: {  	[sflag:s10] =	ssyncadd.s32 $0xFFFFF000  }
0x62: {  	[tilespmem:s31], [sflag:$0x1] =	stream.indirect.gather [hbm4b:s0+s3], $0x80, s25, s3, $0xb8;
	[tilespmem:$0x1E000] =	vst v63  }
0x63: {  	_ = 	snop  }
0x64: {  	[tilespmem:s5], [sflag:$0x2] =	stream.indirect.gather [hbm4b:s0+s3], $0x80, s4, s3, $0xb8;
	[tilespmem:$0x1E000] =	vst v63  }
0x65: {  	_ = 	snop  }
0x66: {  	[tilespmem:s7], [sflag:$0x3] =	stream.indirect.gather [hbm4b:s0+s3], $0x80, s6, s3, $0xb8;
	[tilespmem:$0x1E000] =	vst v63  }
0x67: {  	_ = 	snop  }
0x68: {  	[tilespmem:s9], [sflag:$0x4] =	stream.indirect.gather [hbm4b:s0+s3], $0x80, s8, s3, $0xb8;
	[tilespmem:$0x1E000] =	vst v63  }
0x69: {  	_ =	swait.ge [sflag:s11], $0x2000  }
0x6a: {  	[sflag:s11] =	ssyncset.done $0x0  }
0x6b: {  	s25 =	simm.s32 $0x1000;
	[sflag:s11] =	ssyncadd.s32 $0xFFFFE000  }
0x6c: {  	[spmem:s12] =	stream.indirect.scatter.add.f32 [tilespmem:s31], [sflag:$0x5], $0x80, s25, s3, $0xb8;
	[tilespmem:$0x1E000] =	vst v63  }
0x6d: {  	_ =	swait.ge [sflag:s13], $0x2000  }
0x6e: {  	[sflag:s13] =	ssyncset.done $0x0  }
0x6f: {  	s25 =	simm.s32 $0x200;
	[sflag:s13] =	ssyncadd.s32 $0xFFFFE000  }
0x70: {  	[tilespmem:s31], [sflag:$0x1] =	stream.indirect.gather [hbm4b:s0+s3], $0x80, s25, s3, $0xb8;
	[tilespmem:$0x1E000] =	vst v63  }
0x71: {  	_ =	swait.ge [sflag:s14], $0x2000  }
0x72: {  	[sflag:s14] =	ssyncset.done $0x0  }
0x73: {  	s25 =	simm.s32 $0x1080;
	[sflag:s14] =	ssyncadd.s32 $0xFFFFE000  }
0x74: {  	[spmem:s12] =	stream.indirect.scatter.add.f32 [tilespmem:s5], [sflag:$0x6], $0x80, s25, s3, $0xb8;
	[tilespmem:$0x1E000] =	vst v63  }
0x75: {  	_ =	swait.ge [sflag:s17], $0x2000  }
0x76: {  	[sflag:s17] =	ssyncset.done $0x0  }
0x77: {  	s25 =	simm.s32 $0x280;
	[sflag:s17] =	ssyncadd.s32 $0xFFFFE000  }
0x78: {  	[tilespmem:s5], [sflag:$0x2] =	stream.indirect.gather [hbm4b:s0+s3], $0x80, s25, s3, $0xb8;
	[tilespmem:$0x1E000] =	vst v63  }
0x79: {  	_ =	swait.ge [sflag:s30], $0x2000  }
0x7a: {  	[sflag:s30] =	ssyncset.done $0x0  }
0x7b: {  	s25 =	simm.s32 $0x1100;
	[sflag:s30] =	ssyncadd.s32 $0xFFFFE000  }
0x7c: {  	[spmem:s12] =	stream.indirect.scatter.add.f32 [tilespmem:s7], [sflag:$0x7], $0x80, s25, s3, $0xb8;
	[tilespmem:$0x1E000] =	vst v63  }
0x7d: {  	_ =	swait.ge [sflag:s18], $0x2000  }
0x7e: {  	[sflag:s18] =	ssyncset.done $0x0  }
0x7f: {  	s25 =	simm.s32 $0x300;
	[sflag:s18] =	ssyncadd.s32 $0xFFFFE000  }
0x80: {  	[tilespmem:s7], [sflag:$0x3] =	stream.indirect.gather [hbm4b:s0+s3], $0x80, s25, s3, $0xb8;
	[tilespmem:$0x1E000] =	vst v63  }
0x81: {  	_ =	swait.ge [sflag:s19], $0x2000  }
0x82: {  	[sflag:s19] =	ssyncset.done $0x0  }
0x83: {  	s25 =	simm.s32 $0x1180;
	[sflag:s19] =	ssyncadd.s32 $0xFFFFE000  }
0x84: {  	[spmem:s12] =	stream.indirect.scatter.add.f32 [tilespmem:s9], [sflag:$0x8], $0x80, s25, s3, $0xb8;
	[tilespmem:$0x1E000] =	vst v63  }
0x85: {  	_ =	swait.ge [sflag:s20], $0x2000  }
0x86: {  	[sflag:s20] =	ssyncset.done $0x0  }
0x87: {  	s28 =	simm.s32 $0x800;
	s2 =	simm.s32 $0x380;
	[sflag:s20] =	ssyncadd.s32 $0xFFFFE000  }
.LBB2_3:
0x88: {  	[tilespmem:s9], [sflag:$0x4] =	stream.indirect.gather [hbm4b:s0+s3], $0x80, s2, s3, $0xb8;
	[tilespmem:$0x1E000] =	vst v63  }
0x89: {  	s2 =	smov.u32 s28  }
0x8a: {  	p0 =	sne.s32 s28, $0x3000;
	s28 =	sadd.s32 $0x800, s28;
	_ =	swait.ge [sflag:s11], $0x2000  }
0x8b: {  	s2 =	sshra.s32 s2, $0x2;
	[sflag:s11] =	ssyncset.done $0x0  }
0x8c: {  	s25 =	sadd.s32 $0x1000, s2;
	[sflag:s11] =	ssyncadd.s32 $0xFFFFE000  }
0x8d: {  	[spmem:s12] =	stream.indirect.scatter.add.f32 [tilespmem:s31], [sflag:$0x5], $0x80, s25, s3, $0xb8;
	[tilespmem:$0x1E000] =	vst v63  }
0x8e: {  	_ =	swait.ge [sflag:s13], $0x2000  }
0x8f: {  	[sflag:s13] =	ssyncset.done $0x0  }
0x90: {  	s25 =	sadd.s32 $0x200, s2;
	[sflag:s13] =	ssyncadd.s32 $0xFFFFE000  }
0x91: {  	[tilespmem:s31], [sflag:$0x1] =	stream.indirect.gather [hbm4b:s0+s3], $0x80, s25, s3, $0xb8;
	[tilespmem:$0x1E000] =	vst v63  }
0x92: {  	_ =	swait.ge [sflag:s14], $0x2000  }
0x93: {  	[sflag:s14] =	ssyncset.done $0x0  }
0x94: {  	s25 =	sadd.s32 $0x1080, s2;
	[sflag:s14] =	ssyncadd.s32 $0xFFFFE000  }
0x95: {  	[spmem:s12] =	stream.indirect.scatter.add.f32 [tilespmem:s5], [sflag:$0x6], $0x80, s25, s3, $0xb8;
	[tilespmem:$0x1E000] =	vst v63  }
0x96: {  	_ =	swait.ge [sflag:s17], $0x2000  }
0x97: {  	[sflag:s17] =	ssyncset.done $0x0  }
0x98: {  	s25 =	sadd.s32 $0x280, s2;
	[sflag:s17] =	ssyncadd.s32 $0xFFFFE000  }
0x99: {  	[tilespmem:s5], [sflag:$0x2] =	stream.indirect.gather [hbm4b:s0+s3], $0x80, s25, s3, $0xb8;
	[tilespmem:$0x1E000] =	vst v63  }
0x9a: {  	_ =	swait.ge [sflag:s30], $0x2000  }
0x9b: {  	[sflag:s30] =	ssyncset.done $0x0  }
0x9c: {  	s25 =	sadd.s32 $0x1100, s2;
	[sflag:s30] =	ssyncadd.s32 $0xFFFFE000  }
0x9d: {  	[spmem:s12] =	stream.indirect.scatter.add.f32 [tilespmem:s7], [sflag:$0x7], $0x80, s25, s3, $0xb8;
	[tilespmem:$0x1E000] =	vst v63  }
0x9e: {  	_ =	swait.ge [sflag:s18], $0x2000  }
0x9f: {  	[sflag:s18] =	ssyncset.done $0x0  }
0xa0: {  	s25 =	sadd.s32 $0x300, s2;
	[sflag:s18] =	ssyncadd.s32 $0xFFFFE000  }
0xa1: {  	[tilespmem:s7], [sflag:$0x3] =	stream.indirect.gather [hbm4b:s0+s3], $0x80, s25, s3, $0xb8;
	[tilespmem:$0x1E000] =	vst v63  }
0xa2: {  	_ =	swait.ge [sflag:s19], $0x2000  }
0xa3: {  	[sflag:s19] =	ssyncset.done $0x0  }
.Ltmp0:
0xa4: {  	s25 =	sadd.s32 $0x1180, s2;
	[sflag:s19] =	ssyncadd.s32 $0xFFFFE000;
	(pc) =	sbr.rel @p0 .LBB2_3-.Ltmp0, $4  }
0xa5: {  	[spmem:s12] =	stream.indirect.scatter.add.f32 [tilespmem:s9], [sflag:$0x8], $0x80, s25, s3, $0xb8;
	[tilespmem:$0x1E000] =	vst v63  }
0xa6: {  	_ =	swait.ge [sflag:s20], $0x2000  }
0xa7: {  	[sflag:s20] =	ssyncset.done $0x0  }
0xa8: {  	s2 =	sadd.s32 $0x380, s2;
	[sflag:s20] =	ssyncadd.s32 $0xFFFFE000  }
0xa9: {  	[tilespmem:s9], [sflag:$0x4] =	stream.indirect.gather [hbm4b:s0+s3], $0x80, s2, s3, $0xb8;
	[tilespmem:$0x1E000] =	vst v63  }
0xaa: {  	_ =	swait.ge [sflag:s11], $0x2000  }
0xab: {  	[sflag:s11] =	ssyncset.done $0x0  }
0xac: {  	[sflag:s11] =	ssyncadd.s32 $0xFFFFE000  }
0xad: {  	[spmem:s12] =	stream.indirect.scatter.add.f32 [tilespmem:s31], [sflag:$0x9], $0x80, s21, s3, $0xb8;
	[tilespmem:$0x1E000] =	vst v63  }
0xae: {  	_ =	swait.ge [sflag:s10], $0x2000  }
0xaf: {  	[sflag:s10] =	ssyncset.done $0x0  }
0xb0: {  	[sflag:s10] =	ssyncadd.s32 $0xFFFFE000  }
0xb1: {  	_ =	swait.ge [sflag:s14], $0x2000  }
0xb2: {  	[sflag:s14] =	ssyncset.done $0x0  }
0xb3: {  	[sflag:s14] =	ssyncadd.s32 $0xFFFFE000  }
0xb4: {  	[spmem:s12] =	stream.indirect.scatter.add.f32 [tilespmem:s5], [sflag:$0x9], $0x80, s22, s3, $0xb8;
	[tilespmem:$0x1E000] =	vst v63  }
0xb5: {  	_ =	swait.ge [sflag:s10], $0x2000  }
0xb6: {  	[sflag:s10] =	ssyncset.done $0x0  }
0xb7: {  	[sflag:s10] =	ssyncadd.s32 $0xFFFFE000  }
0xb8: {  	_ =	swait.ge [sflag:s30], $0x2000  }
0xb9: {  	[sflag:s30] =	ssyncset.done $0x0  }
0xba: {  	[sflag:s30] =	ssyncadd.s32 $0xFFFFE000  }
0xbb: {  	[spmem:s12] =	stream.indirect.scatter.add.f32 [tilespmem:s7], [sflag:$0x9], $0x80, s23, s3, $0xb8;
	[tilespmem:$0x1E000] =	vst v63  }
0xbc: {  	_ =	swait.ge [sflag:s10], $0x2000  }
0xbd: {  	[sflag:s10] =	ssyncset.done $0x0  }
0xbe: {  	[sflag:s10] =	ssyncadd.s32 $0xFFFFE000  }
0xbf: {  	s26 =	sadd.s32 $0x1, s26;
	_ =	swait.ge [sflag:s19], $0x2000  }
0xc0: {  	p0 =	sne.s32 s26, $0x5;
	[sflag:s19] =	ssyncset.done $0x0  }
.Ltmp1:
0xc1: {  	[sflag:s19] =	ssyncadd.s32 $0xFFFFE000;
	(pc) =	sbr.rel @p0 .LBB2_2-.Ltmp1, $4  }
0xc2: {  	[spmem:s12] =	stream.indirect.scatter.add.f32 [tilespmem:s9], [sflag:$0x9], $0x80, s24, s3, $0xb8;
	[tilespmem:$0x1E000] =	vst v63  }
0xc3: {  	_ =	swait.ge [sflag:s10], $0x2000  }
0xc4: {  	[sflag:s10] =	ssyncset.done $0x0  }
0xc5: {  	[sflag:s10] =	ssyncadd.s32 $0xFFFFE000  }
0xc6: {  	[bflag:$0x0] =	sbarrier.arrive $0xFFFF  }
0xc7: {  	s1 =	rddreg [dreg:$0xf]  }
0xc8: {  	[tilespmem:s31], [sflag:$0x9] =	stream.linear.gather [spmem:s1], $0x2000, $0x38;
	[tilespmem:$0x1E000] =	vst v63  }
0xc9: {  	_ =	swait.ge [sflag:s10], $0x2000  }
0xca: {  	[sflag:s10] =	ssyncset.done $0x0  }
0xcb: {  	s25 =	simm.s32 $0x0;
	s2 =	rddreg [dreg:$0x4];
	[sflag:s10] =	ssyncadd.s32 $0xFFFFE000  }
0xcc: {  	[hbm4b:s2+s25] =	stream.linear.scatter [tilespmem:s31], [sflag:$0x9], $0x2000, $0x38;
	[tilespmem:$0x1E000] =	vst v63  }
0xcd: {  	_ =	swait.ge [sflag:s10], $0x2000  }
0xce: {  	[sflag:s10] =	ssyncset.done $0x0  }
0xcf: {  	s6 =	rddreg [dreg:$0x10];
	[sflag:s10] =	ssyncadd.s32 $0xFFFFE000  }
0xd0: {  	[tilespmem:s31], [sflag:$0x9] =	stream.linear.gather [spmem:s6], $0x2000, $0x38;
	[tilespmem:$0x1E000] =	vst v63  }
0xd1: {  	_ =	swait.ge [sflag:s10], $0x2000  }
0xd2: {  	[sflag:s10] =	ssyncset.done $0x0  }
0xd3: {  	s8 =	rddreg [dreg:$0x5];
	[sflag:s10] =	ssyncadd.s32 $0xFFFFE000  }
0xd4: {  	[hbm4b:s8+s25] =	stream.linear.scatter [tilespmem:s31], [sflag:$0x9], $0x2000, $0x38;
	[tilespmem:$0x1E000] =	vst v63  }
0xd5: {  	_ =	swait.ge [sflag:s10], $0x2000  }
0xd6: {  	[sflag:s10] =	ssyncset.done $0x0  }
0xd7: {  	s26 =	rddreg [dreg:$0x11];
	[sflag:s10] =	ssyncadd.s32 $0xFFFFE000  }
0xd8: {  	[tilespmem:s31], [sflag:$0x9] =	stream.linear.gather [spmem:s26], $0x2000, $0x38;
	[tilespmem:$0x1E000] =	vst v63  }
0xd9: {  	_ =	swait.ge [sflag:s10], $0x2000  }
0xda: {  	[sflag:s10] =	ssyncset.done $0x0  }
0xdb: {  	s1 =	rddreg [dreg:$0x6];
	[sflag:s10] =	ssyncadd.s32 $0xFFFFE000  }
0xdc: {  	[hbm4b:s1+s25] =	stream.linear.scatter [tilespmem:s31], [sflag:$0x9], $0x2000, $0x38;
	[tilespmem:$0x1E000] =	vst v63  }
0xdd: {  	_ =	swait.ge [sflag:s10], $0x2000  }
0xde: {  	[sflag:s10] =	ssyncset.done $0x0  }
0xdf: {  	s4 =	rddreg [dreg:$0x12];
	[sflag:s10] =	ssyncadd.s32 $0xFFFFE000  }
0xe0: {  	[tilespmem:s31], [sflag:$0x9] =	stream.linear.gather [spmem:s4], $0x2000, $0x38;
	[tilespmem:$0x1E000] =	vst v63  }
0xe1: {  	_ =	swait.ge [sflag:s10], $0x2000  }
0xe2: {  	[sflag:s10] =	ssyncset.done $0x0  }
0xe3: {  	s6 =	rddreg [dreg:$0x7];
	[sflag:s10] =	ssyncadd.s32 $0xFFFFE000  }
0xe4: {  	[hbm4b:s6+s25] =	stream.linear.scatter [tilespmem:s31], [sflag:$0x9], $0x2000, $0x38;
	[tilespmem:$0x1E000] =	vst v63  }
0xe5: {  	_ =	swait.ge [sflag:s10], $0x2000  }
0xe6: {  	[sflag:s10] =	ssyncset.done $0x0  }
0xe7: {  	s8 =	rddreg [dreg:$0x13];
	[sflag:s10] =	ssyncadd.s32 $0xFFFFE000  }
0xe8: {  	[tilespmem:s31], [sflag:$0x9] =	stream.linear.gather [spmem:s8], $0x2000, $0x38;
	[tilespmem:$0x1E000] =	vst v63  }
0xe9: {  	_ =	swait.ge [sflag:s10], $0x2000  }
0xea: {  	[sflag:s10] =	ssyncset.done $0x0  }
0xeb: {  	s26 =	rddreg [dreg:$0x8];
	[sflag:s10] =	ssyncadd.s32 $0xFFFFE000  }
0xec: {  	[hbm4b:s26+s25] =	stream.linear.scatter [tilespmem:s31], [sflag:$0x9], $0x2000, $0x38;
	[tilespmem:$0x1E000] =	vst v63  }
0xed: {  	_ =	swait.ge [sflag:s10], $0x2000  }
0xee: {  	[sflag:s10] =	ssyncset.done $0x0  }
0xef: {  	s28 =	rddreg [dreg:$0x14];
	[sflag:s10] =	ssyncadd.s32 $0xFFFFE000  }
0xf0: {  	[tilespmem:s31], [sflag:$0x9] =	stream.linear.gather [spmem:s28], $0x2000, $0x38;
	[tilespmem:$0x1E000] =	vst v63  }
0xf1: {  	_ =	swait.ge [sflag:s10], $0x2000  }
0xf2: {  	[sflag:s10] =	ssyncset.done $0x0  }
0xf3: {  	s1 =	rddreg [dreg:$0x9];
	[sflag:s10] =	ssyncadd.s32 $0xFFFFE000  }
0xf4: {  	[hbm4b:s1+s25] =	stream.linear.scatter [tilespmem:s31], [sflag:$0x9], $0x2000, $0x38;
	[tilespmem:$0x1E000] =	vst v63  }
0xf5: {  	_ =	swait.ge [sflag:s10], $0x2000  }
0xf6: {  	[sflag:s10] =	ssyncset.done $0x0  }
0xf7: {  	s1 =	rddreg [dreg:$0x15];
	[sflag:s10] =	ssyncadd.s32 $0xFFFFE000  }
0xf8: {  	[tilespmem:s31], [sflag:$0x9] =	stream.linear.gather [spmem:s1], $0x2000, $0x38;
	[tilespmem:$0x1E000] =	vst v63  }
0xf9: {  	_ =	swait.ge [sflag:s10], $0x2000  }
0xfa: {  	[sflag:s10] =	ssyncset.done $0x0  }
0xfb: {  	s4 =	rddreg [dreg:$0xa];
	[sflag:s10] =	ssyncadd.s32 $0xFFFFE000  }
0xfc: {  	[hbm4b:s4+s25] =	stream.linear.scatter [tilespmem:s31], [sflag:$0x9], $0x2000, $0x38;
	[tilespmem:$0x1E000] =	vst v63  }
0xfd: {  	_ =	swait.ge [sflag:s10], $0x2000  }
0xfe: {  	[sflag:s10] =	ssyncset.done $0x0  }
0xff: {  	s4 =	rddreg [dreg:$0x16];
	[sflag:s10] =	ssyncadd.s32 $0xFFFFE000  }
0x100: {  	[tilespmem:s31], [sflag:$0x9] =	stream.linear.gather [spmem:s4], $0x2000, $0x38;
	[tilespmem:$0x1E000] =	vst v63  }
0x101: {  	_ =	swait.ge [sflag:s10], $0x2000  }
0x102: {  	[sflag:s10] =	ssyncset.done $0x0  }
0x103: {  	s6 =	rddreg [dreg:$0xb];
	[sflag:s10] =	ssyncadd.s32 $0xFFFFE000  }
0x104: {  	[hbm4b:s6+s25] =	stream.linear.scatter [tilespmem:s31], [sflag:$0x9], $0x2000, $0x38;
	[tilespmem:$0x1E000] =	vst v63  }
0x105: {  	_ =	swait.ge [sflag:s10], $0x2000  }
0x106: {  	[sflag:s10] =	ssyncset.done $0x0  }
0x107: {  	s6 =	rddreg [dreg:$0x17];
	[sflag:s10] =	ssyncadd.s32 $0xFFFFE000  }
0x108: {  	[tilespmem:s31], [sflag:$0x9] =	stream.linear.gather [spmem:s6], $0x2000, $0x38;
	[tilespmem:$0x1E000] =	vst v63  }
0x109: {  	_ =	swait.ge [sflag:s10], $0x2000  }
0x10a: {  	[sflag:s10] =	ssyncset.done $0x0  }
0x10b: {  	s8 =	rddreg [dreg:$0xc];
	[sflag:s10] =	ssyncadd.s32 $0xFFFFE000  }
0x10c: {  	[hbm4b:s8+s25] =	stream.linear.scatter [tilespmem:s31], [sflag:$0x9], $0x2000, $0x38;
	[tilespmem:$0x1E000] =	vst v63  }
0x10d: {  	_ =	swait.ge [sflag:s10], $0x2000  }
0x10e: {  	[sflag:s10] =	ssyncset.done $0x0  }
0x10f: {  	s8 =	rddreg [dreg:$0x18];
	[sflag:s10] =	ssyncadd.s32 $0xFFFFE000  }
0x110: {  	[tilespmem:s31], [sflag:$0x9] =	stream.linear.gather [spmem:s8], $0x2000, $0x38;
	[tilespmem:$0x1E000] =	vst v63  }
0x111: {  	_ =	swait.ge [sflag:s10], $0x2000  }
0x112: {  	[sflag:s10] =	ssyncset.done $0x0  }
0x113: {  	s26 =	rddreg [dreg:$0xd];
	[sflag:s10] =	ssyncadd.s32 $0xFFFFE000  }
0x114: {  	[hbm4b:s26+s25] =	stream.linear.scatter [tilespmem:s31], [sflag:$0x9], $0x2000, $0x38;
	[tilespmem:$0x1E000] =	vst v63  }
0x115: {  	_ =	swait.ge [sflag:s10], $0x2000  }
0x116: {  	s26 =	rddreg [dreg:$0x1a]  }
0x117: {  	s2 =	rddreg [dreg:$0x19];
	s26 =	sadd.s32 $0x1, s26  }
0x118: {  	p0 =	sne.s32 s26, s2  }
.Ltmp2:
0x119: {  	_ = 	snop;
	(pc) =	sbr.rel @p0 .LBB2_1-.Ltmp2, $3  }
0x11a: {  	_ =	sdelay $0x1  }
0x11b: {  	[sflag:s10] =	ssyncset.done $0x0;
	[dreg:$0x1a] =	wrdreg s26  }
0x11c: {  	[sflag:s10] =	ssyncadd.s32 $0xFFFFE000;
	s26 =	rddreg [dreg:$0xf]  }
0x11d: {  	_ =	sfence.sel $0x180000  }
0x11e: {  	[bflag:$0x0] =	sbarrier.arrive $0xFFFF  }
0x11f: {  	_ =	strace $0x9000004A  }
0x120: {  	s0 =	stileid.u32;
	[bflag:$0x2] =	sbarrier.arrive $0xFFFF  }
0x121: {  	p0 =	sne.s32 s0, $0x0;
	s0 =	rddreg [dreg:$0x3]  }
0x122: {  	s0 =	sadd.s32 @!p0 $0x100000, s0  }
0x123: {  	[sflag:s0] =	ssyncadd.tile.s32 @!p0 $0x1;
	_ =	shalt  }
.Lfunc_end2:
_tile_overlayer_lowered:
.L_overlay_start_2:
0x124: {  	(tag) =	ssettag $0x2  }
0x125: {  	s0 =	rddreg [dreg:$0x0];
	s2 =	stileid.u32  }
0x126: {  	s1 =	rddreg [dreg:$0x1];
	p0 =	sne.s32 s2, $0x0  }
0x127: {  	s3 =	rddreg [dreg:$0x2];
	[bflag:$0x3] =	sbarrier.arrive $0xFFFF;
	s2 =	simm.s32 @!p0 $0x1C09  }
0x128: {  	[timem:s3], [sflag:s2] =	dma.local @!p0 [hbm:s0], s1  }
0x129: {  	s0 =	simm.s32 @!p0 $0x9  }
0x12a: {  	_ =	swait.ge @!p0 [sflag:s0], s1  }
0x12b: {  	s1 =	ssub.s32 @!p0 $0x0, s1;
	[sflag:s0] =	ssyncset.done @!p0 $0x0  }
0x12c: {  	[sflag:s0] =	ssyncadd.s32 @!p0 s1  }
0x12d: {  	[bflag:$0x3] =	sbarrier.arrive $0xFFFF  }
0x12e: {  	_ =	shalt  }

// kernel: kernel.14.cloned.1.call-start
scs
__scs_entry_jumppad:
0x0: {  	(pc) =	sbr.rel $0x88, $3  }
0x1: {  	(tag) =	ssettag $0x0;
	lr =	simm.s32 $0x1  }
0x2: {  	[smem:$0x3F9B] =	sst lr;
	_ =	strace $0xD0000000  }
0x3: {  	_ = 	snop  }
0x4: {  	_ = 	snop  }
0x5: {  	_ = 	snop  }
0x6: {  	_ = 	snop  }
0x7: {  	_ = 	snop  }
__scs_overlays_trampoline_lowered:
0x8: {  	[smem:$0x3FAA] =	sst s0  }
0x9: {  	[smem:$0x3FAB] =	sst s1  }
0xa: {  	[smem:$0x3FAC] =	sst s2  }
0xb: {  	[smem:$0x3FAD] =	sst s3  }
0xc: {  	[smem:$0x3FAE] =	sst s4  }
0xd: {  	[smem:$0x3FAF] =	sst s5  }
0xe: {  	[smem:$0x3FB0] =	sst s6  }
0xf: {  	[smem:$0x3FB1] =	sst s7  }
0x10: {  	[smem:$0x3FB2] =	sst s8  }
0x11: {  	[smem:$0x3FB3] =	sst s9;
	s0 =	simm.s32 @!p0 $0x0  }
0x12: {  	s1 =	sld [smem:$0x3F99];
	s0 =	simm.s32 @p0 $0x1  }
0x13: {  	[smem:$0x3FB4] =	sst s0;
	s0 =	simm.s32 @!p1 $0x0  }
0x14: {  	s2 =	sld [smem:$0x3F98];
	s0 =	simm.s32 @p1 $0x1  }
0x15: {  	[smem:$0x3FB5] =	sst s0;
	s0 =	simm.s32 @!p2 $0x0  }
0x16: {  	s3 =	sld [smem:$0x3FDB];
	s0 =	simm.s32 @p2 $0x1  }
0x17: {  	s4 =	simm.s32 $0x1BF5;
	[smem:$0x3FB7] =	sst s0  }
0x18: {  	s0 =	sld [smem:$0x3F9A];
	_ =	swait.ge [sflag:s4], $0x0  }
0x19: {  	s7 =	sld [smem:$0x3F9B]  }
0x1a: {  	s8 =	sadd.s32 $0xFFFFE003, lr  }
0x1b: {  	s9 =	sadd.s32 $0xFFFFFEF7, lr;
	s5 =	simm.s32 $0xFFFFFFFF;
	p2 =	slt.u32 s8, $0xFFFFF086  }
0x1c: {  	p1 =	slt.u32 s9, $0xF7A;
	s5 =	simm.s32 @!p2 $0x0  }
0x1d: {  	s5 =	simm.s32 @p1 $0x1;
	p0 =	seq.s32 s7, s2  }
0x1e: {  	s7 =	smul.u32 @!p0 $0xF7A, s2;
	p2 =	seq.s32 @!p0 s5, $0x0  }
0x1f: {  	s9 =	smul.u32 $0xF7A, s1;
	s8 =	simm.s32 @!p0 $0x1BF5;
	p2 =	por !p2, p0  }
0x20: {  	[sflag:s8] =	ssyncset.s32 @!p0 $0xFFFFF086;
	s6 =	sadd.s32 @!p0 s3, s7;
	s7 =	simm.s32 @!p0 $0x108  }
0x21: {  	s3 =	sadd.s32 s3, s9;
	s6 =	sadd.s32 @!p0 $0x88, s6;
	s7 =	simm.s32 @p2 $0x1082  }
0x22: {  	[simem:s7], [sflag:s8] =	dma.local @!p0 [hbm:s6], $0xF7A  }
0x23: {  	s9 =	sor.u32 $0xD0000000, s2;
	s6 =	simm.s32 $0x108;
	_ =	swait.ge @!p0 [sflag:s8], $0x0  }
0x24: {  	s3 =	sadd.s32 $0x88, s3;
	s6 =	simm.s32 @!p1 $0x1082;
	[sflag:s4] =	ssyncset.s32 $0xFFFFF086  }
0x25: {  	[simem:s6], [sflag:s4] =	dma.local [hbm:s3], $0xF7A  }
0x26: {  	[smem:$0x3F9B] =	sst s1;
	(tag) =	ssettag s2;
	_ =	strace s9  }
0x27: {  	s1 =	sld [smem:$0x3FAB]  }
0x28: {  	s2 =	sld [smem:$0x3FAC]  }
0x29: {  	s4 =	sld [smem:$0x3FAE]  }
0x2a: {  	p0 =	seq.s32 s5, $0x0;
	s5 =	sld [smem:$0x3FAF]  }
0x2b: {  	s6 =	sld [smem:$0x3FB0]  }
0x2c: {  	s7 =	sld [smem:$0x3FB1]  }
0x2d: {  	s3 =	simm.s32 $0x108;
	s8 =	sld [smem:$0x3FB2]  }
0x2e: {  	s3 =	simm.s32 @!p0 $0x1082;
	s9 =	sld [smem:$0x3FB3]  }
0x2f: {  	lr =	sadd.s32 s0, s3;
	s0 =	sld [smem:$0x3FAA]  }
0x30: {  	s3 =	sld [smem:$0x3FAD]  }
0x31: {  	[smem:$0x3FB6] =	sst s10  }
0x32: {  	s10 =	sld [smem:$0x3FB4];
	_ =	sdelay $0x3  }
0x33: {  	p0 =	seq.s32 s10, $0x1;
	s10 =	sld [smem:$0x3FB6];
	_ =	sdelay $0x3  }
0x34: {  	[smem:$0x3FB6] =	sst s10  }
0x35: {  	s10 =	sld [smem:$0x3FB5];
	_ =	sdelay $0x3  }
0x36: {  	p1 =	seq.s32 s10, $0x1;
	s10 =	sld [smem:$0x3FB6];
	_ =	sdelay $0x3  }
0x37: {  	[smem:$0x3FB6] =	sst s10  }
0x38: {  	s10 =	sld [smem:$0x3FB7]  }
0x39: {  	_ = 	snop;
	(pc) =	sbr.ind lr, $3  }
0x3a: {  	_ = 	snop  }
0x3b: {  	_ = 	snop  }
0x3c: {  	p2 =	seq.s32 s10, $0x1;
	s10 =	sld [smem:$0x3FB6]  }
0x3d: {  	_ =	shalt  }
0x3e: {  	_ =	shalt  }
0x3f: {  	_ =	shalt  }
0x40: {  	_ =	shalt  }
0x41: {  	_ =	shalt  }
0x42: {  	_ =	shalt  }
0x43: {  	_ =	shalt  }
0x44: {  	_ =	shalt  }
0x45: {  	_ =	shalt  }
0x46: {  	_ =	shalt  }
0x47: {  	_ =	shalt  }
0x48: {  	_ =	shalt  }
0x49: {  	_ =	shalt  }
0x4a: {  	_ =	shalt  }
0x4b: {  	_ =	shalt  }
0x4c: {  	_ =	shalt  }
0x4d: {  	_ =	shalt  }
0x4e: {  	_ =	shalt  }
0x4f: {  	_ =	shalt  }
0x50: {  	_ =	shalt  }
0x51: {  	_ =	shalt  }
0x52: {  	_ =	shalt  }
0x53: {  	_ =	shalt  }
0x54: {  	_ =	shalt  }
0x55: {  	_ =	shalt  }
0x56: {  	_ =	shalt  }
0x57: {  	_ =	shalt  }
0x58: {  	_ =	shalt  }
0x59: {  	_ =	shalt  }
0x5a: {  	_ =	shalt  }
0x5b: {  	_ =	shalt  }
0x5c: {  	_ =	shalt  }
0x5d: {  	_ =	shalt  }
0x5e: {  	_ =	shalt  }
0x5f: {  	_ =	shalt  }
0x60: {  	_ =	shalt  }
0x61: {  	_ =	shalt  }
0x62: {  	_ =	shalt  }
0x63: {  	_ =	shalt  }
0x64: {  	_ =	shalt  }
0x65: {  	_ =	shalt  }
0x66: {  	_ =	shalt  }
0x67: {  	_ =	shalt  }
0x68: {  	_ =	shalt  }
0x69: {  	_ =	shalt  }
0x6a: {  	_ =	shalt  }
0x6b: {  	_ =	shalt  }
0x6c: {  	_ =	shalt  }
0x6d: {  	_ =	shalt  }
0x6e: {  	_ =	shalt  }
0x6f: {  	_ =	shalt  }
0x70: {  	_ =	shalt  }
0x71: {  	_ =	shalt  }
0x72: {  	_ =	shalt  }
0x73: {  	_ =	shalt  }
0x74: {  	_ =	shalt  }
0x75: {  	_ =	shalt  }
0x76: {  	_ =	shalt  }
0x77: {  	_ =	shalt  }
0x78: {  	_ =	shalt  }
0x79: {  	_ =	shalt  }
0x7a: {  	_ =	shalt  }
0x7b: {  	_ =	shalt  }
0x7c: {  	_ =	shalt  }
0x7d: {  	_ =	shalt  }
0x7e: {  	_ =	shalt  }
0x7f: {  	_ =	shalt  }
0x80: {  	_ =	shalt  }
0x81: {  	_ =	shalt  }
0x82: {  	_ =	shalt  }
0x83: {  	_ =	shalt  }
0x84: {  	_ =	shalt  }
0x85: {  	_ =	shalt  }
0x86: {  	_ =	shalt  }
0x87: {  	_ =	shalt  }
.Lfunc_end0:
.L_simem_size_0:
called_computation.2_lowered:
.L_overlay_start_0:
0x88: {  	s2 =	sld [smem:$0x3FD9]  }
0x89: {  	s3 =	sld [smem:$0x3FFE];
	_ =	sdelay $0x1  }
0x8a: {  	s1 =	srdreg.scid  }
0x8b: {  	s0 =	sand.u32 $0x1, s1  }
0x8c: {  	s17 =	sshll.u32 s0, $0xA;
	s2 =	sadd.s32 s3, s2  }
0x8d: {  	s2 =	sadd.s32 s2, s17  }
0x8e: {  	[smem:$0x3FC2] =	sst s2  }
0x8f: {  	_ = 	snop  }
0x90: {  	s2 =	sld [smem:$0x3FD0];
	(tm) =	ssettm $0x1  }
0x91: {  	s18 =	sld [smem:$0x3FFB];
	_ =	sdelay $0x3  }
0x92: {  	_ =	strace s18  }
0x93: {  	s3 =	sld [smem:$0x3FFC];
	_ =	sdelay $0x3  }
0x94: {  	_ =	strace s3  }
0x95: {  	s3 =	sld [smem:$0x3FFD];
	_ =	sdelay $0x3  }
0x96: {  	_ =	strace s3  }
0x97: {  	_ =	strace $0x8FFFFFFF  }
0x98: {  	s19 =	sld [smem:$0x3FDB];
	_ =	sdelay $0x1  }
0x99: {  	s4 =	simm.s32 $_scs_section_size  }
0x9a: {  	s5 =	simm.s32 $_size__tile_overlayer_lowered;
	s6 =	simm.s32 $_tile_overlayer_lowered  }
0x9b: {  	s22 =	simm.s32 $0x1BFF;
	s21 =	sshll.u32 s6, $0x1;
	s3 =	sadd.s32 s4, s19  }
0x9c: {  	s7 =	simm.s32 $0x0;
	s20 =	sshll.u32 s5, $0x1;
	s5 =	sadd.s32 s21, s3  }
0x9d: {  	[timem:s7], [sflag:s22] =	dma.local [hbm:s5], s20  }
0x9e: {  	_ =	swait.ge [sflag:s22], s20  }
0x9f: {  	s4 =	ssub.s32 $0x0, s20;
	[sflag:s22] =	ssyncset.done $0x0  }
0xa0: {  	[sflag:s22] =	ssyncadd.s32 s4;
	_ =	sdelay $0x1  }
0xa1: {  	s23 =	simm.s32 $0x1B8B  }
0xa2: {  	_ =	swait.ge [sflag:s23], $0x1  }
0xa3: {  	[sflag:s23] =	ssyncset.done $0x0  }
0xa4: {  	s25 =	simm.s32 $0x1B8E;
	s24 =	sld [smem:$0x3FFE];
	[sflag:s23] =	ssyncadd.s32 $0xFFFFFFFF  }
0xa5: {  	s26 =	simm.s32 $execute0_lowered;
	[smem:$0x3FD2] =	sst s25  }
0xa6: {  	s5 =	sshll.u32 s26, $0x1;
	_ =	strace $0x8000004C;
	[dreg:$0x1] =	wrdreg $0xFFFFFFFF  }
0xa7: {  	s28 =	simm.s32 $_size_execute0_lowered;
	s3 =	sadd.s32 s3, s5;
	[dreg:$0x0] =	wrdreg $0x0  }
0xa8: {  	s5 =	sshll.u32 s28, $0x1;
	[dreg:$0x2] =	wrdreg s3  }
0xa9: {  	[dreg:$0x3] =	wrdreg s5  }
0xaa: {  	[dreg:$0x4] =	wrdreg $0xC0  }
0xab: {  	_ =	task [dreg:s7], $0x5FFFF  }
0xac: {  	[dreg:$0x1] =	wrdreg $0xFFFFFFFF  }
0xad: {  	[dreg:$0x0] =	wrdreg $0x60  }
0xae: {  	[dreg:$0x2] =	wrdreg s2  }
0xaf: {  	[dreg:$0x3] =	wrdreg s24  }
0xb0: {  	[dreg:$0x4] =	wrdreg $0xA0000  }
0xb1: {  	[dreg:$0x5] =	wrdreg $0x9  }
0xb2: {  	_ =	task.clear_ibuf [dreg:s7], $0x6FFFF;
	_ =	strace $0x9000004C  }
0xb3: {  	s29 =	simm.s32 $0x9;
	_ =	strace $0x8000004E  }
0xb4: {  	_ =	swait.ge [sflag:s29], $0x1  }
0xb5: {  	[sflag:s29] =	ssyncadd.s32 $0xFFFFFFFF  }
0xb6: {  	_ =	strace $0x9000004E  }
0xb7: {  	_ =	sfence  }
0xb8: {  	s30 =	sld [smem:$0x0];
	_ =	sdelay $0x2  }
0xb9: {  	s31 =	sshll.u32 s1, $0xD;
	s1 =	sshrl.u32 s1, $0x2  }
0xba: {  	s3 =	sand.u32 $0x4000, s31;
	s1 =	sadd.s32 s1, s30  }
0xbb: {  	s0 =	sor.u32 s3, s0;
	s1 =	sshll.u32 s1, $0x11  }
0xbc: {  	s0 =	sor.u32 s1, s0  }
0xbd: {  	s0 =	sadd.s32 $0x8F2B, s0  }
0xbe: {  	[sflag:s0] =	ssyncadd.remote.s32 $0x1  }
0xbf: {  	_ =	sfence.sel $0xFFFF  }
0xc0: {  	[dreg:$0x0] =	wrdreg $0xFFFFFFFF;
	(pc) =	sbr.abs _section_cstart, $3  }
0xc1: {  	[dreg:$0x1] =	wrdreg $0xFFFFFFFF  }
0xc2: {  	_ =	task.clear_ibuf [dreg:s7], $0x2FFFF;
	_ =	strace $0x9FFFFFFF  }
0xc3: {  	(tm) =	ssettm $0x7FFFFFFF  }
tec
execute0_lowered:
.L_overlay_start_1:
0x0: {  	(tag) =	ssettag $0x1  }
0x1: {  	s0 =	rddreg [dreg:$0x0]  }
0x2: {  	s1 =	srdreg.scid;
	s2 =	rddreg [dreg:$0x1];
	s25 =	simm.s32 $0x0  }
0x3: {  	s18 =	stileid.u32;
	s31 =	simm.s32 $0x2000;
	s30 =	simm.s32 $0x3  }
0x4: {  	s1 =	sand.u32 $0x1, s1;
	[smem:$0x7FF] =	sst s25;
	s5 =	smul.u32 $0x14000, s18  }
0x5: {  	s6 =	sadd.s32 $0x7C400, s2;
	s20 =	sshll.u32 s18, $0x1;
	s3 =	ssub.s32 $0x2, s1  }
0x6: {  	s19 =	sor.u32 s1, s20;
	s1 =	smul.u32 $0x140000, s1;
	s4 =	sshrl.u32 s3, $0x1  }
0x7: {  	s7 =	sor.u32 $0x2000, s5;
	s8 =	sadd.s32 $0x4000, s5;
	s9 =	sadd.s32 $0x6000, s5  }
0x8: {  	s10 =	sadd.s32 $0x8000, s5;
	s11 =	sadd.s32 $0xA000, s5;
	s13 =	sadd.s32 $0xC000, s5  }
0x9: {  	s14 =	sadd.s32 $0xE000, s5;
	s17 =	sadd.s32 $0x10000, s5;
	s29 =	smul.u32 $0x5000, s19  }
0xa: {  	s19 =	simm.s32 $0x4;
	s3 =	ssub.s32 s3, s4;
	s12 =	sadd.s32 s5, s1  }
0xb: {  	s15 =	sadd.s32 s1, s7;
	s5 =	sadd.s32 $0x12000, s5;
	s22 =	sadd.s32 s1, s8  }
0xc: {  	s23 =	sadd.s32 s1, s9;
	s16 =	sadd.s32 s1, s10;
	s20 =	sadd.s32 s1, s14  }
0xd: {  	s12 =	sshrl.u32 s12, $0x3;
	s15 =	sshrl.u32 s15, $0x3;
	s24 =	sshrl.u32 s23, $0x3  }
0xe: {  	s26 =	sshrl.u32 s16, $0x3;
	s16 =	sadd.s32 s1, s13;
	s12 =	sadd.s32 s6, s12  }
0xf: {  	s21 =	sadd.s32 s6, s15;
	s4 =	sadd.s32 s6, s26;
	[dreg:$0x4] =	wrdreg s12  }
0x10: {  	s15 =	sadd.s32 s1, s11;
	[dreg:$0x5] =	wrdreg s21;
	s12 =	sshrl.u32 s22, $0x3  }
0x11: {  	[dreg:$0x8] =	wrdreg s4;
	s22 =	sshrl.u32 s20, $0x3;
	s12 =	sadd.s32 s6, s12  }
0x12: {  	s21 =	sshrl.u32 s16, $0x3;
	s23 =	sadd.s32 s6, s22;
	[dreg:$0x6] =	wrdreg s12  }
0x13: {  	s4 =	smul.u32 $0x50000, s18;
	s12 =	sadd.s32 s6, s24;
	[dreg:$0xb] =	wrdreg s23  }
0x14: {  	s24 =	sadd.s32 s1, s17;
	[dreg:$0x7] =	wrdreg s12;
	s12 =	sshrl.u32 s15, $0x3  }
0x15: {  	s1 =	sadd.s32 s1, s5;
	s26 =	sshrl.u32 s24, $0x3;
	s12 =	sadd.s32 s6, s12  }
0x16: {  	s1 =	sshrl.u32 s1, $0x3;
	s15 =	sadd.s32 s6, s26;
	[dreg:$0x9] =	wrdreg s12  }
0x17: {  	s16 =	sadd.s32 $0x18400, s2;
	s1 =	sadd.s32 s6, s1;
	[dreg:$0xc] =	wrdreg s15  }
0x18: {  	s18 =	sshrl.u32 s4, $0x2;
	s12 =	sadd.s32 s6, s21;
	[dreg:$0xd] =	wrdreg s1  }
0x19: {  	s24 =	smax.u32 s3, $0x1;
	s3 =	simm.s32 $0x40;
	[dreg:$0xa] =	wrdreg s12  }
0x1a: {  	s15 =	sadd.s32 $0x4400, s2;
	s2 =	sadd.s32 $0x3600, s2;
	s12 =	rddreg [dreg:$0x2]  }
0x1b: {  	_ =	strace $0x8000004D;
	[dreg:$0xe] =	wrdreg s2;
	s26 =	sadd.s32 s18, s12  }
0x1c: {  	s20 =	sadd.s32 s7, s12;
	s21 =	sadd.s32 s8, s12;
	[dreg:$0x19] =	wrdreg s24  }
0x1d: {  	s22 =	sadd.s32 s9, s12;
	s23 =	sadd.s32 s10, s12;
	[dreg:$0x10] =	wrdreg s20  }
0x1e: {  	s28 =	sadd.s32 s11, s12;
	s1 =	sadd.s32 s13, s12;
	[dreg:$0x11] =	wrdreg s21  }
0x1f: {  	s4 =	sadd.s32 s14, s12;
	s6 =	sadd.s32 s17, s12;
	[dreg:$0x12] =	wrdreg s22  }
0x20: {  	s8 =	sadd.s32 s5, s12;
	s2 =	simm.s32 $0x0;
	[dreg:$0x13] =	wrdreg s23  }
0x21: {  	s10 =	simm.s32 $0x9;
	s5 =	simm.s32 $0x4000;
	[dreg:$0x1a] =	wrdreg s2  }
0x22: {  	s7 =	simm.s32 $0x6000;
	s9 =	simm.s32 $0x8000;
	[dreg:$0xf] =	wrdreg s26  }
0x23: {  	s11 =	simm.s32 $0x1;
	s13 =	simm.s32 $0x5;
	[dreg:$0x14] =	wrdreg s28  }
0x24: {  	s14 =	simm.s32 $0x2;
	s17 =	simm.s32 $0x6;
	[dreg:$0x15] =	wrdreg s1  }
0x25: {  	s18 =	simm.s32 $0x7;
	s24 =	simm.s32 $0x1F80;
	[dreg:$0x16] =	wrdreg s4  }
0x26: {  	s20 =	simm.s32 $0x8;
	s21 =	simm.s32 $0x1E00;
	[dreg:$0x17] =	wrdreg s6  }
0x27: {  	s22 =	simm.s32 $0x1E80;
	s23 =	simm.s32 $0x1F00;
	[dreg:$0x18] =	wrdreg s8  }
.LBB2_1:
0x28: {  	s2 =	rddreg [dreg:$0xe]  }
0x29: {  	[tilespmem:s31], [sflag:$0x9] =	stream.linear.gather [hbm4b:s2+s25], $0x2000, $0x38;
	[tilespmem:$0x1E000] =	vst v63  }
0x2a: {  	_ =	swait.ge [sflag:s10], $0x2000  }
0x2b: {  	[sflag:s10] =	ssyncset.done $0x0  }
0x2c: {  	[sflag:s10] =	ssyncadd.s32 $0xFFFFE000  }
0x2d: {  	[spmem:s26] =	stream.linear.scatter [tilespmem:s31], [sflag:$0x9], $0x2000, $0x38;
	[tilespmem:$0x1E000] =	vst v63  }
0x2e: {  	_ =	swait.ge [sflag:s10], $0x2000  }
0x2f: {  	[sflag:s10] =	ssyncset.done $0x0  }
0x30: {  	s25 =	rddreg [dreg:$0x10];
	[sflag:s10] =	ssyncadd.s32 $0xFFFFE000  }
0x31: {  	[spmem:s25] =	stream.linear.scatter [tilespmem:s31], [sflag:$0x9], $0x2000, $0x38;
	[tilespmem:$0x1E000] =	vst v63  }
0x32: {  	_ =	swait.ge [sflag:s10], $0x2000  }
0x33: {  	[sflag:s10] =	ssyncset.done $0x0  }
0x34: {  	s26 =	rddreg [dreg:$0x11];
	[sflag:s10] =	ssyncadd.s32 $0xFFFFE000  }
0x35: {  	[spmem:s26] =	stream.linear.scatter [tilespmem:s31], [sflag:$0x9], $0x2000, $0x38;
	[tilespmem:$0x1E000] =	vst v63  }
0x36: {  	_ =	swait.ge [sflag:s10], $0x2000  }
0x37: {  	[sflag:s10] =	ssyncset.done $0x0  }
0x38: {  	s25 =	rddreg [dreg:$0x12];
	[sflag:s10] =	ssyncadd.s32 $0xFFFFE000  }
0x39: {  	[spmem:s25] =	stream.linear.scatter [tilespmem:s31], [sflag:$0x9], $0x2000, $0x38;
	[tilespmem:$0x1E000] =	vst v63  }
0x3a: {  	_ =	swait.ge [sflag:s10], $0x2000  }
0x3b: {  	[sflag:s10] =	ssyncset.done $0x0  }
0x3c: {  	s26 =	rddreg [dreg:$0x13];
	[sflag:s10] =	ssyncadd.s32 $0xFFFFE000  }
0x3d: {  	[spmem:s26] =	stream.linear.scatter [tilespmem:s31], [sflag:$0x9], $0x2000, $0x38;
	[tilespmem:$0x1E000] =	vst v63  }
0x3e: {  	_ =	swait.ge [sflag:s10], $0x2000  }
0x3f: {  	[sflag:s10] =	ssyncset.done $0x0  }
0x40: {  	[sflag:s10] =	ssyncadd.s32 $0xFFFFE000  }
0x41: {  	[spmem:s28] =	stream.linear.scatter [tilespmem:s31], [sflag:$0x9], $0x2000, $0x38;
	[tilespmem:$0x1E000] =	vst v63  }
0x42: {  	_ =	swait.ge [sflag:s10], $0x2000  }
0x43: {  	[sflag:s10] =	ssyncset.done $0x0  }
0x44: {  	[sflag:s10] =	ssyncadd.s32 $0xFFFFE000  }
0x45: {  	[spmem:s1] =	stream.linear.scatter [tilespmem:s31], [sflag:$0x9], $0x2000, $0x38;
	[tilespmem:$0x1E000] =	vst v63  }
0x46: {  	_ =	swait.ge [sflag:s10], $0x2000  }
0x47: {  	[sflag:s10] =	ssyncset.done $0x0  }
0x48: {  	[sflag:s10] =	ssyncadd.s32 $0xFFFFE000  }
0x49: {  	[spmem:s4] =	stream.linear.scatter [tilespmem:s31], [sflag:$0x9], $0x2000, $0x38;
	[tilespmem:$0x1E000] =	vst v63  }
0x4a: {  	_ =	swait.ge [sflag:s10], $0x2000  }
0x4b: {  	[sflag:s10] =	ssyncset.done $0x0  }
0x4c: {  	[sflag:s10] =	ssyncadd.s32 $0xFFFFE000  }
0x4d: {  	[spmem:s6] =	stream.linear.scatter [tilespmem:s31], [sflag:$0x9], $0x2000, $0x38;
	[tilespmem:$0x1E000] =	vst v63  }
0x4e: {  	_ =	swait.ge [sflag:s10], $0x2000  }
0x4f: {  	[sflag:s10] =	ssyncset.done $0x0  }
0x50: {  	[sflag:s10] =	ssyncadd.s32 $0xFFFFE000  }
0x51: {  	[spmem:s8] =	stream.linear.scatter [tilespmem:s31], [sflag:$0x9], $0x2000, $0x38;
	[tilespmem:$0x1E000] =	vst v63  }
0x52: {  	_ =	swait.ge [sflag:s10], $0x2000  }
0x53: {  	s26 =	simm.s32 $0x0;
	[sflag:s10] =	ssyncset.done $0x0  }
0x54: {  	s1 =	simm.s32 $0x1000;
	s4 =	simm.s32 $0x80;
	[sflag:s10] =	ssyncadd.s32 $0xFFFFE000  }
0x55: {  	s6 =	simm.s32 $0x100;
	s8 =	simm.s32 $0x180;
	[bflag:$0x0] =	sbarrier.arrive $0xFFFF  }
.LBB2_2:
0x56: {  	s2 =	sshll.u32 s26, $0xC  }
0x57: {  	s2 =	sadd.s32 s29, s2  }
0x58: {  	s2 =	sshrl.u32 s2, $0x3  }
0x59: {  	s25 =	simm.s32 $0x0;
	s28 =	sadd.s32 s15, s2  }
0x5a: {  	[tilespmem:s25], [sflag:$0x9] =	stream.linear.gather [hbm4b:s28+s25], $0x1000, $0x38;
	[tilespmem:$0x1E000] =	vst v63  }
0x5b: {  	_ =	swait.ge [sflag:s10], $0x1000  }
0x5c: {  	[sflag:s10] =	ssyncset.done $0x0  }
0x5d: {  	s2 =	sadd.s32 s16, s2;
	[sflag:s10] =	ssyncadd.s32 $0xFFFFF000  }
0x5e: {  	[tilespmem:s1], [sflag:$0x9] =	stream.linear.gather [hbm4b:s2+s25], $0x1000, $0x38;
	[tilespmem:$0x1E000] =	vst v63  }
0x5f: {  	_ =	swait.ge [sflag:s10], $0x1000  }
0x60: {  	[sflag:s10] =	ssyncset.done $0x0  }
0x61: {  	[sflag:s10] =	ssyncadd.s32 $0xFFFFF000  }
0x62: {  	[tilespmem:s31], [sflag:$0x1] =	stream.indirect.gather [hbm4b:s0+s3], $0x80, s25, s3, $0xb8;
	[tilespmem:$0x1E000] =	vst v63  }
0x63: {  	_ = 	snop  }
0x64: {  	[tilespmem:s5], [sflag:$0x2] =	stream.indirect.gather [hbm4b:s0+s3], $0x80, s4, s3, $0xb8;
	[tilespmem:$0x1E000] =	vst v63  }
0x65: {  	_ = 	snop  }
0x66: {  	[tilespmem:s7], [sflag:$0x3] =	stream.indirect.gather [hbm4b:s0+s3], $0x80, s6, s3, $0xb8;
	[tilespmem:$0x1E000] =	vst v63  }
0x67: {  	_ = 	snop  }
0x68: {  	[tilespmem:s9], [sflag:$0x4] =	stream.indirect.gather [hbm4b:s0+s3], $0x80, s8, s3, $0xb8;
	[tilespmem:$0x1E000] =	vst v63  }
0x69: {  	_ =	swait.ge [sflag:s11], $0x2000  }
0x6a: {  	[sflag:s11] =	ssyncset.done $0x0  }
0x6b: {  	s25 =	simm.s32 $0x1000;
	[sflag:s11] =	ssyncadd.s32 $0xFFFFE000  }
0x6c: {  	[spmem:s12] =	stream.indirect.scatter.add.f32 [tilespmem:s31], [sflag:$0x5], $0x80, s25, s3, $0xb8;
	[tilespmem:$0x1E000] =	vst v63  }
0x6d: {  	_ =	swait.ge [sflag:s13], $0x2000  }
0x6e: {  	[sflag:s13] =	ssyncset.done $0x0  }
0x6f: {  	s25 =	simm.s32 $0x200;
	[sflag:s13] =	ssyncadd.s32 $0xFFFFE000  }
0x70: {  	[tilespmem:s31], [sflag:$0x1] =	stream.indirect.gather [hbm4b:s0+s3], $0x80, s25, s3, $0xb8;
	[tilespmem:$0x1E000] =	vst v63  }
0x71: {  	_ =	swait.ge [sflag:s14], $0x2000  }
0x72: {  	[sflag:s14] =	ssyncset.done $0x0  }
0x73: {  	s25 =	simm.s32 $0x1080;
	[sflag:s14] =	ssyncadd.s32 $0xFFFFE000  }
0x74: {  	[spmem:s12] =	stream.indirect.scatter.add.f32 [tilespmem:s5], [sflag:$0x6], $0x80, s25, s3, $0xb8;
	[tilespmem:$0x1E000] =	vst v63  }
0x75: {  	_ =	swait.ge [sflag:s17], $0x2000  }
0x76: {  	[sflag:s17] =	ssyncset.done $0x0  }
0x77: {  	s25 =	simm.s32 $0x280;
	[sflag:s17] =	ssyncadd.s32 $0xFFFFE000  }
0x78: {  	[tilespmem:s5], [sflag:$0x2] =	stream.indirect.gather [hbm4b:s0+s3], $0x80, s25, s3, $0xb8;
	[tilespmem:$0x1E000] =	vst v63  }
0x79: {  	_ =	swait.ge [sflag:s30], $0x2000  }
0x7a: {  	[sflag:s30] =	ssyncset.done $0x0  }
0x7b: {  	s25 =	simm.s32 $0x1100;
	[sflag:s30] =	ssyncadd.s32 $0xFFFFE000  }
0x7c: {  	[spmem:s12] =	stream.indirect.scatter.add.f32 [tilespmem:s7], [sflag:$0x7], $0x80, s25, s3, $0xb8;
	[tilespmem:$0x1E000] =	vst v63  }
0x7d: {  	_ =	swait.ge [sflag:s18], $0x2000  }
0x7e: {  	[sflag:s18] =	ssyncset.done $0x0  }
0x7f: {  	s25 =	simm.s32 $0x300;
	[sflag:s18] =	ssyncadd.s32 $0xFFFFE000  }
0x80: {  	[tilespmem:s7], [sflag:$0x3] =	stream.indirect.gather [hbm4b:s0+s3], $0x80, s25, s3, $0xb8;
	[tilespmem:$0x1E000] =	vst v63  }
0x81: {  	_ =	swait.ge [sflag:s19], $0x2000  }
0x82: {  	[sflag:s19] =	ssyncset.done $0x0  }
0x83: {  	s25 =	simm.s32 $0x1180;
	[sflag:s19] =	ssyncadd.s32 $0xFFFFE000  }
0x84: {  	[spmem:s12] =	stream.indirect.scatter.add.f32 [tilespmem:s9], [sflag:$0x8], $0x80, s25, s3, $0xb8;
	[tilespmem:$0x1E000] =	vst v63  }
0x85: {  	_ =	swait.ge [sflag:s20], $0x2000  }
0x86: {  	[sflag:s20] =	ssyncset.done $0x0  }
0x87: {  	s28 =	simm.s32 $0x800;
	s2 =	simm.s32 $0x380;
	[sflag:s20] =	ssyncadd.s32 $0xFFFFE000  }
.LBB2_3:
0x88: {  	[tilespmem:s9], [sflag:$0x4] =	stream.indirect.gather [hbm4b:s0+s3], $0x80, s2, s3, $0xb8;
	[tilespmem:$0x1E000] =	vst v63  }
0x89: {  	s2 =	smov.u32 s28  }
0x8a: {  	p0 =	sne.s32 s28, $0x3000;
	s28 =	sadd.s32 $0x800, s28;
	_ =	swait.ge [sflag:s11], $0x2000  }
0x8b: {  	s2 =	sshra.s32 s2, $0x2;
	[sflag:s11] =	ssyncset.done $0x0  }
0x8c: {  	s25 =	sadd.s32 $0x1000, s2;
	[sflag:s11] =	ssyncadd.s32 $0xFFFFE000  }
0x8d: {  	[spmem:s12] =	stream.indirect.scatter.add.f32 [tilespmem:s31], [sflag:$0x5], $0x80, s25, s3, $0xb8;
	[tilespmem:$0x1E000] =	vst v63  }
0x8e: {  	_ =	swait.ge [sflag:s13], $0x2000  }
0x8f: {  	[sflag:s13] =	ssyncset.done $0x0  }
0x90: {  	s25 =	sadd.s32 $0x200, s2;
	[sflag:s13] =	ssyncadd.s32 $0xFFFFE000  }
0x91: {  	[tilespmem:s31], [sflag:$0x1] =	stream.indirect.gather [hbm4b:s0+s3], $0x80, s25, s3, $0xb8;
	[tilespmem:$0x1E000] =	vst v63  }
0x92: {  	_ =	swait.ge [sflag:s14], $0x2000  }
0x93: {  	[sflag:s14] =	ssyncset.done $0x0  }
0x94: {  	s25 =	sadd.s32 $0x1080, s2;
	[sflag:s14] =	ssyncadd.s32 $0xFFFFE000  }
0x95: {  	[spmem:s12] =	stream.indirect.scatter.add.f32 [tilespmem:s5], [sflag:$0x6], $0x80, s25, s3, $0xb8;
	[tilespmem:$0x1E000] =	vst v63  }
0x96: {  	_ =	swait.ge [sflag:s17], $0x2000  }
0x97: {  	[sflag:s17] =	ssyncset.done $0x0  }
0x98: {  	s25 =	sadd.s32 $0x280, s2;
	[sflag:s17] =	ssyncadd.s32 $0xFFFFE000  }
0x99: {  	[tilespmem:s5], [sflag:$0x2] =	stream.indirect.gather [hbm4b:s0+s3], $0x80, s25, s3, $0xb8;
	[tilespmem:$0x1E000] =	vst v63  }
0x9a: {  	_ =	swait.ge [sflag:s30], $0x2000  }
0x9b: {  	[sflag:s30] =	ssyncset.done $0x0  }
0x9c: {  	s25 =	sadd.s32 $0x1100, s2;
	[sflag:s30] =	ssyncadd.s32 $0xFFFFE000  }
0x9d: {  	[spmem:s12] =	stream.indirect.scatter.add.f32 [tilespmem:s7], [sflag:$0x7], $0x80, s25, s3, $0xb8;
	[tilespmem:$0x1E000] =	vst v63  }
0x9e: {  	_ =	swait.ge [sflag:s18], $0x2000  }
0x9f: {  	[sflag:s18] =	ssyncset.done $0x0  }
0xa0: {  	s25 =	sadd.s32 $0x300, s2;
	[sflag:s18] =	ssyncadd.s32 $0xFFFFE000  }
0xa1: {  	[tilespmem:s7], [sflag:$0x3] =	stream.indirect.gather [hbm4b:s0+s3], $0x80, s25, s3, $0xb8;
	[tilespmem:$0x1E000] =	vst v63  }
0xa2: {  	_ =	swait.ge [sflag:s19], $0x2000  }
0xa3: {  	[sflag:s19] =	ssyncset.done $0x0  }
.Ltmp0:
0xa4: {  	s25 =	sadd.s32 $0x1180, s2;
	[sflag:s19] =	ssyncadd.s32 $0xFFFFE000;
	(pc) =	sbr.rel @p0 .LBB2_3-.Ltmp0, $4  }
0xa5: {  	[spmem:s12] =	stream.indirect.scatter.add.f32 [tilespmem:s9], [sflag:$0x8], $0x80, s25, s3, $0xb8;
	[tilespmem:$0x1E000] =	vst v63  }
0xa6: {  	_ =	swait.ge [sflag:s20], $0x2000  }
0xa7: {  	[sflag:s20] =	ssyncset.done $0x0  }
0xa8: {  	s2 =	sadd.s32 $0x380, s2;
	[sflag:s20] =	ssyncadd.s32 $0xFFFFE000  }
0xa9: {  	[tilespmem:s9], [sflag:$0x4] =	stream.indirect.gather [hbm4b:s0+s3], $0x80, s2, s3, $0xb8;
	[tilespmem:$0x1E000] =	vst v63  }
0xaa: {  	_ =	swait.ge [sflag:s11], $0x2000  }
0xab: {  	[sflag:s11] =	ssyncset.done $0x0  }
0xac: {  	[sflag:s11] =	ssyncadd.s32 $0xFFFFE000  }
0xad: {  	[spmem:s12] =	stream.indirect.scatter.add.f32 [tilespmem:s31], [sflag:$0x9], $0x80, s21, s3, $0xb8;
	[tilespmem:$0x1E000] =	vst v63  }
0xae: {  	_ =	swait.ge [sflag:s10], $0x2000  }
0xaf: {  	[sflag:s10] =	ssyncset.done $0x0  }
0xb0: {  	[sflag:s10] =	ssyncadd.s32 $0xFFFFE000  }
0xb1: {  	_ =	swait.ge [sflag:s14], $0x2000  }
0xb2: {  	[sflag:s14] =	ssyncset.done $0x0  }
0xb3: {  	[sflag:s14] =	ssyncadd.s32 $0xFFFFE000  }
0xb4: {  	[spmem:s12] =	stream.indirect.scatter.add.f32 [tilespmem:s5], [sflag:$0x9], $0x80, s22, s3, $0xb8;
	[tilespmem:$0x1E000] =	vst v63  }
0xb5: {  	_ =	swait.ge [sflag:s10], $0x2000  }
0xb6: {  	[sflag:s10] =	ssyncset.done $0x0  }
0xb7: {  	[sflag:s10] =	ssyncadd.s32 $0xFFFFE000  }
0xb8: {  	_ =	swait.ge [sflag:s30], $0x2000  }
0xb9: {  	[sflag:s30] =	ssyncset.done $0x0  }
0xba: {  	[sflag:s30] =	ssyncadd.s32 $0xFFFFE000  }
0xbb: {  	[spmem:s12] =	stream.indirect.scatter.add.f32 [tilespmem:s7], [sflag:$0x9], $0x80, s23, s3, $0xb8;
	[tilespmem:$0x1E000] =	vst v63  }
0xbc: {  	_ =	swait.ge [sflag:s10], $0x2000  }
0xbd: {  	[sflag:s10] =	ssyncset.done $0x0  }
0xbe: {  	[sflag:s10] =	ssyncadd.s32 $0xFFFFE000  }
0xbf: {  	s26 =	sadd.s32 $0x1, s26;
	_ =	swait.ge [sflag:s19], $0x2000  }
0xc0: {  	p0 =	sne.s32 s26, $0x5;
	[sflag:s19] =	ssyncset.done $0x0  }
.Ltmp1:
0xc1: {  	[sflag:s19] =	ssyncadd.s32 $0xFFFFE000;
	(pc) =	sbr.rel @p0 .LBB2_2-.Ltmp1, $4  }
0xc2: {  	[spmem:s12] =	stream.indirect.scatter.add.f32 [tilespmem:s9], [sflag:$0x9], $0x80, s24, s3, $0xb8;
	[tilespmem:$0x1E000] =	vst v63  }
0xc3: {  	_ =	swait.ge [sflag:s10], $0x2000  }
0xc4: {  	[sflag:s10] =	ssyncset.done $0x0  }
0xc5: {  	[sflag:s10] =	ssyncadd.s32 $0xFFFFE000  }
0xc6: {  	[bflag:$0x0] =	sbarrier.arrive $0xFFFF  }
0xc7: {  	s1 =	rddreg [dreg:$0xf]  }
0xc8: {  	[tilespmem:s31], [sflag:$0x9] =	stream.linear.gather [spmem:s1], $0x2000, $0x38;
	[tilespmem:$0x1E000] =	vst v63  }
0xc9: {  	_ =	swait.ge [sflag:s10], $0x2000  }
0xca: {  	[sflag:s10] =	ssyncset.done $0x0  }
0xcb: {  	s25 =	simm.s32 $0x0;
	s2 =	rddreg [dreg:$0x4];
	[sflag:s10] =	ssyncadd.s32 $0xFFFFE000  }
0xcc: {  	[hbm4b:s2+s25] =	stream.linear.scatter [tilespmem:s31], [sflag:$0x9], $0x2000, $0x38;
	[tilespmem:$0x1E000] =	vst v63  }
0xcd: {  	_ =	swait.ge [sflag:s10], $0x2000  }
0xce: {  	[sflag:s10] =	ssyncset.done $0x0  }
0xcf: {  	s6 =	rddreg [dreg:$0x10];
	[sflag:s10] =	ssyncadd.s32 $0xFFFFE000  }
0xd0: {  	[tilespmem:s31], [sflag:$0x9] =	stream.linear.gather [spmem:s6], $0x2000, $0x38;
	[tilespmem:$0x1E000] =	vst v63  }
0xd1: {  	_ =	swait.ge [sflag:s10], $0x2000  }
0xd2: {  	[sflag:s10] =	ssyncset.done $0x0  }
0xd3: {  	s8 =	rddreg [dreg:$0x5];
	[sflag:s10] =	ssyncadd.s32 $0xFFFFE000  }
0xd4: {  	[hbm4b:s8+s25] =	stream.linear.scatter [tilespmem:s31], [sflag:$0x9], $0x2000, $0x38;
	[tilespmem:$0x1E000] =	vst v63  }
0xd5: {  	_ =	swait.ge [sflag:s10], $0x2000  }
0xd6: {  	[sflag:s10] =	ssyncset.done $0x0  }
0xd7: {  	s26 =	rddreg [dreg:$0x11];
	[sflag:s10] =	ssyncadd.s32 $0xFFFFE000  }
0xd8: {  	[tilespmem:s31], [sflag:$0x9] =	stream.linear.gather [spmem:s26], $0x2000, $0x38;
	[tilespmem:$0x1E000] =	vst v63  }
0xd9: {  	_ =	swait.ge [sflag:s10], $0x2000  }
0xda: {  	[sflag:s10] =	ssyncset.done $0x0  }
0xdb: {  	s1 =	rddreg [dreg:$0x6];
	[sflag:s10] =	ssyncadd.s32 $0xFFFFE000  }
0xdc: {  	[hbm4b:s1+s25] =	stream.linear.scatter [tilespmem:s31], [sflag:$0x9], $0x2000, $0x38;
	[tilespmem:$0x1E000] =	vst v63  }
0xdd: {  	_ =	swait.ge [sflag:s10], $0x2000  }
0xde: {  	[sflag:s10] =	ssyncset.done $0x0  }
0xdf: {  	s4 =	rddreg [dreg:$0x12];
	[sflag:s10] =	ssyncadd.s32 $0xFFFFE000  }
0xe0: {  	[tilespmem:s31], [sflag:$0x9] =	stream.linear.gather [spmem:s4], $0x2000, $0x38;
	[tilespmem:$0x1E000] =	vst v63  }
0xe1: {  	_ =	swait.ge [sflag:s10], $0x2000  }
0xe2: {  	[sflag:s10] =	ssyncset.done $0x0  }
0xe3: {  	s6 =	rddreg [dreg:$0x7];
	[sflag:s10] =	ssyncadd.s32 $0xFFFFE000  }
0xe4: {  	[hbm4b:s6+s25] =	stream.linear.scatter [tilespmem:s31], [sflag:$0x9], $0x2000, $0x38;
	[tilespmem:$0x1E000] =	vst v63  }
0xe5: {  	_ =	swait.ge [sflag:s10], $0x2000  }
0xe6: {  	[sflag:s10] =	ssyncset.done $0x0  }
0xe7: {  	s8 =	rddreg [dreg:$0x13];
	[sflag:s10] =	ssyncadd.s32 $0xFFFFE000  }
0xe8: {  	[tilespmem:s31], [sflag:$0x9] =	stream.linear.gather [spmem:s8], $0x2000, $0x38;
	[tilespmem:$0x1E000] =	vst v63  }
0xe9: {  	_ =	swait.ge [sflag:s10], $0x2000  }
0xea: {  	[sflag:s10] =	ssyncset.done $0x0  }
0xeb: {  	s26 =	rddreg [dreg:$0x8];
	[sflag:s10] =	ssyncadd.s32 $0xFFFFE000  }
0xec: {  	[hbm4b:s26+s25] =	stream.linear.scatter [tilespmem:s31], [sflag:$0x9], $0x2000, $0x38;
	[tilespmem:$0x1E000] =	vst v63  }
0xed: {  	_ =	swait.ge [sflag:s10], $0x2000  }
0xee: {  	[sflag:s10] =	ssyncset.done $0x0  }
0xef: {  	s28 =	rddreg [dreg:$0x14];
	[sflag:s10] =	ssyncadd.s32 $0xFFFFE000  }
0xf0: {  	[tilespmem:s31], [sflag:$0x9] =	stream.linear.gather [spmem:s28], $0x2000, $0x38;
	[tilespmem:$0x1E000] =	vst v63  }
0xf1: {  	_ =	swait.ge [sflag:s10], $0x2000  }
0xf2: {  	[sflag:s10] =	ssyncset.done $0x0  }
0xf3: {  	s1 =	rddreg [dreg:$0x9];
	[sflag:s10] =	ssyncadd.s32 $0xFFFFE000  }
0xf4: {  	[hbm4b:s1+s25] =	stream.linear.scatter [tilespmem:s31], [sflag:$0x9], $0x2000, $0x38;
	[tilespmem:$0x1E000] =	vst v63  }
0xf5: {  	_ =	swait.ge [sflag:s10], $0x2000  }
0xf6: {  	[sflag:s10] =	ssyncset.done $0x0  }
0xf7: {  	s1 =	rddreg [dreg:$0x15];
	[sflag:s10] =	ssyncadd.s32 $0xFFFFE000  }
0xf8: {  	[tilespmem:s31], [sflag:$0x9] =	stream.linear.gather [spmem:s1], $0x2000, $0x38;
	[tilespmem:$0x1E000] =	vst v63  }
0xf9: {  	_ =	swait.ge [sflag:s10], $0x2000  }
0xfa: {  	[sflag:s10] =	ssyncset.done $0x0  }
0xfb: {  	s4 =	rddreg [dreg:$0xa];
	[sflag:s10] =	ssyncadd.s32 $0xFFFFE000  }
0xfc: {  	[hbm4b:s4+s25] =	stream.linear.scatter [tilespmem:s31], [sflag:$0x9], $0x2000, $0x38;
	[tilespmem:$0x1E000] =	vst v63  }
0xfd: {  	_ =	swait.ge [sflag:s10], $0x2000  }
0xfe: {  	[sflag:s10] =	ssyncset.done $0x0  }
0xff: {  	s4 =	rddreg [dreg:$0x16];
	[sflag:s10] =	ssyncadd.s32 $0xFFFFE000  }
0x100: {  	[tilespmem:s31], [sflag:$0x9] =	stream.linear.gather [spmem:s4], $0x2000, $0x38;
	[tilespmem:$0x1E000] =	vst v63  }
0x101: {  	_ =	swait.ge [sflag:s10], $0x2000  }
0x102: {  	[sflag:s10] =	ssyncset.done $0x0  }
0x103: {  	s6 =	rddreg [dreg:$0xb];
	[sflag:s10] =	ssyncadd.s32 $0xFFFFE000  }
0x104: {  	[hbm4b:s6+s25] =	stream.linear.scatter [tilespmem:s31], [sflag:$0x9], $0x2000, $0x38;
	[tilespmem:$0x1E000] =	vst v63  }
0x105: {  	_ =	swait.ge [sflag:s10], $0x2000  }
0x106: {  	[sflag:s10] =	ssyncset.done $0x0  }
0x107: {  	s6 =	rddreg [dreg:$0x17];
	[sflag:s10] =	ssyncadd.s32 $0xFFFFE000  }
0x108: {  	[tilespmem:s31], [sflag:$0x9] =	stream.linear.gather [spmem:s6], $0x2000, $0x38;
	[tilespmem:$0x1E000] =	vst v63  }
0x109: {  	_ =	swait.ge [sflag:s10], $0x2000  }
0x10a: {  	[sflag:s10] =	ssyncset.done $0x0  }
0x10b: {  	s8 =	rddreg [dreg:$0xc];
	[sflag:s10] =	ssyncadd.s32 $0xFFFFE000  }
0x10c: {  	[hbm4b:s8+s25] =	stream.linear.scatter [tilespmem:s31], [sflag:$0x9], $0x2000, $0x38;
	[tilespmem:$0x1E000] =	vst v63  }
0x10d: {  	_ =	swait.ge [sflag:s10], $0x2000  }
0x10e: {  	[sflag:s10] =	ssyncset.done $0x0  }
0x10f: {  	s8 =	rddreg [dreg:$0x18];
	[sflag:s10] =	ssyncadd.s32 $0xFFFFE000  }
0x110: {  	[tilespmem:s31], [sflag:$0x9] =	stream.linear.gather [spmem:s8], $0x2000, $0x38;
	[tilespmem:$0x1E000] =	vst v63  }
0x111: {  	_ =	swait.ge [sflag:s10], $0x2000  }
0x112: {  	[sflag:s10] =	ssyncset.done $0x0  }
0x113: {  	s26 =	rddreg [dreg:$0xd];
	[sflag:s10] =	ssyncadd.s32 $0xFFFFE000  }
0x114: {  	[hbm4b:s26+s25] =	stream.linear.scatter [tilespmem:s31], [sflag:$0x9], $0x2000, $0x38;
	[tilespmem:$0x1E000] =	vst v63  }
0x115: {  	_ =	swait.ge [sflag:s10], $0x2000  }
0x116: {  	s26 =	rddreg [dreg:$0x1a]  }
0x117: {  	s2 =	rddreg [dreg:$0x19];
	s26 =	sadd.s32 $0x1, s26  }
0x118: {  	p0 =	sne.s32 s26, s2  }
.Ltmp2:
0x119: {  	_ = 	snop;
	(pc) =	sbr.rel @p0 .LBB2_1-.Ltmp2, $3  }
0x11a: {  	_ =	sdelay $0x1  }
0x11b: {  	[sflag:s10] =	ssyncset.done $0x0;
	[dreg:$0x1a] =	wrdreg s26  }
0x11c: {  	[sflag:s10] =	ssyncadd.s32 $0xFFFFE000;
	s26 =	rddreg [dreg:$0xf]  }
0x11d: {  	_ =	sfence.sel $0x180000  }
0x11e: {  	[bflag:$0x0] =	sbarrier.arrive $0xFFFF  }
0x11f: {  	_ =	strace $0x9000004D  }
0x120: {  	s0 =	stileid.u32;
	[bflag:$0x2] =	sbarrier.arrive $0xFFFF  }
0x121: {  	p0 =	sne.s32 s0, $0x0;
	s0 =	rddreg [dreg:$0x3]  }
0x122: {  	s0 =	sadd.s32 @!p0 $0x100000, s0  }
0x123: {  	[sflag:s0] =	ssyncadd.tile.s32 @!p0 $0x1;
	_ =	shalt  }
.Lfunc_end2:
_tile_overlayer_lowered:
.L_overlay_start_2:
0x124: {  	(tag) =	ssettag $0x2  }
0x125: {  	s0 =	rddreg [dreg:$0x0];
	s2 =	stileid.u32  }
0x126: {  	s1 =	rddreg [dreg:$0x1];
	p0 =	sne.s32 s2, $0x0  }
0x127: {  	s3 =	rddreg [dreg:$0x2];
	[bflag:$0x3] =	sbarrier.arrive $0xFFFF;
	s2 =	simm.s32 @!p0 $0x1C09  }
0x128: {  	[timem:s3], [sflag:s2] =	dma.local @!p0 [hbm:s0], s1  }
0x129: {  	s0 =	simm.s32 @!p0 $0x9  }
0x12a: {  	_ =	swait.ge @!p0 [sflag:s0], s1  }
0x12b: {  	s1 =	ssub.s32 @!p0 $0x0, s1;
	[sflag:s0] =	ssyncset.done @!p0 $0x0  }
0x12c: {  	[sflag:s0] =	ssyncadd.s32 @!p0 s1  }
0x12d: {  	[bflag:$0x3] =	sbarrier.arrive $0xFFFF  }
0x12e: {  	_ =	shalt  }

// kernel: kernel.8.cloned.1.call-start
scs
__scs_entry_jumppad:
0x0: {  	(pc) =	sbr.rel $0x88, $3  }
0x1: {  	(tag) =	ssettag $0x0;
	lr =	simm.s32 $0x1  }
0x2: {  	[smem:$0x3F9B] =	sst lr;
	_ =	strace $0xD0000000  }
0x3: {  	_ = 	snop  }
0x4: {  	_ = 	snop  }
0x5: {  	_ = 	snop  }
0x6: {  	_ = 	snop  }
0x7: {  	_ = 	snop  }
__scs_overlays_trampoline_lowered:
0x8: {  	[smem:$0x3FAA] =	sst s0  }
0x9: {  	[smem:$0x3FAB] =	sst s1  }
0xa: {  	[smem:$0x3FAC] =	sst s2  }
0xb: {  	[smem:$0x3FAD] =	sst s3  }
0xc: {  	[smem:$0x3FAE] =	sst s4  }
0xd: {  	[smem:$0x3FAF] =	sst s5  }
0xe: {  	[smem:$0x3FB0] =	sst s6  }
0xf: {  	[smem:$0x3FB1] =	sst s7  }
0x10: {  	[smem:$0x3FB2] =	sst s8  }
0x11: {  	[smem:$0x3FB3] =	sst s9;
	s0 =	simm.s32 @!p0 $0x0  }
0x12: {  	s1 =	sld [smem:$0x3F99];
	s0 =	simm.s32 @p0 $0x1  }
0x13: {  	[smem:$0x3FB4] =	sst s0;
	s0 =	simm.s32 @!p1 $0x0  }
0x14: {  	s2 =	sld [smem:$0x3F98];
	s0 =	simm.s32 @p1 $0x1  }
0x15: {  	[smem:$0x3FB5] =	sst s0;
	s0 =	simm.s32 @!p2 $0x0  }
0x16: {  	s3 =	sld [smem:$0x3FDB];
	s0 =	simm.s32 @p2 $0x1  }
0x17: {  	s4 =	simm.s32 $0x1BF5;
	[smem:$0x3FB7] =	sst s0  }
0x18: {  	s0 =	sld [smem:$0x3F9A];
	_ =	swait.ge [sflag:s4], $0x0  }
0x19: {  	s7 =	sld [smem:$0x3F9B]  }
0x1a: {  	s8 =	sadd.s32 $0xFFFFE003, lr  }
0x1b: {  	s9 =	sadd.s32 $0xFFFFFEF7, lr;
	s5 =	simm.s32 $0xFFFFFFFF;
	p2 =	slt.u32 s8, $0xFFFFF086  }
0x1c: {  	p1 =	slt.u32 s9, $0xF7A;
	s5 =	simm.s32 @!p2 $0x0  }
0x1d: {  	s5 =	simm.s32 @p1 $0x1;
	p0 =	seq.s32 s7, s2  }
0x1e: {  	s7 =	smul.u32 @!p0 $0xF7A, s2;
	p2 =	seq.s32 @!p0 s5, $0x0  }
0x1f: {  	s9 =	smul.u32 $0xF7A, s1;
	s8 =	simm.s32 @!p0 $0x1BF5;
	p2 =	por !p2, p0  }
0x20: {  	[sflag:s8] =	ssyncset.s32 @!p0 $0xFFFFF086;
	s6 =	sadd.s32 @!p0 s3, s7;
	s7 =	simm.s32 @!p0 $0x108  }
0x21: {  	s3 =	sadd.s32 s3, s9;
	s6 =	sadd.s32 @!p0 $0x88, s6;
	s7 =	simm.s32 @p2 $0x1082  }
0x22: {  	[simem:s7], [sflag:s8] =	dma.local @!p0 [hbm:s6], $0xF7A  }
0x23: {  	s9 =	sor.u32 $0xD0000000, s2;
	s6 =	simm.s32 $0x108;
	_ =	swait.ge @!p0 [sflag:s8], $0x0  }
0x24: {  	s3 =	sadd.s32 $0x88, s3;
	s6 =	simm.s32 @!p1 $0x1082;
	[sflag:s4] =	ssyncset.s32 $0xFFFFF086  }
0x25: {  	[simem:s6], [sflag:s4] =	dma.local [hbm:s3], $0xF7A  }
0x26: {  	[smem:$0x3F9B] =	sst s1;
	(tag) =	ssettag s2;
	_ =	strace s9  }
0x27: {  	s1 =	sld [smem:$0x3FAB]  }
0x28: {  	s2 =	sld [smem:$0x3FAC]  }
0x29: {  	s4 =	sld [smem:$0x3FAE]  }
0x2a: {  	p0 =	seq.s32 s5, $0x0;
	s5 =	sld [smem:$0x3FAF]  }
0x2b: {  	s6 =	sld [smem:$0x3FB0]  }
0x2c: {  	s7 =	sld [smem:$0x3FB1]  }
0x2d: {  	s3 =	simm.s32 $0x108;
	s8 =	sld [smem:$0x3FB2]  }
0x2e: {  	s3 =	simm.s32 @!p0 $0x1082;
	s9 =	sld [smem:$0x3FB3]  }
0x2f: {  	lr =	sadd.s32 s0, s3;
	s0 =	sld [smem:$0x3FAA]  }
0x30: {  	s3 =	sld [smem:$0x3FAD]  }
0x31: {  	[smem:$0x3FB6] =	sst s10  }
0x32: {  	s10 =	sld [smem:$0x3FB4];
	_ =	sdelay $0x3  }
0x33: {  	p0 =	seq.s32 s10, $0x1;
	s10 =	sld [smem:$0x3FB6];
	_ =	sdelay $0x3  }
0x34: {  	[smem:$0x3FB6] =	sst s10  }
0x35: {  	s10 =	sld [smem:$0x3FB5];
	_ =	sdelay $0x3  }
0x36: {  	p1 =	seq.s32 s10, $0x1;
	s10 =	sld [smem:$0x3FB6];
	_ =	sdelay $0x3  }
0x37: {  	[smem:$0x3FB6] =	sst s10  }
0x38: {  	s10 =	sld [smem:$0x3FB7]  }
0x39: {  	_ = 	snop;
	(pc) =	sbr.ind lr, $3  }
0x3a: {  	_ = 	snop  }
0x3b: {  	_ = 	snop  }
0x3c: {  	p2 =	seq.s32 s10, $0x1;
	s10 =	sld [smem:$0x3FB6]  }
0x3d: {  	_ =	shalt  }
0x3e: {  	_ =	shalt  }
0x3f: {  	_ =	shalt  }
0x40: {  	_ =	shalt  }
0x41: {  	_ =	shalt  }
0x42: {  	_ =	shalt  }
0x43: {  	_ =	shalt  }
0x44: {  	_ =	shalt  }
0x45: {  	_ =	shalt  }
0x46: {  	_ =	shalt  }
0x47: {  	_ =	shalt  }
0x48: {  	_ =	shalt  }
0x49: {  	_ =	shalt  }
0x4a: {  	_ =	shalt  }
0x4b: {  	_ =	shalt  }
0x4c: {  	_ =	shalt  }
0x4d: {  	_ =	shalt  }
0x4e: {  	_ =	shalt  }
0x4f: {  	_ =	shalt  }
0x50: {  	_ =	shalt  }
0x51: {  	_ =	shalt  }
0x52: {  	_ =	shalt  }
0x53: {  	_ =	shalt  }
0x54: {  	_ =	shalt  }
0x55: {  	_ =	shalt  }
0x56: {  	_ =	shalt  }
0x57: {  	_ =	shalt  }
0x58: {  	_ =	shalt  }
0x59: {  	_ =	shalt  }
0x5a: {  	_ =	shalt  }
0x5b: {  	_ =	shalt  }
0x5c: {  	_ =	shalt  }
0x5d: {  	_ =	shalt  }
0x5e: {  	_ =	shalt  }
0x5f: {  	_ =	shalt  }
0x60: {  	_ =	shalt  }
0x61: {  	_ =	shalt  }
0x62: {  	_ =	shalt  }
0x63: {  	_ =	shalt  }
0x64: {  	_ =	shalt  }
0x65: {  	_ =	shalt  }
0x66: {  	_ =	shalt  }
0x67: {  	_ =	shalt  }
0x68: {  	_ =	shalt  }
0x69: {  	_ =	shalt  }
0x6a: {  	_ =	shalt  }
0x6b: {  	_ =	shalt  }
0x6c: {  	_ =	shalt  }
0x6d: {  	_ =	shalt  }
0x6e: {  	_ =	shalt  }
0x6f: {  	_ =	shalt  }
0x70: {  	_ =	shalt  }
0x71: {  	_ =	shalt  }
0x72: {  	_ =	shalt  }
0x73: {  	_ =	shalt  }
0x74: {  	_ =	shalt  }
0x75: {  	_ =	shalt  }
0x76: {  	_ =	shalt  }
0x77: {  	_ =	shalt  }
0x78: {  	_ =	shalt  }
0x79: {  	_ =	shalt  }
0x7a: {  	_ =	shalt  }
0x7b: {  	_ =	shalt  }
0x7c: {  	_ =	shalt  }
0x7d: {  	_ =	shalt  }
0x7e: {  	_ =	shalt  }
0x7f: {  	_ =	shalt  }
0x80: {  	_ =	shalt  }
0x81: {  	_ =	shalt  }
0x82: {  	_ =	shalt  }
0x83: {  	_ =	shalt  }
0x84: {  	_ =	shalt  }
0x85: {  	_ =	shalt  }
0x86: {  	_ =	shalt  }
0x87: {  	_ =	shalt  }
.Lfunc_end0:
.L_simem_size_0:
called_computation_lowered:
.L_overlay_start_0:
0x88: {  	s2 =	sld [smem:$0x3FD9]  }
0x89: {  	s3 =	sld [smem:$0x3FFE];
	_ =	sdelay $0x1  }
0x8a: {  	s1 =	srdreg.scid  }
0x8b: {  	s0 =	sand.u32 $0x1, s1  }
0x8c: {  	s17 =	sshll.u32 s0, $0xA;
	s2 =	sadd.s32 s3, s2  }
0x8d: {  	s2 =	sadd.s32 s2, s17  }
0x8e: {  	[smem:$0x3FC2] =	sst s2  }
0x8f: {  	_ = 	snop  }
0x90: {  	s2 =	sld [smem:$0x3FD0];
	(tm) =	ssettm $0x1  }
0x91: {  	s18 =	sld [smem:$0x3FFB];
	_ =	sdelay $0x3  }
0x92: {  	_ =	strace s18  }
0x93: {  	s3 =	sld [smem:$0x3FFC];
	_ =	sdelay $0x3  }
0x94: {  	_ =	strace s3  }
0x95: {  	s3 =	sld [smem:$0x3FFD];
	_ =	sdelay $0x3  }
0x96: {  	_ =	strace s3  }
0x97: {  	_ =	strace $0x8FFFFFFF  }
0x98: {  	s19 =	sld [smem:$0x3FDB];
	_ =	sdelay $0x1  }
0x99: {  	s4 =	simm.s32 $_scs_section_size  }
0x9a: {  	s5 =	simm.s32 $_size__tile_overlayer_lowered;
	s6 =	simm.s32 $_tile_overlayer_lowered  }
0x9b: {  	s22 =	simm.s32 $0x1BFF;
	s21 =	sshll.u32 s6, $0x1;
	s3 =	sadd.s32 s4, s19  }
0x9c: {  	s7 =	simm.s32 $0x0;
	s20 =	sshll.u32 s5, $0x1;
	s5 =	sadd.s32 s21, s3  }
0x9d: {  	[timem:s7], [sflag:s22] =	dma.local [hbm:s5], s20  }
0x9e: {  	_ =	swait.ge [sflag:s22], s20  }
0x9f: {  	s4 =	ssub.s32 $0x0, s20;
	[sflag:s22] =	ssyncset.done $0x0  }
0xa0: {  	[sflag:s22] =	ssyncadd.s32 s4;
	_ =	sdelay $0x1  }
0xa1: {  	s23 =	simm.s32 $0x1B8B  }
0xa2: {  	_ =	swait.ge [sflag:s23], $0x1  }
0xa3: {  	[sflag:s23] =	ssyncset.done $0x0  }
0xa4: {  	s25 =	simm.s32 $0x1B8E;
	s24 =	sld [smem:$0x3FFE];
	[sflag:s23] =	ssyncadd.s32 $0xFFFFFFFF  }
0xa5: {  	s26 =	simm.s32 $execute0_lowered;
	[smem:$0x3FD2] =	sst s25  }
0xa6: {  	s5 =	sshll.u32 s26, $0x1;
	_ =	strace $0x80000046;
	[dreg:$0x1] =	wrdreg $0xFFFFFFFF  }
0xa7: {  	s28 =	simm.s32 $_size_execute0_lowered;
	s3 =	sadd.s32 s3, s5;
	[dreg:$0x0] =	wrdreg $0x0  }
0xa8: {  	s5 =	sshll.u32 s28, $0x1;
	[dreg:$0x2] =	wrdreg s3  }
0xa9: {  	[dreg:$0x3] =	wrdreg s5  }
0xaa: {  	[dreg:$0x4] =	wrdreg $0xC0  }
0xab: {  	_ =	task [dreg:s7], $0x5FFFF  }
0xac: {  	[dreg:$0x1] =	wrdreg $0xFFFFFFFF  }
0xad: {  	[dreg:$0x0] =	wrdreg $0x60  }
0xae: {  	[dreg:$0x2] =	wrdreg s2  }
0xaf: {  	[dreg:$0x3] =	wrdreg s24  }
0xb0: {  	[dreg:$0x4] =	wrdreg $0x2B000  }
0xb1: {  	[dreg:$0x5] =	wrdreg $0x9  }
0xb2: {  	_ =	task.clear_ibuf [dreg:s7], $0x6FFFF;
	_ =	strace $0x90000046  }
0xb3: {  	s29 =	simm.s32 $0x9;
	_ =	strace $0x80000048  }
0xb4: {  	_ =	swait.ge [sflag:s29], $0x1  }
0xb5: {  	[sflag:s29] =	ssyncadd.s32 $0xFFFFFFFF  }
0xb6: {  	_ =	strace $0x90000048  }
0xb7: {  	_ =	sfence  }
0xb8: {  	s30 =	sld [smem:$0x0];
	_ =	sdelay $0x2  }
0xb9: {  	s31 =	sshll.u32 s1, $0xD;
	s1 =	sshrl.u32 s1, $0x2  }
0xba: {  	s3 =	sand.u32 $0x4000, s31;
	s1 =	sadd.s32 s1, s30  }
0xbb: {  	s0 =	sor.u32 s3, s0;
	s1 =	sshll.u32 s1, $0x11  }
0xbc: {  	s0 =	sor.u32 s1, s0  }
0xbd: {  	s0 =	sadd.s32 $0x8F2B, s0  }
0xbe: {  	[sflag:s0] =	ssyncadd.remote.s32 $0x1  }
0xbf: {  	_ =	sfence.sel $0xFFFF  }
0xc0: {  	[dreg:$0x0] =	wrdreg $0xFFFFFFFF;
	(pc) =	sbr.abs _section_cstart, $3  }
0xc1: {  	[dreg:$0x1] =	wrdreg $0xFFFFFFFF  }
0xc2: {  	_ =	task.clear_ibuf [dreg:s7], $0x2FFFF;
	_ =	strace $0x9FFFFFFF  }
0xc3: {  	(tm) =	ssettm $0x7FFFFFFF  }
tec
execute0_lowered:
.L_overlay_start_1:
0x0: {  	(tag) =	ssettag $0x1  }
0x1: {  	s7 =	rddreg [dreg:$0x0]  }
0x2: {  	s6 =	rddreg [dreg:$0x1]  }
0x3: {  	s1 =	rddreg [dreg:$0x2]  }
0x4: {  	s0 =	rddreg [dreg:$0x3];
	s3 =	simm.s32 $0x0  }
0x5: {  	s4 =	srdreg.scid;
	s2 =	stileid.u32;
	s13 =	simm.s32 $0x80  }
0x6: {  	s14 =	simm.s32 $0x100;
	s15 =	simm.s32 $0x0;
	[smem:$0x7FF] =	sst s3  }
0x7: {  	s8 =	sand.u32 $0x1, s4;
	s9 =	smul.u32 $0x500, s2;
	s4 =	sadd.s32 $0x3600, s6  }
0x8: {  	s5 =	sadd.s32 $0x3800, s6;
	s30 =	smul.u32 $0xA00, s2;
	s11 =	sshll.u32 s2, $0x1  }
0x9: {  	_ =	strace $0x80000047;
	s10 =	sshll.u32 s8, $0x7;
	s12 =	ssub.s32 $0x2, s8  }
0xa: {  	s8 =	sor.u32 s8, s11;
	s9 =	sor.u32 s10, s9;
	s31 =	sshrl.u32 s12, $0x1  }
0xb: {  	s10 =	sshrl.u32 s30, $0x2;
	s8 =	smul.u32 $0x500, s8;
	s9 =	sshrl.u32 s9, $0x3  }
0xc: {  	s11 =	ssub.s32 s12, s31;
	s12 =	simm.s32 $0x2800;
	s9 =	sadd.s32 s9, s6  }
0xd: {  	s6 =	sadd.s32 s10, s1;
	s7 =	sadd.s32 s7, s8;
	s10 =	simm.s32 $0x2880  }
0xe: {  	s8 =	sadd.s32 $0x3A00, s9;
	s9 =	smax.u32 s11, $0x1;
	s11 =	simm.s32 $0x1  }
.LBB2_1:
0xf: {  	[tilespmem:s10], [sflag:$0x1] =	stream.linear.gather [hbm4b:s5+s3], $0x280, $0x38;
	[tilespmem:$0x2D80] =	vst v63  }
0x10: {  	_ =	swait.ge [sflag:s11], $0x280  }
0x11: {  	[sflag:s11] =	ssyncset.done $0x0  }
0x12: {  	[sflag:s11] =	ssyncadd.s32 $0xFFFFFD80  }
0x13: {  	[spmem:s6] =	stream.linear.scatter [tilespmem:s10], [sflag:$0x1], $0x280, $0x38;
	[tilespmem:$0x2D80] =	vst v63  }
0x14: {  	_ =	swait.ge [sflag:s11], $0x280  }
0x15: {  	[sflag:s11] =	ssyncset.done $0x0  }
0x16: {  	[sflag:s11] =	ssyncadd.s32 $0xFFFFFD80  }
0x17: {  	[tilespmem:s12], [sflag:$0x1] =	stream.linear.gather [hbm4b:s4+s3], $0x80, $0x38;
	[tilespmem:$0x2D80] =	vst v63  }
0x18: {  	_ =	swait.ge [sflag:s11], $0x80  }
0x19: {  	[sflag:s11] =	ssyncset.done $0x0  }
0x1a: {  	[sflag:s11] =	ssyncadd.s32 $0xFFFFFF80  }
0x1b: {  	[tilespmem:s3], [sflag:$0x1] =	stream.linear.gather [hbm4b:s7+s3], $0x2800, $0x38;
	[tilespmem:$0x2D80] =	vst v63  }
0x1c: {  	_ =	swait.ge [sflag:s11], $0x2800  }
0x1d: {  	[sflag:s11] =	ssyncset.done $0x0  }
0x1e: {  	[sflag:s11] =	ssyncadd.s32 $0xFFFFD800  }
0x1f: {  	s16 =	simm.s32 $0x0;
	[bflag:$0x0] =	sbarrier.arrive $0xFFFF  }
0x20: {  	[spmem:s1] =	stream.indirect.scatter.add.f32 [tilespmem:s12], [sflag:$0x1], $0x1, s16, s13, $0xb8;
	[tilespmem:$0x2D80] =	vst v63  }
0x21: {  	_ =	swait.ge [sflag:s11], $0x80  }
0x22: {  	s16 =	simm.s32 $0x200;
	[sflag:s11] =	ssyncset.done $0x0  }
.LBB2_2:
0x23: {  	s17 =	sshra.s32 s16, $0x2;
	[sflag:s11] =	ssyncadd.s32 $0xFFFFFF80;
	p0 =	sne.s32 s16, $0x9E00  }
0x24: {  	[spmem:s1] =	stream.indirect.scatter.add.f32 [tilespmem:s12], [sflag:$0x1], $0x1, s17, s13, $0xb8;
	[tilespmem:$0x2D80] =	vst v63  }
.Ltmp0:
0x25: {  	_ = 	snop;
	(pc) =	sbr.rel @p0 .LBB2_2-.Ltmp0, $4  }
0x26: {  	_ = 	snop  }
0x27: {  	s16 =	sadd.s32 $0x200, s16  }
0x28: {  	_ =	swait.ge [sflag:s11], $0x80  }
0x29: {  	[sflag:s11] =	ssyncset.done $0x0  }
0x2a: {  	[sflag:s11] =	ssyncadd.s32 $0xFFFFFF80  }
0x2b: {  	[bflag:$0x0] =	sbarrier.arrive $0xFFFF  }
0x2c: {  	[tilespmem:s10], [sflag:$0x1] =	stream.linear.gather [spmem:s6], $0x280, $0x38;
	[tilespmem:$0x2D80] =	vst v63  }
0x2d: {  	s15 =	sadd.s32 $0x1, s15;
	_ =	swait.ge [sflag:s11], $0x280  }
0x2e: {  	p0 =	sne.s32 s15, s9;
	[sflag:s11] =	ssyncset.done $0x0  }
.Ltmp1:
0x2f: {  	[sflag:s11] =	ssyncadd.s32 $0xFFFFFD80;
	(pc) =	sbr.rel @p0 .LBB2_1-.Ltmp1, $4  }
0x30: {  	[hbm4b:s8+s13] =	stream.strided.scatter [tilespmem:s10], [sflag:$0x1], $0x280, s14, s13, $0x38;
	[tilespmem:$0x2D80] =	vst v63  }
0x31: {  	_ =	swait.ge [sflag:s11], $0x280  }
0x32: {  	[sflag:s11] =	ssyncset.done $0x0  }
0x33: {  	[sflag:s11] =	ssyncadd.s32 $0xFFFFFD80  }
0x34: {  	_ =	sfence.sel $0x180000  }
0x35: {  	[bflag:$0x0] =	sbarrier.arrive $0xFFFF  }
0x36: {  	p0 =	sne.s32 s2, $0x0;
	_ =	strace $0x90000047  }
0x37: {  	s0 =	sadd.s32 @!p0 $0x100000, s0;
	[bflag:$0x2] =	sbarrier.arrive $0xFFFF  }
0x38: {  	[sflag:s0] =	ssyncadd.tile.s32 @!p0 $0x1;
	_ =	shalt  }
.Lfunc_end2:
_tile_overlayer_lowered:
.L_overlay_start_2:
0x39: {  	(tag) =	ssettag $0x2  }
0x3a: {  	s0 =	rddreg [dreg:$0x0];
	s2 =	stileid.u32  }
0x3b: {  	s1 =	rddreg [dreg:$0x1];
	p0 =	sne.s32 s2, $0x0  }
0x3c: {  	s3 =	rddreg [dreg:$0x2];
	[bflag:$0x3] =	sbarrier.arrive $0xFFFF;
	s2 =	simm.s32 @!p0 $0x1C01  }
0x3d: {  	[timem:s3], [sflag:s2] =	dma.local @!p0 [hbm:s0], s1  }
0x3e: {  	s0 =	simm.s32 @!p0 $0x1  }
0x3f: {  	_ =	swait.ge @!p0 [sflag:s0], s1  }
0x40: {  	s1 =	ssub.s32 @!p0 $0x0, s1;
	[sflag:s0] =	ssyncset.done @!p0 $0x0  }
0x41: {  	[sflag:s0] =	ssyncadd.s32 @!p0 s1  }
0x42: {  	[bflag:$0x3] =	sbarrier.arrive $0xFFFF  }
0x43: {  	_ =	shalt  }

</sc_bundles>
